<compile_context>
chip_gen: v7x
topology: tpu7x:2x2x1
jax: 0.10.2.dev20260603
libtpu: 0.0.44.dev20260713+nightly
codegen_flags: <defaults>
</compile_context>

<pallas_src>
import functools
import math

import jax
import jax.numpy as jnp
from jax import lax
from jax.experimental import pallas as pl
from jax.experimental.pallas import tpu as pltpu
from jax.experimental.pallas import tpu_sc as plsc

EMBED_DIM = 32
SCALE = math.sqrt(EMBED_DIM)

NUM_CORES = 2
NUM_SUBCORES = 16
NUM_WORKERS = NUM_CORES * NUM_SUBCORES

RW = 128
NWIN = 4
C0 = 5
NCHUNK = 10


@functools.lru_cache(maxsize=None)
def _build_detile(num_rows: int, num_cols: int):
    n_tiles_c = (num_cols + 7) // 8
    n_win = num_rows // RW
    win_per_worker = n_win // NUM_WORKERS
    mesh = plsc.VectorSubcoreMesh(core_axis_name="c", subcore_axis_name="s")

    @functools.partial(
        pl.kernel,
        mesh=mesh,
        out_type=jax.ShapeDtypeStruct((num_rows * num_cols,), jnp.int32),
        scratch_types=[
            pltpu.VMEM((n_tiles_c * 8, RW), jnp.int32),
            pltpu.SemaphoreType.DMA,
            pltpu.SemaphoreType.DMA,
        ],
        compiler_params=pltpu.CompilerParams(
            use_tc_tiling_on_sc=True, needs_layout_passes=False
        ),
    )
    def detile(xt_hbm, out_hbm, stag, isem, osem):
        wid = lax.axis_index("s") * NUM_CORES + lax.axis_index("c")

        def win(k, carry):
            wdg = wid * win_per_worker + k
            r0 = wdg * RW
            for q in range(n_tiles_c):
                h = min(8, num_cols - q * 8)
                pltpu.async_copy(
                    xt_hbm.at[pl.ds(q * 8, h), pl.ds(r0, RW)],
                    stag.at[pl.ds(q * 8, h)],
                    isem,
                )
            for q in range(n_tiles_c):
                h = min(8, num_cols - q * 8)
                pltpu.make_async_copy(
                    xt_hbm.at[pl.ds(q * 8, h), pl.ds(r0, RW)],
                    stag.at[pl.ds(q * 8, h)],
                    isem,
                ).wait()
            for c in range(num_cols):
                pltpu.async_copy(
                    stag.at[c],
                    out_hbm.at[pl.ds((wdg * num_cols + c) * RW, RW)],
                    osem,
                )
            for c in range(num_cols):
                pltpu.make_async_copy(
                    stag.at[c],
                    out_hbm.at[pl.ds((wdg * num_cols + c) * RW, RW)],
                    osem,
                ).wait()
            return carry

        lax.fori_loop(0, win_per_worker, win, 0)

    return detile


@functools.lru_cache(maxsize=None)
def _build_lookup(num_rows: int, num_cols: int):
    assert num_rows == NUM_WORKERS * NWIN * RW
    assert num_cols == C0 * NCHUNK
    slab = num_cols * RW
    mesh = plsc.VectorSubcoreMesh(core_axis_name="c", subcore_axis_name="s")

    @functools.partial(
        pl.kernel,
        mesh=mesh,
        out_type=jax.ShapeDtypeStruct(
            (num_cols, EMBED_DIM, num_rows), jnp.float32
        ),
        scratch_types=[
            pltpu.VMEM((slab,), jnp.int32),
            pltpu.VMEM((2, C0 * RW, EMBED_DIM), jnp.float32),
            pltpu.VMEM((C0, EMBED_DIM, RW), jnp.float32),
            pltpu.SemaphoreType.DMA,
            pltpu.SemaphoreType.DMA((2,)),
            pltpu.SemaphoreType.DMA,
        ],
        compiler_params=pltpu.CompilerParams(
            use_tc_tiling_on_sc=False, needs_layout_passes=False
        ),
    )
    def emb(idx_hbm, table_hbm, out_hbm, idx_v, rows_v, obuf_v, isem, gsem, osem):
        wid = lax.axis_index("s") * NUM_CORES + lax.axis_index("c")
        iota16 = lax.iota(jnp.int32, 16)

        def fire_gathers(cc, b):
            for c in range(C0):
                pltpu.async_copy(
                    table_hbm.at[idx_v.at[pl.ds((cc * C0 + c) * RW, RW)]],
                    rows_v.at[b, pl.ds(c * RW, RW)],
                    gsem.at[b],
                )

        def wait_gathers(b):
            pltpu.make_async_copy(
                table_hbm.at[pl.ds(0, C0 * RW)], rows_v.at[b], gsem.at[b]
            ).wait()

        def fire_out(cc, wdg):
            for c in range(C0):
                pltpu.async_copy(
                    obuf_v.at[c],
                    out_hbm.at[
                        cc * C0 + c,
                        pl.ds(0, EMBED_DIM),
                        pl.ds(wdg * RW, RW),
                    ],
                    osem,
                )

        def wait_out():
            pltpu.make_async_copy(
                out_hbm.at[pl.ds(0, C0), pl.ds(0, EMBED_DIM), pl.ds(0, RW)],
                obuf_v,
                osem,
            ).wait()

        cvs = [jnp.full((16,), c, jnp.int32) for c in range(C0)]
        bvs = [jnp.full((16,), b, jnp.int32) for b in range(2)]

        def transpose_scale(b):
            for c in range(C0):
                @pl.loop(0, RW // 16)
                def _(rg):
                    ovec = iota16 + rg * 16
                    rvec = ovec + c * RW
                    for h in range(EMBED_DIM // 16):
                        @plsc.parallel_loop(0, 16, unroll=8)
                        def _(d):
                            evec = lax.bitwise_and(iota16 + d, 15) + h * 16
                            v = plsc.load_gather(
                                rows_v, [bvs[b], rvec, evec]
                            ) * SCALE
                            plsc.store_scatter(
                                obuf_v, [cvs[c], evec, ovec], v
                            )

        def window(k, carry):
            wdg = wid * NWIN + k
            pltpu.async_copy(idx_hbm.at[pl.ds(wdg * slab, slab)], idx_v, isem)
            pltpu.make_async_copy(
                idx_hbm.at[pl.ds(0, slab)], idx_v, isem
            ).wait()
            fire_gathers(0, 0)

            def cpair(s, carry2):
                for b in range(2):
                    cc = s * 2 + b
                    if b == 0:
                        fire_gathers(cc + 1, 1)
                    else:
                        @pl.when(s < NCHUNK // 2 - 1)
                        def _():
                            fire_gathers(cc + 1, 0)
                    wait_gathers(b)
                    if b == 0:
                        @pl.when((k > 0) | (s > 0))
                        def _():
                            wait_out()
                    else:
                        wait_out()
                    transpose_scale(b)
                    fire_out(cc, wdg)
                return carry2

            lax.fori_loop(0, NCHUNK // 2, cpair, 0)
            return carry

        lax.fori_loop(0, NWIN, window, 0)
        wait_out()

    return emb


def kernel(x, table):
    num_rows, num_cols = x.shape
    xt = jnp.swapaxes(x, 0, 1).astype(jnp.int32)
    idx_lin = _build_detile(num_rows, num_cols)(xt)
    pout = _build_lookup(num_rows, num_cols)(idx_lin, table)
    return jnp.transpose(pout, (2, 0, 1))

# --- scband reference (transcript-rebuilt; emitter-appended) ---
"""Pipeline reference for scband-input-embedding-42623255445730 (READ-ONLY COPY).

The authoritative reference and input builder live on the scoring server;
editing this copy changes nothing except your own understanding.
"""

import jax, jax.numpy as jnp
import numpy as np
import math

VOCAB = 1000000
EMBED_DIM = 32

def setup_inputs(seed: int = 0) -> dict:
    key = jax.random.key(seed)
    k_idx, k_tab = jax.random.split(key)
    x = jax.random.randint(k_idx, (16384, 50), 0, VOCAB, dtype=jnp.int64 if jax.config.jax_enable_x64 else jnp.int32)
    table = jax.random.normal(k_tab, (VOCAB, EMBED_DIM), dtype=jnp.float32)
    return {"x": x, "table": table}

def reference(x, table):
    out = jnp.take(table, x, axis=0) * math.sqrt(EMBED_DIM)
    return out

if __name__ == "__main__":
    import jax
    _d = setup_inputs()
    print(jax.jit(kernel)(*tuple(_d.values())))

</pallas_src>

<mosaic_0001>
#map = affine_map<(d0, d1) -> (0)>
#map1 = affine_map<(d0, d1) -> (0, 0)>
#map2 = affine_map<(d0, d1) -> (0, 0, 0)>
module attributes {stable_mosaic.version = 14 : i64} {
  func.func @emb(%arg0: i32, %arg1: i32, %arg2: memref<819200xi32, #tpu.memory_space<hbm>>, %arg3: memref<1000000x32xf32, #tpu.memory_space<hbm>>, %arg4: memref<50x32x16384xf32, #tpu.memory_space<hbm>>, %arg5: memref<6400xi32, #tpu.memory_space<vmem>>, %arg6: memref<2x640x32xf32, #tpu.memory_space<vmem>>, %arg7: memref<5x32x128xf32, #tpu.memory_space<vmem>>, %arg8: memref<!tpu.dma_semaphore, #tpu.memory_space<semaphore_mem>>, %arg9: memref<2x!tpu.dma_semaphore, #tpu.memory_space<semaphore_mem>>, %arg10: memref<!tpu.dma_semaphore, #tpu.memory_space<semaphore_mem>>) attributes {dimension_semantics = [#tpu.dimension_semantics<core_parallel>, #tpu.dimension_semantics<subcore_parallel>], iteration_bounds = array<i64: 2, 16>, scalar_prefetch = 0 : i64, scratch_operands = 6 : i64, tpu.core_type = #tpu.core_type<sc_vector_subcore>, window_params = [{transform_indices = #map}, {transform_indices = #map1}, {transform_indices = #map2}]} {
    %mul3A = arith.constant 2 : i32
    %mul3A_0 = arith.muli %arg1, %mul3A : i32
    %add3A = arith.addi %mul3A_0, %arg0 : i32
    %iota3A = tpu.iota {dimensions = array<i32: 0>} : vector<16xi32>
    %broadcast_in_dim3A = arith.constant 0 : i32
    %broadcast_in_dim3A_1 = vector.broadcast %broadcast_in_dim3A : i32 to vector<16xi32>
    %broadcast_in_dim3A_2 = arith.constant 1 : i32
    %broadcast_in_dim3A_3 = vector.broadcast %broadcast_in_dim3A_2 : i32 to vector<16xi32>
    %broadcast_in_dim3A_4 = arith.constant 2 : i32
    %broadcast_in_dim3A_5 = vector.broadcast %broadcast_in_dim3A_4 : i32 to vector<16xi32>
    %broadcast_in_dim3A_6 = arith.constant 3 : i32
    %broadcast_in_dim3A_7 = vector.broadcast %broadcast_in_dim3A_6 : i32 to vector<16xi32>
    %broadcast_in_dim3A_8 = arith.constant 4 : i32
    %broadcast_in_dim3A_9 = vector.broadcast %broadcast_in_dim3A_8 : i32 to vector<16xi32>
    %broadcast_in_dim3A_10 = arith.constant 0 : i32
    %broadcast_in_dim3A_11 = vector.broadcast %broadcast_in_dim3A_10 : i32 to vector<16xi32>
    %broadcast_in_dim3A_12 = arith.constant 1 : i32
    %broadcast_in_dim3A_13 = vector.broadcast %broadcast_in_dim3A_12 : i32 to vector<16xi32>
    %scan3A = arith.constant 0 : i32
    %scan3A_14 = arith.constant 0 : i32
    %scan3A_15 = arith.constant 4 : i32
    %scan3A_16 = arith.addi %scan3A_14, %scan3A_15 : i32
    %scan3A_17 = arith.constant 1 : i32
    scf.for %scan3A_26 = %scan3A_14 to %scan3A_16 step %scan3A_17  : i32 {
      %mul3A_27 = arith.constant 4 : i32
      %mul3A_28 = arith.muli %add3A, %mul3A_27 : i32
      %add3A_29 = arith.addi %mul3A_28, %scan3A_26 : i32
      %mul3A_30 = arith.constant 6400 : i32
      %mul3A_31 = arith.muli %add3A_29, %mul3A_30 : i32
      %dma_start3A = tpu.memref_slice %arg2[%mul3A_31] : memref<819200xi32, #tpu.memory_space<hbm>> -> memref<6400xi32, #tpu.memory_space<hbm>>
      %dma_start3A_32 = tpu.memref_slice %arg2[%mul3A_31] : memref<819200xi32, #tpu.memory_space<hbm>> -> memref<6400xi32, #tpu.memory_space<hbm>>
      tpu.enqueue_dma source(%dma_start3A_32 : memref<6400xi32, #tpu.memory_space<hbm>>) target(%arg5 : memref<6400xi32, #tpu.memory_space<vmem>>) target_semaphore(%arg8 : memref<!tpu.dma_semaphore, #tpu.memory_space<semaphore_mem>>)
      %dma_wait3A_33 = arith.constant 0 : i32
      %dma_wait3A_34 = tpu.memref_slice %arg2[%dma_wait3A_33] : memref<819200xi32, #tpu.memory_space<hbm>> -> memref<6400xi32, #tpu.memory_space<hbm>>
      %dma_wait3A_35 = arith.constant 0 : i32
      %dma_wait3A_36 = tpu.memref_slice %arg2[%dma_wait3A_35] : memref<819200xi32, #tpu.memory_space<hbm>> -> memref<6400xi32, #tpu.memory_space<hbm>>
      tpu.wait_dma2 semaphore(%arg8 : memref<!tpu.dma_semaphore, #tpu.memory_space<semaphore_mem>>) src(%dma_wait3A_36 : memref<6400xi32, #tpu.memory_space<hbm>>) dst(%arg5 : memref<6400xi32, #tpu.memory_space<vmem>>)
      %dma_start3A_37 = arith.constant 0 : i32
      %dma_start3A_38 = arith.constant 0 : i32
      %dma_start3A_39 = arith.constant 0 : i32
      %dma_start3A_40 = arith.constant 0 : i32
      %dma_start3A_41 = tpu.memref_slice %arg6[%dma_start3A_37, %dma_start3A_39, %dma_start3A_40] : memref<2x640x32xf32, #tpu.memory_space<vmem>> -> memref<1x128x32xf32, #tpu.memory_space<vmem>>
      %dma_start3A_42 = tpu.memref_squeeze %dma_start3A_41 : memref<1x128x32xf32, #tpu.memory_space<vmem>> -> memref<128x32xf32, #tpu.memory_space<vmem>>
      %dma_start3A_43 = arith.constant 0 : i32
      %dma_start3A_44 = tpu.memref_slice %arg5[%dma_start3A_43] : memref<6400xi32, #tpu.memory_space<vmem>> -> memref<128xi32, #tpu.memory_space<vmem>>
      %dma_start3A_45 = arith.constant 0 : i32
      %dma_start3A_46 = arith.constant 0 : i32
      %dma_start3A_47 = tpu.memref_slice %arg3[%dma_start3A_45, %dma_start3A_46] : memref<1000000x32xf32, #tpu.memory_space<hbm>> -> memref<1000000x32xf32, #tpu.memory_space<hbm>>
      %dma_start3A_48 = tpu.memref_slice %arg9[%dma_start3A_38] : memref<2x!tpu.dma_semaphore, #tpu.memory_space<semaphore_mem>> -> memref<1x!tpu.dma_semaphore, #tpu.memory_space<semaphore_mem>>
      %dma_start3A_49 = tpu.memref_squeeze %dma_start3A_48 : memref<1x!tpu.dma_semaphore, #tpu.memory_space<semaphore_mem>> -> memref<!tpu.dma_semaphore, #tpu.memory_space<semaphore_mem>>
      tpu.enqueue_indirect_dma source(%dma_start3A_47 : memref<1000000x32xf32, #tpu.memory_space<hbm>>) target(%dma_start3A_42 : memref<128x32xf32, #tpu.memory_space<vmem>>) offsets(%dma_start3A_44 : memref<128xi32, #tpu.memory_space<vmem>>) semaphore(%dma_start3A_49 : memref<!tpu.dma_semaphore, #tpu.memory_space<semaphore_mem>>)
      %dma_start3A_50 = arith.constant 0 : i32
      %dma_start3A_51 = arith.constant 0 : i32
      %dma_start3A_52 = arith.constant 128 : i32
      %dma_start3A_53 = arith.constant 0 : i32
      %dma_start3A_54 = tpu.memref_slice %arg6[%dma_start3A_50, %dma_start3A_52, %dma_start3A_53] : memref<2x640x32xf32, #tpu.memory_space<vmem>> -> memref<1x128x32xf32, #tpu.memory_space<vmem>>
      %dma_start3A_55 = tpu.memref_squeeze %dma_start3A_54 : memref<1x128x32xf32, #tpu.memory_space<vmem>> -> memref<128x32xf32, #tpu.memory_space<vmem>>
      %dma_start3A_56 = arith.constant 128 : i32
      %dma_start3A_57 = tpu.memref_slice %arg5[%dma_start3A_56] : memref<6400xi32, #tpu.memory_space<vmem>> -> memref<128xi32, #tpu.memory_space<vmem>>
      %dma_start3A_58 = arith.constant 0 : i32
      %dma_start3A_59 = arith.constant 0 : i32
      %dma_start3A_60 = tpu.memref_slice %arg3[%dma_start3A_58, %dma_start3A_59] : memref<1000000x32xf32, #tpu.memory_space<hbm>> -> memref<1000000x32xf32, #tpu.memory_space<hbm>>
      %dma_start3A_61 = tpu.memref_slice %arg9[%dma_start3A_51] : memref<2x!tpu.dma_semaphore, #tpu.memory_space<semaphore_mem>> -> memref<1x!tpu.dma_semaphore, #tpu.memory_space<semaphore_mem>>
      %dma_start3A_62 = tpu.memref_squeeze %dma_start3A_61 : memref<1x!tpu.dma_semaphore, #tpu.memory_space<semaphore_mem>> -> memref<!tpu.dma_semaphore, #tpu.memory_space<semaphore_mem>>
      tpu.enqueue_indirect_dma source(%dma_start3A_60 : memref<1000000x32xf32, #tpu.memory_space<hbm>>) target(%dma_start3A_55 : memref<128x32xf32, #tpu.memory_space<vmem>>) offsets(%dma_start3A_57 : memref<128xi32, #tpu.memory_space<vmem>>) semaphore(%dma_start3A_62 : memref<!tpu.dma_semaphore, #tpu.memory_space<semaphore_mem>>)
      %dma_start3A_63 = arith.constant 0 : i32
      %dma_start3A_64 = arith.constant 0 : i32
      %dma_start3A_65 = arith.constant 256 : i32
      %dma_start3A_66 = arith.constant 0 : i32
      %dma_start3A_67 = tpu.memref_slice %arg6[%dma_start3A_63, %dma_start3A_65, %dma_start3A_66] : memref<2x640x32xf32, #tpu.memory_space<vmem>> -> memref<1x128x32xf32, #tpu.memory_space<vmem>>
      %dma_start3A_68 = tpu.memref_squeeze %dma_start3A_67 : memref<1x128x32xf32, #tpu.memory_space<vmem>> -> memref<128x32xf32, #tpu.memory_space<vmem>>
      %dma_start3A_69 = arith.constant 256 : i32
      %dma_start3A_70 = tpu.memref_slice %arg5[%dma_start3A_69] : memref<6400xi32, #tpu.memory_space<vmem>> -> memref<128xi32, #tpu.memory_space<vmem>>
      %dma_start3A_71 = arith.constant 0 : i32
      %dma_start3A_72 = arith.constant 0 : i32
      %dma_start3A_73 = tpu.memref_slice %arg3[%dma_start3A_71, %dma_start3A_72] : memref<1000000x32xf32, #tpu.memory_space<hbm>> -> memref<1000000x32xf32, #tpu.memory_space<hbm>>
      %dma_start3A_74 = tpu.memref_slice %arg9[%dma_start3A_64] : memref<2x!tpu.dma_semaphore, #tpu.memory_space<semaphore_mem>> -> memref<1x!tpu.dma_semaphore, #tpu.memory_space<semaphore_mem>>
      %dma_start3A_75 = tpu.memref_squeeze %dma_start3A_74 : memref<1x!tpu.dma_semaphore, #tpu.memory_space<semaphore_mem>> -> memref<!tpu.dma_semaphore, #tpu.memory_space<semaphore_mem>>
      tpu.enqueue_indirect_dma source(%dma_start3A_73 : memref<1000000x32xf32, #tpu.memory_space<hbm>>) target(%dma_start3A_68 : memref<128x32xf32, #tpu.memory_space<vmem>>) offsets(%dma_start3A_70 : memref<128xi32, #tpu.memory_space<vmem>>) semaphore(%dma_start3A_75 : memref<!tpu.dma_semaphore, #tpu.memory_space<semaphore_mem>>)
      %dma_start3A_76 = arith.constant 0 : i32
      %dma_start3A_77 = arith.constant 0 : i32
      %dma_start3A_78 = arith.constant 384 : i32
      %dma_start3A_79 = arith.constant 0 : i32
      %dma_start3A_80 = tpu.memref_slice %arg6[%dma_start3A_76, %dma_start3A_78, %dma_start3A_79] : memref<2x640x32xf32, #tpu.memory_space<vmem>> -> memref<1x128x32xf32, #tpu.memory_space<vmem>>
      %dma_start3A_81 = tpu.memref_squeeze %dma_start3A_80 : memref<1x128x32xf32, #tpu.memory_space<vmem>> -> memref<128x32xf32, #tpu.memory_space<vmem>>
      %dma_start3A_82 = arith.constant 384 : i32
      %dma_start3A_83 = tpu.memref_slice %arg5[%dma_start3A_82] : memref<6400xi32, #tpu.memory_space<vmem>> -> memref<128xi32, #tpu.memory_space<vmem>>
      %dma_start3A_84 = arith.constant 0 : i32
      %dma_start3A_85 = arith.constant 0 : i32
      %dma_start3A_86 = tpu.memref_slice %arg3[%dma_start3A_84, %dma_start3A_85] : memref<1000000x32xf32, #tpu.memory_space<hbm>> -> memref<1000000x32xf32, #tpu.memory_space<hbm>>
      %dma_start3A_87 = tpu.memref_slice %arg9[%dma_start3A_77] : memref<2x!tpu.dma_semaphore, #tpu.memory_space<semaphore_mem>> -> memref<1x!tpu.dma_semaphore, #tpu.memory_space<semaphore_mem>>
      %dma_start3A_88 = tpu.memref_squeeze %dma_start3A_87 : memref<1x!tpu.dma_semaphore, #tpu.memory_space<semaphore_mem>> -> memref<!tpu.dma_semaphore, #tpu.memory_space<semaphore_mem>>
      tpu.enqueue_indirect_dma source(%dma_start3A_86 : memref<1000000x32xf32, #tpu.memory_space<hbm>>) target(%dma_start3A_81 : memref<128x32xf32, #tpu.memory_space<vmem>>) offsets(%dma_start3A_83 : memref<128xi32, #tpu.memory_space<vmem>>) semaphore(%dma_start3A_88 : memref<!tpu.dma_semaphore, #tpu.memory_space<semaphore_mem>>)
      %dma_start3A_89 = arith.constant 0 : i32
      %dma_start3A_90 = arith.constant 0 : i32
      %dma_start3A_91 = arith.constant 512 : i32
      %dma_start3A_92 = arith.constant 0 : i32
      %dma_start3A_93 = tpu.memref_slice %arg6[%dma_start3A_89, %dma_start3A_91, %dma_start3A_92] : memref<2x640x32xf32, #tpu.memory_space<vmem>> -> memref<1x128x32xf32, #tpu.memory_space<vmem>>
      %dma_start3A_94 = tpu.memref_squeeze %dma_start3A_93 : memref<1x128x32xf32, #tpu.memory_space<vmem>> -> memref<128x32xf32, #tpu.memory_space<vmem>>
      %dma_start3A_95 = arith.constant 512 : i32
      %dma_start3A_96 = tpu.memref_slice %arg5[%dma_start3A_95] : memref<6400xi32, #tpu.memory_space<vmem>> -> memref<128xi32, #tpu.memory_space<vmem>>
      %dma_start3A_97 = arith.constant 0 : i32
      %dma_start3A_98 = arith.constant 0 : i32
      %dma_start3A_99 = tpu.memref_slice %arg3[%dma_start3A_97, %dma_start3A_98] : memref<1000000x32xf32, #tpu.memory_space<hbm>> -> memref<1000000x32xf32, #tpu.memory_space<hbm>>
      %dma_start3A_100 = tpu.memref_slice %arg9[%dma_start3A_90] : memref<2x!tpu.dma_semaphore, #tpu.memory_space<semaphore_mem>> -> memref<1x!tpu.dma_semaphore, #tpu.memory_space<semaphore_mem>>
      %dma_start3A_101 = tpu.memref_squeeze %dma_start3A_100 : memref<1x!tpu.dma_semaphore, #tpu.memory_space<semaphore_mem>> -> memref<!tpu.dma_semaphore, #tpu.memory_space<semaphore_mem>>
      tpu.enqueue_indirect_dma source(%dma_start3A_99 : memref<1000000x32xf32, #tpu.memory_space<hbm>>) target(%dma_start3A_94 : memref<128x32xf32, #tpu.memory_space<vmem>>) offsets(%dma_start3A_96 : memref<128xi32, #tpu.memory_space<vmem>>) semaphore(%dma_start3A_101 : memref<!tpu.dma_semaphore, #tpu.memory_space<semaphore_mem>>)
      %scan3A_102 = arith.constant 0 : i32
      %scan3A_103 = arith.constant 0 : i32
      %scan3A_104 = arith.constant 5 : i32
      %scan3A_105 = arith.addi %scan3A_103, %scan3A_104 : i32
      %scan3A_106 = arith.constant 1 : i32
      scf.for %scan3A_108 = %scan3A_103 to %scan3A_105 step %scan3A_106  : i32 {
        %mul3A_109 = arith.constant 2 : i32
        %mul3A_110 = arith.muli %scan3A_108, %mul3A_109 : i32
        %add3A_111 = arith.constant 0 : i32
        %add3A_112 = arith.addi %mul3A_110, %add3A_111 : i32
        %add3A_113 = arith.constant 1 : i32
        %add3A_114 = arith.addi %add3A_112, %add3A_113 : i32
        %mul3A_115 = arith.constant 5 : i32
        %mul3A_116 = arith.muli %add3A_114, %mul3A_115 : i32
        %add3A_117 = arith.constant 0 : i32
        %add3A_118 = arith.addi %mul3A_116, %add3A_117 : i32
        %mul3A_119 = arith.constant 128 : i32
        %mul3A_120 = arith.muli %add3A_118, %mul3A_119 : i32
        %dma_start3A_121 = arith.constant 1 : i32
        %dma_start3A_122 = arith.constant 1 : i32
        %dma_start3A_123 = arith.constant 0 : i32
        %dma_start3A_124 = arith.constant 0 : i32
        %dma_start3A_125 = tpu.memref_slice %arg6[%dma_start3A_121, %dma_start3A_123, %dma_start3A_124] : memref<2x640x32xf32, #tpu.memory_space<vmem>> -> memref<1x128x32xf32, #tpu.memory_space<vmem>>
        %dma_start3A_126 = tpu.memref_squeeze %dma_start3A_125 : memref<1x128x32xf32, #tpu.memory_space<vmem>> -> memref<128x32xf32, #tpu.memory_space<vmem>>
        %dma_start3A_127 = tpu.memref_slice %arg5[%mul3A_120] : memref<6400xi32, #tpu.memory_space<vmem>> -> memref<128xi32, #tpu.memory_space<vmem>>
        %dma_start3A_128 = arith.constant 0 : i32
        %dma_start3A_129 = arith.constant 0 : i32
        %dma_start3A_130 = tpu.memref_slice %arg3[%dma_start3A_128, %dma_start3A_129] : memref<1000000x32xf32, #tpu.memory_space<hbm>> -> memref<1000000x32xf32, #tpu.memory_space<hbm>>
        %dma_start3A_131 = tpu.memref_slice %arg9[%dma_start3A_122] : memref<2x!tpu.dma_semaphore, #tpu.memory_space<semaphore_mem>> -> memref<1x!tpu.dma_semaphore, #tpu.memory_space<semaphore_mem>>
        %dma_start3A_132 = tpu.memref_squeeze %dma_start3A_131 : memref<1x!tpu.dma_semaphore, #tpu.memory_space<semaphore_mem>> -> memref<!tpu.dma_semaphore, #tpu.memory_space<semaphore_mem>>
        tpu.enqueue_indirect_dma source(%dma_start3A_130 : memref<1000000x32xf32, #tpu.memory_space<hbm>>) target(%dma_start3A_126 : memref<128x32xf32, #tpu.memory_space<vmem>>) offsets(%dma_start3A_127 : memref<128xi32, #tpu.memory_space<vmem>>) semaphore(%dma_start3A_132 : memref<!tpu.dma_semaphore, #tpu.memory_space<semaphore_mem>>)
        %mul3A_133 = arith.constant 5 : i32
        %mul3A_134 = arith.muli %add3A_114, %mul3A_133 : i32
        %add3A_135 = arith.constant 1 : i32
        %add3A_136 = arith.addi %mul3A_134, %add3A_135 : i32
        %mul3A_137 = arith.constant 128 : i32
        %mul3A_138 = arith.muli %add3A_136, %mul3A_137 : i32
        %dma_start3A_139 = arith.constant 1 : i32
        %dma_start3A_140 = arith.constant 1 : i32
        %dma_start3A_141 = arith.constant 128 : i32
        %dma_start3A_142 = arith.constant 0 : i32
        %dma_start3A_143 = tpu.memref_slice %arg6[%dma_start3A_139, %dma_start3A_141, %dma_start3A_142] : memref<2x640x32xf32, #tpu.memory_space<vmem>> -> memref<1x128x32xf32, #tpu.memory_space<vmem>>
        %dma_start3A_144 = tpu.memref_squeeze %dma_start3A_143 : memref<1x128x32xf32, #tpu.memory_space<vmem>> -> memref<128x32xf32, #tpu.memory_space<vmem>>
        %dma_start3A_145 = tpu.memref_slice %arg5[%mul3A_138] : memref<6400xi32, #tpu.memory_space<vmem>> -> memref<128xi32, #tpu.memory_space<vmem>>
        %dma_start3A_146 = arith.constant 0 : i32
        %dma_start3A_147 = arith.constant 0 : i32
        %dma_start3A_148 = tpu.memref_slice %arg3[%dma_start3A_146, %dma_start3A_147] : memref<1000000x32xf32, #tpu.memory_space<hbm>> -> memref<1000000x32xf32, #tpu.memory_space<hbm>>
        %dma_start3A_149 = tpu.memref_slice %arg9[%dma_start3A_140] : memref<2x!tpu.dma_semaphore, #tpu.memory_space<semaphore_mem>> -> memref<1x!tpu.dma_semaphore, #tpu.memory_space<semaphore_mem>>
        %dma_start3A_150 = tpu.memref_squeeze %dma_start3A_149 : memref<1x!tpu.dma_semaphore, #tpu.memory_space<semaphore_mem>> -> memref<!tpu.dma_semaphore, #tpu.memory_space<semaphore_mem>>
        tpu.enqueue_indirect_dma source(%dma_start3A_148 : memref<1000000x32xf32, #tpu.memory_space<hbm>>) target(%dma_start3A_144 : memref<128x32xf32, #tpu.memory_space<vmem>>) offsets(%dma_start3A_145 : memref<128xi32, #tpu.memory_space<vmem>>) semaphore(%dma_start3A_150 : memref<!tpu.dma_semaphore, #tpu.memory_space<semaphore_mem>>)
        %mul3A_151 = arith.constant 5 : i32
        %mul3A_152 = arith.muli %add3A_114, %mul3A_151 : i32
        %add3A_153 = arith.constant 2 : i32
        %add3A_154 = arith.addi %mul3A_152, %add3A_153 : i32
        %mul3A_155 = arith.constant 128 : i32
        %mul3A_156 = arith.muli %add3A_154, %mul3A_155 : i32
        %dma_start3A_157 = arith.constant 1 : i32
        %dma_start3A_158 = arith.constant 1 : i32
        %dma_start3A_159 = arith.constant 256 : i32
        %dma_start3A_160 = arith.constant 0 : i32
        %dma_start3A_161 = tpu.memref_slice %arg6[%dma_start3A_157, %dma_start3A_159, %dma_start3A_160] : memref<2x640x32xf32, #tpu.memory_space<vmem>> -> memref<1x128x32xf32, #tpu.memory_space<vmem>>
        %dma_start3A_162 = tpu.memref_squeeze %dma_start3A_161 : memref<1x128x32xf32, #tpu.memory_space<vmem>> -> memref<128x32xf32, #tpu.memory_space<vmem>>
        %dma_start3A_163 = tpu.memref_slice %arg5[%mul3A_156] : memref<6400xi32, #tpu.memory_space<vmem>> -> memref<128xi32, #tpu.memory_space<vmem>>
        %dma_start3A_164 = arith.constant 0 : i32
        %dma_start3A_165 = arith.constant 0 : i32
        %dma_start3A_166 = tpu.memref_slice %arg3[%dma_start3A_164, %dma_start3A_165] : memref<1000000x32xf32, #tpu.memory_space<hbm>> -> memref<1000000x32xf32, #tpu.memory_space<hbm>>
        %dma_start3A_167 = tpu.memref_slice %arg9[%dma_start3A_158] : memref<2x!tpu.dma_semaphore, #tpu.memory_space<semaphore_mem>> -> memref<1x!tpu.dma_semaphore, #tpu.memory_space<semaphore_mem>>
        %dma_start3A_168 = tpu.memref_squeeze %dma_start3A_167 : memref<1x!tpu.dma_semaphore, #tpu.memory_space<semaphore_mem>> -> memref<!tpu.dma_semaphore, #tpu.memory_space<semaphore_mem>>
        tpu.enqueue_indirect_dma source(%dma_start3A_166 : memref<1000000x32xf32, #tpu.memory_space<hbm>>) target(%dma_start3A_162 : memref<128x32xf32, #tpu.memory_space<vmem>>) offsets(%dma_start3A_163 : memref<128xi32, #tpu.memory_space<vmem>>) semaphore(%dma_start3A_168 : memref<!tpu.dma_semaphore, #tpu.memory_space<semaphore_mem>>)
        %mul3A_169 = arith.constant 5 : i32
        %mul3A_170 = arith.muli %add3A_114, %mul3A_169 : i32
        %add3A_171 = arith.constant 3 : i32
        %add3A_172 = arith.addi %mul3A_170, %add3A_171 : i32
        %mul3A_173 = arith.constant 128 : i32
        %mul3A_174 = arith.muli %add3A_172, %mul3A_173 : i32
        %dma_start3A_175 = arith.constant 1 : i32
        %dma_start3A_176 = arith.constant 1 : i32
        %dma_start3A_177 = arith.constant 384 : i32
        %dma_start3A_178 = arith.constant 0 : i32
        %dma_start3A_179 = tpu.memref_slice %arg6[%dma_start3A_175, %dma_start3A_177, %dma_start3A_178] : memref<2x640x32xf32, #tpu.memory_space<vmem>> -> memref<1x128x32xf32, #tpu.memory_space<vmem>>
        %dma_start3A_180 = tpu.memref_squeeze %dma_start3A_179 : memref<1x128x32xf32, #tpu.memory_space<vmem>> -> memref<128x32xf32, #tpu.memory_space<vmem>>
        %dma_start3A_181 = tpu.memref_slice %arg5[%mul3A_174] : memref<6400xi32, #tpu.memory_space<vmem>> -> memref<128xi32, #tpu.memory_space<vmem>>
        %dma_start3A_182 = arith.constant 0 : i32
        %dma_start3A_183 = arith.constant 0 : i32
        %dma_start3A_184 = tpu.memref_slice %arg3[%dma_start3A_182, %dma_start3A_183] : memref<1000000x32xf32, #tpu.memory_space<hbm>> -> memref<1000000x32xf32, #tpu.memory_space<hbm>>
        %dma_start3A_185 = tpu.memref_slice %arg9[%dma_start3A_176] : memref<2x!tpu.dma_semaphore, #tpu.memory_space<semaphore_mem>> -> memref<1x!tpu.dma_semaphore, #tpu.memory_space<semaphore_mem>>
        %dma_start3A_186 = tpu.memref_squeeze %dma_start3A_185 : memref<1x!tpu.dma_semaphore, #tpu.memory_space<semaphore_mem>> -> memref<!tpu.dma_semaphore, #tpu.memory_space<semaphore_mem>>
        tpu.enqueue_indirect_dma source(%dma_start3A_184 : memref<1000000x32xf32, #tpu.memory_space<hbm>>) target(%dma_start3A_180 : memref<128x32xf32, #tpu.memory_space<vmem>>) offsets(%dma_start3A_181 : memref<128xi32, #tpu.memory_space<vmem>>) semaphore(%dma_start3A_186 : memref<!tpu.dma_semaphore, #tpu.memory_space<semaphore_mem>>)
        %mul3A_187 = arith.constant 5 : i32
        %mul3A_188 = arith.muli %add3A_114, %mul3A_187 : i32
        %add3A_189 = arith.constant 4 : i32
        %add3A_190 = arith.addi %mul3A_188, %add3A_189 : i32
        %mul3A_191 = arith.constant 128 : i32
        %mul3A_192 = arith.muli %add3A_190, %mul3A_191 : i32
        %dma_start3A_193 = arith.constant 1 : i32
        %dma_start3A_194 = arith.constant 1 : i32
        %dma_start3A_195 = arith.constant 512 : i32
        %dma_start3A_196 = arith.constant 0 : i32
        %dma_start3A_197 = tpu.memref_slice %arg6[%dma_start3A_193, %dma_start3A_195, %dma_start3A_196] : memref<2x640x32xf32, #tpu.memory_space<vmem>> -> memref<1x128x32xf32, #tpu.memory_space<vmem>>
        %dma_start3A_198 = tpu.memref_squeeze %dma_start3A_197 : memref<1x128x32xf32, #tpu.memory_space<vmem>> -> memref<128x32xf32, #tpu.memory_space<vmem>>
        %dma_start3A_199 = tpu.memref_slice %arg5[%mul3A_192] : memref<6400xi32, #tpu.memory_space<vmem>> -> memref<128xi32, #tpu.memory_space<vmem>>
        %dma_start3A_200 = arith.constant 0 : i32
        %dma_start3A_201 = arith.constant 0 : i32
        %dma_start3A_202 = tpu.memref_slice %arg3[%dma_start3A_200, %dma_start3A_201] : memref<1000000x32xf32, #tpu.memory_space<hbm>> -> memref<1000000x32xf32, #tpu.memory_space<hbm>>
        %dma_start3A_203 = tpu.memref_slice %arg9[%dma_start3A_194] : memref<2x!tpu.dma_semaphore, #tpu.memory_space<semaphore_mem>> -> memref<1x!tpu.dma_semaphore, #tpu.memory_space<semaphore_mem>>
        %dma_start3A_204 = tpu.memref_squeeze %dma_start3A_203 : memref<1x!tpu.dma_semaphore, #tpu.memory_space<semaphore_mem>> -> memref<!tpu.dma_semaphore, #tpu.memory_space<semaphore_mem>>
        tpu.enqueue_indirect_dma source(%dma_start3A_202 : memref<1000000x32xf32, #tpu.memory_space<hbm>>) target(%dma_start3A_198 : memref<128x32xf32, #tpu.memory_space<vmem>>) offsets(%dma_start3A_199 : memref<128xi32, #tpu.memory_space<vmem>>) semaphore(%dma_start3A_204 : memref<!tpu.dma_semaphore, #tpu.memory_space<semaphore_mem>>)
        %dma_wait3A_205 = arith.constant 0 : i32
        %dma_wait3A_206 = arith.constant 0 : i32
        %dma_wait3A_207 = arith.constant 0 : i32
        %dma_wait3A_208 = arith.constant 0 : i32
        %dma_wait3A_209 = tpu.memref_slice %arg6[%dma_wait3A_205, %dma_wait3A_207, %dma_wait3A_208] : memref<2x640x32xf32, #tpu.memory_space<vmem>> -> memref<1x640x32xf32, #tpu.memory_space<vmem>>
        %dma_wait3A_210 = tpu.memref_squeeze %dma_wait3A_209 : memref<1x640x32xf32, #tpu.memory_space<vmem>> -> memref<640x32xf32, #tpu.memory_space<vmem>>
        %dma_wait3A_211 = arith.constant 0 : i32
        %dma_wait3A_212 = arith.constant 0 : i32
        %dma_wait3A_213 = tpu.memref_slice %arg3[%dma_wait3A_211, %dma_wait3A_212] : memref<1000000x32xf32, #tpu.memory_space<hbm>> -> memref<640x32xf32, #tpu.memory_space<hbm>>
        %dma_wait3A_214 = tpu.memref_slice %arg9[%dma_wait3A_206] : memref<2x!tpu.dma_semaphore, #tpu.memory_space<semaphore_mem>> -> memref<1x!tpu.dma_semaphore, #tpu.memory_space<semaphore_mem>>
        %dma_wait3A_215 = tpu.memref_squeeze %dma_wait3A_214 : memref<1x!tpu.dma_semaphore, #tpu.memory_space<semaphore_mem>> -> memref<!tpu.dma_semaphore, #tpu.memory_space<semaphore_mem>>
        %dma_wait3A_216 = arith.constant 0 : i32
        %dma_wait3A_217 = arith.constant 0 : i32
        %dma_wait3A_218 = tpu.memref_slice %arg6[%dma_wait3A_205, %dma_wait3A_216, %dma_wait3A_217] : memref<2x640x32xf32, #tpu.memory_space<vmem>> -> memref<1x640x32xf32, #tpu.memory_space<vmem>>
        %dma_wait3A_219 = tpu.memref_squeeze %dma_wait3A_218 : memref<1x640x32xf32, #tpu.memory_space<vmem>> -> memref<640x32xf32, #tpu.memory_space<vmem>>
        %dma_wait3A_220 = arith.constant 0 : i32
        %dma_wait3A_221 = arith.constant 0 : i32
        %dma_wait3A_222 = tpu.memref_slice %arg3[%dma_wait3A_220, %dma_wait3A_221] : memref<1000000x32xf32, #tpu.memory_space<hbm>> -> memref<640x32xf32, #tpu.memory_space<hbm>>
        tpu.wait_dma2 semaphore(%dma_wait3A_215 : memref<!tpu.dma_semaphore, #tpu.memory_space<semaphore_mem>>) src(%dma_wait3A_222 : memref<640x32xf32, #tpu.memory_space<hbm>>) dst(%dma_wait3A_219 : memref<640x32xf32, #tpu.memory_space<vmem>>)
        %gt3A = arith.constant 0 : i32
        %gt3A_223 = arith.cmpi sgt, %scan3A_26, %gt3A : i32
        %gt3A_224 = arith.constant 0 : i32
        %gt3A_225 = arith.cmpi sgt, %scan3A_108, %gt3A_224 : i32
        %or3A = arith.ori %gt3A_223, %gt3A_225 : i1
        %convert_element_type3A = arith.extui %or3A : i1 to i32
        %cond3A = arith.constant 0 : i32
        %cond3A_226 = arith.cmpi ne, %convert_element_type3A, %cond3A : i32
        scf.if %cond3A_226 {
          %dma_wait3A_521 = arith.constant 0 : i32
          %dma_wait3A_522 = arith.constant 0 : i32
          %dma_wait3A_523 = arith.constant 0 : i32
          %dma_wait3A_524 = tpu.memref_slice %arg4[%dma_wait3A_521, %dma_wait3A_522, %dma_wait3A_523] : memref<50x32x16384xf32, #tpu.memory_space<hbm>> -> memref<5x32x128xf32, #tpu.memory_space<hbm>>
          %dma_wait3A_525 = arith.constant 0 : i32
          %dma_wait3A_526 = arith.constant 0 : i32
          %dma_wait3A_527 = arith.constant 0 : i32
          %dma_wait3A_528 = tpu.memref_slice %arg4[%dma_wait3A_525, %dma_wait3A_526, %dma_wait3A_527] : memref<50x32x16384xf32, #tpu.memory_space<hbm>> -> memref<5x32x128xf32, #tpu.memory_space<hbm>>
          tpu.wait_dma2 semaphore(%arg10 : memref<!tpu.dma_semaphore, #tpu.memory_space<semaphore_mem>>) src(%dma_wait3A_528 : memref<5x32x128xf32, #tpu.memory_space<hbm>>) dst(%arg7 : memref<5x32x128xf32, #tpu.memory_space<vmem>>)
        } else {
        }
        %scan3A_227 = arith.constant 0 : i32
        %scan3A_228 = arith.constant 8 : i32
        %scan3A_229 = arith.addi %scan3A_227, %scan3A_228 : i32
        %scan3A_230 = arith.constant 1 : i32
        scf.for %scan3A_521 = %scan3A_227 to %scan3A_229 step %scan3A_230  : i32 {
          %mul3A_522 = arith.constant 1 : i32
          %mul3A_523 = arith.muli %scan3A_521, %mul3A_522 : i32
          %add3A_524 = arith.constant 0 : i32
          %add3A_525 = arith.addi %add3A_524, %mul3A_523 : i32
          %mul3A_526 = arith.constant 16 : i32
          %mul3A_527 = arith.muli %add3A_525, %mul3A_526 : i32
          %add3A_528 = vector.broadcast %mul3A_527 : i32 to vector<16xi32>
          %add3A_529 = arith.addi %iota3A, %add3A_528 : vector<16xi32>
          %add3A_530 = arith.constant 0 : i32
          %add3A_531 = vector.broadcast %add3A_530 : i32 to vector<16xi32>
          %add3A_532 = arith.addi %add3A_529, %add3A_531 : vector<16xi32>
          %parallel_loop3A = arith.constant 0 : i32
          %parallel_loop3A_533 = arith.constant 16 : i32
          %parallel_loop3A_534 = arith.constant 1 : i32
          scf.for %parallel_loop3A_538 = %parallel_loop3A to %parallel_loop3A_533 step %parallel_loop3A_534  : i32 {
            %parallel_loop3A_539 = vector.broadcast %parallel_loop3A_538 : i32 to vector<16xi32>
            %parallel_loop3A_540 = arith.addi %iota3A, %parallel_loop3A_539 : vector<16xi32>
            %parallel_loop3A_541 = arith.constant 15 : i32
            %parallel_loop3A_542 = vector.broadcast %parallel_loop3A_541 : i32 to vector<16xi32>
            %parallel_loop3A_543 = arith.andi %parallel_loop3A_540, %parallel_loop3A_542 : vector<16xi32>
            %parallel_loop3A_544 = arith.constant 0 : i32
            %parallel_loop3A_545 = vector.broadcast %parallel_loop3A_544 : i32 to vector<16xi32>
            %parallel_loop3A_546 = arith.addi %parallel_loop3A_543, %parallel_loop3A_545 : vector<16xi32>
            %parallel_loop3A_547 = tpu.vector_load_idx %arg6[%broadcast_in_dim3A_11, %add3A_532, %parallel_loop3A_546] : memref<2x640x32xf32, #tpu.memory_space<vmem>>[vector<16xi32>, vector<16xi32>, vector<16xi32>], vector<16xf32>,
            %parallel_loop3A_548 = arith.constant 5.65685415 : f32
            %parallel_loop3A_549 = vector.broadcast %parallel_loop3A_548 : f32 to vector<16xf32>
            %parallel_loop3A_550 = arith.mulf %parallel_loop3A_547, %parallel_loop3A_549 : vector<16xf32>
            tpu.vector_store_idx %arg7[%broadcast_in_dim3A_1, %parallel_loop3A_546, %add3A_529], %parallel_loop3A_550 : memref<5x32x128xf32, #tpu.memory_space<vmem>>[vector<16xi32>, vector<16xi32>, vector<16xi32>], vector<16xf32>,
          } {sc.loop_unroll_factor = 8 : i64, sc.parallel_access}
          %parallel_loop3A_535 = arith.constant 0 : i32
          %parallel_loop3A_536 = arith.constant 16 : i32
          %parallel_loop3A_537 = arith.constant 1 : i32
          scf.for %parallel_loop3A_538 = %parallel_loop3A_535 to %parallel_loop3A_536 step %parallel_loop3A_537  : i32 {
            %parallel_loop3A_539 = vector.broadcast %parallel_loop3A_538 : i32 to vector<16xi32>
            %parallel_loop3A_540 = arith.addi %iota3A, %parallel_loop3A_539 : vector<16xi32>
            %parallel_loop3A_541 = arith.constant 15 : i32
            %parallel_loop3A_542 = vector.broadcast %parallel_loop3A_541 : i32 to vector<16xi32>
            %parallel_loop3A_543 = arith.andi %parallel_loop3A_540, %parallel_loop3A_542 : vector<16xi32>
            %parallel_loop3A_544 = arith.constant 16 : i32
            %parallel_loop3A_545 = vector.broadcast %parallel_loop3A_544 : i32 to vector<16xi32>
            %parallel_loop3A_546 = arith.addi %parallel_loop3A_543, %parallel_loop3A_545 : vector<16xi32>
            %parallel_loop3A_547 = tpu.vector_load_idx %arg6[%broadcast_in_dim3A_11, %add3A_532, %parallel_loop3A_546] : memref<2x640x32xf32, #tpu.memory_space<vmem>>[vector<16xi32>, vector<16xi32>, vector<16xi32>], vector<16xf32>,
            %parallel_loop3A_548 = arith.constant 5.65685415 : f32
            %parallel_loop3A_549 = vector.broadcast %parallel_loop3A_548 : f32 to vector<16xf32>
            %parallel_loop3A_550 = arith.mulf %parallel_loop3A_547, %parallel_loop3A_549 : vector<16xf32>
            tpu.vector_store_idx %arg7[%broadcast_in_dim3A_1, %parallel_loop3A_546, %add3A_529], %parallel_loop3A_550 : memref<5x32x128xf32, #tpu.memory_space<vmem>>[vector<16xi32>, vector<16xi32>, vector<16xi32>], vector<16xf32>,
          } {sc.loop_unroll_factor = 8 : i64, sc.parallel_access}
        }
        %scan3A_231 = arith.constant 8 : i32
        %scan3A_232 = arith.constant 0 : i32
        %scan3A_233 = arith.constant 8 : i32
        %scan3A_234 = arith.addi %scan3A_232, %scan3A_233 : i32
        %scan3A_235 = arith.constant 1 : i32
        scf.for %scan3A_521 = %scan3A_232 to %scan3A_234 step %scan3A_235  : i32 {
          %mul3A_522 = arith.constant 1 : i32
          %mul3A_523 = arith.muli %scan3A_521, %mul3A_522 : i32
          %add3A_524 = arith.constant 0 : i32
          %add3A_525 = arith.addi %add3A_524, %mul3A_523 : i32
          %mul3A_526 = arith.constant 16 : i32
          %mul3A_527 = arith.muli %add3A_525, %mul3A_526 : i32
          %add3A_528 = vector.broadcast %mul3A_527 : i32 to vector<16xi32>
          %add3A_529 = arith.addi %iota3A, %add3A_528 : vector<16xi32>
          %add3A_530 = arith.constant 128 : i32
          %add3A_531 = vector.broadcast %add3A_530 : i32 to vector<16xi32>
          %add3A_532 = arith.addi %add3A_529, %add3A_531 : vector<16xi32>
          %parallel_loop3A = arith.constant 0 : i32
          %parallel_loop3A_533 = arith.constant 16 : i32
          %parallel_loop3A_534 = arith.constant 1 : i32
          scf.for %parallel_loop3A_538 = %parallel_loop3A to %parallel_loop3A_533 step %parallel_loop3A_534  : i32 {
            %parallel_loop3A_539 = vector.broadcast %parallel_loop3A_538 : i32 to vector<16xi32>
            %parallel_loop3A_540 = arith.addi %iota3A, %parallel_loop3A_539 : vector<16xi32>
            %parallel_loop3A_541 = arith.constant 15 : i32
            %parallel_loop3A_542 = vector.broadcast %parallel_loop3A_541 : i32 to vector<16xi32>
            %parallel_loop3A_543 = arith.andi %parallel_loop3A_540, %parallel_loop3A_542 : vector<16xi32>
            %parallel_loop3A_544 = arith.constant 0 : i32
            %parallel_loop3A_545 = vector.broadcast %parallel_loop3A_544 : i32 to vector<16xi32>
            %parallel_loop3A_546 = arith.addi %parallel_loop3A_543, %parallel_loop3A_545 : vector<16xi32>
            %parallel_loop3A_547 = tpu.vector_load_idx %arg6[%broadcast_in_dim3A_11, %add3A_532, %parallel_loop3A_546] : memref<2x640x32xf32, #tpu.memory_space<vmem>>[vector<16xi32>, vector<16xi32>, vector<16xi32>], vector<16xf32>,
            %parallel_loop3A_548 = arith.constant 5.65685415 : f32
            %parallel_loop3A_549 = vector.broadcast %parallel_loop3A_548 : f32 to vector<16xf32>
            %parallel_loop3A_550 = arith.mulf %parallel_loop3A_547, %parallel_loop3A_549 : vector<16xf32>
            tpu.vector_store_idx %arg7[%broadcast_in_dim3A_3, %parallel_loop3A_546, %add3A_529], %parallel_loop3A_550 : memref<5x32x128xf32, #tpu.memory_space<vmem>>[vector<16xi32>, vector<16xi32>, vector<16xi32>], vector<16xf32>,
          } {sc.loop_unroll_factor = 8 : i64, sc.parallel_access}
          %parallel_loop3A_535 = arith.constant 0 : i32
          %parallel_loop3A_536 = arith.constant 16 : i32
          %parallel_loop3A_537 = arith.constant 1 : i32
          scf.for %parallel_loop3A_538 = %parallel_loop3A_535 to %parallel_loop3A_536 step %parallel_loop3A_537  : i32 {
            %parallel_loop3A_539 = vector.broadcast %parallel_loop3A_538 : i32 to vector<16xi32>
            %parallel_loop3A_540 = arith.addi %iota3A, %parallel_loop3A_539 : vector<16xi32>
            %parallel_loop3A_541 = arith.constant 15 : i32
            %parallel_loop3A_542 = vector.broadcast %parallel_loop3A_541 : i32 to vector<16xi32>
            %parallel_loop3A_543 = arith.andi %parallel_loop3A_540, %parallel_loop3A_542 : vector<16xi32>
            %parallel_loop3A_544 = arith.constant 16 : i32
            %parallel_loop3A_545 = vector.broadcast %parallel_loop3A_544 : i32 to vector<16xi32>
            %parallel_loop3A_546 = arith.addi %parallel_loop3A_543, %parallel_loop3A_545 : vector<16xi32>
            %parallel_loop3A_547 = tpu.vector_load_idx %arg6[%broadcast_in_dim3A_11, %add3A_532, %parallel_loop3A_546] : memref<2x640x32xf32, #tpu.memory_space<vmem>>[vector<16xi32>, vector<16xi32>, vector<16xi32>], vector<16xf32>,
            %parallel_loop3A_548 = arith.constant 5.65685415 : f32
            %parallel_loop3A_549 = vector.broadcast %parallel_loop3A_548 : f32 to vector<16xf32>
            %parallel_loop3A_550 = arith.mulf %parallel_loop3A_547, %parallel_loop3A_549 : vector<16xf32>
            tpu.vector_store_idx %arg7[%broadcast_in_dim3A_3, %parallel_loop3A_546, %add3A_529], %parallel_loop3A_550 : memref<5x32x128xf32, #tpu.memory_space<vmem>>[vector<16xi32>, vector<16xi32>, vector<16xi32>], vector<16xf32>,
          } {sc.loop_unroll_factor = 8 : i64, sc.parallel_access}
        }
        %scan3A_236 = arith.constant 8 : i32
        %scan3A_237 = arith.constant 0 : i32
        %scan3A_238 = arith.constant 8 : i32
        %scan3A_239 = arith.addi %scan3A_237, %scan3A_238 : i32
        %scan3A_240 = arith.constant 1 : i32
        scf.for %scan3A_521 = %scan3A_237 to %scan3A_239 step %scan3A_240  : i32 {
          %mul3A_522 = arith.constant 1 : i32
          %mul3A_523 = arith.muli %scan3A_521, %mul3A_522 : i32
          %add3A_524 = arith.constant 0 : i32
          %add3A_525 = arith.addi %add3A_524, %mul3A_523 : i32
          %mul3A_526 = arith.constant 16 : i32
          %mul3A_527 = arith.muli %add3A_525, %mul3A_526 : i32
          %add3A_528 = vector.broadcast %mul3A_527 : i32 to vector<16xi32>
          %add3A_529 = arith.addi %iota3A, %add3A_528 : vector<16xi32>
          %add3A_530 = arith.constant 256 : i32
          %add3A_531 = vector.broadcast %add3A_530 : i32 to vector<16xi32>
          %add3A_532 = arith.addi %add3A_529, %add3A_531 : vector<16xi32>
          %parallel_loop3A = arith.constant 0 : i32
          %parallel_loop3A_533 = arith.constant 16 : i32
          %parallel_loop3A_534 = arith.constant 1 : i32
          scf.for %parallel_loop3A_538 = %parallel_loop3A to %parallel_loop3A_533 step %parallel_loop3A_534  : i32 {
            %parallel_loop3A_539 = vector.broadcast %parallel_loop3A_538 : i32 to vector<16xi32>
            %parallel_loop3A_540 = arith.addi %iota3A, %parallel_loop3A_539 : vector<16xi32>
            %parallel_loop3A_541 = arith.constant 15 : i32
            %parallel_loop3A_542 = vector.broadcast %parallel_loop3A_541 : i32 to vector<16xi32>
            %parallel_loop3A_543 = arith.andi %parallel_loop3A_540, %parallel_loop3A_542 : vector<16xi32>
            %parallel_loop3A_544 = arith.constant 0 : i32
            %parallel_loop3A_545 = vector.broadcast %parallel_loop3A_544 : i32 to vector<16xi32>
            %parallel_loop3A_546 = arith.addi %parallel_loop3A_543, %parallel_loop3A_545 : vector<16xi32>
            %parallel_loop3A_547 = tpu.vector_load_idx %arg6[%broadcast_in_dim3A_11, %add3A_532, %parallel_loop3A_546] : memref<2x640x32xf32, #tpu.memory_space<vmem>>[vector<16xi32>, vector<16xi32>, vector<16xi32>], vector<16xf32>,
            %parallel_loop3A_548 = arith.constant 5.65685415 : f32
            %parallel_loop3A_549 = vector.broadcast %parallel_loop3A_548 : f32 to vector<16xf32>
            %parallel_loop3A_550 = arith.mulf %parallel_loop3A_547, %parallel_loop3A_549 : vector<16xf32>
            tpu.vector_store_idx %arg7[%broadcast_in_dim3A_5, %parallel_loop3A_546, %add3A_529], %parallel_loop3A_550 : memref<5x32x128xf32, #tpu.memory_space<vmem>>[vector<16xi32>, vector<16xi32>, vector<16xi32>], vector<16xf32>,
          } {sc.loop_unroll_factor = 8 : i64, sc.parallel_access}
          %parallel_loop3A_535 = arith.constant 0 : i32
          %parallel_loop3A_536 = arith.constant 16 : i32
          %parallel_loop3A_537 = arith.constant 1 : i32
          scf.for %parallel_loop3A_538 = %parallel_loop3A_535 to %parallel_loop3A_536 step %parallel_loop3A_537  : i32 {
            %parallel_loop3A_539 = vector.broadcast %parallel_loop3A_538 : i32 to vector<16xi32>
            %parallel_loop3A_540 = arith.addi %iota3A, %parallel_loop3A_539 : vector<16xi32>
            %parallel_loop3A_541 = arith.constant 15 : i32
            %parallel_loop3A_542 = vector.broadcast %parallel_loop3A_541 : i32 to vector<16xi32>
            %parallel_loop3A_543 = arith.andi %parallel_loop3A_540, %parallel_loop3A_542 : vector<16xi32>
            %parallel_loop3A_544 = arith.constant 16 : i32
            %parallel_loop3A_545 = vector.broadcast %parallel_loop3A_544 : i32 to vector<16xi32>
            %parallel_loop3A_546 = arith.addi %parallel_loop3A_543, %parallel_loop3A_545 : vector<16xi32>
            %parallel_loop3A_547 = tpu.vector_load_idx %arg6[%broadcast_in_dim3A_11, %add3A_532, %parallel_loop3A_546] : memref<2x640x32xf32, #tpu.memory_space<vmem>>[vector<16xi32>, vector<16xi32>, vector<16xi32>], vector<16xf32>,
            %parallel_loop3A_548 = arith.constant 5.65685415 : f32
            %parallel_loop3A_549 = vector.broadcast %parallel_loop3A_548 : f32 to vector<16xf32>
            %parallel_loop3A_550 = arith.mulf %parallel_loop3A_547, %parallel_loop3A_549 : vector<16xf32>
            tpu.vector_store_idx %arg7[%broadcast_in_dim3A_5, %parallel_loop3A_546, %add3A_529], %parallel_loop3A_550 : memref<5x32x128xf32, #tpu.memory_space<vmem>>[vector<16xi32>, vector<16xi32>, vector<16xi32>], vector<16xf32>,
          } {sc.loop_unroll_factor = 8 : i64, sc.parallel_access}
        }
        %scan3A_241 = arith.constant 8 : i32
        %scan3A_242 = arith.constant 0 : i32
        %scan3A_243 = arith.constant 8 : i32
        %scan3A_244 = arith.addi %scan3A_242, %scan3A_243 : i32
        %scan3A_245 = arith.constant 1 : i32
        scf.for %scan3A_521 = %scan3A_242 to %scan3A_244 step %scan3A_245  : i32 {
          %mul3A_522 = arith.constant 1 : i32
          %mul3A_523 = arith.muli %scan3A_521, %mul3A_522 : i32
          %add3A_524 = arith.constant 0 : i32
          %add3A_525 = arith.addi %add3A_524, %mul3A_523 : i32
          %mul3A_526 = arith.constant 16 : i32
          %mul3A_527 = arith.muli %add3A_525, %mul3A_526 : i32
          %add3A_528 = vector.broadcast %mul3A_527 : i32 to vector<16xi32>
          %add3A_529 = arith.addi %iota3A, %add3A_528 : vector<16xi32>
          %add3A_530 = arith.constant 384 : i32
          %add3A_531 = vector.broadcast %add3A_530 : i32 to vector<16xi32>
          %add3A_532 = arith.addi %add3A_529, %add3A_531 : vector<16xi32>
          %parallel_loop3A = arith.constant 0 : i32
          %parallel_loop3A_533 = arith.constant 16 : i32
          %parallel_loop3A_534 = arith.constant 1 : i32
          scf.for %parallel_loop3A_538 = %parallel_loop3A to %parallel_loop3A_533 step %parallel_loop3A_534  : i32 {
            %parallel_loop3A_539 = vector.broadcast %parallel_loop3A_538 : i32 to vector<16xi32>
            %parallel_loop3A_540 = arith.addi %iota3A, %parallel_loop3A_539 : vector<16xi32>
            %parallel_loop3A_541 = arith.constant 15 : i32
            %parallel_loop3A_542 = vector.broadcast %parallel_loop3A_541 : i32 to vector<16xi32>
            %parallel_loop3A_543 = arith.andi %parallel_loop3A_540, %parallel_loop3A_542 : vector<16xi32>
            %parallel_loop3A_544 = arith.constant 0 : i32
            %parallel_loop3A_545 = vector.broadcast %parallel_loop3A_544 : i32 to vector<16xi32>
            %parallel_loop3A_546 = arith.addi %parallel_loop3A_543, %parallel_loop3A_545 : vector<16xi32>
            %parallel_loop3A_547 = tpu.vector_load_idx %arg6[%broadcast_in_dim3A_11, %add3A_532, %parallel_loop3A_546] : memref<2x640x32xf32, #tpu.memory_space<vmem>>[vector<16xi32>, vector<16xi32>, vector<16xi32>], vector<16xf32>,
            %parallel_loop3A_548 = arith.constant 5.65685415 : f32
            %parallel_loop3A_549 = vector.broadcast %parallel_loop3A_548 : f32 to vector<16xf32>
            %parallel_loop3A_550 = arith.mulf %parallel_loop3A_547, %parallel_loop3A_549 : vector<16xf32>
            tpu.vector_store_idx %arg7[%broadcast_in_dim3A_7, %parallel_loop3A_546, %add3A_529], %parallel_loop3A_550 : memref<5x32x128xf32, #tpu.memory_space<vmem>>[vector<16xi32>, vector<16xi32>, vector<16xi32>], vector<16xf32>,
          } {sc.loop_unroll_factor = 8 : i64, sc.parallel_access}
          %parallel_loop3A_535 = arith.constant 0 : i32
          %parallel_loop3A_536 = arith.constant 16 : i32
          %parallel_loop3A_537 = arith.constant 1 : i32
          scf.for %parallel_loop3A_538 = %parallel_loop3A_535 to %parallel_loop3A_536 step %parallel_loop3A_537  : i32 {
            %parallel_loop3A_539 = vector.broadcast %parallel_loop3A_538 : i32 to vector<16xi32>
            %parallel_loop3A_540 = arith.addi %iota3A, %parallel_loop3A_539 : vector<16xi32>
            %parallel_loop3A_541 = arith.constant 15 : i32
            %parallel_loop3A_542 = vector.broadcast %parallel_loop3A_541 : i32 to vector<16xi32>
            %parallel_loop3A_543 = arith.andi %parallel_loop3A_540, %parallel_loop3A_542 : vector<16xi32>
            %parallel_loop3A_544 = arith.constant 16 : i32
            %parallel_loop3A_545 = vector.broadcast %parallel_loop3A_544 : i32 to vector<16xi32>
            %parallel_loop3A_546 = arith.addi %parallel_loop3A_543, %parallel_loop3A_545 : vector<16xi32>
            %parallel_loop3A_547 = tpu.vector_load_idx %arg6[%broadcast_in_dim3A_11, %add3A_532, %parallel_loop3A_546] : memref<2x640x32xf32, #tpu.memory_space<vmem>>[vector<16xi32>, vector<16xi32>, vector<16xi32>], vector<16xf32>,
            %parallel_loop3A_548 = arith.constant 5.65685415 : f32
            %parallel_loop3A_549 = vector.broadcast %parallel_loop3A_548 : f32 to vector<16xf32>
            %parallel_loop3A_550 = arith.mulf %parallel_loop3A_547, %parallel_loop3A_549 : vector<16xf32>
            tpu.vector_store_idx %arg7[%broadcast_in_dim3A_7, %parallel_loop3A_546, %add3A_529], %parallel_loop3A_550 : memref<5x32x128xf32, #tpu.memory_space<vmem>>[vector<16xi32>, vector<16xi32>, vector<16xi32>], vector<16xf32>,
          } {sc.loop_unroll_factor = 8 : i64, sc.parallel_access}
        }
        %scan3A_246 = arith.constant 8 : i32
        %scan3A_247 = arith.constant 0 : i32
        %scan3A_248 = arith.constant 8 : i32
        %scan3A_249 = arith.addi %scan3A_247, %scan3A_248 : i32
        %scan3A_250 = arith.constant 1 : i32
        scf.for %scan3A_521 = %scan3A_247 to %scan3A_249 step %scan3A_250  : i32 {
          %mul3A_522 = arith.constant 1 : i32
          %mul3A_523 = arith.muli %scan3A_521, %mul3A_522 : i32
          %add3A_524 = arith.constant 0 : i32
          %add3A_525 = arith.addi %add3A_524, %mul3A_523 : i32
          %mul3A_526 = arith.constant 16 : i32
          %mul3A_527 = arith.muli %add3A_525, %mul3A_526 : i32
          %add3A_528 = vector.broadcast %mul3A_527 : i32 to vector<16xi32>
          %add3A_529 = arith.addi %iota3A, %add3A_528 : vector<16xi32>
          %add3A_530 = arith.constant 512 : i32
          %add3A_531 = vector.broadcast %add3A_530 : i32 to vector<16xi32>
          %add3A_532 = arith.addi %add3A_529, %add3A_531 : vector<16xi32>
          %parallel_loop3A = arith.constant 0 : i32
          %parallel_loop3A_533 = arith.constant 16 : i32
          %parallel_loop3A_534 = arith.constant 1 : i32
          scf.for %parallel_loop3A_538 = %parallel_loop3A to %parallel_loop3A_533 step %parallel_loop3A_534  : i32 {
            %parallel_loop3A_539 = vector.broadcast %parallel_loop3A_538 : i32 to vector<16xi32>
            %parallel_loop3A_540 = arith.addi %iota3A, %parallel_loop3A_539 : vector<16xi32>
            %parallel_loop3A_541 = arith.constant 15 : i32
            %parallel_loop3A_542 = vector.broadcast %parallel_loop3A_541 : i32 to vector<16xi32>
            %parallel_loop3A_543 = arith.andi %parallel_loop3A_540, %parallel_loop3A_542 : vector<16xi32>
            %parallel_loop3A_544 = arith.constant 0 : i32
            %parallel_loop3A_545 = vector.broadcast %parallel_loop3A_544 : i32 to vector<16xi32>
            %parallel_loop3A_546 = arith.addi %parallel_loop3A_543, %parallel_loop3A_545 : vector<16xi32>
            %parallel_loop3A_547 = tpu.vector_load_idx %arg6[%broadcast_in_dim3A_11, %add3A_532, %parallel_loop3A_546] : memref<2x640x32xf32, #tpu.memory_space<vmem>>[vector<16xi32>, vector<16xi32>, vector<16xi32>], vector<16xf32>,
            %parallel_loop3A_548 = arith.constant 5.65685415 : f32
            %parallel_loop3A_549 = vector.broadcast %parallel_loop3A_548 : f32 to vector<16xf32>
            %parallel_loop3A_550 = arith.mulf %parallel_loop3A_547, %parallel_loop3A_549 : vector<16xf32>
            tpu.vector_store_idx %arg7[%broadcast_in_dim3A_9, %parallel_loop3A_546, %add3A_529], %parallel_loop3A_550 : memref<5x32x128xf32, #tpu.memory_space<vmem>>[vector<16xi32>, vector<16xi32>, vector<16xi32>], vector<16xf32>,
          } {sc.loop_unroll_factor = 8 : i64, sc.parallel_access}
          %parallel_loop3A_535 = arith.constant 0 : i32
          %parallel_loop3A_536 = arith.constant 16 : i32
          %parallel_loop3A_537 = arith.constant 1 : i32
          scf.for %parallel_loop3A_538 = %parallel_loop3A_535 to %parallel_loop3A_536 step %parallel_loop3A_537  : i32 {
            %parallel_loop3A_539 = vector.broadcast %parallel_loop3A_538 : i32 to vector<16xi32>
            %parallel_loop3A_540 = arith.addi %iota3A, %parallel_loop3A_539 : vector<16xi32>
            %parallel_loop3A_541 = arith.constant 15 : i32
            %parallel_loop3A_542 = vector.broadcast %parallel_loop3A_541 : i32 to vector<16xi32>
            %parallel_loop3A_543 = arith.andi %parallel_loop3A_540, %parallel_loop3A_542 : vector<16xi32>
            %parallel_loop3A_544 = arith.constant 16 : i32
            %parallel_loop3A_545 = vector.broadcast %parallel_loop3A_544 : i32 to vector<16xi32>
            %parallel_loop3A_546 = arith.addi %parallel_loop3A_543, %parallel_loop3A_545 : vector<16xi32>
            %parallel_loop3A_547 = tpu.vector_load_idx %arg6[%broadcast_in_dim3A_11, %add3A_532, %parallel_loop3A_546] : memref<2x640x32xf32, #tpu.memory_space<vmem>>[vector<16xi32>, vector<16xi32>, vector<16xi32>], vector<16xf32>,
            %parallel_loop3A_548 = arith.constant 5.65685415 : f32
            %parallel_loop3A_549 = vector.broadcast %parallel_loop3A_548 : f32 to vector<16xf32>
            %parallel_loop3A_550 = arith.mulf %parallel_loop3A_547, %parallel_loop3A_549 : vector<16xf32>
            tpu.vector_store_idx %arg7[%broadcast_in_dim3A_9, %parallel_loop3A_546, %add3A_529], %parallel_loop3A_550 : memref<5x32x128xf32, #tpu.memory_space<vmem>>[vector<16xi32>, vector<16xi32>, vector<16xi32>], vector<16xf32>,
          } {sc.loop_unroll_factor = 8 : i64, sc.parallel_access}
        }
        %scan3A_251 = arith.constant 8 : i32
        %mul3A_252 = arith.constant 5 : i32
        %mul3A_253 = arith.muli %add3A_112, %mul3A_252 : i32
        %add3A_254 = arith.constant 0 : i32
        %add3A_255 = arith.addi %mul3A_253, %add3A_254 : i32
        %mul3A_256 = arith.constant 128 : i32
        %mul3A_257 = arith.muli %add3A_29, %mul3A_256 : i32
        %dma_start3A_258 = arith.constant 0 : i32
        %dma_start3A_259 = arith.constant 0 : i32
        %dma_start3A_260 = arith.constant 0 : i32
        %dma_start3A_261 = tpu.memref_slice %arg7[%dma_start3A_258, %dma_start3A_259, %dma_start3A_260] : memref<5x32x128xf32, #tpu.memory_space<vmem>> -> memref<1x32x128xf32, #tpu.memory_space<vmem>>
        %dma_start3A_262 = tpu.memref_squeeze %dma_start3A_261 : memref<1x32x128xf32, #tpu.memory_space<vmem>> -> memref<32x128xf32, #tpu.memory_space<vmem>>
        %dma_start3A_263 = arith.constant 0 : i32
        %dma_start3A_264 = tpu.memref_slice %arg4[%add3A_255, %dma_start3A_263, %mul3A_257] : memref<50x32x16384xf32, #tpu.memory_space<hbm>> -> memref<1x32x128xf32, #tpu.memory_space<hbm>>
        %dma_start3A_265 = tpu.memref_squeeze %dma_start3A_264 : memref<1x32x128xf32, #tpu.memory_space<hbm>> -> memref<32x128xf32, #tpu.memory_space<hbm>>
        %dma_start3A_266 = arith.constant 0 : i32
        %dma_start3A_267 = tpu.memref_slice %arg4[%add3A_255, %dma_start3A_266, %mul3A_257] : memref<50x32x16384xf32, #tpu.memory_space<hbm>> -> memref<1x32x128xf32, #tpu.memory_space<hbm>>
        %dma_start3A_268 = tpu.memref_squeeze %dma_start3A_267 : memref<1x32x128xf32, #tpu.memory_space<hbm>> -> memref<32x128xf32, #tpu.memory_space<hbm>>
        %dma_start3A_269 = arith.constant 0 : i32
        %dma_start3A_270 = arith.constant 0 : i32
        %dma_start3A_271 = tpu.memref_slice %arg7[%dma_start3A_258, %dma_start3A_269, %dma_start3A_270] : memref<5x32x128xf32, #tpu.memory_space<vmem>> -> memref<1x32x128xf32, #tpu.memory_space<vmem>>
        %dma_start3A_272 = tpu.memref_squeeze %dma_start3A_271 : memref<1x32x128xf32, #tpu.memory_space<vmem>> -> memref<32x128xf32, #tpu.memory_space<vmem>>
        tpu.enqueue_dma source(%dma_start3A_272 : memref<32x128xf32, #tpu.memory_space<vmem>>) target(%dma_start3A_268 : memref<32x128xf32, #tpu.memory_space<hbm>>) target_semaphore(%arg10 : memref<!tpu.dma_semaphore, #tpu.memory_space<semaphore_mem>>)
        %mul3A_273 = arith.constant 5 : i32
        %mul3A_274 = arith.muli %add3A_112, %mul3A_273 : i32
        %add3A_275 = arith.constant 1 : i32
        %add3A_276 = arith.addi %mul3A_274, %add3A_275 : i32
        %mul3A_277 = arith.constant 128 : i32
        %mul3A_278 = arith.muli %add3A_29, %mul3A_277 : i32
        %dma_start3A_279 = arith.constant 1 : i32
        %dma_start3A_280 = arith.constant 0 : i32
        %dma_start3A_281 = arith.constant 0 : i32
        %dma_start3A_282 = tpu.memref_slice %arg7[%dma_start3A_279, %dma_start3A_280, %dma_start3A_281] : memref<5x32x128xf32, #tpu.memory_space<vmem>> -> memref<1x32x128xf32, #tpu.memory_space<vmem>>
        %dma_start3A_283 = tpu.memref_squeeze %dma_start3A_282 : memref<1x32x128xf32, #tpu.memory_space<vmem>> -> memref<32x128xf32, #tpu.memory_space<vmem>>
        %dma_start3A_284 = arith.constant 0 : i32
        %dma_start3A_285 = tpu.memref_slice %arg4[%add3A_276, %dma_start3A_284, %mul3A_278] : memref<50x32x16384xf32, #tpu.memory_space<hbm>> -> memref<1x32x128xf32, #tpu.memory_space<hbm>>
        %dma_start3A_286 = tpu.memref_squeeze %dma_start3A_285 : memref<1x32x128xf32, #tpu.memory_space<hbm>> -> memref<32x128xf32, #tpu.memory_space<hbm>>
        %dma_start3A_287 = arith.constant 0 : i32
        %dma_start3A_288 = tpu.memref_slice %arg4[%add3A_276, %dma_start3A_287, %mul3A_278] : memref<50x32x16384xf32, #tpu.memory_space<hbm>> -> memref<1x32x128xf32, #tpu.memory_space<hbm>>
        %dma_start3A_289 = tpu.memref_squeeze %dma_start3A_288 : memref<1x32x128xf32, #tpu.memory_space<hbm>> -> memref<32x128xf32, #tpu.memory_space<hbm>>
        %dma_start3A_290 = arith.constant 0 : i32
        %dma_start3A_291 = arith.constant 0 : i32
        %dma_start3A_292 = tpu.memref_slice %arg7[%dma_start3A_279, %dma_start3A_290, %dma_start3A_291] : memref<5x32x128xf32, #tpu.memory_space<vmem>> -> memref<1x32x128xf32, #tpu.memory_space<vmem>>
        %dma_start3A_293 = tpu.memref_squeeze %dma_start3A_292 : memref<1x32x128xf32, #tpu.memory_space<vmem>> -> memref<32x128xf32, #tpu.memory_space<vmem>>
        tpu.enqueue_dma source(%dma_start3A_293 : memref<32x128xf32, #tpu.memory_space<vmem>>) target(%dma_start3A_289 : memref<32x128xf32, #tpu.memory_space<hbm>>) target_semaphore(%arg10 : memref<!tpu.dma_semaphore, #tpu.memory_space<semaphore_mem>>)
        %mul3A_294 = arith.constant 5 : i32
        %mul3A_295 = arith.muli %add3A_112, %mul3A_294 : i32
        %add3A_296 = arith.constant 2 : i32
        %add3A_297 = arith.addi %mul3A_295, %add3A_296 : i32
        %mul3A_298 = arith.constant 128 : i32
        %mul3A_299 = arith.muli %add3A_29, %mul3A_298 : i32
        %dma_start3A_300 = arith.constant 2 : i32
        %dma_start3A_301 = arith.constant 0 : i32
        %dma_start3A_302 = arith.constant 0 : i32
        %dma_start3A_303 = tpu.memref_slice %arg7[%dma_start3A_300, %dma_start3A_301, %dma_start3A_302] : memref<5x32x128xf32, #tpu.memory_space<vmem>> -> memref<1x32x128xf32, #tpu.memory_space<vmem>>
        %dma_start3A_304 = tpu.memref_squeeze %dma_start3A_303 : memref<1x32x128xf32, #tpu.memory_space<vmem>> -> memref<32x128xf32, #tpu.memory_space<vmem>>
        %dma_start3A_305 = arith.constant 0 : i32
        %dma_start3A_306 = tpu.memref_slice %arg4[%add3A_297, %dma_start3A_305, %mul3A_299] : memref<50x32x16384xf32, #tpu.memory_space<hbm>> -> memref<1x32x128xf32, #tpu.memory_space<hbm>>
        %dma_start3A_307 = tpu.memref_squeeze %dma_start3A_306 : memref<1x32x128xf32, #tpu.memory_space<hbm>> -> memref<32x128xf32, #tpu.memory_space<hbm>>
        %dma_start3A_308 = arith.constant 0 : i32
        %dma_start3A_309 = tpu.memref_slice %arg4[%add3A_297, %dma_start3A_308, %mul3A_299] : memref<50x32x16384xf32, #tpu.memory_space<hbm>> -> memref<1x32x128xf32, #tpu.memory_space<hbm>>
        %dma_start3A_310 = tpu.memref_squeeze %dma_start3A_309 : memref<1x32x128xf32, #tpu.memory_space<hbm>> -> memref<32x128xf32, #tpu.memory_space<hbm>>
        %dma_start3A_311 = arith.constant 0 : i32
        %dma_start3A_312 = arith.constant 0 : i32
        %dma_start3A_313 = tpu.memref_slice %arg7[%dma_start3A_300, %dma_start3A_311, %dma_start3A_312] : memref<5x32x128xf32, #tpu.memory_space<vmem>> -> memref<1x32x128xf32, #tpu.memory_space<vmem>>
        %dma_start3A_314 = tpu.memref_squeeze %dma_start3A_313 : memref<1x32x128xf32, #tpu.memory_space<vmem>> -> memref<32x128xf32, #tpu.memory_space<vmem>>
        tpu.enqueue_dma source(%dma_start3A_314 : memref<32x128xf32, #tpu.memory_space<vmem>>) target(%dma_start3A_310 : memref<32x128xf32, #tpu.memory_space<hbm>>) target_semaphore(%arg10 : memref<!tpu.dma_semaphore, #tpu.memory_space<semaphore_mem>>)
        %mul3A_315 = arith.constant 5 : i32
        %mul3A_316 = arith.muli %add3A_112, %mul3A_315 : i32
        %add3A_317 = arith.constant 3 : i32
        %add3A_318 = arith.addi %mul3A_316, %add3A_317 : i32
        %mul3A_319 = arith.constant 128 : i32
        %mul3A_320 = arith.muli %add3A_29, %mul3A_319 : i32
        %dma_start3A_321 = arith.constant 3 : i32
        %dma_start3A_322 = arith.constant 0 : i32
        %dma_start3A_323 = arith.constant 0 : i32
        %dma_start3A_324 = tpu.memref_slice %arg7[%dma_start3A_321, %dma_start3A_322, %dma_start3A_323] : memref<5x32x128xf32, #tpu.memory_space<vmem>> -> memref<1x32x128xf32, #tpu.memory_space<vmem>>
        %dma_start3A_325 = tpu.memref_squeeze %dma_start3A_324 : memref<1x32x128xf32, #tpu.memory_space<vmem>> -> memref<32x128xf32, #tpu.memory_space<vmem>>
        %dma_start3A_326 = arith.constant 0 : i32
        %dma_start3A_327 = tpu.memref_slice %arg4[%add3A_318, %dma_start3A_326, %mul3A_320] : memref<50x32x16384xf32, #tpu.memory_space<hbm>> -> memref<1x32x128xf32, #tpu.memory_space<hbm>>
        %dma_start3A_328 = tpu.memref_squeeze %dma_start3A_327 : memref<1x32x128xf32, #tpu.memory_space<hbm>> -> memref<32x128xf32, #tpu.memory_space<hbm>>
        %dma_start3A_329 = arith.constant 0 : i32
        %dma_start3A_330 = tpu.memref_slice %arg4[%add3A_318, %dma_start3A_329, %mul3A_320] : memref<50x32x16384xf32, #tpu.memory_space<hbm>> -> memref<1x32x128xf32, #tpu.memory_space<hbm>>
        %dma_start3A_331 = tpu.memref_squeeze %dma_start3A_330 : memref<1x32x128xf32, #tpu.memory_space<hbm>> -> memref<32x128xf32, #tpu.memory_space<hbm>>
        %dma_start3A_332 = arith.constant 0 : i32
        %dma_start3A_333 = arith.constant 0 : i32
        %dma_start3A_334 = tpu.memref_slice %arg7[%dma_start3A_321, %dma_start3A_332, %dma_start3A_333] : memref<5x32x128xf32, #tpu.memory_space<vmem>> -> memref<1x32x128xf32, #tpu.memory_space<vmem>>
        %dma_start3A_335 = tpu.memref_squeeze %dma_start3A_334 : memref<1x32x128xf32, #tpu.memory_space<vmem>> -> memref<32x128xf32, #tpu.memory_space<vmem>>
        tpu.enqueue_dma source(%dma_start3A_335 : memref<32x128xf32, #tpu.memory_space<vmem>>) target(%dma_start3A_331 : memref<32x128xf32, #tpu.memory_space<hbm>>) target_semaphore(%arg10 : memref<!tpu.dma_semaphore, #tpu.memory_space<semaphore_mem>>)
        %mul3A_336 = arith.constant 5 : i32
        %mul3A_337 = arith.muli %add3A_112, %mul3A_336 : i32
        %add3A_338 = arith.constant 4 : i32
        %add3A_339 = arith.addi %mul3A_337, %add3A_338 : i32
        %mul3A_340 = arith.constant 128 : i32
        %mul3A_341 = arith.muli %add3A_29, %mul3A_340 : i32
        %dma_start3A_342 = arith.constant 4 : i32
        %dma_start3A_343 = arith.constant 0 : i32
        %dma_start3A_344 = arith.constant 0 : i32
        %dma_start3A_345 = tpu.memref_slice %arg7[%dma_start3A_342, %dma_start3A_343, %dma_start3A_344] : memref<5x32x128xf32, #tpu.memory_space<vmem>> -> memref<1x32x128xf32, #tpu.memory_space<vmem>>
        %dma_start3A_346 = tpu.memref_squeeze %dma_start3A_345 : memref<1x32x128xf32, #tpu.memory_space<vmem>> -> memref<32x128xf32, #tpu.memory_space<vmem>>
        %dma_start3A_347 = arith.constant 0 : i32
        %dma_start3A_348 = tpu.memref_slice %arg4[%add3A_339, %dma_start3A_347, %mul3A_341] : memref<50x32x16384xf32, #tpu.memory_space<hbm>> -> memref<1x32x128xf32, #tpu.memory_space<hbm>>
        %dma_start3A_349 = tpu.memref_squeeze %dma_start3A_348 : memref<1x32x128xf32, #tpu.memory_space<hbm>> -> memref<32x128xf32, #tpu.memory_space<hbm>>
        %dma_start3A_350 = arith.constant 0 : i32
        %dma_start3A_351 = tpu.memref_slice %arg4[%add3A_339, %dma_start3A_350, %mul3A_341] : memref<50x32x16384xf32, #tpu.memory_space<hbm>> -> memref<1x32x128xf32, #tpu.memory_space<hbm>>
        %dma_start3A_352 = tpu.memref_squeeze %dma_start3A_351 : memref<1x32x128xf32, #tpu.memory_space<hbm>> -> memref<32x128xf32, #tpu.memory_space<hbm>>
        %dma_start3A_353 = arith.constant 0 : i32
        %dma_start3A_354 = arith.constant 0 : i32
        %dma_start3A_355 = tpu.memref_slice %arg7[%dma_start3A_342, %dma_start3A_353, %dma_start3A_354] : memref<5x32x128xf32, #tpu.memory_space<vmem>> -> memref<1x32x128xf32, #tpu.memory_space<vmem>>
        %dma_start3A_356 = tpu.memref_squeeze %dma_start3A_355 : memref<1x32x128xf32, #tpu.memory_space<vmem>> -> memref<32x128xf32, #tpu.memory_space<vmem>>
        tpu.enqueue_dma source(%dma_start3A_356 : memref<32x128xf32, #tpu.memory_space<vmem>>) target(%dma_start3A_352 : memref<32x128xf32, #tpu.memory_space<hbm>>) target_semaphore(%arg10 : memref<!tpu.dma_semaphore, #tpu.memory_space<semaphore_mem>>)
        %mul3A_357 = arith.constant 2 : i32
        %mul3A_358 = arith.muli %scan3A_108, %mul3A_357 : i32
        %add3A_359 = arith.constant 1 : i32
        %add3A_360 = arith.addi %mul3A_358, %add3A_359 : i32
        %lt3A = arith.constant 4 : i32
        %lt3A_361 = arith.cmpi slt, %scan3A_108, %lt3A : i32
        %convert_element_type3A_362 = arith.extui %lt3A_361 : i1 to i32
        %cond3A_363 = arith.constant 0 : i32
        %cond3A_364 = arith.cmpi ne, %convert_element_type3A_362, %cond3A_363 : i32
        scf.if %cond3A_364 {
          %add3A_521 = arith.constant 1 : i32
          %add3A_522 = arith.addi %add3A_360, %add3A_521 : i32
          %mul3A_523 = arith.constant 5 : i32
          %mul3A_524 = arith.muli %add3A_522, %mul3A_523 : i32
          %add3A_525 = arith.constant 0 : i32
          %add3A_526 = arith.addi %mul3A_524, %add3A_525 : i32
          %mul3A_527 = arith.constant 128 : i32
          %mul3A_528 = arith.muli %add3A_526, %mul3A_527 : i32
          %dma_start3A_529 = arith.constant 0 : i32
          %dma_start3A_530 = arith.constant 0 : i32
          %dma_start3A_531 = arith.constant 0 : i32
          %dma_start3A_532 = arith.constant 0 : i32
          %dma_start3A_533 = tpu.memref_slice %arg6[%dma_start3A_529, %dma_start3A_531, %dma_start3A_532] : memref<2x640x32xf32, #tpu.memory_space<vmem>> -> memref<1x128x32xf32, #tpu.memory_space<vmem>>
          %dma_start3A_534 = tpu.memref_squeeze %dma_start3A_533 : memref<1x128x32xf32, #tpu.memory_space<vmem>> -> memref<128x32xf32, #tpu.memory_space<vmem>>
          %dma_start3A_535 = tpu.memref_slice %arg5[%mul3A_528] : memref<6400xi32, #tpu.memory_space<vmem>> -> memref<128xi32, #tpu.memory_space<vmem>>
          %dma_start3A_536 = arith.constant 0 : i32
          %dma_start3A_537 = arith.constant 0 : i32
          %dma_start3A_538 = tpu.memref_slice %arg3[%dma_start3A_536, %dma_start3A_537] : memref<1000000x32xf32, #tpu.memory_space<hbm>> -> memref<1000000x32xf32, #tpu.memory_space<hbm>>
          %dma_start3A_539 = tpu.memref_slice %arg9[%dma_start3A_530] : memref<2x!tpu.dma_semaphore, #tpu.memory_space<semaphore_mem>> -> memref<1x!tpu.dma_semaphore, #tpu.memory_space<semaphore_mem>>
          %dma_start3A_540 = tpu.memref_squeeze %dma_start3A_539 : memref<1x!tpu.dma_semaphore, #tpu.memory_space<semaphore_mem>> -> memref<!tpu.dma_semaphore, #tpu.memory_space<semaphore_mem>>
          tpu.enqueue_indirect_dma source(%dma_start3A_538 : memref<1000000x32xf32, #tpu.memory_space<hbm>>) target(%dma_start3A_534 : memref<128x32xf32, #tpu.memory_space<vmem>>) offsets(%dma_start3A_535 : memref<128xi32, #tpu.memory_space<vmem>>) semaphore(%dma_start3A_540 : memref<!tpu.dma_semaphore, #tpu.memory_space<semaphore_mem>>)
          %mul3A_541 = arith.constant 5 : i32
          %mul3A_542 = arith.muli %add3A_522, %mul3A_541 : i32
          %add3A_543 = arith.constant 1 : i32
          %add3A_544 = arith.addi %mul3A_542, %add3A_543 : i32
          %mul3A_545 = arith.constant 128 : i32
          %mul3A_546 = arith.muli %add3A_544, %mul3A_545 : i32
          %dma_start3A_547 = arith.constant 0 : i32
          %dma_start3A_548 = arith.constant 0 : i32
          %dma_start3A_549 = arith.constant 128 : i32
          %dma_start3A_550 = arith.constant 0 : i32
          %dma_start3A_551 = tpu.memref_slice %arg6[%dma_start3A_547, %dma_start3A_549, %dma_start3A_550] : memref<2x640x32xf32, #tpu.memory_space<vmem>> -> memref<1x128x32xf32, #tpu.memory_space<vmem>>
          %dma_start3A_552 = tpu.memref_squeeze %dma_start3A_551 : memref<1x128x32xf32, #tpu.memory_space<vmem>> -> memref<128x32xf32, #tpu.memory_space<vmem>>
          %dma_start3A_553 = tpu.memref_slice %arg5[%mul3A_546] : memref<6400xi32, #tpu.memory_space<vmem>> -> memref<128xi32, #tpu.memory_space<vmem>>
          %dma_start3A_554 = arith.constant 0 : i32
          %dma_start3A_555 = arith.constant 0 : i32
          %dma_start3A_556 = tpu.memref_slice %arg3[%dma_start3A_554, %dma_start3A_555] : memref<1000000x32xf32, #tpu.memory_space<hbm>> -> memref<1000000x32xf32, #tpu.memory_space<hbm>>
          %dma_start3A_557 = tpu.memref_slice %arg9[%dma_start3A_548] : memref<2x!tpu.dma_semaphore, #tpu.memory_space<semaphore_mem>> -> memref<1x!tpu.dma_semaphore, #tpu.memory_space<semaphore_mem>>
          %dma_start3A_558 = tpu.memref_squeeze %dma_start3A_557 : memref<1x!tpu.dma_semaphore, #tpu.memory_space<semaphore_mem>> -> memref<!tpu.dma_semaphore, #tpu.memory_space<semaphore_mem>>
          tpu.enqueue_indirect_dma source(%dma_start3A_556 : memref<1000000x32xf32, #tpu.memory_space<hbm>>) target(%dma_start3A_552 : memref<128x32xf32, #tpu.memory_space<vmem>>) offsets(%dma_start3A_553 : memref<128xi32, #tpu.memory_space<vmem>>) semaphore(%dma_start3A_558 : memref<!tpu.dma_semaphore, #tpu.memory_space<semaphore_mem>>)
          %mul3A_559 = arith.constant 5 : i32
          %mul3A_560 = arith.muli %add3A_522, %mul3A_559 : i32
          %add3A_561 = arith.constant 2 : i32
          %add3A_562 = arith.addi %mul3A_560, %add3A_561 : i32
          %mul3A_563 = arith.constant 128 : i32
          %mul3A_564 = arith.muli %add3A_562, %mul3A_563 : i32
          %dma_start3A_565 = arith.constant 0 : i32
          %dma_start3A_566 = arith.constant 0 : i32
          %dma_start3A_567 = arith.constant 256 : i32
          %dma_start3A_568 = arith.constant 0 : i32
          %dma_start3A_569 = tpu.memref_slice %arg6[%dma_start3A_565, %dma_start3A_567, %dma_start3A_568] : memref<2x640x32xf32, #tpu.memory_space<vmem>> -> memref<1x128x32xf32, #tpu.memory_space<vmem>>
          %dma_start3A_570 = tpu.memref_squeeze %dma_start3A_569 : memref<1x128x32xf32, #tpu.memory_space<vmem>> -> memref<128x32xf32, #tpu.memory_space<vmem>>
          %dma_start3A_571 = tpu.memref_slice %arg5[%mul3A_564] : memref<6400xi32, #tpu.memory_space<vmem>> -> memref<128xi32, #tpu.memory_space<vmem>>
          %dma_start3A_572 = arith.constant 0 : i32
          %dma_start3A_573 = arith.constant 0 : i32
          %dma_start3A_574 = tpu.memref_slice %arg3[%dma_start3A_572, %dma_start3A_573] : memref<1000000x32xf32, #tpu.memory_space<hbm>> -> memref<1000000x32xf32, #tpu.memory_space<hbm>>
          %dma_start3A_575 = tpu.memref_slice %arg9[%dma_start3A_566] : memref<2x!tpu.dma_semaphore, #tpu.memory_space<semaphore_mem>> -> memref<1x!tpu.dma_semaphore, #tpu.memory_space<semaphore_mem>>
          %dma_start3A_576 = tpu.memref_squeeze %dma_start3A_575 : memref<1x!tpu.dma_semaphore, #tpu.memory_space<semaphore_mem>> -> memref<!tpu.dma_semaphore, #tpu.memory_space<semaphore_mem>>
          tpu.enqueue_indirect_dma source(%dma_start3A_574 : memref<1000000x32xf32, #tpu.memory_space<hbm>>) target(%dma_start3A_570 : memref<128x32xf32, #tpu.memory_space<vmem>>) offsets(%dma_start3A_571 : memref<128xi32, #tpu.memory_space<vmem>>) semaphore(%dma_start3A_576 : memref<!tpu.dma_semaphore, #tpu.memory_space<semaphore_mem>>)
          %mul3A_577 = arith.constant 5 : i32
          %mul3A_578 = arith.muli %add3A_522, %mul3A_577 : i32
          %add3A_579 = arith.constant 3 : i32
          %add3A_580 = arith.addi %mul3A_578, %add3A_579 : i32
          %mul3A_581 = arith.constant 128 : i32
          %mul3A_582 = arith.muli %add3A_580, %mul3A_581 : i32
          %dma_start3A_583 = arith.constant 0 : i32
          %dma_start3A_584 = arith.constant 0 : i32
          %dma_start3A_585 = arith.constant 384 : i32
          %dma_start3A_586 = arith.constant 0 : i32
          %dma_start3A_587 = tpu.memref_slice %arg6[%dma_start3A_583, %dma_start3A_585, %dma_start3A_586] : memref<2x640x32xf32, #tpu.memory_space<vmem>> -> memref<1x128x32xf32, #tpu.memory_space<vmem>>
          %dma_start3A_588 = tpu.memref_squeeze %dma_start3A_587 : memref<1x128x32xf32, #tpu.memory_space<vmem>> -> memref<128x32xf32, #tpu.memory_space<vmem>>
          %dma_start3A_589 = tpu.memref_slice %arg5[%mul3A_582] : memref<6400xi32, #tpu.memory_space<vmem>> -> memref<128xi32, #tpu.memory_space<vmem>>
          %dma_start3A_590 = arith.constant 0 : i32
          %dma_start3A_591 = arith.constant 0 : i32
          %dma_start3A_592 = tpu.memref_slice %arg3[%dma_start3A_590, %dma_start3A_591] : memref<1000000x32xf32, #tpu.memory_space<hbm>> -> memref<1000000x32xf32, #tpu.memory_space<hbm>>
          %dma_start3A_593 = tpu.memref_slice %arg9[%dma_start3A_584] : memref<2x!tpu.dma_semaphore, #tpu.memory_space<semaphore_mem>> -> memref<1x!tpu.dma_semaphore, #tpu.memory_space<semaphore_mem>>
          %dma_start3A_594 = tpu.memref_squeeze %dma_start3A_593 : memref<1x!tpu.dma_semaphore, #tpu.memory_space<semaphore_mem>> -> memref<!tpu.dma_semaphore, #tpu.memory_space<semaphore_mem>>
          tpu.enqueue_indirect_dma source(%dma_start3A_592 : memref<1000000x32xf32, #tpu.memory_space<hbm>>) target(%dma_start3A_588 : memref<128x32xf32, #tpu.memory_space<vmem>>) offsets(%dma_start3A_589 : memref<128xi32, #tpu.memory_space<vmem>>) semaphore(%dma_start3A_594 : memref<!tpu.dma_semaphore, #tpu.memory_space<semaphore_mem>>)
          %mul3A_595 = arith.constant 5 : i32
          %mul3A_596 = arith.muli %add3A_522, %mul3A_595 : i32
          %add3A_597 = arith.constant 4 : i32
          %add3A_598 = arith.addi %mul3A_596, %add3A_597 : i32
          %mul3A_599 = arith.constant 128 : i32
          %mul3A_600 = arith.muli %add3A_598, %mul3A_599 : i32
          %dma_start3A_601 = arith.constant 0 : i32
          %dma_start3A_602 = arith.constant 0 : i32
          %dma_start3A_603 = arith.constant 512 : i32
          %dma_start3A_604 = arith.constant 0 : i32
          %dma_start3A_605 = tpu.memref_slice %arg6[%dma_start3A_601, %dma_start3A_603, %dma_start3A_604] : memref<2x640x32xf32, #tpu.memory_space<vmem>> -> memref<1x128x32xf32, #tpu.memory_space<vmem>>
          %dma_start3A_606 = tpu.memref_squeeze %dma_start3A_605 : memref<1x128x32xf32, #tpu.memory_space<vmem>> -> memref<128x32xf32, #tpu.memory_space<vmem>>
          %dma_start3A_607 = tpu.memref_slice %arg5[%mul3A_600] : memref<6400xi32, #tpu.memory_space<vmem>> -> memref<128xi32, #tpu.memory_space<vmem>>
          %dma_start3A_608 = arith.constant 0 : i32
          %dma_start3A_609 = arith.constant 0 : i32
          %dma_start3A_610 = tpu.memref_slice %arg3[%dma_start3A_608, %dma_start3A_609] : memref<1000000x32xf32, #tpu.memory_space<hbm>> -> memref<1000000x32xf32, #tpu.memory_space<hbm>>
          %dma_start3A_611 = tpu.memref_slice %arg9[%dma_start3A_602] : memref<2x!tpu.dma_semaphore, #tpu.memory_space<semaphore_mem>> -> memref<1x!tpu.dma_semaphore, #tpu.memory_space<semaphore_mem>>
          %dma_start3A_612 = tpu.memref_squeeze %dma_start3A_611 : memref<1x!tpu.dma_semaphore, #tpu.memory_space<semaphore_mem>> -> memref<!tpu.dma_semaphore, #tpu.memory_space<semaphore_mem>>
          tpu.enqueue_indirect_dma source(%dma_start3A_610 : memref<1000000x32xf32, #tpu.memory_space<hbm>>) target(%dma_start3A_606 : memref<128x32xf32, #tpu.memory_space<vmem>>) offsets(%dma_start3A_607 : memref<128xi32, #tpu.memory_space<vmem>>) semaphore(%dma_start3A_612 : memref<!tpu.dma_semaphore, #tpu.memory_space<semaphore_mem>>)
        } else {
        }
        %dma_wait3A_365 = arith.constant 1 : i32
        %dma_wait3A_366 = arith.constant 1 : i32
        %dma_wait3A_367 = arith.constant 0 : i32
        %dma_wait3A_368 = arith.constant 0 : i32
        %dma_wait3A_369 = tpu.memref_slice %arg6[%dma_wait3A_365, %dma_wait3A_367, %dma_wait3A_368] : memref<2x640x32xf32, #tpu.memory_space<vmem>> -> memref<1x640x32xf32, #tpu.memory_space<vmem>>
        %dma_wait3A_370 = tpu.memref_squeeze %dma_wait3A_369 : memref<1x640x32xf32, #tpu.memory_space<vmem>> -> memref<640x32xf32, #tpu.memory_space<vmem>>
        %dma_wait3A_371 = arith.constant 0 : i32
        %dma_wait3A_372 = arith.constant 0 : i32
        %dma_wait3A_373 = tpu.memref_slice %arg3[%dma_wait3A_371, %dma_wait3A_372] : memref<1000000x32xf32, #tpu.memory_space<hbm>> -> memref<640x32xf32, #tpu.memory_space<hbm>>
        %dma_wait3A_374 = tpu.memref_slice %arg9[%dma_wait3A_366] : memref<2x!tpu.dma_semaphore, #tpu.memory_space<semaphore_mem>> -> memref<1x!tpu.dma_semaphore, #tpu.memory_space<semaphore_mem>>
        %dma_wait3A_375 = tpu.memref_squeeze %dma_wait3A_374 : memref<1x!tpu.dma_semaphore, #tpu.memory_space<semaphore_mem>> -> memref<!tpu.dma_semaphore, #tpu.memory_space<semaphore_mem>>
        %dma_wait3A_376 = arith.constant 0 : i32
        %dma_wait3A_377 = arith.constant 0 : i32
        %dma_wait3A_378 = tpu.memref_slice %arg6[%dma_wait3A_365, %dma_wait3A_376, %dma_wait3A_377] : memref<2x640x32xf32, #tpu.memory_space<vmem>> -> memref<1x640x32xf32, #tpu.memory_space<vmem>>
        %dma_wait3A_379 = tpu.memref_squeeze %dma_wait3A_378 : memref<1x640x32xf32, #tpu.memory_space<vmem>> -> memref<640x32xf32, #tpu.memory_space<vmem>>
        %dma_wait3A_380 = arith.constant 0 : i32
        %dma_wait3A_381 = arith.constant 0 : i32
        %dma_wait3A_382 = tpu.memref_slice %arg3[%dma_wait3A_380, %dma_wait3A_381] : memref<1000000x32xf32, #tpu.memory_space<hbm>> -> memref<640x32xf32, #tpu.memory_space<hbm>>
        tpu.wait_dma2 semaphore(%dma_wait3A_375 : memref<!tpu.dma_semaphore, #tpu.memory_space<semaphore_mem>>) src(%dma_wait3A_382 : memref<640x32xf32, #tpu.memory_space<hbm>>) dst(%dma_wait3A_379 : memref<640x32xf32, #tpu.memory_space<vmem>>)
        %dma_wait3A_383 = arith.constant 0 : i32
        %dma_wait3A_384 = arith.constant 0 : i32
        %dma_wait3A_385 = arith.constant 0 : i32
        %dma_wait3A_386 = tpu.memref_slice %arg4[%dma_wait3A_383, %dma_wait3A_384, %dma_wait3A_385] : memref<50x32x16384xf32, #tpu.memory_space<hbm>> -> memref<5x32x128xf32, #tpu.memory_space<hbm>>
        %dma_wait3A_387 = arith.constant 0 : i32
        %dma_wait3A_388 = arith.constant 0 : i32
        %dma_wait3A_389 = arith.constant 0 : i32
        %dma_wait3A_390 = tpu.memref_slice %arg4[%dma_wait3A_387, %dma_wait3A_388, %dma_wait3A_389] : memref<50x32x16384xf32, #tpu.memory_space<hbm>> -> memref<5x32x128xf32, #tpu.memory_space<hbm>>
        tpu.wait_dma2 semaphore(%arg10 : memref<!tpu.dma_semaphore, #tpu.memory_space<semaphore_mem>>) src(%dma_wait3A_390 : memref<5x32x128xf32, #tpu.memory_space<hbm>>) dst(%arg7 : memref<5x32x128xf32, #tpu.memory_space<vmem>>)
        %scan3A_391 = arith.constant 0 : i32
        %scan3A_392 = arith.constant 8 : i32
        %scan3A_393 = arith.addi %scan3A_391, %scan3A_392 : i32
        %scan3A_394 = arith.constant 1 : i32
        scf.for %scan3A_521 = %scan3A_391 to %scan3A_393 step %scan3A_394  : i32 {
          %mul3A_522 = arith.constant 1 : i32
          %mul3A_523 = arith.muli %scan3A_521, %mul3A_522 : i32
          %add3A_524 = arith.constant 0 : i32
          %add3A_525 = arith.addi %add3A_524, %mul3A_523 : i32
          %mul3A_526 = arith.constant 16 : i32
          %mul3A_527 = arith.muli %add3A_525, %mul3A_526 : i32
          %add3A_528 = vector.broadcast %mul3A_527 : i32 to vector<16xi32>
          %add3A_529 = arith.addi %iota3A, %add3A_528 : vector<16xi32>
          %add3A_530 = arith.constant 0 : i32
          %add3A_531 = vector.broadcast %add3A_530 : i32 to vector<16xi32>
          %add3A_532 = arith.addi %add3A_529, %add3A_531 : vector<16xi32>
          %parallel_loop3A = arith.constant 0 : i32
          %parallel_loop3A_533 = arith.constant 16 : i32
          %parallel_loop3A_534 = arith.constant 1 : i32
          scf.for %parallel_loop3A_538 = %parallel_loop3A to %parallel_loop3A_533 step %parallel_loop3A_534  : i32 {
            %parallel_loop3A_539 = vector.broadcast %parallel_loop3A_538 : i32 to vector<16xi32>
            %parallel_loop3A_540 = arith.addi %iota3A, %parallel_loop3A_539 : vector<16xi32>
            %parallel_loop3A_541 = arith.constant 15 : i32
            %parallel_loop3A_542 = vector.broadcast %parallel_loop3A_541 : i32 to vector<16xi32>
            %parallel_loop3A_543 = arith.andi %parallel_loop3A_540, %parallel_loop3A_542 : vector<16xi32>
            %parallel_loop3A_544 = arith.constant 0 : i32
            %parallel_loop3A_545 = vector.broadcast %parallel_loop3A_544 : i32 to vector<16xi32>
            %parallel_loop3A_546 = arith.addi %parallel_loop3A_543, %parallel_loop3A_545 : vector<16xi32>
            %parallel_loop3A_547 = tpu.vector_load_idx %arg6[%broadcast_in_dim3A_13, %add3A_532, %parallel_loop3A_546] : memref<2x640x32xf32, #tpu.memory_space<vmem>>[vector<16xi32>, vector<16xi32>, vector<16xi32>], vector<16xf32>,
            %parallel_loop3A_548 = arith.constant 5.65685415 : f32
            %parallel_loop3A_549 = vector.broadcast %parallel_loop3A_548 : f32 to vector<16xf32>
            %parallel_loop3A_550 = arith.mulf %parallel_loop3A_547, %parallel_loop3A_549 : vector<16xf32>
            tpu.vector_store_idx %arg7[%broadcast_in_dim3A_1, %parallel_loop3A_546, %add3A_529], %parallel_loop3A_550 : memref<5x32x128xf32, #tpu.memory_space<vmem>>[vector<16xi32>, vector<16xi32>, vector<16xi32>], vector<16xf32>,
          } {sc.loop_unroll_factor = 8 : i64, sc.parallel_access}
          %parallel_loop3A_535 = arith.constant 0 : i32
          %parallel_loop3A_536 = arith.constant 16 : i32
          %parallel_loop3A_537 = arith.constant 1 : i32
          scf.for %parallel_loop3A_538 = %parallel_loop3A_535 to %parallel_loop3A_536 step %parallel_loop3A_537  : i32 {
            %parallel_loop3A_539 = vector.broadcast %parallel_loop3A_538 : i32 to vector<16xi32>
            %parallel_loop3A_540 = arith.addi %iota3A, %parallel_loop3A_539 : vector<16xi32>
            %parallel_loop3A_541 = arith.constant 15 : i32
            %parallel_loop3A_542 = vector.broadcast %parallel_loop3A_541 : i32 to vector<16xi32>
            %parallel_loop3A_543 = arith.andi %parallel_loop3A_540, %parallel_loop3A_542 : vector<16xi32>
            %parallel_loop3A_544 = arith.constant 16 : i32
            %parallel_loop3A_545 = vector.broadcast %parallel_loop3A_544 : i32 to vector<16xi32>
            %parallel_loop3A_546 = arith.addi %parallel_loop3A_543, %parallel_loop3A_545 : vector<16xi32>
            %parallel_loop3A_547 = tpu.vector_load_idx %arg6[%broadcast_in_dim3A_13, %add3A_532, %parallel_loop3A_546] : memref<2x640x32xf32, #tpu.memory_space<vmem>>[vector<16xi32>, vector<16xi32>, vector<16xi32>], vector<16xf32>,
            %parallel_loop3A_548 = arith.constant 5.65685415 : f32
            %parallel_loop3A_549 = vector.broadcast %parallel_loop3A_548 : f32 to vector<16xf32>
            %parallel_loop3A_550 = arith.mulf %parallel_loop3A_547, %parallel_loop3A_549 : vector<16xf32>
            tpu.vector_store_idx %arg7[%broadcast_in_dim3A_1, %parallel_loop3A_546, %add3A_529], %parallel_loop3A_550 : memref<5x32x128xf32, #tpu.memory_space<vmem>>[vector<16xi32>, vector<16xi32>, vector<16xi32>], vector<16xf32>,
          } {sc.loop_unroll_factor = 8 : i64, sc.parallel_access}
        }
        %scan3A_395 = arith.constant 8 : i32
        %scan3A_396 = arith.constant 0 : i32
        %scan3A_397 = arith.constant 8 : i32
        %scan3A_398 = arith.addi %scan3A_396, %scan3A_397 : i32
        %scan3A_399 = arith.constant 1 : i32
        scf.for %scan3A_521 = %scan3A_396 to %scan3A_398 step %scan3A_399  : i32 {
          %mul3A_522 = arith.constant 1 : i32
          %mul3A_523 = arith.muli %scan3A_521, %mul3A_522 : i32
          %add3A_524 = arith.constant 0 : i32
          %add3A_525 = arith.addi %add3A_524, %mul3A_523 : i32
          %mul3A_526 = arith.constant 16 : i32
          %mul3A_527 = arith.muli %add3A_525, %mul3A_526 : i32
          %add3A_528 = vector.broadcast %mul3A_527 : i32 to vector<16xi32>
          %add3A_529 = arith.addi %iota3A, %add3A_528 : vector<16xi32>
          %add3A_530 = arith.constant 128 : i32
          %add3A_531 = vector.broadcast %add3A_530 : i32 to vector<16xi32>
          %add3A_532 = arith.addi %add3A_529, %add3A_531 : vector<16xi32>
          %parallel_loop3A = arith.constant 0 : i32
          %parallel_loop3A_533 = arith.constant 16 : i32
          %parallel_loop3A_534 = arith.constant 1 : i32
          scf.for %parallel_loop3A_538 = %parallel_loop3A to %parallel_loop3A_533 step %parallel_loop3A_534  : i32 {
            %parallel_loop3A_539 = vector.broadcast %parallel_loop3A_538 : i32 to vector<16xi32>
            %parallel_loop3A_540 = arith.addi %iota3A, %parallel_loop3A_539 : vector<16xi32>
            %parallel_loop3A_541 = arith.constant 15 : i32
            %parallel_loop3A_542 = vector.broadcast %parallel_loop3A_541 : i32 to vector<16xi32>
            %parallel_loop3A_543 = arith.andi %parallel_loop3A_540, %parallel_loop3A_542 : vector<16xi32>
            %parallel_loop3A_544 = arith.constant 0 : i32
            %parallel_loop3A_545 = vector.broadcast %parallel_loop3A_544 : i32 to vector<16xi32>
            %parallel_loop3A_546 = arith.addi %parallel_loop3A_543, %parallel_loop3A_545 : vector<16xi32>
            %parallel_loop3A_547 = tpu.vector_load_idx %arg6[%broadcast_in_dim3A_13, %add3A_532, %parallel_loop3A_546] : memref<2x640x32xf32, #tpu.memory_space<vmem>>[vector<16xi32>, vector<16xi32>, vector<16xi32>], vector<16xf32>,
            %parallel_loop3A_548 = arith.constant 5.65685415 : f32
            %parallel_loop3A_549 = vector.broadcast %parallel_loop3A_548 : f32 to vector<16xf32>
            %parallel_loop3A_550 = arith.mulf %parallel_loop3A_547, %parallel_loop3A_549 : vector<16xf32>
            tpu.vector_store_idx %arg7[%broadcast_in_dim3A_3, %parallel_loop3A_546, %add3A_529], %parallel_loop3A_550 : memref<5x32x128xf32, #tpu.memory_space<vmem>>[vector<16xi32>, vector<16xi32>, vector<16xi32>], vector<16xf32>,
          } {sc.loop_unroll_factor = 8 : i64, sc.parallel_access}
          %parallel_loop3A_535 = arith.constant 0 : i32
          %parallel_loop3A_536 = arith.constant 16 : i32
          %parallel_loop3A_537 = arith.constant 1 : i32
          scf.for %parallel_loop3A_538 = %parallel_loop3A_535 to %parallel_loop3A_536 step %parallel_loop3A_537  : i32 {
            %parallel_loop3A_539 = vector.broadcast %parallel_loop3A_538 : i32 to vector<16xi32>
            %parallel_loop3A_540 = arith.addi %iota3A, %parallel_loop3A_539 : vector<16xi32>
            %parallel_loop3A_541 = arith.constant 15 : i32
            %parallel_loop3A_542 = vector.broadcast %parallel_loop3A_541 : i32 to vector<16xi32>
            %parallel_loop3A_543 = arith.andi %parallel_loop3A_540, %parallel_loop3A_542 : vector<16xi32>
            %parallel_loop3A_544 = arith.constant 16 : i32
            %parallel_loop3A_545 = vector.broadcast %parallel_loop3A_544 : i32 to vector<16xi32>
            %parallel_loop3A_546 = arith.addi %parallel_loop3A_543, %parallel_loop3A_545 : vector<16xi32>
            %parallel_loop3A_547 = tpu.vector_load_idx %arg6[%broadcast_in_dim3A_13, %add3A_532, %parallel_loop3A_546] : memref<2x640x32xf32, #tpu.memory_space<vmem>>[vector<16xi32>, vector<16xi32>, vector<16xi32>], vector<16xf32>,
            %parallel_loop3A_548 = arith.constant 5.65685415 : f32
            %parallel_loop3A_549 = vector.broadcast %parallel_loop3A_548 : f32 to vector<16xf32>
            %parallel_loop3A_550 = arith.mulf %parallel_loop3A_547, %parallel_loop3A_549 : vector<16xf32>
            tpu.vector_store_idx %arg7[%broadcast_in_dim3A_3, %parallel_loop3A_546, %add3A_529], %parallel_loop3A_550 : memref<5x32x128xf32, #tpu.memory_space<vmem>>[vector<16xi32>, vector<16xi32>, vector<16xi32>], vector<16xf32>,
          } {sc.loop_unroll_factor = 8 : i64, sc.parallel_access}
        }
        %scan3A_400 = arith.constant 8 : i32
        %scan3A_401 = arith.constant 0 : i32
        %scan3A_402 = arith.constant 8 : i32
        %scan3A_403 = arith.addi %scan3A_401, %scan3A_402 : i32
        %scan3A_404 = arith.constant 1 : i32
        scf.for %scan3A_521 = %scan3A_401 to %scan3A_403 step %scan3A_404  : i32 {
          %mul3A_522 = arith.constant 1 : i32
          %mul3A_523 = arith.muli %scan3A_521, %mul3A_522 : i32
          %add3A_524 = arith.constant 0 : i32
          %add3A_525 = arith.addi %add3A_524, %mul3A_523 : i32
          %mul3A_526 = arith.constant 16 : i32
          %mul3A_527 = arith.muli %add3A_525, %mul3A_526 : i32
          %add3A_528 = vector.broadcast %mul3A_527 : i32 to vector<16xi32>
          %add3A_529 = arith.addi %iota3A, %add3A_528 : vector<16xi32>
          %add3A_530 = arith.constant 256 : i32
          %add3A_531 = vector.broadcast %add3A_530 : i32 to vector<16xi32>
          %add3A_532 = arith.addi %add3A_529, %add3A_531 : vector<16xi32>
          %parallel_loop3A = arith.constant 0 : i32
          %parallel_loop3A_533 = arith.constant 16 : i32
          %parallel_loop3A_534 = arith.constant 1 : i32
          scf.for %parallel_loop3A_538 = %parallel_loop3A to %parallel_loop3A_533 step %parallel_loop3A_534  : i32 {
            %parallel_loop3A_539 = vector.broadcast %parallel_loop3A_538 : i32 to vector<16xi32>
            %parallel_loop3A_540 = arith.addi %iota3A, %parallel_loop3A_539 : vector<16xi32>
            %parallel_loop3A_541 = arith.constant 15 : i32
            %parallel_loop3A_542 = vector.broadcast %parallel_loop3A_541 : i32 to vector<16xi32>
            %parallel_loop3A_543 = arith.andi %parallel_loop3A_540, %parallel_loop3A_542 : vector<16xi32>
            %parallel_loop3A_544 = arith.constant 0 : i32
            %parallel_loop3A_545 = vector.broadcast %parallel_loop3A_544 : i32 to vector<16xi32>
            %parallel_loop3A_546 = arith.addi %parallel_loop3A_543, %parallel_loop3A_545 : vector<16xi32>
            %parallel_loop3A_547 = tpu.vector_load_idx %arg6[%broadcast_in_dim3A_13, %add3A_532, %parallel_loop3A_546] : memref<2x640x32xf32, #tpu.memory_space<vmem>>[vector<16xi32>, vector<16xi32>, vector<16xi32>], vector<16xf32>,
            %parallel_loop3A_548 = arith.constant 5.65685415 : f32
            %parallel_loop3A_549 = vector.broadcast %parallel_loop3A_548 : f32 to vector<16xf32>
            %parallel_loop3A_550 = arith.mulf %parallel_loop3A_547, %parallel_loop3A_549 : vector<16xf32>
            tpu.vector_store_idx %arg7[%broadcast_in_dim3A_5, %parallel_loop3A_546, %add3A_529], %parallel_loop3A_550 : memref<5x32x128xf32, #tpu.memory_space<vmem>>[vector<16xi32>, vector<16xi32>, vector<16xi32>], vector<16xf32>,
          } {sc.loop_unroll_factor = 8 : i64, sc.parallel_access}
          %parallel_loop3A_535 = arith.constant 0 : i32
          %parallel_loop3A_536 = arith.constant 16 : i32
          %parallel_loop3A_537 = arith.constant 1 : i32
          scf.for %parallel_loop3A_538 = %parallel_loop3A_535 to %parallel_loop3A_536 step %parallel_loop3A_537  : i32 {
            %parallel_loop3A_539 = vector.broadcast %parallel_loop3A_538 : i32 to vector<16xi32>
            %parallel_loop3A_540 = arith.addi %iota3A, %parallel_loop3A_539 : vector<16xi32>
            %parallel_loop3A_541 = arith.constant 15 : i32
            %parallel_loop3A_542 = vector.broadcast %parallel_loop3A_541 : i32 to vector<16xi32>
            %parallel_loop3A_543 = arith.andi %parallel_loop3A_540, %parallel_loop3A_542 : vector<16xi32>
            %parallel_loop3A_544 = arith.constant 16 : i32
            %parallel_loop3A_545 = vector.broadcast %parallel_loop3A_544 : i32 to vector<16xi32>
            %parallel_loop3A_546 = arith.addi %parallel_loop3A_543, %parallel_loop3A_545 : vector<16xi32>
            %parallel_loop3A_547 = tpu.vector_load_idx %arg6[%broadcast_in_dim3A_13, %add3A_532, %parallel_loop3A_546] : memref<2x640x32xf32, #tpu.memory_space<vmem>>[vector<16xi32>, vector<16xi32>, vector<16xi32>], vector<16xf32>,
            %parallel_loop3A_548 = arith.constant 5.65685415 : f32
            %parallel_loop3A_549 = vector.broadcast %parallel_loop3A_548 : f32 to vector<16xf32>
            %parallel_loop3A_550 = arith.mulf %parallel_loop3A_547, %parallel_loop3A_549 : vector<16xf32>
            tpu.vector_store_idx %arg7[%broadcast_in_dim3A_5, %parallel_loop3A_546, %add3A_529], %parallel_loop3A_550 : memref<5x32x128xf32, #tpu.memory_space<vmem>>[vector<16xi32>, vector<16xi32>, vector<16xi32>], vector<16xf32>,
          } {sc.loop_unroll_factor = 8 : i64, sc.parallel_access}
        }
        %scan3A_405 = arith.constant 8 : i32
        %scan3A_406 = arith.constant 0 : i32
        %scan3A_407 = arith.constant 8 : i32
        %scan3A_408 = arith.addi %scan3A_406, %scan3A_407 : i32
        %scan3A_409 = arith.constant 1 : i32
        scf.for %scan3A_521 = %scan3A_406 to %scan3A_408 step %scan3A_409  : i32 {
          %mul3A_522 = arith.constant 1 : i32
          %mul3A_523 = arith.muli %scan3A_521, %mul3A_522 : i32
          %add3A_524 = arith.constant 0 : i32
          %add3A_525 = arith.addi %add3A_524, %mul3A_523 : i32
          %mul3A_526 = arith.constant 16 : i32
          %mul3A_527 = arith.muli %add3A_525, %mul3A_526 : i32
          %add3A_528 = vector.broadcast %mul3A_527 : i32 to vector<16xi32>
          %add3A_529 = arith.addi %iota3A, %add3A_528 : vector<16xi32>
          %add3A_530 = arith.constant 384 : i32
          %add3A_531 = vector.broadcast %add3A_530 : i32 to vector<16xi32>
          %add3A_532 = arith.addi %add3A_529, %add3A_531 : vector<16xi32>
          %parallel_loop3A = arith.constant 0 : i32
          %parallel_loop3A_533 = arith.constant 16 : i32
          %parallel_loop3A_534 = arith.constant 1 : i32
          scf.for %parallel_loop3A_538 = %parallel_loop3A to %parallel_loop3A_533 step %parallel_loop3A_534  : i32 {
            %parallel_loop3A_539 = vector.broadcast %parallel_loop3A_538 : i32 to vector<16xi32>
            %parallel_loop3A_540 = arith.addi %iota3A, %parallel_loop3A_539 : vector<16xi32>
            %parallel_loop3A_541 = arith.constant 15 : i32
            %parallel_loop3A_542 = vector.broadcast %parallel_loop3A_541 : i32 to vector<16xi32>
            %parallel_loop3A_543 = arith.andi %parallel_loop3A_540, %parallel_loop3A_542 : vector<16xi32>
            %parallel_loop3A_544 = arith.constant 0 : i32
            %parallel_loop3A_545 = vector.broadcast %parallel_loop3A_544 : i32 to vector<16xi32>
            %parallel_loop3A_546 = arith.addi %parallel_loop3A_543, %parallel_loop3A_545 : vector<16xi32>
            %parallel_loop3A_547 = tpu.vector_load_idx %arg6[%broadcast_in_dim3A_13, %add3A_532, %parallel_loop3A_546] : memref<2x640x32xf32, #tpu.memory_space<vmem>>[vector<16xi32>, vector<16xi32>, vector<16xi32>], vector<16xf32>,
            %parallel_loop3A_548 = arith.constant 5.65685415 : f32
            %parallel_loop3A_549 = vector.broadcast %parallel_loop3A_548 : f32 to vector<16xf32>
            %parallel_loop3A_550 = arith.mulf %parallel_loop3A_547, %parallel_loop3A_549 : vector<16xf32>
            tpu.vector_store_idx %arg7[%broadcast_in_dim3A_7, %parallel_loop3A_546, %add3A_529], %parallel_loop3A_550 : memref<5x32x128xf32, #tpu.memory_space<vmem>>[vector<16xi32>, vector<16xi32>, vector<16xi32>], vector<16xf32>,
          } {sc.loop_unroll_factor = 8 : i64, sc.parallel_access}
          %parallel_loop3A_535 = arith.constant 0 : i32
          %parallel_loop3A_536 = arith.constant 16 : i32
          %parallel_loop3A_537 = arith.constant 1 : i32
          scf.for %parallel_loop3A_538 = %parallel_loop3A_535 to %parallel_loop3A_536 step %parallel_loop3A_537  : i32 {
            %parallel_loop3A_539 = vector.broadcast %parallel_loop3A_538 : i32 to vector<16xi32>
            %parallel_loop3A_540 = arith.addi %iota3A, %parallel_loop3A_539 : vector<16xi32>
            %parallel_loop3A_541 = arith.constant 15 : i32
            %parallel_loop3A_542 = vector.broadcast %parallel_loop3A_541 : i32 to vector<16xi32>
            %parallel_loop3A_543 = arith.andi %parallel_loop3A_540, %parallel_loop3A_542 : vector<16xi32>
            %parallel_loop3A_544 = arith.constant 16 : i32
            %parallel_loop3A_545 = vector.broadcast %parallel_loop3A_544 : i32 to vector<16xi32>
            %parallel_loop3A_546 = arith.addi %parallel_loop3A_543, %parallel_loop3A_545 : vector<16xi32>
            %parallel_loop3A_547 = tpu.vector_load_idx %arg6[%broadcast_in_dim3A_13, %add3A_532, %parallel_loop3A_546] : memref<2x640x32xf32, #tpu.memory_space<vmem>>[vector<16xi32>, vector<16xi32>, vector<16xi32>], vector<16xf32>,
            %parallel_loop3A_548 = arith.constant 5.65685415 : f32
            %parallel_loop3A_549 = vector.broadcast %parallel_loop3A_548 : f32 to vector<16xf32>
            %parallel_loop3A_550 = arith.mulf %parallel_loop3A_547, %parallel_loop3A_549 : vector<16xf32>
            tpu.vector_store_idx %arg7[%broadcast_in_dim3A_7, %parallel_loop3A_546, %add3A_529], %parallel_loop3A_550 : memref<5x32x128xf32, #tpu.memory_space<vmem>>[vector<16xi32>, vector<16xi32>, vector<16xi32>], vector<16xf32>,
          } {sc.loop_unroll_factor = 8 : i64, sc.parallel_access}
        }
        %scan3A_410 = arith.constant 8 : i32
        %scan3A_411 = arith.constant 0 : i32
        %scan3A_412 = arith.constant 8 : i32
        %scan3A_413 = arith.addi %scan3A_411, %scan3A_412 : i32
        %scan3A_414 = arith.constant 1 : i32
        scf.for %scan3A_521 = %scan3A_411 to %scan3A_413 step %scan3A_414  : i32 {
          %mul3A_522 = arith.constant 1 : i32
          %mul3A_523 = arith.muli %scan3A_521, %mul3A_522 : i32
          %add3A_524 = arith.constant 0 : i32
          %add3A_525 = arith.addi %add3A_524, %mul3A_523 : i32
          %mul3A_526 = arith.constant 16 : i32
          %mul3A_527 = arith.muli %add3A_525, %mul3A_526 : i32
          %add3A_528 = vector.broadcast %mul3A_527 : i32 to vector<16xi32>
          %add3A_529 = arith.addi %iota3A, %add3A_528 : vector<16xi32>
          %add3A_530 = arith.constant 512 : i32
          %add3A_531 = vector.broadcast %add3A_530 : i32 to vector<16xi32>
          %add3A_532 = arith.addi %add3A_529, %add3A_531 : vector<16xi32>
          %parallel_loop3A = arith.constant 0 : i32
          %parallel_loop3A_533 = arith.constant 16 : i32
          %parallel_loop3A_534 = arith.constant 1 : i32
          scf.for %parallel_loop3A_538 = %parallel_loop3A to %parallel_loop3A_533 step %parallel_loop3A_534  : i32 {
            %parallel_loop3A_539 = vector.broadcast %parallel_loop3A_538 : i32 to vector<16xi32>
            %parallel_loop3A_540 = arith.addi %iota3A, %parallel_loop3A_539 : vector<16xi32>
            %parallel_loop3A_541 = arith.constant 15 : i32
            %parallel_loop3A_542 = vector.broadcast %parallel_loop3A_541 : i32 to vector<16xi32>
            %parallel_loop3A_543 = arith.andi %parallel_loop3A_540, %parallel_loop3A_542 : vector<16xi32>
            %parallel_loop3A_544 = arith.constant 0 : i32
            %parallel_loop3A_545 = vector.broadcast %parallel_loop3A_544 : i32 to vector<16xi32>
            %parallel_loop3A_546 = arith.addi %parallel_loop3A_543, %parallel_loop3A_545 : vector<16xi32>
            %parallel_loop3A_547 = tpu.vector_load_idx %arg6[%broadcast_in_dim3A_13, %add3A_532, %parallel_loop3A_546] : memref<2x640x32xf32, #tpu.memory_space<vmem>>[vector<16xi32>, vector<16xi32>, vector<16xi32>], vector<16xf32>,
            %parallel_loop3A_548 = arith.constant 5.65685415 : f32
            %parallel_loop3A_549 = vector.broadcast %parallel_loop3A_548 : f32 to vector<16xf32>
            %parallel_loop3A_550 = arith.mulf %parallel_loop3A_547, %parallel_loop3A_549 : vector<16xf32>
            tpu.vector_store_idx %arg7[%broadcast_in_dim3A_9, %parallel_loop3A_546, %add3A_529], %parallel_loop3A_550 : memref<5x32x128xf32, #tpu.memory_space<vmem>>[vector<16xi32>, vector<16xi32>, vector<16xi32>], vector<16xf32>,
          } {sc.loop_unroll_factor = 8 : i64, sc.parallel_access}
          %parallel_loop3A_535 = arith.constant 0 : i32
          %parallel_loop3A_536 = arith.constant 16 : i32
          %parallel_loop3A_537 = arith.constant 1 : i32
          scf.for %parallel_loop3A_538 = %parallel_loop3A_535 to %parallel_loop3A_536 step %parallel_loop3A_537  : i32 {
            %parallel_loop3A_539 = vector.broadcast %parallel_loop3A_538 : i32 to vector<16xi32>
            %parallel_loop3A_540 = arith.addi %iota3A, %parallel_loop3A_539 : vector<16xi32>
            %parallel_loop3A_541 = arith.constant 15 : i32
            %parallel_loop3A_542 = vector.broadcast %parallel_loop3A_541 : i32 to vector<16xi32>
            %parallel_loop3A_543 = arith.andi %parallel_loop3A_540, %parallel_loop3A_542 : vector<16xi32>
            %parallel_loop3A_544 = arith.constant 16 : i32
            %parallel_loop3A_545 = vector.broadcast %parallel_loop3A_544 : i32 to vector<16xi32>
            %parallel_loop3A_546 = arith.addi %parallel_loop3A_543, %parallel_loop3A_545 : vector<16xi32>
            %parallel_loop3A_547 = tpu.vector_load_idx %arg6[%broadcast_in_dim3A_13, %add3A_532, %parallel_loop3A_546] : memref<2x640x32xf32, #tpu.memory_space<vmem>>[vector<16xi32>, vector<16xi32>, vector<16xi32>], vector<16xf32>,
            %parallel_loop3A_548 = arith.constant 5.65685415 : f32
            %parallel_loop3A_549 = vector.broadcast %parallel_loop3A_548 : f32 to vector<16xf32>
            %parallel_loop3A_550 = arith.mulf %parallel_loop3A_547, %parallel_loop3A_549 : vector<16xf32>
            tpu.vector_store_idx %arg7[%broadcast_in_dim3A_9, %parallel_loop3A_546, %add3A_529], %parallel_loop3A_550 : memref<5x32x128xf32, #tpu.memory_space<vmem>>[vector<16xi32>, vector<16xi32>, vector<16xi32>], vector<16xf32>,
          } {sc.loop_unroll_factor = 8 : i64, sc.parallel_access}
        }
        %scan3A_415 = arith.constant 8 : i32
        %mul3A_416 = arith.constant 5 : i32
        %mul3A_417 = arith.muli %add3A_360, %mul3A_416 : i32
        %add3A_418 = arith.constant 0 : i32
        %add3A_419 = arith.addi %mul3A_417, %add3A_418 : i32
        %mul3A_420 = arith.constant 128 : i32
        %mul3A_421 = arith.muli %add3A_29, %mul3A_420 : i32
        %dma_start3A_422 = arith.constant 0 : i32
        %dma_start3A_423 = arith.constant 0 : i32
        %dma_start3A_424 = arith.constant 0 : i32
        %dma_start3A_425 = tpu.memref_slice %arg7[%dma_start3A_422, %dma_start3A_423, %dma_start3A_424] : memref<5x32x128xf32, #tpu.memory_space<vmem>> -> memref<1x32x128xf32, #tpu.memory_space<vmem>>
        %dma_start3A_426 = tpu.memref_squeeze %dma_start3A_425 : memref<1x32x128xf32, #tpu.memory_space<vmem>> -> memref<32x128xf32, #tpu.memory_space<vmem>>
        %dma_start3A_427 = arith.constant 0 : i32
        %dma_start3A_428 = tpu.memref_slice %arg4[%add3A_419, %dma_start3A_427, %mul3A_421] : memref<50x32x16384xf32, #tpu.memory_space<hbm>> -> memref<1x32x128xf32, #tpu.memory_space<hbm>>
        %dma_start3A_429 = tpu.memref_squeeze %dma_start3A_428 : memref<1x32x128xf32, #tpu.memory_space<hbm>> -> memref<32x128xf32, #tpu.memory_space<hbm>>
        %dma_start3A_430 = arith.constant 0 : i32
        %dma_start3A_431 = tpu.memref_slice %arg4[%add3A_419, %dma_start3A_430, %mul3A_421] : memref<50x32x16384xf32, #tpu.memory_space<hbm>> -> memref<1x32x128xf32, #tpu.memory_space<hbm>>
        %dma_start3A_432 = tpu.memref_squeeze %dma_start3A_431 : memref<1x32x128xf32, #tpu.memory_space<hbm>> -> memref<32x128xf32, #tpu.memory_space<hbm>>
        %dma_start3A_433 = arith.constant 0 : i32
        %dma_start3A_434 = arith.constant 0 : i32
        %dma_start3A_435 = tpu.memref_slice %arg7[%dma_start3A_422, %dma_start3A_433, %dma_start3A_434] : memref<5x32x128xf32, #tpu.memory_space<vmem>> -> memref<1x32x128xf32, #tpu.memory_space<vmem>>
        %dma_start3A_436 = tpu.memref_squeeze %dma_start3A_435 : memref<1x32x128xf32, #tpu.memory_space<vmem>> -> memref<32x128xf32, #tpu.memory_space<vmem>>
        tpu.enqueue_dma source(%dma_start3A_436 : memref<32x128xf32, #tpu.memory_space<vmem>>) target(%dma_start3A_432 : memref<32x128xf32, #tpu.memory_space<hbm>>) target_semaphore(%arg10 : memref<!tpu.dma_semaphore, #tpu.memory_space<semaphore_mem>>)
        %mul3A_437 = arith.constant 5 : i32
        %mul3A_438 = arith.muli %add3A_360, %mul3A_437 : i32
        %add3A_439 = arith.constant 1 : i32
        %add3A_440 = arith.addi %mul3A_438, %add3A_439 : i32
        %mul3A_441 = arith.constant 128 : i32
        %mul3A_442 = arith.muli %add3A_29, %mul3A_441 : i32
        %dma_start3A_443 = arith.constant 1 : i32
        %dma_start3A_444 = arith.constant 0 : i32
        %dma_start3A_445 = arith.constant 0 : i32
        %dma_start3A_446 = tpu.memref_slice %arg7[%dma_start3A_443, %dma_start3A_444, %dma_start3A_445] : memref<5x32x128xf32, #tpu.memory_space<vmem>> -> memref<1x32x128xf32, #tpu.memory_space<vmem>>
        %dma_start3A_447 = tpu.memref_squeeze %dma_start3A_446 : memref<1x32x128xf32, #tpu.memory_space<vmem>> -> memref<32x128xf32, #tpu.memory_space<vmem>>
        %dma_start3A_448 = arith.constant 0 : i32
        %dma_start3A_449 = tpu.memref_slice %arg4[%add3A_440, %dma_start3A_448, %mul3A_442] : memref<50x32x16384xf32, #tpu.memory_space<hbm>> -> memref<1x32x128xf32, #tpu.memory_space<hbm>>
        %dma_start3A_450 = tpu.memref_squeeze %dma_start3A_449 : memref<1x32x128xf32, #tpu.memory_space<hbm>> -> memref<32x128xf32, #tpu.memory_space<hbm>>
        %dma_start3A_451 = arith.constant 0 : i32
        %dma_start3A_452 = tpu.memref_slice %arg4[%add3A_440, %dma_start3A_451, %mul3A_442] : memref<50x32x16384xf32, #tpu.memory_space<hbm>> -> memref<1x32x128xf32, #tpu.memory_space<hbm>>
        %dma_start3A_453 = tpu.memref_squeeze %dma_start3A_452 : memref<1x32x128xf32, #tpu.memory_space<hbm>> -> memref<32x128xf32, #tpu.memory_space<hbm>>
        %dma_start3A_454 = arith.constant 0 : i32
        %dma_start3A_455 = arith.constant 0 : i32
        %dma_start3A_456 = tpu.memref_slice %arg7[%dma_start3A_443, %dma_start3A_454, %dma_start3A_455] : memref<5x32x128xf32, #tpu.memory_space<vmem>> -> memref<1x32x128xf32, #tpu.memory_space<vmem>>
        %dma_start3A_457 = tpu.memref_squeeze %dma_start3A_456 : memref<1x32x128xf32, #tpu.memory_space<vmem>> -> memref<32x128xf32, #tpu.memory_space<vmem>>
        tpu.enqueue_dma source(%dma_start3A_457 : memref<32x128xf32, #tpu.memory_space<vmem>>) target(%dma_start3A_453 : memref<32x128xf32, #tpu.memory_space<hbm>>) target_semaphore(%arg10 : memref<!tpu.dma_semaphore, #tpu.memory_space<semaphore_mem>>)
        %mul3A_458 = arith.constant 5 : i32
        %mul3A_459 = arith.muli %add3A_360, %mul3A_458 : i32
        %add3A_460 = arith.constant 2 : i32
        %add3A_461 = arith.addi %mul3A_459, %add3A_460 : i32
        %mul3A_462 = arith.constant 128 : i32
        %mul3A_463 = arith.muli %add3A_29, %mul3A_462 : i32
        %dma_start3A_464 = arith.constant 2 : i32
        %dma_start3A_465 = arith.constant 0 : i32
        %dma_start3A_466 = arith.constant 0 : i32
        %dma_start3A_467 = tpu.memref_slice %arg7[%dma_start3A_464, %dma_start3A_465, %dma_start3A_466] : memref<5x32x128xf32, #tpu.memory_space<vmem>> -> memref<1x32x128xf32, #tpu.memory_space<vmem>>
        %dma_start3A_468 = tpu.memref_squeeze %dma_start3A_467 : memref<1x32x128xf32, #tpu.memory_space<vmem>> -> memref<32x128xf32, #tpu.memory_space<vmem>>
        %dma_start3A_469 = arith.constant 0 : i32
        %dma_start3A_470 = tpu.memref_slice %arg4[%add3A_461, %dma_start3A_469, %mul3A_463] : memref<50x32x16384xf32, #tpu.memory_space<hbm>> -> memref<1x32x128xf32, #tpu.memory_space<hbm>>
        %dma_start3A_471 = tpu.memref_squeeze %dma_start3A_470 : memref<1x32x128xf32, #tpu.memory_space<hbm>> -> memref<32x128xf32, #tpu.memory_space<hbm>>
        %dma_start3A_472 = arith.constant 0 : i32
        %dma_start3A_473 = tpu.memref_slice %arg4[%add3A_461, %dma_start3A_472, %mul3A_463] : memref<50x32x16384xf32, #tpu.memory_space<hbm>> -> memref<1x32x128xf32, #tpu.memory_space<hbm>>
        %dma_start3A_474 = tpu.memref_squeeze %dma_start3A_473 : memref<1x32x128xf32, #tpu.memory_space<hbm>> -> memref<32x128xf32, #tpu.memory_space<hbm>>
        %dma_start3A_475 = arith.constant 0 : i32
        %dma_start3A_476 = arith.constant 0 : i32
        %dma_start3A_477 = tpu.memref_slice %arg7[%dma_start3A_464, %dma_start3A_475, %dma_start3A_476] : memref<5x32x128xf32, #tpu.memory_space<vmem>> -> memref<1x32x128xf32, #tpu.memory_space<vmem>>
        %dma_start3A_478 = tpu.memref_squeeze %dma_start3A_477 : memref<1x32x128xf32, #tpu.memory_space<vmem>> -> memref<32x128xf32, #tpu.memory_space<vmem>>
        tpu.enqueue_dma source(%dma_start3A_478 : memref<32x128xf32, #tpu.memory_space<vmem>>) target(%dma_start3A_474 : memref<32x128xf32, #tpu.memory_space<hbm>>) target_semaphore(%arg10 : memref<!tpu.dma_semaphore, #tpu.memory_space<semaphore_mem>>)
        %mul3A_479 = arith.constant 5 : i32
        %mul3A_480 = arith.muli %add3A_360, %mul3A_479 : i32
        %add3A_481 = arith.constant 3 : i32
        %add3A_482 = arith.addi %mul3A_480, %add3A_481 : i32
        %mul3A_483 = arith.constant 128 : i32
        %mul3A_484 = arith.muli %add3A_29, %mul3A_483 : i32
        %dma_start3A_485 = arith.constant 3 : i32
        %dma_start3A_486 = arith.constant 0 : i32
        %dma_start3A_487 = arith.constant 0 : i32
        %dma_start3A_488 = tpu.memref_slice %arg7[%dma_start3A_485, %dma_start3A_486, %dma_start3A_487] : memref<5x32x128xf32, #tpu.memory_space<vmem>> -> memref<1x32x128xf32, #tpu.memory_space<vmem>>
        %dma_start3A_489 = tpu.memref_squeeze %dma_start3A_488 : memref<1x32x128xf32, #tpu.memory_space<vmem>> -> memref<32x128xf32, #tpu.memory_space<vmem>>
        %dma_start3A_490 = arith.constant 0 : i32
        %dma_start3A_491 = tpu.memref_slice %arg4[%add3A_482, %dma_start3A_490, %mul3A_484] : memref<50x32x16384xf32, #tpu.memory_space<hbm>> -> memref<1x32x128xf32, #tpu.memory_space<hbm>>
        %dma_start3A_492 = tpu.memref_squeeze %dma_start3A_491 : memref<1x32x128xf32, #tpu.memory_space<hbm>> -> memref<32x128xf32, #tpu.memory_space<hbm>>
        %dma_start3A_493 = arith.constant 0 : i32
        %dma_start3A_494 = tpu.memref_slice %arg4[%add3A_482, %dma_start3A_493, %mul3A_484] : memref<50x32x16384xf32, #tpu.memory_space<hbm>> -> memref<1x32x128xf32, #tpu.memory_space<hbm>>
        %dma_start3A_495 = tpu.memref_squeeze %dma_start3A_494 : memref<1x32x128xf32, #tpu.memory_space<hbm>> -> memref<32x128xf32, #tpu.memory_space<hbm>>
        %dma_start3A_496 = arith.constant 0 : i32
        %dma_start3A_497 = arith.constant 0 : i32
        %dma_start3A_498 = tpu.memref_slice %arg7[%dma_start3A_485, %dma_start3A_496, %dma_start3A_497] : memref<5x32x128xf32, #tpu.memory_space<vmem>> -> memref<1x32x128xf32, #tpu.memory_space<vmem>>
        %dma_start3A_499 = tpu.memref_squeeze %dma_start3A_498 : memref<1x32x128xf32, #tpu.memory_space<vmem>> -> memref<32x128xf32, #tpu.memory_space<vmem>>
        tpu.enqueue_dma source(%dma_start3A_499 : memref<32x128xf32, #tpu.memory_space<vmem>>) target(%dma_start3A_495 : memref<32x128xf32, #tpu.memory_space<hbm>>) target_semaphore(%arg10 : memref<!tpu.dma_semaphore, #tpu.memory_space<semaphore_mem>>)
        %mul3A_500 = arith.constant 5 : i32
        %mul3A_501 = arith.muli %add3A_360, %mul3A_500 : i32
        %add3A_502 = arith.constant 4 : i32
        %add3A_503 = arith.addi %mul3A_501, %add3A_502 : i32
        %mul3A_504 = arith.constant 128 : i32
        %mul3A_505 = arith.muli %add3A_29, %mul3A_504 : i32
        %dma_start3A_506 = arith.constant 4 : i32
        %dma_start3A_507 = arith.constant 0 : i32
        %dma_start3A_508 = arith.constant 0 : i32
        %dma_start3A_509 = tpu.memref_slice %arg7[%dma_start3A_506, %dma_start3A_507, %dma_start3A_508] : memref<5x32x128xf32, #tpu.memory_space<vmem>> -> memref<1x32x128xf32, #tpu.memory_space<vmem>>
        %dma_start3A_510 = tpu.memref_squeeze %dma_start3A_509 : memref<1x32x128xf32, #tpu.memory_space<vmem>> -> memref<32x128xf32, #tpu.memory_space<vmem>>
        %dma_start3A_511 = arith.constant 0 : i32
        %dma_start3A_512 = tpu.memref_slice %arg4[%add3A_503, %dma_start3A_511, %mul3A_505] : memref<50x32x16384xf32, #tpu.memory_space<hbm>> -> memref<1x32x128xf32, #tpu.memory_space<hbm>>
        %dma_start3A_513 = tpu.memref_squeeze %dma_start3A_512 : memref<1x32x128xf32, #tpu.memory_space<hbm>> -> memref<32x128xf32, #tpu.memory_space<hbm>>
        %dma_start3A_514 = arith.constant 0 : i32
        %dma_start3A_515 = tpu.memref_slice %arg4[%add3A_503, %dma_start3A_514, %mul3A_505] : memref<50x32x16384xf32, #tpu.memory_space<hbm>> -> memref<1x32x128xf32, #tpu.memory_space<hbm>>
        %dma_start3A_516 = tpu.memref_squeeze %dma_start3A_515 : memref<1x32x128xf32, #tpu.memory_space<hbm>> -> memref<32x128xf32, #tpu.memory_space<hbm>>
        %dma_start3A_517 = arith.constant 0 : i32
        %dma_start3A_518 = arith.constant 0 : i32
        %dma_start3A_519 = tpu.memref_slice %arg7[%dma_start3A_506, %dma_start3A_517, %dma_start3A_518] : memref<5x32x128xf32, #tpu.memory_space<vmem>> -> memref<1x32x128xf32, #tpu.memory_space<vmem>>
        %dma_start3A_520 = tpu.memref_squeeze %dma_start3A_519 : memref<1x32x128xf32, #tpu.memory_space<vmem>> -> memref<32x128xf32, #tpu.memory_space<vmem>>
        tpu.enqueue_dma source(%dma_start3A_520 : memref<32x128xf32, #tpu.memory_space<vmem>>) target(%dma_start3A_516 : memref<32x128xf32, #tpu.memory_space<hbm>>) target_semaphore(%arg10 : memref<!tpu.dma_semaphore, #tpu.memory_space<semaphore_mem>>)
      }
      %scan3A_107 = arith.constant 5 : i32
    }
    %scan3A_18 = arith.constant 4 : i32
    %dma_wait3A = arith.constant 0 : i32
    %dma_wait3A_19 = arith.constant 0 : i32
    %dma_wait3A_20 = arith.constant 0 : i32
    %dma_wait3A_21 = tpu.memref_slice %arg4[%dma_wait3A, %dma_wait3A_19, %dma_wait3A_20] : memref<50x32x16384xf32, #tpu.memory_space<hbm>> -> memref<5x32x128xf32, #tpu.memory_space<hbm>>
    %dma_wait3A_22 = arith.constant 0 : i32
    %dma_wait3A_23 = arith.constant 0 : i32
    %dma_wait3A_24 = arith.constant 0 : i32
    %dma_wait3A_25 = tpu.memref_slice %arg4[%dma_wait3A_22, %dma_wait3A_23, %dma_wait3A_24] : memref<50x32x16384xf32, #tpu.memory_space<hbm>> -> memref<5x32x128xf32, #tpu.memory_space<hbm>>
    tpu.wait_dma2 semaphore(%arg10 : memref<!tpu.dma_semaphore, #tpu.memory_space<semaphore_mem>>) src(%dma_wait3A_25 : memref<5x32x128xf32, #tpu.memory_space<hbm>>) dst(%arg7 : memref<5x32x128xf32, #tpu.memory_space<vmem>>)
    return
  }
}

#map = affine_map<(d0, d1) -> (0, 0)>
#map1 = affine_map<(d0, d1) -> (0)>
module attributes {stable_mosaic.version = 14 : i64} {
  func.func @detile(%arg0: i32, %arg1: i32, %arg2: memref<50x16384xi32, #tpu.memory_space<hbm>>, %arg3: memref<819200xi32, #tpu.memory_space<hbm>>, %arg4: memref<56x128xi32, #tpu.memory_space<vmem>>, %arg5: memref<!tpu.dma_semaphore, #tpu.memory_space<semaphore_mem>>, %arg6: memref<!tpu.dma_semaphore, #tpu.memory_space<semaphore_mem>>) attributes {dimension_semantics = [#tpu.dimension_semantics<core_parallel>, #tpu.dimension_semantics<subcore_parallel>], iteration_bounds = array<i64: 2, 16>, scalar_prefetch = 0 : i64, scratch_operands = 3 : i64, tpu.core_type = #tpu.core_type<sc_vector_subcore>, window_params = [{transform_indices = #map}, {transform_indices = #map1}]} {
    %mul3A = arith.constant 2 : i32
    %mul3A_0 = arith.muli %arg1, %mul3A : i32
    %add3A = arith.addi %mul3A_0, %arg0 : i32
    %scan3A = arith.constant 0 : i32
    %scan3A_1 = arith.constant 0 : i32
    %scan3A_2 = arith.constant 4 : i32
    %scan3A_3 = arith.addi %scan3A_1, %scan3A_2 : i32
    %scan3A_4 = arith.constant 1 : i32
    scf.for %scan3A_6 = %scan3A_1 to %scan3A_3 step %scan3A_4  : i32 {
      %mul3A_7 = arith.constant 4 : i32
      %mul3A_8 = arith.muli %add3A, %mul3A_7 : i32
      %add3A_9 = arith.addi %mul3A_8, %scan3A_6 : i32
      %mul3A_10 = arith.constant 128 : i32
      %mul3A_11 = arith.muli %add3A_9, %mul3A_10 : i32
      %dma_start3A = arith.constant 0 : i32
      %dma_start3A_12 = arith.constant 0 : i32
      %dma_start3A_13 = tpu.memref_slice %arg4[%dma_start3A, %dma_start3A_12] : memref<56x128xi32, #tpu.memory_space<vmem>> -> memref<8x128xi32, #tpu.memory_space<vmem>>
      %dma_start3A_14 = arith.constant 0 : i32
      %dma_start3A_15 = tpu.memref_slice %arg2[%dma_start3A_14, %mul3A_11] : memref<50x16384xi32, #tpu.memory_space<hbm>> -> memref<8x128xi32, #tpu.memory_space<hbm>>
      %dma_start3A_16 = arith.constant 0 : i32
      %dma_start3A_17 = arith.constant 0 : i32
      %dma_start3A_18 = tpu.memref_slice %arg4[%dma_start3A_16, %dma_start3A_17] : memref<56x128xi32, #tpu.memory_space<vmem>> -> memref<8x128xi32, #tpu.memory_space<vmem>>
      %dma_start3A_19 = arith.constant 0 : i32
      %dma_start3A_20 = tpu.memref_slice %arg2[%dma_start3A_19, %mul3A_11] : memref<50x16384xi32, #tpu.memory_space<hbm>> -> memref<8x128xi32, #tpu.memory_space<hbm>>
      tpu.enqueue_dma source(%dma_start3A_20 : memref<8x128xi32, #tpu.memory_space<hbm>>) target(%dma_start3A_18 : memref<8x128xi32, #tpu.memory_space<vmem>>) target_semaphore(%arg5 : memref<!tpu.dma_semaphore, #tpu.memory_space<semaphore_mem>>)
      %dma_start3A_21 = arith.constant 8 : i32
      %dma_start3A_22 = arith.constant 0 : i32
      %dma_start3A_23 = tpu.memref_slice %arg4[%dma_start3A_21, %dma_start3A_22] : memref<56x128xi32, #tpu.memory_space<vmem>> -> memref<8x128xi32, #tpu.memory_space<vmem>>
      %dma_start3A_24 = arith.constant 8 : i32
      %dma_start3A_25 = tpu.memref_slice %arg2[%dma_start3A_24, %mul3A_11] : memref<50x16384xi32, #tpu.memory_space<hbm>> -> memref<8x128xi32, #tpu.memory_space<hbm>>
      %dma_start3A_26 = arith.constant 8 : i32
      %dma_start3A_27 = arith.constant 0 : i32
      %dma_start3A_28 = tpu.memref_slice %arg4[%dma_start3A_26, %dma_start3A_27] : memref<56x128xi32, #tpu.memory_space<vmem>> -> memref<8x128xi32, #tpu.memory_space<vmem>>
      %dma_start3A_29 = arith.constant 8 : i32
      %dma_start3A_30 = tpu.memref_slice %arg2[%dma_start3A_29, %mul3A_11] : memref<50x16384xi32, #tpu.memory_space<hbm>> -> memref<8x128xi32, #tpu.memory_space<hbm>>
      tpu.enqueue_dma source(%dma_start3A_30 : memref<8x128xi32, #tpu.memory_space<hbm>>) target(%dma_start3A_28 : memref<8x128xi32, #tpu.memory_space<vmem>>) target_semaphore(%arg5 : memref<!tpu.dma_semaphore, #tpu.memory_space<semaphore_mem>>)
      %dma_start3A_31 = arith.constant 16 : i32
      %dma_start3A_32 = arith.constant 0 : i32
      %dma_start3A_33 = tpu.memref_slice %arg4[%dma_start3A_31, %dma_start3A_32] : memref<56x128xi32, #tpu.memory_space<vmem>> -> memref<8x128xi32, #tpu.memory_space<vmem>>
      %dma_start3A_34 = arith.constant 16 : i32
      %dma_start3A_35 = tpu.memref_slice %arg2[%dma_start3A_34, %mul3A_11] : memref<50x16384xi32, #tpu.memory_space<hbm>> -> memref<8x128xi32, #tpu.memory_space<hbm>>
      %dma_start3A_36 = arith.constant 16 : i32
      %dma_start3A_37 = arith.constant 0 : i32
      %dma_start3A_38 = tpu.memref_slice %arg4[%dma_start3A_36, %dma_start3A_37] : memref<56x128xi32, #tpu.memory_space<vmem>> -> memref<8x128xi32, #tpu.memory_space<vmem>>
      %dma_start3A_39 = arith.constant 16 : i32
      %dma_start3A_40 = tpu.memref_slice %arg2[%dma_start3A_39, %mul3A_11] : memref<50x16384xi32, #tpu.memory_space<hbm>> -> memref<8x128xi32, #tpu.memory_space<hbm>>
      tpu.enqueue_dma source(%dma_start3A_40 : memref<8x128xi32, #tpu.memory_space<hbm>>) target(%dma_start3A_38 : memref<8x128xi32, #tpu.memory_space<vmem>>) target_semaphore(%arg5 : memref<!tpu.dma_semaphore, #tpu.memory_space<semaphore_mem>>)
      %dma_start3A_41 = arith.constant 24 : i32
      %dma_start3A_42 = arith.constant 0 : i32
      %dma_start3A_43 = tpu.memref_slice %arg4[%dma_start3A_41, %dma_start3A_42] : memref<56x128xi32, #tpu.memory_space<vmem>> -> memref<8x128xi32, #tpu.memory_space<vmem>>
      %dma_start3A_44 = arith.constant 24 : i32
      %dma_start3A_45 = tpu.memref_slice %arg2[%dma_start3A_44, %mul3A_11] : memref<50x16384xi32, #tpu.memory_space<hbm>> -> memref<8x128xi32, #tpu.memory_space<hbm>>
      %dma_start3A_46 = arith.constant 24 : i32
      %dma_start3A_47 = arith.constant 0 : i32
      %dma_start3A_48 = tpu.memref_slice %arg4[%dma_start3A_46, %dma_start3A_47] : memref<56x128xi32, #tpu.memory_space<vmem>> -> memref<8x128xi32, #tpu.memory_space<vmem>>
      %dma_start3A_49 = arith.constant 24 : i32
      %dma_start3A_50 = tpu.memref_slice %arg2[%dma_start3A_49, %mul3A_11] : memref<50x16384xi32, #tpu.memory_space<hbm>> -> memref<8x128xi32, #tpu.memory_space<hbm>>
      tpu.enqueue_dma source(%dma_start3A_50 : memref<8x128xi32, #tpu.memory_space<hbm>>) target(%dma_start3A_48 : memref<8x128xi32, #tpu.memory_space<vmem>>) target_semaphore(%arg5 : memref<!tpu.dma_semaphore, #tpu.memory_space<semaphore_mem>>)
      %dma_start3A_51 = arith.constant 32 : i32
      %dma_start3A_52 = arith.constant 0 : i32
      %dma_start3A_53 = tpu.memref_slice %arg4[%dma_start3A_51, %dma_start3A_52] : memref<56x128xi32, #tpu.memory_space<vmem>> -> memref<8x128xi32, #tpu.memory_space<vmem>>
      %dma_start3A_54 = arith.constant 32 : i32
      %dma_start3A_55 = tpu.memref_slice %arg2[%dma_start3A_54, %mul3A_11] : memref<50x16384xi32, #tpu.memory_space<hbm>> -> memref<8x128xi32, #tpu.memory_space<hbm>>
      %dma_start3A_56 = arith.constant 32 : i32
      %dma_start3A_57 = arith.constant 0 : i32
      %dma_start3A_58 = tpu.memref_slice %arg4[%dma_start3A_56, %dma_start3A_57] : memref<56x128xi32, #tpu.memory_space<vmem>> -> memref<8x128xi32, #tpu.memory_space<vmem>>
      %dma_start3A_59 = arith.constant 32 : i32
      %dma_start3A_60 = tpu.memref_slice %arg2[%dma_start3A_59, %mul3A_11] : memref<50x16384xi32, #tpu.memory_space<hbm>> -> memref<8x128xi32, #tpu.memory_space<hbm>>
      tpu.enqueue_dma source(%dma_start3A_60 : memref<8x128xi32, #tpu.memory_space<hbm>>) target(%dma_start3A_58 : memref<8x128xi32, #tpu.memory_space<vmem>>) target_semaphore(%arg5 : memref<!tpu.dma_semaphore, #tpu.memory_space<semaphore_mem>>)
      %dma_start3A_61 = arith.constant 40 : i32
      %dma_start3A_62 = arith.constant 0 : i32
      %dma_start3A_63 = tpu.memref_slice %arg4[%dma_start3A_61, %dma_start3A_62] : memref<56x128xi32, #tpu.memory_space<vmem>> -> memref<8x128xi32, #tpu.memory_space<vmem>>
      %dma_start3A_64 = arith.constant 40 : i32
      %dma_start3A_65 = tpu.memref_slice %arg2[%dma_start3A_64, %mul3A_11] : memref<50x16384xi32, #tpu.memory_space<hbm>> -> memref<8x128xi32, #tpu.memory_space<hbm>>
      %dma_start3A_66 = arith.constant 40 : i32
      %dma_start3A_67 = arith.constant 0 : i32
      %dma_start3A_68 = tpu.memref_slice %arg4[%dma_start3A_66, %dma_start3A_67] : memref<56x128xi32, #tpu.memory_space<vmem>> -> memref<8x128xi32, #tpu.memory_space<vmem>>
      %dma_start3A_69 = arith.constant 40 : i32
      %dma_start3A_70 = tpu.memref_slice %arg2[%dma_start3A_69, %mul3A_11] : memref<50x16384xi32, #tpu.memory_space<hbm>> -> memref<8x128xi32, #tpu.memory_space<hbm>>
      tpu.enqueue_dma source(%dma_start3A_70 : memref<8x128xi32, #tpu.memory_space<hbm>>) target(%dma_start3A_68 : memref<8x128xi32, #tpu.memory_space<vmem>>) target_semaphore(%arg5 : memref<!tpu.dma_semaphore, #tpu.memory_space<semaphore_mem>>)
      %dma_start3A_71 = arith.constant 48 : i32
      %dma_start3A_72 = arith.constant 0 : i32
      %dma_start3A_73 = tpu.memref_slice %arg4[%dma_start3A_71, %dma_start3A_72] : memref<56x128xi32, #tpu.memory_space<vmem>> -> memref<2x128xi32, #tpu.memory_space<vmem>>
      %dma_start3A_74 = arith.constant 48 : i32
      %dma_start3A_75 = tpu.memref_slice %arg2[%dma_start3A_74, %mul3A_11] : memref<50x16384xi32, #tpu.memory_space<hbm>> -> memref<2x128xi32, #tpu.memory_space<hbm>>
      %dma_start3A_76 = arith.constant 48 : i32
      %dma_start3A_77 = arith.constant 0 : i32
      %dma_start3A_78 = tpu.memref_slice %arg4[%dma_start3A_76, %dma_start3A_77] : memref<56x128xi32, #tpu.memory_space<vmem>> -> memref<2x128xi32, #tpu.memory_space<vmem>>
      %dma_start3A_79 = arith.constant 48 : i32
      %dma_start3A_80 = tpu.memref_slice %arg2[%dma_start3A_79, %mul3A_11] : memref<50x16384xi32, #tpu.memory_space<hbm>> -> memref<2x128xi32, #tpu.memory_space<hbm>>
      tpu.enqueue_dma source(%dma_start3A_80 : memref<2x128xi32, #tpu.memory_space<hbm>>) target(%dma_start3A_78 : memref<2x128xi32, #tpu.memory_space<vmem>>) target_semaphore(%arg5 : memref<!tpu.dma_semaphore, #tpu.memory_space<semaphore_mem>>)
      %dma_wait3A = arith.constant 0 : i32
      %dma_wait3A_81 = arith.constant 0 : i32
      %dma_wait3A_82 = tpu.memref_slice %arg4[%dma_wait3A, %dma_wait3A_81] : memref<56x128xi32, #tpu.memory_space<vmem>> -> memref<8x128xi32, #tpu.memory_space<vmem>>
      %dma_wait3A_83 = arith.constant 0 : i32
      %dma_wait3A_84 = tpu.memref_slice %arg2[%dma_wait3A_83, %mul3A_11] : memref<50x16384xi32, #tpu.memory_space<hbm>> -> memref<8x128xi32, #tpu.memory_space<hbm>>
      %dma_wait3A_85 = arith.constant 0 : i32
      %dma_wait3A_86 = arith.constant 0 : i32
      %dma_wait3A_87 = tpu.memref_slice %arg4[%dma_wait3A_85, %dma_wait3A_86] : memref<56x128xi32, #tpu.memory_space<vmem>> -> memref<8x128xi32, #tpu.memory_space<vmem>>
      %dma_wait3A_88 = arith.constant 0 : i32
      %dma_wait3A_89 = tpu.memref_slice %arg2[%dma_wait3A_88, %mul3A_11] : memref<50x16384xi32, #tpu.memory_space<hbm>> -> memref<8x128xi32, #tpu.memory_space<hbm>>
      tpu.wait_dma2 semaphore(%arg5 : memref<!tpu.dma_semaphore, #tpu.memory_space<semaphore_mem>>) src(%dma_wait3A_89 : memref<8x128xi32, #tpu.memory_space<hbm>>) dst(%dma_wait3A_87 : memref<8x128xi32, #tpu.memory_space<vmem>>)
      %dma_wait3A_90 = arith.constant 8 : i32
      %dma_wait3A_91 = arith.constant 0 : i32
      %dma_wait3A_92 = tpu.memref_slice %arg4[%dma_wait3A_90, %dma_wait3A_91] : memref<56x128xi32, #tpu.memory_space<vmem>> -> memref<8x128xi32, #tpu.memory_space<vmem>>
      %dma_wait3A_93 = arith.constant 8 : i32
      %dma_wait3A_94 = tpu.memref_slice %arg2[%dma_wait3A_93, %mul3A_11] : memref<50x16384xi32, #tpu.memory_space<hbm>> -> memref<8x128xi32, #tpu.memory_space<hbm>>
      %dma_wait3A_95 = arith.constant 8 : i32
      %dma_wait3A_96 = arith.constant 0 : i32
      %dma_wait3A_97 = tpu.memref_slice %arg4[%dma_wait3A_95, %dma_wait3A_96] : memref<56x128xi32, #tpu.memory_space<vmem>> -> memref<8x128xi32, #tpu.memory_space<vmem>>
      %dma_wait3A_98 = arith.constant 8 : i32
      %dma_wait3A_99 = tpu.memref_slice %arg2[%dma_wait3A_98, %mul3A_11] : memref<50x16384xi32, #tpu.memory_space<hbm>> -> memref<8x128xi32, #tpu.memory_space<hbm>>
      tpu.wait_dma2 semaphore(%arg5 : memref<!tpu.dma_semaphore, #tpu.memory_space<semaphore_mem>>) src(%dma_wait3A_99 : memref<8x128xi32, #tpu.memory_space<hbm>>) dst(%dma_wait3A_97 : memref<8x128xi32, #tpu.memory_space<vmem>>)
      %dma_wait3A_100 = arith.constant 16 : i32
      %dma_wait3A_101 = arith.constant 0 : i32
      %dma_wait3A_102 = tpu.memref_slice %arg4[%dma_wait3A_100, %dma_wait3A_101] : memref<56x128xi32, #tpu.memory_space<vmem>> -> memref<8x128xi32, #tpu.memory_space<vmem>>
      %dma_wait3A_103 = arith.constant 16 : i32
      %dma_wait3A_104 = tpu.memref_slice %arg2[%dma_wait3A_103, %mul3A_11] : memref<50x16384xi32, #tpu.memory_space<hbm>> -> memref<8x128xi32, #tpu.memory_space<hbm>>
      %dma_wait3A_105 = arith.constant 16 : i32
      %dma_wait3A_106 = arith.constant 0 : i32
      %dma_wait3A_107 = tpu.memref_slice %arg4[%dma_wait3A_105, %dma_wait3A_106] : memref<56x128xi32, #tpu.memory_space<vmem>> -> memref<8x128xi32, #tpu.memory_space<vmem>>
      %dma_wait3A_108 = arith.constant 16 : i32
      %dma_wait3A_109 = tpu.memref_slice %arg2[%dma_wait3A_108, %mul3A_11] : memref<50x16384xi32, #tpu.memory_space<hbm>> -> memref<8x128xi32, #tpu.memory_space<hbm>>
      tpu.wait_dma2 semaphore(%arg5 : memref<!tpu.dma_semaphore, #tpu.memory_space<semaphore_mem>>) src(%dma_wait3A_109 : memref<8x128xi32, #tpu.memory_space<hbm>>) dst(%dma_wait3A_107 : memref<8x128xi32, #tpu.memory_space<vmem>>)
      %dma_wait3A_110 = arith.constant 24 : i32
      %dma_wait3A_111 = arith.constant 0 : i32
      %dma_wait3A_112 = tpu.memref_slice %arg4[%dma_wait3A_110, %dma_wait3A_111] : memref<56x128xi32, #tpu.memory_space<vmem>> -> memref<8x128xi32, #tpu.memory_space<vmem>>
      %dma_wait3A_113 = arith.constant 24 : i32
      %dma_wait3A_114 = tpu.memref_slice %arg2[%dma_wait3A_113, %mul3A_11] : memref<50x16384xi32, #tpu.memory_space<hbm>> -> memref<8x128xi32, #tpu.memory_space<hbm>>
      %dma_wait3A_115 = arith.constant 24 : i32
      %dma_wait3A_116 = arith.constant 0 : i32
      %dma_wait3A_117 = tpu.memref_slice %arg4[%dma_wait3A_115, %dma_wait3A_116] : memref<56x128xi32, #tpu.memory_space<vmem>> -> memref<8x128xi32, #tpu.memory_space<vmem>>
      %dma_wait3A_118 = arith.constant 24 : i32
      %dma_wait3A_119 = tpu.memref_slice %arg2[%dma_wait3A_118, %mul3A_11] : memref<50x16384xi32, #tpu.memory_space<hbm>> -> memref<8x128xi32, #tpu.memory_space<hbm>>
      tpu.wait_dma2 semaphore(%arg5 : memref<!tpu.dma_semaphore, #tpu.memory_space<semaphore_mem>>) src(%dma_wait3A_119 : memref<8x128xi32, #tpu.memory_space<hbm>>) dst(%dma_wait3A_117 : memref<8x128xi32, #tpu.memory_space<vmem>>)
      %dma_wait3A_120 = arith.constant 32 : i32
      %dma_wait3A_121 = arith.constant 0 : i32
      %dma_wait3A_122 = tpu.memref_slice %arg4[%dma_wait3A_120, %dma_wait3A_121] : memref<56x128xi32, #tpu.memory_space<vmem>> -> memref<8x128xi32, #tpu.memory_space<vmem>>
      %dma_wait3A_123 = arith.constant 32 : i32
      %dma_wait3A_124 = tpu.memref_slice %arg2[%dma_wait3A_123, %mul3A_11] : memref<50x16384xi32, #tpu.memory_space<hbm>> -> memref<8x128xi32, #tpu.memory_space<hbm>>
      %dma_wait3A_125 = arith.constant 32 : i32
      %dma_wait3A_126 = arith.constant 0 : i32
      %dma_wait3A_127 = tpu.memref_slice %arg4[%dma_wait3A_125, %dma_wait3A_126] : memref<56x128xi32, #tpu.memory_space<vmem>> -> memref<8x128xi32, #tpu.memory_space<vmem>>
      %dma_wait3A_128 = arith.constant 32 : i32
      %dma_wait3A_129 = tpu.memref_slice %arg2[%dma_wait3A_128, %mul3A_11] : memref<50x16384xi32, #tpu.memory_space<hbm>> -> memref<8x128xi32, #tpu.memory_space<hbm>>
      tpu.wait_dma2 semaphore(%arg5 : memref<!tpu.dma_semaphore, #tpu.memory_space<semaphore_mem>>) src(%dma_wait3A_129 : memref<8x128xi32, #tpu.memory_space<hbm>>) dst(%dma_wait3A_127 : memref<8x128xi32, #tpu.memory_space<vmem>>)
      %dma_wait3A_130 = arith.constant 40 : i32
      %dma_wait3A_131 = arith.constant 0 : i32
      %dma_wait3A_132 = tpu.memref_slice %arg4[%dma_wait3A_130, %dma_wait3A_131] : memref<56x128xi32, #tpu.memory_space<vmem>> -> memref<8x128xi32, #tpu.memory_space<vmem>>
      %dma_wait3A_133 = arith.constant 40 : i32
      %dma_wait3A_134 = tpu.memref_slice %arg2[%dma_wait3A_133, %mul3A_11] : memref<50x16384xi32, #tpu.memory_space<hbm>> -> memref<8x128xi32, #tpu.memory_space<hbm>>
      %dma_wait3A_135 = arith.constant 40 : i32
      %dma_wait3A_136 = arith.constant 0 : i32
      %dma_wait3A_137 = tpu.memref_slice %arg4[%dma_wait3A_135, %dma_wait3A_136] : memref<56x128xi32, #tpu.memory_space<vmem>> -> memref<8x128xi32, #tpu.memory_space<vmem>>
      %dma_wait3A_138 = arith.constant 40 : i32
      %dma_wait3A_139 = tpu.memref_slice %arg2[%dma_wait3A_138, %mul3A_11] : memref<50x16384xi32, #tpu.memory_space<hbm>> -> memref<8x128xi32, #tpu.memory_space<hbm>>
      tpu.wait_dma2 semaphore(%arg5 : memref<!tpu.dma_semaphore, #tpu.memory_space<semaphore_mem>>) src(%dma_wait3A_139 : memref<8x128xi32, #tpu.memory_space<hbm>>) dst(%dma_wait3A_137 : memref<8x128xi32, #tpu.memory_space<vmem>>)
      %dma_wait3A_140 = arith.constant 48 : i32
      %dma_wait3A_141 = arith.constant 0 : i32
      %dma_wait3A_142 = tpu.memref_slice %arg4[%dma_wait3A_140, %dma_wait3A_141] : memref<56x128xi32, #tpu.memory_space<vmem>> -> memref<2x128xi32, #tpu.memory_space<vmem>>
      %dma_wait3A_143 = arith.constant 48 : i32
      %dma_wait3A_144 = tpu.memref_slice %arg2[%dma_wait3A_143, %mul3A_11] : memref<50x16384xi32, #tpu.memory_space<hbm>> -> memref<2x128xi32, #tpu.memory_space<hbm>>
      %dma_wait3A_145 = arith.constant 48 : i32
      %dma_wait3A_146 = arith.constant 0 : i32
      %dma_wait3A_147 = tpu.memref_slice %arg4[%dma_wait3A_145, %dma_wait3A_146] : memref<56x128xi32, #tpu.memory_space<vmem>> -> memref<2x128xi32, #tpu.memory_space<vmem>>
      %dma_wait3A_148 = arith.constant 48 : i32
      %dma_wait3A_149 = tpu.memref_slice %arg2[%dma_wait3A_148, %mul3A_11] : memref<50x16384xi32, #tpu.memory_space<hbm>> -> memref<2x128xi32, #tpu.memory_space<hbm>>
      tpu.wait_dma2 semaphore(%arg5 : memref<!tpu.dma_semaphore, #tpu.memory_space<semaphore_mem>>) src(%dma_wait3A_149 : memref<2x128xi32, #tpu.memory_space<hbm>>) dst(%dma_wait3A_147 : memref<2x128xi32, #tpu.memory_space<vmem>>)
      %mul3A_150 = arith.constant 50 : i32
      %mul3A_151 = arith.muli %add3A_9, %mul3A_150 : i32
      %add3A_152 = arith.constant 0 : i32
      %add3A_153 = arith.addi %mul3A_151, %add3A_152 : i32
      %mul3A_154 = arith.constant 128 : i32
      %mul3A_155 = arith.muli %add3A_153, %mul3A_154 : i32
      %dma_start3A_156 = arith.constant 0 : i32
      %dma_start3A_157 = arith.constant 0 : i32
      %dma_start3A_158 = tpu.memref_slice %arg4[%dma_start3A_156, %dma_start3A_157] : memref<56x128xi32, #tpu.memory_space<vmem>> -> memref<1x128xi32, #tpu.memory_space<vmem>>
      %dma_start3A_159 = tpu.memref_squeeze %dma_start3A_158 : memref<1x128xi32, #tpu.memory_space<vmem>> -> memref<128xi32, #tpu.memory_space<vmem>>
      %dma_start3A_160 = tpu.memref_slice %arg3[%mul3A_155] : memref<819200xi32, #tpu.memory_space<hbm>> -> memref<128xi32, #tpu.memory_space<hbm>>
      %dma_start3A_161 = tpu.memref_slice %arg3[%mul3A_155] : memref<819200xi32, #tpu.memory_space<hbm>> -> memref<128xi32, #tpu.memory_space<hbm>>
      %dma_start3A_162 = arith.constant 0 : i32
      %dma_start3A_163 = tpu.memref_slice %arg4[%dma_start3A_156, %dma_start3A_162] : memref<56x128xi32, #tpu.memory_space<vmem>> -> memref<1x128xi32, #tpu.memory_space<vmem>>
      %dma_start3A_164 = tpu.memref_squeeze %dma_start3A_163 : memref<1x128xi32, #tpu.memory_space<vmem>> -> memref<128xi32, #tpu.memory_space<vmem>>
      tpu.enqueue_dma source(%dma_start3A_164 : memref<128xi32, #tpu.memory_space<vmem>>) target(%dma_start3A_161 : memref<128xi32, #tpu.memory_space<hbm>>) target_semaphore(%arg6 : memref<!tpu.dma_semaphore, #tpu.memory_space<semaphore_mem>>)
      %mul3A_165 = arith.constant 50 : i32
      %mul3A_166 = arith.muli %add3A_9, %mul3A_165 : i32
      %add3A_167 = arith.constant 1 : i32
      %add3A_168 = arith.addi %mul3A_166, %add3A_167 : i32
      %mul3A_169 = arith.constant 128 : i32
      %mul3A_170 = arith.muli %add3A_168, %mul3A_169 : i32
      %dma_start3A_171 = arith.constant 1 : i32
      %dma_start3A_172 = arith.constant 0 : i32
      %dma_start3A_173 = tpu.memref_slice %arg4[%dma_start3A_171, %dma_start3A_172] : memref<56x128xi32, #tpu.memory_space<vmem>> -> memref<1x128xi32, #tpu.memory_space<vmem>>
      %dma_start3A_174 = tpu.memref_squeeze %dma_start3A_173 : memref<1x128xi32, #tpu.memory_space<vmem>> -> memref<128xi32, #tpu.memory_space<vmem>>
      %dma_start3A_175 = tpu.memref_slice %arg3[%mul3A_170] : memref<819200xi32, #tpu.memory_space<hbm>> -> memref<128xi32, #tpu.memory_space<hbm>>
      %dma_start3A_176 = tpu.memref_slice %arg3[%mul3A_170] : memref<819200xi32, #tpu.memory_space<hbm>> -> memref<128xi32, #tpu.memory_space<hbm>>
      %dma_start3A_177 = arith.constant 0 : i32
      %dma_start3A_178 = tpu.memref_slice %arg4[%dma_start3A_171, %dma_start3A_177] : memref<56x128xi32, #tpu.memory_space<vmem>> -> memref<1x128xi32, #tpu.memory_space<vmem>>
      %dma_start3A_179 = tpu.memref_squeeze %dma_start3A_178 : memref<1x128xi32, #tpu.memory_space<vmem>> -> memref<128xi32, #tpu.memory_space<vmem>>
      tpu.enqueue_dma source(%dma_start3A_179 : memref<128xi32, #tpu.memory_space<vmem>>) target(%dma_start3A_176 : memref<128xi32, #tpu.memory_space<hbm>>) target_semaphore(%arg6 : memref<!tpu.dma_semaphore, #tpu.memory_space<semaphore_mem>>)
      %mul3A_180 = arith.constant 50 : i32
      %mul3A_181 = arith.muli %add3A_9, %mul3A_180 : i32
      %add3A_182 = arith.constant 2 : i32
      %add3A_183 = arith.addi %mul3A_181, %add3A_182 : i32
      %mul3A_184 = arith.constant 128 : i32
      %mul3A_185 = arith.muli %add3A_183, %mul3A_184 : i32
      %dma_start3A_186 = arith.constant 2 : i32
      %dma_start3A_187 = arith.constant 0 : i32
      %dma_start3A_188 = tpu.memref_slice %arg4[%dma_start3A_186, %dma_start3A_187] : memref<56x128xi32, #tpu.memory_space<vmem>> -> memref<1x128xi32, #tpu.memory_space<vmem>>
      %dma_start3A_189 = tpu.memref_squeeze %dma_start3A_188 : memref<1x128xi32, #tpu.memory_space<vmem>> -> memref<128xi32, #tpu.memory_space<vmem>>
      %dma_start3A_190 = tpu.memref_slice %arg3[%mul3A_185] : memref<819200xi32, #tpu.memory_space<hbm>> -> memref<128xi32, #tpu.memory_space<hbm>>
      %dma_start3A_191 = tpu.memref_slice %arg3[%mul3A_185] : memref<819200xi32, #tpu.memory_space<hbm>> -> memref<128xi32, #tpu.memory_space<hbm>>
      %dma_start3A_192 = arith.constant 0 : i32
      %dma_start3A_193 = tpu.memref_slice %arg4[%dma_start3A_186, %dma_start3A_192] : memref<56x128xi32, #tpu.memory_space<vmem>> -> memref<1x128xi32, #tpu.memory_space<vmem>>
      %dma_start3A_194 = tpu.memref_squeeze %dma_start3A_193 : memref<1x128xi32, #tpu.memory_space<vmem>> -> memref<128xi32, #tpu.memory_space<vmem>>
      tpu.enqueue_dma source(%dma_start3A_194 : memref<128xi32, #tpu.memory_space<vmem>>) target(%dma_start3A_191 : memref<128xi32, #tpu.memory_space<hbm>>) target_semaphore(%arg6 : memref<!tpu.dma_semaphore, #tpu.memory_space<semaphore_mem>>)
      %mul3A_195 = arith.constant 50 : i32
      %mul3A_196 = arith.muli %add3A_9, %mul3A_195 : i32
      %add3A_197 = arith.constant 3 : i32
      %add3A_198 = arith.addi %mul3A_196, %add3A_197 : i32
      %mul3A_199 = arith.constant 128 : i32
      %mul3A_200 = arith.muli %add3A_198, %mul3A_199 : i32
      %dma_start3A_201 = arith.constant 3 : i32
      %dma_start3A_202 = arith.constant 0 : i32
      %dma_start3A_203 = tpu.memref_slice %arg4[%dma_start3A_201, %dma_start3A_202] : memref<56x128xi32, #tpu.memory_space<vmem>> -> memref<1x128xi32, #tpu.memory_space<vmem>>
      %dma_start3A_204 = tpu.memref_squeeze %dma_start3A_203 : memref<1x128xi32, #tpu.memory_space<vmem>> -> memref<128xi32, #tpu.memory_space<vmem>>
      %dma_start3A_205 = tpu.memref_slice %arg3[%mul3A_200] : memref<819200xi32, #tpu.memory_space<hbm>> -> memref<128xi32, #tpu.memory_space<hbm>>
      %dma_start3A_206 = tpu.memref_slice %arg3[%mul3A_200] : memref<819200xi32, #tpu.memory_space<hbm>> -> memref<128xi32, #tpu.memory_space<hbm>>
      %dma_start3A_207 = arith.constant 0 : i32
      %dma_start3A_208 = tpu.memref_slice %arg4[%dma_start3A_201, %dma_start3A_207] : memref<56x128xi32, #tpu.memory_space<vmem>> -> memref<1x128xi32, #tpu.memory_space<vmem>>
      %dma_start3A_209 = tpu.memref_squeeze %dma_start3A_208 : memref<1x128xi32, #tpu.memory_space<vmem>> -> memref<128xi32, #tpu.memory_space<vmem>>
      tpu.enqueue_dma source(%dma_start3A_209 : memref<128xi32, #tpu.memory_space<vmem>>) target(%dma_start3A_206 : memref<128xi32, #tpu.memory_space<hbm>>) target_semaphore(%arg6 : memref<!tpu.dma_semaphore, #tpu.memory_space<semaphore_mem>>)
      %mul3A_210 = arith.constant 50 : i32
      %mul3A_211 = arith.muli %add3A_9, %mul3A_210 : i32
      %add3A_212 = arith.constant 4 : i32
      %add3A_213 = arith.addi %mul3A_211, %add3A_212 : i32
      %mul3A_214 = arith.constant 128 : i32
      %mul3A_215 = arith.muli %add3A_213, %mul3A_214 : i32
      %dma_start3A_216 = arith.constant 4 : i32
      %dma_start3A_217 = arith.constant 0 : i32
      %dma_start3A_218 = tpu.memref_slice %arg4[%dma_start3A_216, %dma_start3A_217] : memref<56x128xi32, #tpu.memory_space<vmem>> -> memref<1x128xi32, #tpu.memory_space<vmem>>
      %dma_start3A_219 = tpu.memref_squeeze %dma_start3A_218 : memref<1x128xi32, #tpu.memory_space<vmem>> -> memref<128xi32, #tpu.memory_space<vmem>>
      %dma_start3A_220 = tpu.memref_slice %arg3[%mul3A_215] : memref<819200xi32, #tpu.memory_space<hbm>> -> memref<128xi32, #tpu.memory_space<hbm>>
      %dma_start3A_221 = tpu.memref_slice %arg3[%mul3A_215] : memref<819200xi32, #tpu.memory_space<hbm>> -> memref<128xi32, #tpu.memory_space<hbm>>
      %dma_start3A_222 = arith.constant 0 : i32
      %dma_start3A_223 = tpu.memref_slice %arg4[%dma_start3A_216, %dma_start3A_222] : memref<56x128xi32, #tpu.memory_space<vmem>> -> memref<1x128xi32, #tpu.memory_space<vmem>>
      %dma_start3A_224 = tpu.memref_squeeze %dma_start3A_223 : memref<1x128xi32, #tpu.memory_space<vmem>> -> memref<128xi32, #tpu.memory_space<vmem>>
      tpu.enqueue_dma source(%dma_start3A_224 : memref<128xi32, #tpu.memory_space<vmem>>) target(%dma_start3A_221 : memref<128xi32, #tpu.memory_space<hbm>>) target_semaphore(%arg6 : memref<!tpu.dma_semaphore, #tpu.memory_space<semaphore_mem>>)
      %mul3A_225 = arith.constant 50 : i32
      %mul3A_226 = arith.muli %add3A_9, %mul3A_225 : i32
      %add3A_227 = arith.constant 5 : i32
      %add3A_228 = arith.addi %mul3A_226, %add3A_227 : i32
      %mul3A_229 = arith.constant 128 : i32
      %mul3A_230 = arith.muli %add3A_228, %mul3A_229 : i32
      %dma_start3A_231 = arith.constant 5 : i32
      %dma_start3A_232 = arith.constant 0 : i32
      %dma_start3A_233 = tpu.memref_slice %arg4[%dma_start3A_231, %dma_start3A_232] : memref<56x128xi32, #tpu.memory_space<vmem>> -> memref<1x128xi32, #tpu.memory_space<vmem>>
      %dma_start3A_234 = tpu.memref_squeeze %dma_start3A_233 : memref<1x128xi32, #tpu.memory_space<vmem>> -> memref<128xi32, #tpu.memory_space<vmem>>
      %dma_start3A_235 = tpu.memref_slice %arg3[%mul3A_230] : memref<819200xi32, #tpu.memory_space<hbm>> -> memref<128xi32, #tpu.memory_space<hbm>>
      %dma_start3A_236 = tpu.memref_slice %arg3[%mul3A_230] : memref<819200xi32, #tpu.memory_space<hbm>> -> memref<128xi32, #tpu.memory_space<hbm>>
      %dma_start3A_237 = arith.constant 0 : i32
      %dma_start3A_238 = tpu.memref_slice %arg4[%dma_start3A_231, %dma_start3A_237] : memref<56x128xi32, #tpu.memory_space<vmem>> -> memref<1x128xi32, #tpu.memory_space<vmem>>
      %dma_start3A_239 = tpu.memref_squeeze %dma_start3A_238 : memref<1x128xi32, #tpu.memory_space<vmem>> -> memref<128xi32, #tpu.memory_space<vmem>>
      tpu.enqueue_dma source(%dma_start3A_239 : memref<128xi32, #tpu.memory_space<vmem>>) target(%dma_start3A_236 : memref<128xi32, #tpu.memory_space<hbm>>) target_semaphore(%arg6 : memref<!tpu.dma_semaphore, #tpu.memory_space<semaphore_mem>>)
      %mul3A_240 = arith.constant 50 : i32
      %mul3A_241 = arith.muli %add3A_9, %mul3A_240 : i32
      %add3A_242 = arith.constant 6 : i32
      %add3A_243 = arith.addi %mul3A_241, %add3A_242 : i32
      %mul3A_244 = arith.constant 128 : i32
      %mul3A_245 = arith.muli %add3A_243, %mul3A_244 : i32
      %dma_start3A_246 = arith.constant 6 : i32
      %dma_start3A_247 = arith.constant 0 : i32
      %dma_start3A_248 = tpu.memref_slice %arg4[%dma_start3A_246, %dma_start3A_247] : memref<56x128xi32, #tpu.memory_space<vmem>> -> memref<1x128xi32, #tpu.memory_space<vmem>>
      %dma_start3A_249 = tpu.memref_squeeze %dma_start3A_248 : memref<1x128xi32, #tpu.memory_space<vmem>> -> memref<128xi32, #tpu.memory_space<vmem>>
      %dma_start3A_250 = tpu.memref_slice %arg3[%mul3A_245] : memref<819200xi32, #tpu.memory_space<hbm>> -> memref<128xi32, #tpu.memory_space<hbm>>
      %dma_start3A_251 = tpu.memref_slice %arg3[%mul3A_245] : memref<819200xi32, #tpu.memory_space<hbm>> -> memref<128xi32, #tpu.memory_space<hbm>>
      %dma_start3A_252 = arith.constant 0 : i32
      %dma_start3A_253 = tpu.memref_slice %arg4[%dma_start3A_246, %dma_start3A_252] : memref<56x128xi32, #tpu.memory_space<vmem>> -> memref<1x128xi32, #tpu.memory_space<vmem>>
      %dma_start3A_254 = tpu.memref_squeeze %dma_start3A_253 : memref<1x128xi32, #tpu.memory_space<vmem>> -> memref<128xi32, #tpu.memory_space<vmem>>
      tpu.enqueue_dma source(%dma_start3A_254 : memref<128xi32, #tpu.memory_space<vmem>>) target(%dma_start3A_251 : memref<128xi32, #tpu.memory_space<hbm>>) target_semaphore(%arg6 : memref<!tpu.dma_semaphore, #tpu.memory_space<semaphore_mem>>)
      %mul3A_255 = arith.constant 50 : i32
      %mul3A_256 = arith.muli %add3A_9, %mul3A_255 : i32
      %add3A_257 = arith.constant 7 : i32
      %add3A_258 = arith.addi %mul3A_256, %add3A_257 : i32
      %mul3A_259 = arith.constant 128 : i32
      %mul3A_260 = arith.muli %add3A_258, %mul3A_259 : i32
      %dma_start3A_261 = arith.constant 7 : i32
      %dma_start3A_262 = arith.constant 0 : i32
      %dma_start3A_263 = tpu.memref_slice %arg4[%dma_start3A_261, %dma_start3A_262] : memref<56x128xi32, #tpu.memory_space<vmem>> -> memref<1x128xi32, #tpu.memory_space<vmem>>
      %dma_start3A_264 = tpu.memref_squeeze %dma_start3A_263 : memref<1x128xi32, #tpu.memory_space<vmem>> -> memref<128xi32, #tpu.memory_space<vmem>>
      %dma_start3A_265 = tpu.memref_slice %arg3[%mul3A_260] : memref<819200xi32, #tpu.memory_space<hbm>> -> memref<128xi32, #tpu.memory_space<hbm>>
      %dma_start3A_266 = tpu.memref_slice %arg3[%mul3A_260] : memref<819200xi32, #tpu.memory_space<hbm>> -> memref<128xi32, #tpu.memory_space<hbm>>
      %dma_start3A_267 = arith.constant 0 : i32
      %dma_start3A_268 = tpu.memref_slice %arg4[%dma_start3A_261, %dma_start3A_267] : memref<56x128xi32, #tpu.memory_space<vmem>> -> memref<1x128xi32, #tpu.memory_space<vmem>>
      %dma_start3A_269 = tpu.memref_squeeze %dma_start3A_268 : memref<1x128xi32, #tpu.memory_space<vmem>> -> memref<128xi32, #tpu.memory_space<vmem>>
      tpu.enqueue_dma source(%dma_start3A_269 : memref<128xi32, #tpu.memory_space<vmem>>) target(%dma_start3A_266 : memref<128xi32, #tpu.memory_space<hbm>>) target_semaphore(%arg6 : memref<!tpu.dma_semaphore, #tpu.memory_space<semaphore_mem>>)
      %mul3A_270 = arith.constant 50 : i32
      %mul3A_271 = arith.muli %add3A_9, %mul3A_270 : i32
      %add3A_272 = arith.constant 8 : i32
      %add3A_273 = arith.addi %mul3A_271, %add3A_272 : i32
      %mul3A_274 = arith.constant 128 : i32
      %mul3A_275 = arith.muli %add3A_273, %mul3A_274 : i32
      %dma_start3A_276 = arith.constant 8 : i32
      %dma_start3A_277 = arith.constant 0 : i32
      %dma_start3A_278 = tpu.memref_slice %arg4[%dma_start3A_276, %dma_start3A_277] : memref<56x128xi32, #tpu.memory_space<vmem>> -> memref<1x128xi32, #tpu.memory_space<vmem>>
      %dma_start3A_279 = tpu.memref_squeeze %dma_start3A_278 : memref<1x128xi32, #tpu.memory_space<vmem>> -> memref<128xi32, #tpu.memory_space<vmem>>
      %dma_start3A_280 = tpu.memref_slice %arg3[%mul3A_275] : memref<819200xi32, #tpu.memory_space<hbm>> -> memref<128xi32, #tpu.memory_space<hbm>>
      %dma_start3A_281 = tpu.memref_slice %arg3[%mul3A_275] : memref<819200xi32, #tpu.memory_space<hbm>> -> memref<128xi32, #tpu.memory_space<hbm>>
      %dma_start3A_282 = arith.constant 0 : i32
      %dma_start3A_283 = tpu.memref_slice %arg4[%dma_start3A_276, %dma_start3A_282] : memref<56x128xi32, #tpu.memory_space<vmem>> -> memref<1x128xi32, #tpu.memory_space<vmem>>
      %dma_start3A_284 = tpu.memref_squeeze %dma_start3A_283 : memref<1x128xi32, #tpu.memory_space<vmem>> -> memref<128xi32, #tpu.memory_space<vmem>>
      tpu.enqueue_dma source(%dma_start3A_284 : memref<128xi32, #tpu.memory_space<vmem>>) target(%dma_start3A_281 : memref<128xi32, #tpu.memory_space<hbm>>) target_semaphore(%arg6 : memref<!tpu.dma_semaphore, #tpu.memory_space<semaphore_mem>>)
      %mul3A_285 = arith.constant 50 : i32
      %mul3A_286 = arith.muli %add3A_9, %mul3A_285 : i32
      %add3A_287 = arith.constant 9 : i32
      %add3A_288 = arith.addi %mul3A_286, %add3A_287 : i32
      %mul3A_289 = arith.constant 128 : i32
      %mul3A_290 = arith.muli %add3A_288, %mul3A_289 : i32
      %dma_start3A_291 = arith.constant 9 : i32
      %dma_start3A_292 = arith.constant 0 : i32
      %dma_start3A_293 = tpu.memref_slice %arg4[%dma_start3A_291, %dma_start3A_292] : memref<56x128xi32, #tpu.memory_space<vmem>> -> memref<1x128xi32, #tpu.memory_space<vmem>>
      %dma_start3A_294 = tpu.memref_squeeze %dma_start3A_293 : memref<1x128xi32, #tpu.memory_space<vmem>> -> memref<128xi32, #tpu.memory_space<vmem>>
      %dma_start3A_295 = tpu.memref_slice %arg3[%mul3A_290] : memref<819200xi32, #tpu.memory_space<hbm>> -> memref<128xi32, #tpu.memory_space<hbm>>
      %dma_start3A_296 = tpu.memref_slice %arg3[%mul3A_290] : memref<819200xi32, #tpu.memory_space<hbm>> -> memref<128xi32, #tpu.memory_space<hbm>>
      %dma_start3A_297 = arith.constant 0 : i32
      %dma_start3A_298 = tpu.memref_slice %arg4[%dma_start3A_291, %dma_start3A_297] : memref<56x128xi32, #tpu.memory_space<vmem>> -> memref<1x128xi32, #tpu.memory_space<vmem>>
      %dma_start3A_299 = tpu.memref_squeeze %dma_start3A_298 : memref<1x128xi32, #tpu.memory_space<vmem>> -> memref<128xi32, #tpu.memory_space<vmem>>
      tpu.enqueue_dma source(%dma_start3A_299 : memref<128xi32, #tpu.memory_space<vmem>>) target(%dma_start3A_296 : memref<128xi32, #tpu.memory_space<hbm>>) target_semaphore(%arg6 : memref<!tpu.dma_semaphore, #tpu.memory_space<semaphore_mem>>)
      %mul3A_300 = arith.constant 50 : i32
      %mul3A_301 = arith.muli %add3A_9, %mul3A_300 : i32
      %add3A_302 = arith.constant 10 : i32
      %add3A_303 = arith.addi %mul3A_301, %add3A_302 : i32
      %mul3A_304 = arith.constant 128 : i32
      %mul3A_305 = arith.muli %add3A_303, %mul3A_304 : i32
      %dma_start3A_306 = arith.constant 10 : i32
      %dma_start3A_307 = arith.constant 0 : i32
      %dma_start3A_308 = tpu.memref_slice %arg4[%dma_start3A_306, %dma_start3A_307] : memref<56x128xi32, #tpu.memory_space<vmem>> -> memref<1x128xi32, #tpu.memory_space<vmem>>
      %dma_start3A_309 = tpu.memref_squeeze %dma_start3A_308 : memref<1x128xi32, #tpu.memory_space<vmem>> -> memref<128xi32, #tpu.memory_space<vmem>>
      %dma_start3A_310 = tpu.memref_slice %arg3[%mul3A_305] : memref<819200xi32, #tpu.memory_space<hbm>> -> memref<128xi32, #tpu.memory_space<hbm>>
      %dma_start3A_311 = tpu.memref_slice %arg3[%mul3A_305] : memref<819200xi32, #tpu.memory_space<hbm>> -> memref<128xi32, #tpu.memory_space<hbm>>
      %dma_start3A_312 = arith.constant 0 : i32
      %dma_start3A_313 = tpu.memref_slice %arg4[%dma_start3A_306, %dma_start3A_312] : memref<56x128xi32, #tpu.memory_space<vmem>> -> memref<1x128xi32, #tpu.memory_space<vmem>>
      %dma_start3A_314 = tpu.memref_squeeze %dma_start3A_313 : memref<1x128xi32, #tpu.memory_space<vmem>> -> memref<128xi32, #tpu.memory_space<vmem>>
      tpu.enqueue_dma source(%dma_start3A_314 : memref<128xi32, #tpu.memory_space<vmem>>) target(%dma_start3A_311 : memref<128xi32, #tpu.memory_space<hbm>>) target_semaphore(%arg6 : memref<!tpu.dma_semaphore, #tpu.memory_space<semaphore_mem>>)
      %mul3A_315 = arith.constant 50 : i32
      %mul3A_316 = arith.muli %add3A_9, %mul3A_315 : i32
      %add3A_317 = arith.constant 11 : i32
      %add3A_318 = arith.addi %mul3A_316, %add3A_317 : i32
      %mul3A_319 = arith.constant 128 : i32
      %mul3A_320 = arith.muli %add3A_318, %mul3A_319 : i32
      %dma_start3A_321 = arith.constant 11 : i32
      %dma_start3A_322 = arith.constant 0 : i32
      %dma_start3A_323 = tpu.memref_slice %arg4[%dma_start3A_321, %dma_start3A_322] : memref<56x128xi32, #tpu.memory_space<vmem>> -> memref<1x128xi32, #tpu.memory_space<vmem>>
      %dma_start3A_324 = tpu.memref_squeeze %dma_start3A_323 : memref<1x128xi32, #tpu.memory_space<vmem>> -> memref<128xi32, #tpu.memory_space<vmem>>
      %dma_start3A_325 = tpu.memref_slice %arg3[%mul3A_320] : memref<819200xi32, #tpu.memory_space<hbm>> -> memref<128xi32, #tpu.memory_space<hbm>>
      %dma_start3A_326 = tpu.memref_slice %arg3[%mul3A_320] : memref<819200xi32, #tpu.memory_space<hbm>> -> memref<128xi32, #tpu.memory_space<hbm>>
      %dma_start3A_327 = arith.constant 0 : i32
      %dma_start3A_328 = tpu.memref_slice %arg4[%dma_start3A_321, %dma_start3A_327] : memref<56x128xi32, #tpu.memory_space<vmem>> -> memref<1x128xi32, #tpu.memory_space<vmem>>
      %dma_start3A_329 = tpu.memref_squeeze %dma_start3A_328 : memref<1x128xi32, #tpu.memory_space<vmem>> -> memref<128xi32, #tpu.memory_space<vmem>>
      tpu.enqueue_dma source(%dma_start3A_329 : memref<128xi32, #tpu.memory_space<vmem>>) target(%dma_start3A_326 : memref<128xi32, #tpu.memory_space<hbm>>) target_semaphore(%arg6 : memref<!tpu.dma_semaphore, #tpu.memory_space<semaphore_mem>>)
      %mul3A_330 = arith.constant 50 : i32
      %mul3A_331 = arith.muli %add3A_9, %mul3A_330 : i32
      %add3A_332 = arith.constant 12 : i32
      %add3A_333 = arith.addi %mul3A_331, %add3A_332 : i32
      %mul3A_334 = arith.constant 128 : i32
      %mul3A_335 = arith.muli %add3A_333, %mul3A_334 : i32
      %dma_start3A_336 = arith.constant 12 : i32
      %dma_start3A_337 = arith.constant 0 : i32
      %dma_start3A_338 = tpu.memref_slice %arg4[%dma_start3A_336, %dma_start3A_337] : memref<56x128xi32, #tpu.memory_space<vmem>> -> memref<1x128xi32, #tpu.memory_space<vmem>>
      %dma_start3A_339 = tpu.memref_squeeze %dma_start3A_338 : memref<1x128xi32, #tpu.memory_space<vmem>> -> memref<128xi32, #tpu.memory_space<vmem>>
      %dma_start3A_340 = tpu.memref_slice %arg3[%mul3A_335] : memref<819200xi32, #tpu.memory_space<hbm>> -> memref<128xi32, #tpu.memory_space<hbm>>
      %dma_start3A_341 = tpu.memref_slice %arg3[%mul3A_335] : memref<819200xi32, #tpu.memory_space<hbm>> -> memref<128xi32, #tpu.memory_space<hbm>>
      %dma_start3A_342 = arith.constant 0 : i32
      %dma_start3A_343 = tpu.memref_slice %arg4[%dma_start3A_336, %dma_start3A_342] : memref<56x128xi32, #tpu.memory_space<vmem>> -> memref<1x128xi32, #tpu.memory_space<vmem>>
      %dma_start3A_344 = tpu.memref_squeeze %dma_start3A_343 : memref<1x128xi32, #tpu.memory_space<vmem>> -> memref<128xi32, #tpu.memory_space<vmem>>
      tpu.enqueue_dma source(%dma_start3A_344 : memref<128xi32, #tpu.memory_space<vmem>>) target(%dma_start3A_341 : memref<128xi32, #tpu.memory_space<hbm>>) target_semaphore(%arg6 : memref<!tpu.dma_semaphore, #tpu.memory_space<semaphore_mem>>)
      %mul3A_345 = arith.constant 50 : i32
      %mul3A_346 = arith.muli %add3A_9, %mul3A_345 : i32
      %add3A_347 = arith.constant 13 : i32
      %add3A_348 = arith.addi %mul3A_346, %add3A_347 : i32
      %mul3A_349 = arith.constant 128 : i32
      %mul3A_350 = arith.muli %add3A_348, %mul3A_349 : i32
      %dma_start3A_351 = arith.constant 13 : i32
      %dma_start3A_352 = arith.constant 0 : i32
      %dma_start3A_353 = tpu.memref_slice %arg4[%dma_start3A_351, %dma_start3A_352] : memref<56x128xi32, #tpu.memory_space<vmem>> -> memref<1x128xi32, #tpu.memory_space<vmem>>
      %dma_start3A_354 = tpu.memref_squeeze %dma_start3A_353 : memref<1x128xi32, #tpu.memory_space<vmem>> -> memref<128xi32, #tpu.memory_space<vmem>>
      %dma_start3A_355 = tpu.memref_slice %arg3[%mul3A_350] : memref<819200xi32, #tpu.memory_space<hbm>> -> memref<128xi32, #tpu.memory_space<hbm>>
      %dma_start3A_356 = tpu.memref_slice %arg3[%mul3A_350] : memref<819200xi32, #tpu.memory_space<hbm>> -> memref<128xi32, #tpu.memory_space<hbm>>
      %dma_start3A_357 = arith.constant 0 : i32
      %dma_start3A_358 = tpu.memref_slice %arg4[%dma_start3A_351, %dma_start3A_357] : memref<56x128xi32, #tpu.memory_space<vmem>> -> memref<1x128xi32, #tpu.memory_space<vmem>>
      %dma_start3A_359 = tpu.memref_squeeze %dma_start3A_358 : memref<1x128xi32, #tpu.memory_space<vmem>> -> memref<128xi32, #tpu.memory_space<vmem>>
      tpu.enqueue_dma source(%dma_start3A_359 : memref<128xi32, #tpu.memory_space<vmem>>) target(%dma_start3A_356 : memref<128xi32, #tpu.memory_space<hbm>>) target_semaphore(%arg6 : memref<!tpu.dma_semaphore, #tpu.memory_space<semaphore_mem>>)
      %mul3A_360 = arith.constant 50 : i32
      %mul3A_361 = arith.muli %add3A_9, %mul3A_360 : i32
      %add3A_362 = arith.constant 14 : i32
      %add3A_363 = arith.addi %mul3A_361, %add3A_362 : i32
      %mul3A_364 = arith.constant 128 : i32
      %mul3A_365 = arith.muli %add3A_363, %mul3A_364 : i32
      %dma_start3A_366 = arith.constant 14 : i32
      %dma_start3A_367 = arith.constant 0 : i32
      %dma_start3A_368 = tpu.memref_slice %arg4[%dma_start3A_366, %dma_start3A_367] : memref<56x128xi32, #tpu.memory_space<vmem>> -> memref<1x128xi32, #tpu.memory_space<vmem>>
      %dma_start3A_369 = tpu.memref_squeeze %dma_start3A_368 : memref<1x128xi32, #tpu.memory_space<vmem>> -> memref<128xi32, #tpu.memory_space<vmem>>
      %dma_start3A_370 = tpu.memref_slice %arg3[%mul3A_365] : memref<819200xi32, #tpu.memory_space<hbm>> -> memref<128xi32, #tpu.memory_space<hbm>>
      %dma_start3A_371 = tpu.memref_slice %arg3[%mul3A_365] : memref<819200xi32, #tpu.memory_space<hbm>> -> memref<128xi32, #tpu.memory_space<hbm>>
      %dma_start3A_372 = arith.constant 0 : i32
      %dma_start3A_373 = tpu.memref_slice %arg4[%dma_start3A_366, %dma_start3A_372] : memref<56x128xi32, #tpu.memory_space<vmem>> -> memref<1x128xi32, #tpu.memory_space<vmem>>
      %dma_start3A_374 = tpu.memref_squeeze %dma_start3A_373 : memref<1x128xi32, #tpu.memory_space<vmem>> -> memref<128xi32, #tpu.memory_space<vmem>>
      tpu.enqueue_dma source(%dma_start3A_374 : memref<128xi32, #tpu.memory_space<vmem>>) target(%dma_start3A_371 : memref<128xi32, #tpu.memory_space<hbm>>) target_semaphore(%arg6 : memref<!tpu.dma_semaphore, #tpu.memory_space<semaphore_mem>>)
      %mul3A_375 = arith.constant 50 : i32
      %mul3A_376 = arith.muli %add3A_9, %mul3A_375 : i32
      %add3A_377 = arith.constant 15 : i32
      %add3A_378 = arith.addi %mul3A_376, %add3A_377 : i32
      %mul3A_379 = arith.constant 128 : i32
      %mul3A_380 = arith.muli %add3A_378, %mul3A_379 : i32
      %dma_start3A_381 = arith.constant 15 : i32
      %dma_start3A_382 = arith.constant 0 : i32
      %dma_start3A_383 = tpu.memref_slice %arg4[%dma_start3A_381, %dma_start3A_382] : memref<56x128xi32, #tpu.memory_space<vmem>> -> memref<1x128xi32, #tpu.memory_space<vmem>>
      %dma_start3A_384 = tpu.memref_squeeze %dma_start3A_383 : memref<1x128xi32, #tpu.memory_space<vmem>> -> memref<128xi32, #tpu.memory_space<vmem>>
      %dma_start3A_385 = tpu.memref_slice %arg3[%mul3A_380] : memref<819200xi32, #tpu.memory_space<hbm>> -> memref<128xi32, #tpu.memory_space<hbm>>
      %dma_start3A_386 = tpu.memref_slice %arg3[%mul3A_380] : memref<819200xi32, #tpu.memory_space<hbm>> -> memref<128xi32, #tpu.memory_space<hbm>>
      %dma_start3A_387 = arith.constant 0 : i32
      %dma_start3A_388 = tpu.memref_slice %arg4[%dma_start3A_381, %dma_start3A_387] : memref<56x128xi32, #tpu.memory_space<vmem>> -> memref<1x128xi32, #tpu.memory_space<vmem>>
      %dma_start3A_389 = tpu.memref_squeeze %dma_start3A_388 : memref<1x128xi32, #tpu.memory_space<vmem>> -> memref<128xi32, #tpu.memory_space<vmem>>
      tpu.enqueue_dma source(%dma_start3A_389 : memref<128xi32, #tpu.memory_space<vmem>>) target(%dma_start3A_386 : memref<128xi32, #tpu.memory_space<hbm>>) target_semaphore(%arg6 : memref<!tpu.dma_semaphore, #tpu.memory_space<semaphore_mem>>)
      %mul3A_390 = arith.constant 50 : i32
      %mul3A_391 = arith.muli %add3A_9, %mul3A_390 : i32
      %add3A_392 = arith.constant 16 : i32
      %add3A_393 = arith.addi %mul3A_391, %add3A_392 : i32
      %mul3A_394 = arith.constant 128 : i32
      %mul3A_395 = arith.muli %add3A_393, %mul3A_394 : i32
      %dma_start3A_396 = arith.constant 16 : i32
      %dma_start3A_397 = arith.constant 0 : i32
      %dma_start3A_398 = tpu.memref_slice %arg4[%dma_start3A_396, %dma_start3A_397] : memref<56x128xi32, #tpu.memory_space<vmem>> -> memref<1x128xi32, #tpu.memory_space<vmem>>
      %dma_start3A_399 = tpu.memref_squeeze %dma_start3A_398 : memref<1x128xi32, #tpu.memory_space<vmem>> -> memref<128xi32, #tpu.memory_space<vmem>>
      %dma_start3A_400 = tpu.memref_slice %arg3[%mul3A_395] : memref<819200xi32, #tpu.memory_space<hbm>> -> memref<128xi32, #tpu.memory_space<hbm>>
      %dma_start3A_401 = tpu.memref_slice %arg3[%mul3A_395] : memref<819200xi32, #tpu.memory_space<hbm>> -> memref<128xi32, #tpu.memory_space<hbm>>
      %dma_start3A_402 = arith.constant 0 : i32
      %dma_start3A_403 = tpu.memref_slice %arg4[%dma_start3A_396, %dma_start3A_402] : memref<56x128xi32, #tpu.memory_space<vmem>> -> memref<1x128xi32, #tpu.memory_space<vmem>>
      %dma_start3A_404 = tpu.memref_squeeze %dma_start3A_403 : memref<1x128xi32, #tpu.memory_space<vmem>> -> memref<128xi32, #tpu.memory_space<vmem>>
      tpu.enqueue_dma source(%dma_start3A_404 : memref<128xi32, #tpu.memory_space<vmem>>) target(%dma_start3A_401 : memref<128xi32, #tpu.memory_space<hbm>>) target_semaphore(%arg6 : memref<!tpu.dma_semaphore, #tpu.memory_space<semaphore_mem>>)
      %mul3A_405 = arith.constant 50 : i32
      %mul3A_406 = arith.muli %add3A_9, %mul3A_405 : i32
      %add3A_407 = arith.constant 17 : i32
      %add3A_408 = arith.addi %mul3A_406, %add3A_407 : i32
      %mul3A_409 = arith.constant 128 : i32
      %mul3A_410 = arith.muli %add3A_408, %mul3A_409 : i32
      %dma_start3A_411 = arith.constant 17 : i32
      %dma_start3A_412 = arith.constant 0 : i32
      %dma_start3A_413 = tpu.memref_slice %arg4[%dma_start3A_411, %dma_start3A_412] : memref<56x128xi32, #tpu.memory_space<vmem>> -> memref<1x128xi32, #tpu.memory_space<vmem>>
      %dma_start3A_414 = tpu.memref_squeeze %dma_start3A_413 : memref<1x128xi32, #tpu.memory_space<vmem>> -> memref<128xi32, #tpu.memory_space<vmem>>
      %dma_start3A_415 = tpu.memref_slice %arg3[%mul3A_410] : memref<819200xi32, #tpu.memory_space<hbm>> -> memref<128xi32, #tpu.memory_space<hbm>>
      %dma_start3A_416 = tpu.memref_slice %arg3[%mul3A_410] : memref<819200xi32, #tpu.memory_space<hbm>> -> memref<128xi32, #tpu.memory_space<hbm>>
      %dma_start3A_417 = arith.constant 0 : i32
      %dma_start3A_418 = tpu.memref_slice %arg4[%dma_start3A_411, %dma_start3A_417] : memref<56x128xi32, #tpu.memory_space<vmem>> -> memref<1x128xi32, #tpu.memory_space<vmem>>
      %dma_start3A_419 = tpu.memref_squeeze %dma_start3A_418 : memref<1x128xi32, #tpu.memory_space<vmem>> -> memref<128xi32, #tpu.memory_space<vmem>>
      tpu.enqueue_dma source(%dma_start3A_419 : memref<128xi32, #tpu.memory_space<vmem>>) target(%dma_start3A_416 : memref<128xi32, #tpu.memory_space<hbm>>) target_semaphore(%arg6 : memref<!tpu.dma_semaphore, #tpu.memory_space<semaphore_mem>>)
      %mul3A_420 = arith.constant 50 : i32
      %mul3A_421 = arith.muli %add3A_9, %mul3A_420 : i32
      %add3A_422 = arith.constant 18 : i32
      %add3A_423 = arith.addi %mul3A_421, %add3A_422 : i32
      %mul3A_424 = arith.constant 128 : i32
      %mul3A_425 = arith.muli %add3A_423, %mul3A_424 : i32
      %dma_start3A_426 = arith.constant 18 : i32
      %dma_start3A_427 = arith.constant 0 : i32
      %dma_start3A_428 = tpu.memref_slice %arg4[%dma_start3A_426, %dma_start3A_427] : memref<56x128xi32, #tpu.memory_space<vmem>> -> memref<1x128xi32, #tpu.memory_space<vmem>>
      %dma_start3A_429 = tpu.memref_squeeze %dma_start3A_428 : memref<1x128xi32, #tpu.memory_space<vmem>> -> memref<128xi32, #tpu.memory_space<vmem>>
      %dma_start3A_430 = tpu.memref_slice %arg3[%mul3A_425] : memref<819200xi32, #tpu.memory_space<hbm>> -> memref<128xi32, #tpu.memory_space<hbm>>
      %dma_start3A_431 = tpu.memref_slice %arg3[%mul3A_425] : memref<819200xi32, #tpu.memory_space<hbm>> -> memref<128xi32, #tpu.memory_space<hbm>>
      %dma_start3A_432 = arith.constant 0 : i32
      %dma_start3A_433 = tpu.memref_slice %arg4[%dma_start3A_426, %dma_start3A_432] : memref<56x128xi32, #tpu.memory_space<vmem>> -> memref<1x128xi32, #tpu.memory_space<vmem>>
      %dma_start3A_434 = tpu.memref_squeeze %dma_start3A_433 : memref<1x128xi32, #tpu.memory_space<vmem>> -> memref<128xi32, #tpu.memory_space<vmem>>
      tpu.enqueue_dma source(%dma_start3A_434 : memref<128xi32, #tpu.memory_space<vmem>>) target(%dma_start3A_431 : memref<128xi32, #tpu.memory_space<hbm>>) target_semaphore(%arg6 : memref<!tpu.dma_semaphore, #tpu.memory_space<semaphore_mem>>)
      %mul3A_435 = arith.constant 50 : i32
      %mul3A_436 = arith.muli %add3A_9, %mul3A_435 : i32
      %add3A_437 = arith.constant 19 : i32
      %add3A_438 = arith.addi %mul3A_436, %add3A_437 : i32
      %mul3A_439 = arith.constant 128 : i32
      %mul3A_440 = arith.muli %add3A_438, %mul3A_439 : i32
      %dma_start3A_441 = arith.constant 19 : i32
      %dma_start3A_442 = arith.constant 0 : i32
      %dma_start3A_443 = tpu.memref_slice %arg4[%dma_start3A_441, %dma_start3A_442] : memref<56x128xi32, #tpu.memory_space<vmem>> -> memref<1x128xi32, #tpu.memory_space<vmem>>
      %dma_start3A_444 = tpu.memref_squeeze %dma_start3A_443 : memref<1x128xi32, #tpu.memory_space<vmem>> -> memref<128xi32, #tpu.memory_space<vmem>>
      %dma_start3A_445 = tpu.memref_slice %arg3[%mul3A_440] : memref<819200xi32, #tpu.memory_space<hbm>> -> memref<128xi32, #tpu.memory_space<hbm>>
      %dma_start3A_446 = tpu.memref_slice %arg3[%mul3A_440] : memref<819200xi32, #tpu.memory_space<hbm>> -> memref<128xi32, #tpu.memory_space<hbm>>
      %dma_start3A_447 = arith.constant 0 : i32
      %dma_start3A_448 = tpu.memref_slice %arg4[%dma_start3A_441, %dma_start3A_447] : memref<56x128xi32, #tpu.memory_space<vmem>> -> memref<1x128xi32, #tpu.memory_space<vmem>>
      %dma_start3A_449 = tpu.memref_squeeze %dma_start3A_448 : memref<1x128xi32, #tpu.memory_space<vmem>> -> memref<128xi32, #tpu.memory_space<vmem>>
      tpu.enqueue_dma source(%dma_start3A_449 : memref<128xi32, #tpu.memory_space<vmem>>) target(%dma_start3A_446 : memref<128xi32, #tpu.memory_space<hbm>>) target_semaphore(%arg6 : memref<!tpu.dma_semaphore, #tpu.memory_space<semaphore_mem>>)
      %mul3A_450 = arith.constant 50 : i32
      %mul3A_451 = arith.muli %add3A_9, %mul3A_450 : i32
      %add3A_452 = arith.constant 20 : i32
      %add3A_453 = arith.addi %mul3A_451, %add3A_452 : i32
      %mul3A_454 = arith.constant 128 : i32
      %mul3A_455 = arith.muli %add3A_453, %mul3A_454 : i32
      %dma_start3A_456 = arith.constant 20 : i32
      %dma_start3A_457 = arith.constant 0 : i32
      %dma_start3A_458 = tpu.memref_slice %arg4[%dma_start3A_456, %dma_start3A_457] : memref<56x128xi32, #tpu.memory_space<vmem>> -> memref<1x128xi32, #tpu.memory_space<vmem>>
      %dma_start3A_459 = tpu.memref_squeeze %dma_start3A_458 : memref<1x128xi32, #tpu.memory_space<vmem>> -> memref<128xi32, #tpu.memory_space<vmem>>
      %dma_start3A_460 = tpu.memref_slice %arg3[%mul3A_455] : memref<819200xi32, #tpu.memory_space<hbm>> -> memref<128xi32, #tpu.memory_space<hbm>>
      %dma_start3A_461 = tpu.memref_slice %arg3[%mul3A_455] : memref<819200xi32, #tpu.memory_space<hbm>> -> memref<128xi32, #tpu.memory_space<hbm>>
      %dma_start3A_462 = arith.constant 0 : i32
      %dma_start3A_463 = tpu.memref_slice %arg4[%dma_start3A_456, %dma_start3A_462] : memref<56x128xi32, #tpu.memory_space<vmem>> -> memref<1x128xi32, #tpu.memory_space<vmem>>
      %dma_start3A_464 = tpu.memref_squeeze %dma_start3A_463 : memref<1x128xi32, #tpu.memory_space<vmem>> -> memref<128xi32, #tpu.memory_space<vmem>>
      tpu.enqueue_dma source(%dma_start3A_464 : memref<128xi32, #tpu.memory_space<vmem>>) target(%dma_start3A_461 : memref<128xi32, #tpu.memory_space<hbm>>) target_semaphore(%arg6 : memref<!tpu.dma_semaphore, #tpu.memory_space<semaphore_mem>>)
      %mul3A_465 = arith.constant 50 : i32
      %mul3A_466 = arith.muli %add3A_9, %mul3A_465 : i32
      %add3A_467 = arith.constant 21 : i32
      %add3A_468 = arith.addi %mul3A_466, %add3A_467 : i32
      %mul3A_469 = arith.constant 128 : i32
      %mul3A_470 = arith.muli %add3A_468, %mul3A_469 : i32
      %dma_start3A_471 = arith.constant 21 : i32
      %dma_start3A_472 = arith.constant 0 : i32
      %dma_start3A_473 = tpu.memref_slice %arg4[%dma_start3A_471, %dma_start3A_472] : memref<56x128xi32, #tpu.memory_space<vmem>> -> memref<1x128xi32, #tpu.memory_space<vmem>>
      %dma_start3A_474 = tpu.memref_squeeze %dma_start3A_473 : memref<1x128xi32, #tpu.memory_space<vmem>> -> memref<128xi32, #tpu.memory_space<vmem>>
      %dma_start3A_475 = tpu.memref_slice %arg3[%mul3A_470] : memref<819200xi32, #tpu.memory_space<hbm>> -> memref<128xi32, #tpu.memory_space<hbm>>
      %dma_start3A_476 = tpu.memref_slice %arg3[%mul3A_470] : memref<819200xi32, #tpu.memory_space<hbm>> -> memref<128xi32, #tpu.memory_space<hbm>>
      %dma_start3A_477 = arith.constant 0 : i32
      %dma_start3A_478 = tpu.memref_slice %arg4[%dma_start3A_471, %dma_start3A_477] : memref<56x128xi32, #tpu.memory_space<vmem>> -> memref<1x128xi32, #tpu.memory_space<vmem>>
      %dma_start3A_479 = tpu.memref_squeeze %dma_start3A_478 : memref<1x128xi32, #tpu.memory_space<vmem>> -> memref<128xi32, #tpu.memory_space<vmem>>
      tpu.enqueue_dma source(%dma_start3A_479 : memref<128xi32, #tpu.memory_space<vmem>>) target(%dma_start3A_476 : memref<128xi32, #tpu.memory_space<hbm>>) target_semaphore(%arg6 : memref<!tpu.dma_semaphore, #tpu.memory_space<semaphore_mem>>)
      %mul3A_480 = arith.constant 50 : i32
      %mul3A_481 = arith.muli %add3A_9, %mul3A_480 : i32
      %add3A_482 = arith.constant 22 : i32
      %add3A_483 = arith.addi %mul3A_481, %add3A_482 : i32
      %mul3A_484 = arith.constant 128 : i32
      %mul3A_485 = arith.muli %add3A_483, %mul3A_484 : i32
      %dma_start3A_486 = arith.constant 22 : i32
      %dma_start3A_487 = arith.constant 0 : i32
      %dma_start3A_488 = tpu.memref_slice %arg4[%dma_start3A_486, %dma_start3A_487] : memref<56x128xi32, #tpu.memory_space<vmem>> -> memref<1x128xi32, #tpu.memory_space<vmem>>
      %dma_start3A_489 = tpu.memref_squeeze %dma_start3A_488 : memref<1x128xi32, #tpu.memory_space<vmem>> -> memref<128xi32, #tpu.memory_space<vmem>>
      %dma_start3A_490 = tpu.memref_slice %arg3[%mul3A_485] : memref<819200xi32, #tpu.memory_space<hbm>> -> memref<128xi32, #tpu.memory_space<hbm>>
      %dma_start3A_491 = tpu.memref_slice %arg3[%mul3A_485] : memref<819200xi32, #tpu.memory_space<hbm>> -> memref<128xi32, #tpu.memory_space<hbm>>
      %dma_start3A_492 = arith.constant 0 : i32
      %dma_start3A_493 = tpu.memref_slice %arg4[%dma_start3A_486, %dma_start3A_492] : memref<56x128xi32, #tpu.memory_space<vmem>> -> memref<1x128xi32, #tpu.memory_space<vmem>>
      %dma_start3A_494 = tpu.memref_squeeze %dma_start3A_493 : memref<1x128xi32, #tpu.memory_space<vmem>> -> memref<128xi32, #tpu.memory_space<vmem>>
      tpu.enqueue_dma source(%dma_start3A_494 : memref<128xi32, #tpu.memory_space<vmem>>) target(%dma_start3A_491 : memref<128xi32, #tpu.memory_space<hbm>>) target_semaphore(%arg6 : memref<!tpu.dma_semaphore, #tpu.memory_space<semaphore_mem>>)
      %mul3A_495 = arith.constant 50 : i32
      %mul3A_496 = arith.muli %add3A_9, %mul3A_495 : i32
      %add3A_497 = arith.constant 23 : i32
      %add3A_498 = arith.addi %mul3A_496, %add3A_497 : i32
      %mul3A_499 = arith.constant 128 : i32
      %mul3A_500 = arith.muli %add3A_498, %mul3A_499 : i32
      %dma_start3A_501 = arith.constant 23 : i32
      %dma_start3A_502 = arith.constant 0 : i32
      %dma_start3A_503 = tpu.memref_slice %arg4[%dma_start3A_501, %dma_start3A_502] : memref<56x128xi32, #tpu.memory_space<vmem>> -> memref<1x128xi32, #tpu.memory_space<vmem>>
      %dma_start3A_504 = tpu.memref_squeeze %dma_start3A_503 : memref<1x128xi32, #tpu.memory_space<vmem>> -> memref<128xi32, #tpu.memory_space<vmem>>
      %dma_start3A_505 = tpu.memref_slice %arg3[%mul3A_500] : memref<819200xi32, #tpu.memory_space<hbm>> -> memref<128xi32, #tpu.memory_space<hbm>>
      %dma_start3A_506 = tpu.memref_slice %arg3[%mul3A_500] : memref<819200xi32, #tpu.memory_space<hbm>> -> memref<128xi32, #tpu.memory_space<hbm>>
      %dma_start3A_507 = arith.constant 0 : i32
      %dma_start3A_508 = tpu.memref_slice %arg4[%dma_start3A_501, %dma_start3A_507] : memref<56x128xi32, #tpu.memory_space<vmem>> -> memref<1x128xi32, #tpu.memory_space<vmem>>
      %dma_start3A_509 = tpu.memref_squeeze %dma_start3A_508 : memref<1x128xi32, #tpu.memory_space<vmem>> -> memref<128xi32, #tpu.memory_space<vmem>>
      tpu.enqueue_dma source(%dma_start3A_509 : memref<128xi32, #tpu.memory_space<vmem>>) target(%dma_start3A_506 : memref<128xi32, #tpu.memory_space<hbm>>) target_semaphore(%arg6 : memref<!tpu.dma_semaphore, #tpu.memory_space<semaphore_mem>>)
      %mul3A_510 = arith.constant 50 : i32
      %mul3A_511 = arith.muli %add3A_9, %mul3A_510 : i32
      %add3A_512 = arith.constant 24 : i32
      %add3A_513 = arith.addi %mul3A_511, %add3A_512 : i32
      %mul3A_514 = arith.constant 128 : i32
      %mul3A_515 = arith.muli %add3A_513, %mul3A_514 : i32
      %dma_start3A_516 = arith.constant 24 : i32
      %dma_start3A_517 = arith.constant 0 : i32
      %dma_start3A_518 = tpu.memref_slice %arg4[%dma_start3A_516, %dma_start3A_517] : memref<56x128xi32, #tpu.memory_space<vmem>> -> memref<1x128xi32, #tpu.memory_space<vmem>>
      %dma_start3A_519 = tpu.memref_squeeze %dma_start3A_518 : memref<1x128xi32, #tpu.memory_space<vmem>> -> memref<128xi32, #tpu.memory_space<vmem>>
      %dma_start3A_520 = tpu.memref_slice %arg3[%mul3A_515] : memref<819200xi32, #tpu.memory_space<hbm>> -> memref<128xi32, #tpu.memory_space<hbm>>
      %dma_start3A_521 = tpu.memref_slice %arg3[%mul3A_515] : memref<819200xi32, #tpu.memory_space<hbm>> -> memref<128xi32, #tpu.memory_space<hbm>>
      %dma_start3A_522 = arith.constant 0 : i32
      %dma_start3A_523 = tpu.memref_slice %arg4[%dma_start3A_516, %dma_start3A_522] : memref<56x128xi32, #tpu.memory_space<vmem>> -> memref<1x128xi32, #tpu.memory_space<vmem>>
      %dma_start3A_524 = tpu.memref_squeeze %dma_start3A_523 : memref<1x128xi32, #tpu.memory_space<vmem>> -> memref<128xi32, #tpu.memory_space<vmem>>
      tpu.enqueue_dma source(%dma_start3A_524 : memref<128xi32, #tpu.memory_space<vmem>>) target(%dma_start3A_521 : memref<128xi32, #tpu.memory_space<hbm>>) target_semaphore(%arg6 : memref<!tpu.dma_semaphore, #tpu.memory_space<semaphore_mem>>)
      %mul3A_525 = arith.constant 50 : i32
      %mul3A_526 = arith.muli %add3A_9, %mul3A_525 : i32
      %add3A_527 = arith.constant 25 : i32
      %add3A_528 = arith.addi %mul3A_526, %add3A_527 : i32
      %mul3A_529 = arith.constant 128 : i32
      %mul3A_530 = arith.muli %add3A_528, %mul3A_529 : i32
      %dma_start3A_531 = arith.constant 25 : i32
      %dma_start3A_532 = arith.constant 0 : i32
      %dma_start3A_533 = tpu.memref_slice %arg4[%dma_start3A_531, %dma_start3A_532] : memref<56x128xi32, #tpu.memory_space<vmem>> -> memref<1x128xi32, #tpu.memory_space<vmem>>
      %dma_start3A_534 = tpu.memref_squeeze %dma_start3A_533 : memref<1x128xi32, #tpu.memory_space<vmem>> -> memref<128xi32, #tpu.memory_space<vmem>>
      %dma_start3A_535 = tpu.memref_slice %arg3[%mul3A_530] : memref<819200xi32, #tpu.memory_space<hbm>> -> memref<128xi32, #tpu.memory_space<hbm>>
      %dma_start3A_536 = tpu.memref_slice %arg3[%mul3A_530] : memref<819200xi32, #tpu.memory_space<hbm>> -> memref<128xi32, #tpu.memory_space<hbm>>
      %dma_start3A_537 = arith.constant 0 : i32
      %dma_start3A_538 = tpu.memref_slice %arg4[%dma_start3A_531, %dma_start3A_537] : memref<56x128xi32, #tpu.memory_space<vmem>> -> memref<1x128xi32, #tpu.memory_space<vmem>>
      %dma_start3A_539 = tpu.memref_squeeze %dma_start3A_538 : memref<1x128xi32, #tpu.memory_space<vmem>> -> memref<128xi32, #tpu.memory_space<vmem>>
      tpu.enqueue_dma source(%dma_start3A_539 : memref<128xi32, #tpu.memory_space<vmem>>) target(%dma_start3A_536 : memref<128xi32, #tpu.memory_space<hbm>>) target_semaphore(%arg6 : memref<!tpu.dma_semaphore, #tpu.memory_space<semaphore_mem>>)
      %mul3A_540 = arith.constant 50 : i32
      %mul3A_541 = arith.muli %add3A_9, %mul3A_540 : i32
      %add3A_542 = arith.constant 26 : i32
      %add3A_543 = arith.addi %mul3A_541, %add3A_542 : i32
      %mul3A_544 = arith.constant 128 : i32
      %mul3A_545 = arith.muli %add3A_543, %mul3A_544 : i32
      %dma_start3A_546 = arith.constant 26 : i32
      %dma_start3A_547 = arith.constant 0 : i32
      %dma_start3A_548 = tpu.memref_slice %arg4[%dma_start3A_546, %dma_start3A_547] : memref<56x128xi32, #tpu.memory_space<vmem>> -> memref<1x128xi32, #tpu.memory_space<vmem>>
      %dma_start3A_549 = tpu.memref_squeeze %dma_start3A_548 : memref<1x128xi32, #tpu.memory_space<vmem>> -> memref<128xi32, #tpu.memory_space<vmem>>
      %dma_start3A_550 = tpu.memref_slice %arg3[%mul3A_545] : memref<819200xi32, #tpu.memory_space<hbm>> -> memref<128xi32, #tpu.memory_space<hbm>>
      %dma_start3A_551 = tpu.memref_slice %arg3[%mul3A_545] : memref<819200xi32, #tpu.memory_space<hbm>> -> memref<128xi32, #tpu.memory_space<hbm>>
      %dma_start3A_552 = arith.constant 0 : i32
      %dma_start3A_553 = tpu.memref_slice %arg4[%dma_start3A_546, %dma_start3A_552] : memref<56x128xi32, #tpu.memory_space<vmem>> -> memref<1x128xi32, #tpu.memory_space<vmem>>
      %dma_start3A_554 = tpu.memref_squeeze %dma_start3A_553 : memref<1x128xi32, #tpu.memory_space<vmem>> -> memref<128xi32, #tpu.memory_space<vmem>>
      tpu.enqueue_dma source(%dma_start3A_554 : memref<128xi32, #tpu.memory_space<vmem>>) target(%dma_start3A_551 : memref<128xi32, #tpu.memory_space<hbm>>) target_semaphore(%arg6 : memref<!tpu.dma_semaphore, #tpu.memory_space<semaphore_mem>>)
      %mul3A_555 = arith.constant 50 : i32
      %mul3A_556 = arith.muli %add3A_9, %mul3A_555 : i32
      %add3A_557 = arith.constant 27 : i32
      %add3A_558 = arith.addi %mul3A_556, %add3A_557 : i32
      %mul3A_559 = arith.constant 128 : i32
      %mul3A_560 = arith.muli %add3A_558, %mul3A_559 : i32
      %dma_start3A_561 = arith.constant 27 : i32
      %dma_start3A_562 = arith.constant 0 : i32
      %dma_start3A_563 = tpu.memref_slice %arg4[%dma_start3A_561, %dma_start3A_562] : memref<56x128xi32, #tpu.memory_space<vmem>> -> memref<1x128xi32, #tpu.memory_space<vmem>>
      %dma_start3A_564 = tpu.memref_squeeze %dma_start3A_563 : memref<1x128xi32, #tpu.memory_space<vmem>> -> memref<128xi32, #tpu.memory_space<vmem>>
      %dma_start3A_565 = tpu.memref_slice %arg3[%mul3A_560] : memref<819200xi32, #tpu.memory_space<hbm>> -> memref<128xi32, #tpu.memory_space<hbm>>
      %dma_start3A_566 = tpu.memref_slice %arg3[%mul3A_560] : memref<819200xi32, #tpu.memory_space<hbm>> -> memref<128xi32, #tpu.memory_space<hbm>>
      %dma_start3A_567 = arith.constant 0 : i32
      %dma_start3A_568 = tpu.memref_slice %arg4[%dma_start3A_561, %dma_start3A_567] : memref<56x128xi32, #tpu.memory_space<vmem>> -> memref<1x128xi32, #tpu.memory_space<vmem>>
      %dma_start3A_569 = tpu.memref_squeeze %dma_start3A_568 : memref<1x128xi32, #tpu.memory_space<vmem>> -> memref<128xi32, #tpu.memory_space<vmem>>
      tpu.enqueue_dma source(%dma_start3A_569 : memref<128xi32, #tpu.memory_space<vmem>>) target(%dma_start3A_566 : memref<128xi32, #tpu.memory_space<hbm>>) target_semaphore(%arg6 : memref<!tpu.dma_semaphore, #tpu.memory_space<semaphore_mem>>)
      %mul3A_570 = arith.constant 50 : i32
      %mul3A_571 = arith.muli %add3A_9, %mul3A_570 : i32
      %add3A_572 = arith.constant 28 : i32
      %add3A_573 = arith.addi %mul3A_571, %add3A_572 : i32
      %mul3A_574 = arith.constant 128 : i32
      %mul3A_575 = arith.muli %add3A_573, %mul3A_574 : i32
      %dma_start3A_576 = arith.constant 28 : i32
      %dma_start3A_577 = arith.constant 0 : i32
      %dma_start3A_578 = tpu.memref_slice %arg4[%dma_start3A_576, %dma_start3A_577] : memref<56x128xi32, #tpu.memory_space<vmem>> -> memref<1x128xi32, #tpu.memory_space<vmem>>
      %dma_start3A_579 = tpu.memref_squeeze %dma_start3A_578 : memref<1x128xi32, #tpu.memory_space<vmem>> -> memref<128xi32, #tpu.memory_space<vmem>>
      %dma_start3A_580 = tpu.memref_slice %arg3[%mul3A_575] : memref<819200xi32, #tpu.memory_space<hbm>> -> memref<128xi32, #tpu.memory_space<hbm>>
      %dma_start3A_581 = tpu.memref_slice %arg3[%mul3A_575] : memref<819200xi32, #tpu.memory_space<hbm>> -> memref<128xi32, #tpu.memory_space<hbm>>
      %dma_start3A_582 = arith.constant 0 : i32
      %dma_start3A_583 = tpu.memref_slice %arg4[%dma_start3A_576, %dma_start3A_582] : memref<56x128xi32, #tpu.memory_space<vmem>> -> memref<1x128xi32, #tpu.memory_space<vmem>>
      %dma_start3A_584 = tpu.memref_squeeze %dma_start3A_583 : memref<1x128xi32, #tpu.memory_space<vmem>> -> memref<128xi32, #tpu.memory_space<vmem>>
      tpu.enqueue_dma source(%dma_start3A_584 : memref<128xi32, #tpu.memory_space<vmem>>) target(%dma_start3A_581 : memref<128xi32, #tpu.memory_space<hbm>>) target_semaphore(%arg6 : memref<!tpu.dma_semaphore, #tpu.memory_space<semaphore_mem>>)
      %mul3A_585 = arith.constant 50 : i32
      %mul3A_586 = arith.muli %add3A_9, %mul3A_585 : i32
      %add3A_587 = arith.constant 29 : i32
      %add3A_588 = arith.addi %mul3A_586, %add3A_587 : i32
      %mul3A_589 = arith.constant 128 : i32
      %mul3A_590 = arith.muli %add3A_588, %mul3A_589 : i32
      %dma_start3A_591 = arith.constant 29 : i32
      %dma_start3A_592 = arith.constant 0 : i32
      %dma_start3A_593 = tpu.memref_slice %arg4[%dma_start3A_591, %dma_start3A_592] : memref<56x128xi32, #tpu.memory_space<vmem>> -> memref<1x128xi32, #tpu.memory_space<vmem>>
      %dma_start3A_594 = tpu.memref_squeeze %dma_start3A_593 : memref<1x128xi32, #tpu.memory_space<vmem>> -> memref<128xi32, #tpu.memory_space<vmem>>
      %dma_start3A_595 = tpu.memref_slice %arg3[%mul3A_590] : memref<819200xi32, #tpu.memory_space<hbm>> -> memref<128xi32, #tpu.memory_space<hbm>>
      %dma_start3A_596 = tpu.memref_slice %arg3[%mul3A_590] : memref<819200xi32, #tpu.memory_space<hbm>> -> memref<128xi32, #tpu.memory_space<hbm>>
      %dma_start3A_597 = arith.constant 0 : i32
      %dma_start3A_598 = tpu.memref_slice %arg4[%dma_start3A_591, %dma_start3A_597] : memref<56x128xi32, #tpu.memory_space<vmem>> -> memref<1x128xi32, #tpu.memory_space<vmem>>
      %dma_start3A_599 = tpu.memref_squeeze %dma_start3A_598 : memref<1x128xi32, #tpu.memory_space<vmem>> -> memref<128xi32, #tpu.memory_space<vmem>>
      tpu.enqueue_dma source(%dma_start3A_599 : memref<128xi32, #tpu.memory_space<vmem>>) target(%dma_start3A_596 : memref<128xi32, #tpu.memory_space<hbm>>) target_semaphore(%arg6 : memref<!tpu.dma_semaphore, #tpu.memory_space<semaphore_mem>>)
      %mul3A_600 = arith.constant 50 : i32
      %mul3A_601 = arith.muli %add3A_9, %mul3A_600 : i32
      %add3A_602 = arith.constant 30 : i32
      %add3A_603 = arith.addi %mul3A_601, %add3A_602 : i32
      %mul3A_604 = arith.constant 128 : i32
      %mul3A_605 = arith.muli %add3A_603, %mul3A_604 : i32
      %dma_start3A_606 = arith.constant 30 : i32
      %dma_start3A_607 = arith.constant 0 : i32
      %dma_start3A_608 = tpu.memref_slice %arg4[%dma_start3A_606, %dma_start3A_607] : memref<56x128xi32, #tpu.memory_space<vmem>> -> memref<1x128xi32, #tpu.memory_space<vmem>>
      %dma_start3A_609 = tpu.memref_squeeze %dma_start3A_608 : memref<1x128xi32, #tpu.memory_space<vmem>> -> memref<128xi32, #tpu.memory_space<vmem>>
      %dma_start3A_610 = tpu.memref_slice %arg3[%mul3A_605] : memref<819200xi32, #tpu.memory_space<hbm>> -> memref<128xi32, #tpu.memory_space<hbm>>
      %dma_start3A_611 = tpu.memref_slice %arg3[%mul3A_605] : memref<819200xi32, #tpu.memory_space<hbm>> -> memref<128xi32, #tpu.memory_space<hbm>>
      %dma_start3A_612 = arith.constant 0 : i32
      %dma_start3A_613 = tpu.memref_slice %arg4[%dma_start3A_606, %dma_start3A_612] : memref<56x128xi32, #tpu.memory_space<vmem>> -> memref<1x128xi32, #tpu.memory_space<vmem>>
      %dma_start3A_614 = tpu.memref_squeeze %dma_start3A_613 : memref<1x128xi32, #tpu.memory_space<vmem>> -> memref<128xi32, #tpu.memory_space<vmem>>
      tpu.enqueue_dma source(%dma_start3A_614 : memref<128xi32, #tpu.memory_space<vmem>>) target(%dma_start3A_611 : memref<128xi32, #tpu.memory_space<hbm>>) target_semaphore(%arg6 : memref<!tpu.dma_semaphore, #tpu.memory_space<semaphore_mem>>)
      %mul3A_615 = arith.constant 50 : i32
      %mul3A_616 = arith.muli %add3A_9, %mul3A_615 : i32
      %add3A_617 = arith.constant 31 : i32
      %add3A_618 = arith.addi %mul3A_616, %add3A_617 : i32
      %mul3A_619 = arith.constant 128 : i32
      %mul3A_620 = arith.muli %add3A_618, %mul3A_619 : i32
      %dma_start3A_621 = arith.constant 31 : i32
      %dma_start3A_622 = arith.constant 0 : i32
      %dma_start3A_623 = tpu.memref_slice %arg4[%dma_start3A_621, %dma_start3A_622] : memref<56x128xi32, #tpu.memory_space<vmem>> -> memref<1x128xi32, #tpu.memory_space<vmem>>
      %dma_start3A_624 = tpu.memref_squeeze %dma_start3A_623 : memref<1x128xi32, #tpu.memory_space<vmem>> -> memref<128xi32, #tpu.memory_space<vmem>>
      %dma_start3A_625 = tpu.memref_slice %arg3[%mul3A_620] : memref<819200xi32, #tpu.memory_space<hbm>> -> memref<128xi32, #tpu.memory_space<hbm>>
      %dma_start3A_626 = tpu.memref_slice %arg3[%mul3A_620] : memref<819200xi32, #tpu.memory_space<hbm>> -> memref<128xi32, #tpu.memory_space<hbm>>
      %dma_start3A_627 = arith.constant 0 : i32
      %dma_start3A_628 = tpu.memref_slice %arg4[%dma_start3A_621, %dma_start3A_627] : memref<56x128xi32, #tpu.memory_space<vmem>> -> memref<1x128xi32, #tpu.memory_space<vmem>>
      %dma_start3A_629 = tpu.memref_squeeze %dma_start3A_628 : memref<1x128xi32, #tpu.memory_space<vmem>> -> memref<128xi32, #tpu.memory_space<vmem>>
      tpu.enqueue_dma source(%dma_start3A_629 : memref<128xi32, #tpu.memory_space<vmem>>) target(%dma_start3A_626 : memref<128xi32, #tpu.memory_space<hbm>>) target_semaphore(%arg6 : memref<!tpu.dma_semaphore, #tpu.memory_space<semaphore_mem>>)
      %mul3A_630 = arith.constant 50 : i32
      %mul3A_631 = arith.muli %add3A_9, %mul3A_630 : i32
      %add3A_632 = arith.constant 32 : i32
      %add3A_633 = arith.addi %mul3A_631, %add3A_632 : i32
      %mul3A_634 = arith.constant 128 : i32
      %mul3A_635 = arith.muli %add3A_633, %mul3A_634 : i32
      %dma_start3A_636 = arith.constant 32 : i32
      %dma_start3A_637 = arith.constant 0 : i32
      %dma_start3A_638 = tpu.memref_slice %arg4[%dma_start3A_636, %dma_start3A_637] : memref<56x128xi32, #tpu.memory_space<vmem>> -> memref<1x128xi32, #tpu.memory_space<vmem>>
      %dma_start3A_639 = tpu.memref_squeeze %dma_start3A_638 : memref<1x128xi32, #tpu.memory_space<vmem>> -> memref<128xi32, #tpu.memory_space<vmem>>
      %dma_start3A_640 = tpu.memref_slice %arg3[%mul3A_635] : memref<819200xi32, #tpu.memory_space<hbm>> -> memref<128xi32, #tpu.memory_space<hbm>>
      %dma_start3A_641 = tpu.memref_slice %arg3[%mul3A_635] : memref<819200xi32, #tpu.memory_space<hbm>> -> memref<128xi32, #tpu.memory_space<hbm>>
      %dma_start3A_642 = arith.constant 0 : i32
      %dma_start3A_643 = tpu.memref_slice %arg4[%dma_start3A_636, %dma_start3A_642] : memref<56x128xi32, #tpu.memory_space<vmem>> -> memref<1x128xi32, #tpu.memory_space<vmem>>
      %dma_start3A_644 = tpu.memref_squeeze %dma_start3A_643 : memref<1x128xi32, #tpu.memory_space<vmem>> -> memref<128xi32, #tpu.memory_space<vmem>>
      tpu.enqueue_dma source(%dma_start3A_644 : memref<128xi32, #tpu.memory_space<vmem>>) target(%dma_start3A_641 : memref<128xi32, #tpu.memory_space<hbm>>) target_semaphore(%arg6 : memref<!tpu.dma_semaphore, #tpu.memory_space<semaphore_mem>>)
      %mul3A_645 = arith.constant 50 : i32
      %mul3A_646 = arith.muli %add3A_9, %mul3A_645 : i32
      %add3A_647 = arith.constant 33 : i32
      %add3A_648 = arith.addi %mul3A_646, %add3A_647 : i32
      %mul3A_649 = arith.constant 128 : i32
      %mul3A_650 = arith.muli %add3A_648, %mul3A_649 : i32
      %dma_start3A_651 = arith.constant 33 : i32
      %dma_start3A_652 = arith.constant 0 : i32
      %dma_start3A_653 = tpu.memref_slice %arg4[%dma_start3A_651, %dma_start3A_652] : memref<56x128xi32, #tpu.memory_space<vmem>> -> memref<1x128xi32, #tpu.memory_space<vmem>>
      %dma_start3A_654 = tpu.memref_squeeze %dma_start3A_653 : memref<1x128xi32, #tpu.memory_space<vmem>> -> memref<128xi32, #tpu.memory_space<vmem>>
      %dma_start3A_655 = tpu.memref_slice %arg3[%mul3A_650] : memref<819200xi32, #tpu.memory_space<hbm>> -> memref<128xi32, #tpu.memory_space<hbm>>
      %dma_start3A_656 = tpu.memref_slice %arg3[%mul3A_650] : memref<819200xi32, #tpu.memory_space<hbm>> -> memref<128xi32, #tpu.memory_space<hbm>>
      %dma_start3A_657 = arith.constant 0 : i32
      %dma_start3A_658 = tpu.memref_slice %arg4[%dma_start3A_651, %dma_start3A_657] : memref<56x128xi32, #tpu.memory_space<vmem>> -> memref<1x128xi32, #tpu.memory_space<vmem>>
      %dma_start3A_659 = tpu.memref_squeeze %dma_start3A_658 : memref<1x128xi32, #tpu.memory_space<vmem>> -> memref<128xi32, #tpu.memory_space<vmem>>
      tpu.enqueue_dma source(%dma_start3A_659 : memref<128xi32, #tpu.memory_space<vmem>>) target(%dma_start3A_656 : memref<128xi32, #tpu.memory_space<hbm>>) target_semaphore(%arg6 : memref<!tpu.dma_semaphore, #tpu.memory_space<semaphore_mem>>)
      %mul3A_660 = arith.constant 50 : i32
      %mul3A_661 = arith.muli %add3A_9, %mul3A_660 : i32
      %add3A_662 = arith.constant 34 : i32
      %add3A_663 = arith.addi %mul3A_661, %add3A_662 : i32
      %mul3A_664 = arith.constant 128 : i32
      %mul3A_665 = arith.muli %add3A_663, %mul3A_664 : i32
      %dma_start3A_666 = arith.constant 34 : i32
      %dma_start3A_667 = arith.constant 0 : i32
      %dma_start3A_668 = tpu.memref_slice %arg4[%dma_start3A_666, %dma_start3A_667] : memref<56x128xi32, #tpu.memory_space<vmem>> -> memref<1x128xi32, #tpu.memory_space<vmem>>
      %dma_start3A_669 = tpu.memref_squeeze %dma_start3A_668 : memref<1x128xi32, #tpu.memory_space<vmem>> -> memref<128xi32, #tpu.memory_space<vmem>>
      %dma_start3A_670 = tpu.memref_slice %arg3[%mul3A_665] : memref<819200xi32, #tpu.memory_space<hbm>> -> memref<128xi32, #tpu.memory_space<hbm>>
      %dma_start3A_671 = tpu.memref_slice %arg3[%mul3A_665] : memref<819200xi32, #tpu.memory_space<hbm>> -> memref<128xi32, #tpu.memory_space<hbm>>
      %dma_start3A_672 = arith.constant 0 : i32
      %dma_start3A_673 = tpu.memref_slice %arg4[%dma_start3A_666, %dma_start3A_672] : memref<56x128xi32, #tpu.memory_space<vmem>> -> memref<1x128xi32, #tpu.memory_space<vmem>>
      %dma_start3A_674 = tpu.memref_squeeze %dma_start3A_673 : memref<1x128xi32, #tpu.memory_space<vmem>> -> memref<128xi32, #tpu.memory_space<vmem>>
      tpu.enqueue_dma source(%dma_start3A_674 : memref<128xi32, #tpu.memory_space<vmem>>) target(%dma_start3A_671 : memref<128xi32, #tpu.memory_space<hbm>>) target_semaphore(%arg6 : memref<!tpu.dma_semaphore, #tpu.memory_space<semaphore_mem>>)
      %mul3A_675 = arith.constant 50 : i32
      %mul3A_676 = arith.muli %add3A_9, %mul3A_675 : i32
      %add3A_677 = arith.constant 35 : i32
      %add3A_678 = arith.addi %mul3A_676, %add3A_677 : i32
      %mul3A_679 = arith.constant 128 : i32
      %mul3A_680 = arith.muli %add3A_678, %mul3A_679 : i32
      %dma_start3A_681 = arith.constant 35 : i32
      %dma_start3A_682 = arith.constant 0 : i32
      %dma_start3A_683 = tpu.memref_slice %arg4[%dma_start3A_681, %dma_start3A_682] : memref<56x128xi32, #tpu.memory_space<vmem>> -> memref<1x128xi32, #tpu.memory_space<vmem>>
      %dma_start3A_684 = tpu.memref_squeeze %dma_start3A_683 : memref<1x128xi32, #tpu.memory_space<vmem>> -> memref<128xi32, #tpu.memory_space<vmem>>
      %dma_start3A_685 = tpu.memref_slice %arg3[%mul3A_680] : memref<819200xi32, #tpu.memory_space<hbm>> -> memref<128xi32, #tpu.memory_space<hbm>>
      %dma_start3A_686 = tpu.memref_slice %arg3[%mul3A_680] : memref<819200xi32, #tpu.memory_space<hbm>> -> memref<128xi32, #tpu.memory_space<hbm>>
      %dma_start3A_687 = arith.constant 0 : i32
      %dma_start3A_688 = tpu.memref_slice %arg4[%dma_start3A_681, %dma_start3A_687] : memref<56x128xi32, #tpu.memory_space<vmem>> -> memref<1x128xi32, #tpu.memory_space<vmem>>
      %dma_start3A_689 = tpu.memref_squeeze %dma_start3A_688 : memref<1x128xi32, #tpu.memory_space<vmem>> -> memref<128xi32, #tpu.memory_space<vmem>>
      tpu.enqueue_dma source(%dma_start3A_689 : memref<128xi32, #tpu.memory_space<vmem>>) target(%dma_start3A_686 : memref<128xi32, #tpu.memory_space<hbm>>) target_semaphore(%arg6 : memref<!tpu.dma_semaphore, #tpu.memory_space<semaphore_mem>>)
      %mul3A_690 = arith.constant 50 : i32
      %mul3A_691 = arith.muli %add3A_9, %mul3A_690 : i32
      %add3A_692 = arith.constant 36 : i32
      %add3A_693 = arith.addi %mul3A_691, %add3A_692 : i32
      %mul3A_694 = arith.constant 128 : i32
      %mul3A_695 = arith.muli %add3A_693, %mul3A_694 : i32
      %dma_start3A_696 = arith.constant 36 : i32
      %dma_start3A_697 = arith.constant 0 : i32
      %dma_start3A_698 = tpu.memref_slice %arg4[%dma_start3A_696, %dma_start3A_697] : memref<56x128xi32, #tpu.memory_space<vmem>> -> memref<1x128xi32, #tpu.memory_space<vmem>>
      %dma_start3A_699 = tpu.memref_squeeze %dma_start3A_698 : memref<1x128xi32, #tpu.memory_space<vmem>> -> memref<128xi32, #tpu.memory_space<vmem>>
      %dma_start3A_700 = tpu.memref_slice %arg3[%mul3A_695] : memref<819200xi32, #tpu.memory_space<hbm>> -> memref<128xi32, #tpu.memory_space<hbm>>
      %dma_start3A_701 = tpu.memref_slice %arg3[%mul3A_695] : memref<819200xi32, #tpu.memory_space<hbm>> -> memref<128xi32, #tpu.memory_space<hbm>>
      %dma_start3A_702 = arith.constant 0 : i32
      %dma_start3A_703 = tpu.memref_slice %arg4[%dma_start3A_696, %dma_start3A_702] : memref<56x128xi32, #tpu.memory_space<vmem>> -> memref<1x128xi32, #tpu.memory_space<vmem>>
      %dma_start3A_704 = tpu.memref_squeeze %dma_start3A_703 : memref<1x128xi32, #tpu.memory_space<vmem>> -> memref<128xi32, #tpu.memory_space<vmem>>
      tpu.enqueue_dma source(%dma_start3A_704 : memref<128xi32, #tpu.memory_space<vmem>>) target(%dma_start3A_701 : memref<128xi32, #tpu.memory_space<hbm>>) target_semaphore(%arg6 : memref<!tpu.dma_semaphore, #tpu.memory_space<semaphore_mem>>)
      %mul3A_705 = arith.constant 50 : i32
      %mul3A_706 = arith.muli %add3A_9, %mul3A_705 : i32
      %add3A_707 = arith.constant 37 : i32
      %add3A_708 = arith.addi %mul3A_706, %add3A_707 : i32
      %mul3A_709 = arith.constant 128 : i32
      %mul3A_710 = arith.muli %add3A_708, %mul3A_709 : i32
      %dma_start3A_711 = arith.constant 37 : i32
      %dma_start3A_712 = arith.constant 0 : i32
      %dma_start3A_713 = tpu.memref_slice %arg4[%dma_start3A_711, %dma_start3A_712] : memref<56x128xi32, #tpu.memory_space<vmem>> -> memref<1x128xi32, #tpu.memory_space<vmem>>
      %dma_start3A_714 = tpu.memref_squeeze %dma_start3A_713 : memref<1x128xi32, #tpu.memory_space<vmem>> -> memref<128xi32, #tpu.memory_space<vmem>>
      %dma_start3A_715 = tpu.memref_slice %arg3[%mul3A_710] : memref<819200xi32, #tpu.memory_space<hbm>> -> memref<128xi32, #tpu.memory_space<hbm>>
      %dma_start3A_716 = tpu.memref_slice %arg3[%mul3A_710] : memref<819200xi32, #tpu.memory_space<hbm>> -> memref<128xi32, #tpu.memory_space<hbm>>
      %dma_start3A_717 = arith.constant 0 : i32
      %dma_start3A_718 = tpu.memref_slice %arg4[%dma_start3A_711, %dma_start3A_717] : memref<56x128xi32, #tpu.memory_space<vmem>> -> memref<1x128xi32, #tpu.memory_space<vmem>>
      %dma_start3A_719 = tpu.memref_squeeze %dma_start3A_718 : memref<1x128xi32, #tpu.memory_space<vmem>> -> memref<128xi32, #tpu.memory_space<vmem>>
      tpu.enqueue_dma source(%dma_start3A_719 : memref<128xi32, #tpu.memory_space<vmem>>) target(%dma_start3A_716 : memref<128xi32, #tpu.memory_space<hbm>>) target_semaphore(%arg6 : memref<!tpu.dma_semaphore, #tpu.memory_space<semaphore_mem>>)
      %mul3A_720 = arith.constant 50 : i32
      %mul3A_721 = arith.muli %add3A_9, %mul3A_720 : i32
      %add3A_722 = arith.constant 38 : i32
      %add3A_723 = arith.addi %mul3A_721, %add3A_722 : i32
      %mul3A_724 = arith.constant 128 : i32
      %mul3A_725 = arith.muli %add3A_723, %mul3A_724 : i32
      %dma_start3A_726 = arith.constant 38 : i32
      %dma_start3A_727 = arith.constant 0 : i32
      %dma_start3A_728 = tpu.memref_slice %arg4[%dma_start3A_726, %dma_start3A_727] : memref<56x128xi32, #tpu.memory_space<vmem>> -> memref<1x128xi32, #tpu.memory_space<vmem>>
      %dma_start3A_729 = tpu.memref_squeeze %dma_start3A_728 : memref<1x128xi32, #tpu.memory_space<vmem>> -> memref<128xi32, #tpu.memory_space<vmem>>
      %dma_start3A_730 = tpu.memref_slice %arg3[%mul3A_725] : memref<819200xi32, #tpu.memory_space<hbm>> -> memref<128xi32, #tpu.memory_space<hbm>>
      %dma_start3A_731 = tpu.memref_slice %arg3[%mul3A_725] : memref<819200xi32, #tpu.memory_space<hbm>> -> memref<128xi32, #tpu.memory_space<hbm>>
      %dma_start3A_732 = arith.constant 0 : i32
      %dma_start3A_733 = tpu.memref_slice %arg4[%dma_start3A_726, %dma_start3A_732] : memref<56x128xi32, #tpu.memory_space<vmem>> -> memref<1x128xi32, #tpu.memory_space<vmem>>
      %dma_start3A_734 = tpu.memref_squeeze %dma_start3A_733 : memref<1x128xi32, #tpu.memory_space<vmem>> -> memref<128xi32, #tpu.memory_space<vmem>>
      tpu.enqueue_dma source(%dma_start3A_734 : memref<128xi32, #tpu.memory_space<vmem>>) target(%dma_start3A_731 : memref<128xi32, #tpu.memory_space<hbm>>) target_semaphore(%arg6 : memref<!tpu.dma_semaphore, #tpu.memory_space<semaphore_mem>>)
      %mul3A_735 = arith.constant 50 : i32
      %mul3A_736 = arith.muli %add3A_9, %mul3A_735 : i32
      %add3A_737 = arith.constant 39 : i32
      %add3A_738 = arith.addi %mul3A_736, %add3A_737 : i32
      %mul3A_739 = arith.constant 128 : i32
      %mul3A_740 = arith.muli %add3A_738, %mul3A_739 : i32
      %dma_start3A_741 = arith.constant 39 : i32
      %dma_start3A_742 = arith.constant 0 : i32
      %dma_start3A_743 = tpu.memref_slice %arg4[%dma_start3A_741, %dma_start3A_742] : memref<56x128xi32, #tpu.memory_space<vmem>> -> memref<1x128xi32, #tpu.memory_space<vmem>>
      %dma_start3A_744 = tpu.memref_squeeze %dma_start3A_743 : memref<1x128xi32, #tpu.memory_space<vmem>> -> memref<128xi32, #tpu.memory_space<vmem>>
      %dma_start3A_745 = tpu.memref_slice %arg3[%mul3A_740] : memref<819200xi32, #tpu.memory_space<hbm>> -> memref<128xi32, #tpu.memory_space<hbm>>
      %dma_start3A_746 = tpu.memref_slice %arg3[%mul3A_740] : memref<819200xi32, #tpu.memory_space<hbm>> -> memref<128xi32, #tpu.memory_space<hbm>>
      %dma_start3A_747 = arith.constant 0 : i32
      %dma_start3A_748 = tpu.memref_slice %arg4[%dma_start3A_741, %dma_start3A_747] : memref<56x128xi32, #tpu.memory_space<vmem>> -> memref<1x128xi32, #tpu.memory_space<vmem>>
      %dma_start3A_749 = tpu.memref_squeeze %dma_start3A_748 : memref<1x128xi32, #tpu.memory_space<vmem>> -> memref<128xi32, #tpu.memory_space<vmem>>
      tpu.enqueue_dma source(%dma_start3A_749 : memref<128xi32, #tpu.memory_space<vmem>>) target(%dma_start3A_746 : memref<128xi32, #tpu.memory_space<hbm>>) target_semaphore(%arg6 : memref<!tpu.dma_semaphore, #tpu.memory_space<semaphore_mem>>)
      %mul3A_750 = arith.constant 50 : i32
      %mul3A_751 = arith.muli %add3A_9, %mul3A_750 : i32
      %add3A_752 = arith.constant 40 : i32
      %add3A_753 = arith.addi %mul3A_751, %add3A_752 : i32
      %mul3A_754 = arith.constant 128 : i32
      %mul3A_755 = arith.muli %add3A_753, %mul3A_754 : i32
      %dma_start3A_756 = arith.constant 40 : i32
      %dma_start3A_757 = arith.constant 0 : i32
      %dma_start3A_758 = tpu.memref_slice %arg4[%dma_start3A_756, %dma_start3A_757] : memref<56x128xi32, #tpu.memory_space<vmem>> -> memref<1x128xi32, #tpu.memory_space<vmem>>
      %dma_start3A_759 = tpu.memref_squeeze %dma_start3A_758 : memref<1x128xi32, #tpu.memory_space<vmem>> -> memref<128xi32, #tpu.memory_space<vmem>>
      %dma_start3A_760 = tpu.memref_slice %arg3[%mul3A_755] : memref<819200xi32, #tpu.memory_space<hbm>> -> memref<128xi32, #tpu.memory_space<hbm>>
      %dma_start3A_761 = tpu.memref_slice %arg3[%mul3A_755] : memref<819200xi32, #tpu.memory_space<hbm>> -> memref<128xi32, #tpu.memory_space<hbm>>
      %dma_start3A_762 = arith.constant 0 : i32
      %dma_start3A_763 = tpu.memref_slice %arg4[%dma_start3A_756, %dma_start3A_762] : memref<56x128xi32, #tpu.memory_space<vmem>> -> memref<1x128xi32, #tpu.memory_space<vmem>>
      %dma_start3A_764 = tpu.memref_squeeze %dma_start3A_763 : memref<1x128xi32, #tpu.memory_space<vmem>> -> memref<128xi32, #tpu.memory_space<vmem>>
      tpu.enqueue_dma source(%dma_start3A_764 : memref<128xi32, #tpu.memory_space<vmem>>) target(%dma_start3A_761 : memref<128xi32, #tpu.memory_space<hbm>>) target_semaphore(%arg6 : memref<!tpu.dma_semaphore, #tpu.memory_space<semaphore_mem>>)
      %mul3A_765 = arith.constant 50 : i32
      %mul3A_766 = arith.muli %add3A_9, %mul3A_765 : i32
      %add3A_767 = arith.constant 41 : i32
      %add3A_768 = arith.addi %mul3A_766, %add3A_767 : i32
      %mul3A_769 = arith.constant 128 : i32
      %mul3A_770 = arith.muli %add3A_768, %mul3A_769 : i32
      %dma_start3A_771 = arith.constant 41 : i32
      %dma_start3A_772 = arith.constant 0 : i32
      %dma_start3A_773 = tpu.memref_slice %arg4[%dma_start3A_771, %dma_start3A_772] : memref<56x128xi32, #tpu.memory_space<vmem>> -> memref<1x128xi32, #tpu.memory_space<vmem>>
      %dma_start3A_774 = tpu.memref_squeeze %dma_start3A_773 : memref<1x128xi32, #tpu.memory_space<vmem>> -> memref<128xi32, #tpu.memory_space<vmem>>
      %dma_start3A_775 = tpu.memref_slice %arg3[%mul3A_770] : memref<819200xi32, #tpu.memory_space<hbm>> -> memref<128xi32, #tpu.memory_space<hbm>>
      %dma_start3A_776 = tpu.memref_slice %arg3[%mul3A_770] : memref<819200xi32, #tpu.memory_space<hbm>> -> memref<128xi32, #tpu.memory_space<hbm>>
      %dma_start3A_777 = arith.constant 0 : i32
      %dma_start3A_778 = tpu.memref_slice %arg4[%dma_start3A_771, %dma_start3A_777] : memref<56x128xi32, #tpu.memory_space<vmem>> -> memref<1x128xi32, #tpu.memory_space<vmem>>
      %dma_start3A_779 = tpu.memref_squeeze %dma_start3A_778 : memref<1x128xi32, #tpu.memory_space<vmem>> -> memref<128xi32, #tpu.memory_space<vmem>>
      tpu.enqueue_dma source(%dma_start3A_779 : memref<128xi32, #tpu.memory_space<vmem>>) target(%dma_start3A_776 : memref<128xi32, #tpu.memory_space<hbm>>) target_semaphore(%arg6 : memref<!tpu.dma_semaphore, #tpu.memory_space<semaphore_mem>>)
      %mul3A_780 = arith.constant 50 : i32
      %mul3A_781 = arith.muli %add3A_9, %mul3A_780 : i32
      %add3A_782 = arith.constant 42 : i32
      %add3A_783 = arith.addi %mul3A_781, %add3A_782 : i32
      %mul3A_784 = arith.constant 128 : i32
      %mul3A_785 = arith.muli %add3A_783, %mul3A_784 : i32
      %dma_start3A_786 = arith.constant 42 : i32
      %dma_start3A_787 = arith.constant 0 : i32
      %dma_start3A_788 = tpu.memref_slice %arg4[%dma_start3A_786, %dma_start3A_787] : memref<56x128xi32, #tpu.memory_space<vmem>> -> memref<1x128xi32, #tpu.memory_space<vmem>>
      %dma_start3A_789 = tpu.memref_squeeze %dma_start3A_788 : memref<1x128xi32, #tpu.memory_space<vmem>> -> memref<128xi32, #tpu.memory_space<vmem>>
      %dma_start3A_790 = tpu.memref_slice %arg3[%mul3A_785] : memref<819200xi32, #tpu.memory_space<hbm>> -> memref<128xi32, #tpu.memory_space<hbm>>
      %dma_start3A_791 = tpu.memref_slice %arg3[%mul3A_785] : memref<819200xi32, #tpu.memory_space<hbm>> -> memref<128xi32, #tpu.memory_space<hbm>>
      %dma_start3A_792 = arith.constant 0 : i32
      %dma_start3A_793 = tpu.memref_slice %arg4[%dma_start3A_786, %dma_start3A_792] : memref<56x128xi32, #tpu.memory_space<vmem>> -> memref<1x128xi32, #tpu.memory_space<vmem>>
      %dma_start3A_794 = tpu.memref_squeeze %dma_start3A_793 : memref<1x128xi32, #tpu.memory_space<vmem>> -> memref<128xi32, #tpu.memory_space<vmem>>
      tpu.enqueue_dma source(%dma_start3A_794 : memref<128xi32, #tpu.memory_space<vmem>>) target(%dma_start3A_791 : memref<128xi32, #tpu.memory_space<hbm>>) target_semaphore(%arg6 : memref<!tpu.dma_semaphore, #tpu.memory_space<semaphore_mem>>)
      %mul3A_795 = arith.constant 50 : i32
      %mul3A_796 = arith.muli %add3A_9, %mul3A_795 : i32
      %add3A_797 = arith.constant 43 : i32
      %add3A_798 = arith.addi %mul3A_796, %add3A_797 : i32
      %mul3A_799 = arith.constant 128 : i32
      %mul3A_800 = arith.muli %add3A_798, %mul3A_799 : i32
      %dma_start3A_801 = arith.constant 43 : i32
      %dma_start3A_802 = arith.constant 0 : i32
      %dma_start3A_803 = tpu.memref_slice %arg4[%dma_start3A_801, %dma_start3A_802] : memref<56x128xi32, #tpu.memory_space<vmem>> -> memref<1x128xi32, #tpu.memory_space<vmem>>
      %dma_start3A_804 = tpu.memref_squeeze %dma_start3A_803 : memref<1x128xi32, #tpu.memory_space<vmem>> -> memref<128xi32, #tpu.memory_space<vmem>>
      %dma_start3A_805 = tpu.memref_slice %arg3[%mul3A_800] : memref<819200xi32, #tpu.memory_space<hbm>> -> memref<128xi32, #tpu.memory_space<hbm>>
      %dma_start3A_806 = tpu.memref_slice %arg3[%mul3A_800] : memref<819200xi32, #tpu.memory_space<hbm>> -> memref<128xi32, #tpu.memory_space<hbm>>
      %dma_start3A_807 = arith.constant 0 : i32
      %dma_start3A_808 = tpu.memref_slice %arg4[%dma_start3A_801, %dma_start3A_807] : memref<56x128xi32, #tpu.memory_space<vmem>> -> memref<1x128xi32, #tpu.memory_space<vmem>>
      %dma_start3A_809 = tpu.memref_squeeze %dma_start3A_808 : memref<1x128xi32, #tpu.memory_space<vmem>> -> memref<128xi32, #tpu.memory_space<vmem>>
      tpu.enqueue_dma source(%dma_start3A_809 : memref<128xi32, #tpu.memory_space<vmem>>) target(%dma_start3A_806 : memref<128xi32, #tpu.memory_space<hbm>>) target_semaphore(%arg6 : memref<!tpu.dma_semaphore, #tpu.memory_space<semaphore_mem>>)
      %mul3A_810 = arith.constant 50 : i32
      %mul3A_811 = arith.muli %add3A_9, %mul3A_810 : i32
      %add3A_812 = arith.constant 44 : i32
      %add3A_813 = arith.addi %mul3A_811, %add3A_812 : i32
      %mul3A_814 = arith.constant 128 : i32
      %mul3A_815 = arith.muli %add3A_813, %mul3A_814 : i32
      %dma_start3A_816 = arith.constant 44 : i32
      %dma_start3A_817 = arith.constant 0 : i32
      %dma_start3A_818 = tpu.memref_slice %arg4[%dma_start3A_816, %dma_start3A_817] : memref<56x128xi32, #tpu.memory_space<vmem>> -> memref<1x128xi32, #tpu.memory_space<vmem>>
      %dma_start3A_819 = tpu.memref_squeeze %dma_start3A_818 : memref<1x128xi32, #tpu.memory_space<vmem>> -> memref<128xi32, #tpu.memory_space<vmem>>
      %dma_start3A_820 = tpu.memref_slice %arg3[%mul3A_815] : memref<819200xi32, #tpu.memory_space<hbm>> -> memref<128xi32, #tpu.memory_space<hbm>>
      %dma_start3A_821 = tpu.memref_slice %arg3[%mul3A_815] : memref<819200xi32, #tpu.memory_space<hbm>> -> memref<128xi32, #tpu.memory_space<hbm>>
      %dma_start3A_822 = arith.constant 0 : i32
      %dma_start3A_823 = tpu.memref_slice %arg4[%dma_start3A_816, %dma_start3A_822] : memref<56x128xi32, #tpu.memory_space<vmem>> -> memref<1x128xi32, #tpu.memory_space<vmem>>
      %dma_start3A_824 = tpu.memref_squeeze %dma_start3A_823 : memref<1x128xi32, #tpu.memory_space<vmem>> -> memref<128xi32, #tpu.memory_space<vmem>>
      tpu.enqueue_dma source(%dma_start3A_824 : memref<128xi32, #tpu.memory_space<vmem>>) target(%dma_start3A_821 : memref<128xi32, #tpu.memory_space<hbm>>) target_semaphore(%arg6 : memref<!tpu.dma_semaphore, #tpu.memory_space<semaphore_mem>>)
      %mul3A_825 = arith.constant 50 : i32
      %mul3A_826 = arith.muli %add3A_9, %mul3A_825 : i32
      %add3A_827 = arith.constant 45 : i32
      %add3A_828 = arith.addi %mul3A_826, %add3A_827 : i32
      %mul3A_829 = arith.constant 128 : i32
      %mul3A_830 = arith.muli %add3A_828, %mul3A_829 : i32
      %dma_start3A_831 = arith.constant 45 : i32
      %dma_start3A_832 = arith.constant 0 : i32
      %dma_start3A_833 = tpu.memref_slice %arg4[%dma_start3A_831, %dma_start3A_832] : memref<56x128xi32, #tpu.memory_space<vmem>> -> memref<1x128xi32, #tpu.memory_space<vmem>>
      %dma_start3A_834 = tpu.memref_squeeze %dma_start3A_833 : memref<1x128xi32, #tpu.memory_space<vmem>> -> memref<128xi32, #tpu.memory_space<vmem>>
      %dma_start3A_835 = tpu.memref_slice %arg3[%mul3A_830] : memref<819200xi32, #tpu.memory_space<hbm>> -> memref<128xi32, #tpu.memory_space<hbm>>
      %dma_start3A_836 = tpu.memref_slice %arg3[%mul3A_830] : memref<819200xi32, #tpu.memory_space<hbm>> -> memref<128xi32, #tpu.memory_space<hbm>>
      %dma_start3A_837 = arith.constant 0 : i32
      %dma_start3A_838 = tpu.memref_slice %arg4[%dma_start3A_831, %dma_start3A_837] : memref<56x128xi32, #tpu.memory_space<vmem>> -> memref<1x128xi32, #tpu.memory_space<vmem>>
      %dma_start3A_839 = tpu.memref_squeeze %dma_start3A_838 : memref<1x128xi32, #tpu.memory_space<vmem>> -> memref<128xi32, #tpu.memory_space<vmem>>
      tpu.enqueue_dma source(%dma_start3A_839 : memref<128xi32, #tpu.memory_space<vmem>>) target(%dma_start3A_836 : memref<128xi32, #tpu.memory_space<hbm>>) target_semaphore(%arg6 : memref<!tpu.dma_semaphore, #tpu.memory_space<semaphore_mem>>)
      %mul3A_840 = arith.constant 50 : i32
      %mul3A_841 = arith.muli %add3A_9, %mul3A_840 : i32
      %add3A_842 = arith.constant 46 : i32
      %add3A_843 = arith.addi %mul3A_841, %add3A_842 : i32
      %mul3A_844 = arith.constant 128 : i32
      %mul3A_845 = arith.muli %add3A_843, %mul3A_844 : i32
      %dma_start3A_846 = arith.constant 46 : i32
      %dma_start3A_847 = arith.constant 0 : i32
      %dma_start3A_848 = tpu.memref_slice %arg4[%dma_start3A_846, %dma_start3A_847] : memref<56x128xi32, #tpu.memory_space<vmem>> -> memref<1x128xi32, #tpu.memory_space<vmem>>
      %dma_start3A_849 = tpu.memref_squeeze %dma_start3A_848 : memref<1x128xi32, #tpu.memory_space<vmem>> -> memref<128xi32, #tpu.memory_space<vmem>>
      %dma_start3A_850 = tpu.memref_slice %arg3[%mul3A_845] : memref<819200xi32, #tpu.memory_space<hbm>> -> memref<128xi32, #tpu.memory_space<hbm>>
      %dma_start3A_851 = tpu.memref_slice %arg3[%mul3A_845] : memref<819200xi32, #tpu.memory_space<hbm>> -> memref<128xi32, #tpu.memory_space<hbm>>
      %dma_start3A_852 = arith.constant 0 : i32
      %dma_start3A_853 = tpu.memref_slice %arg4[%dma_start3A_846, %dma_start3A_852] : memref<56x128xi32, #tpu.memory_space<vmem>> -> memref<1x128xi32, #tpu.memory_space<vmem>>
      %dma_start3A_854 = tpu.memref_squeeze %dma_start3A_853 : memref<1x128xi32, #tpu.memory_space<vmem>> -> memref<128xi32, #tpu.memory_space<vmem>>
      tpu.enqueue_dma source(%dma_start3A_854 : memref<128xi32, #tpu.memory_space<vmem>>) target(%dma_start3A_851 : memref<128xi32, #tpu.memory_space<hbm>>) target_semaphore(%arg6 : memref<!tpu.dma_semaphore, #tpu.memory_space<semaphore_mem>>)
      %mul3A_855 = arith.constant 50 : i32
      %mul3A_856 = arith.muli %add3A_9, %mul3A_855 : i32
      %add3A_857 = arith.constant 47 : i32
      %add3A_858 = arith.addi %mul3A_856, %add3A_857 : i32
      %mul3A_859 = arith.constant 128 : i32
      %mul3A_860 = arith.muli %add3A_858, %mul3A_859 : i32
      %dma_start3A_861 = arith.constant 47 : i32
      %dma_start3A_862 = arith.constant 0 : i32
      %dma_start3A_863 = tpu.memref_slice %arg4[%dma_start3A_861, %dma_start3A_862] : memref<56x128xi32, #tpu.memory_space<vmem>> -> memref<1x128xi32, #tpu.memory_space<vmem>>
      %dma_start3A_864 = tpu.memref_squeeze %dma_start3A_863 : memref<1x128xi32, #tpu.memory_space<vmem>> -> memref<128xi32, #tpu.memory_space<vmem>>
      %dma_start3A_865 = tpu.memref_slice %arg3[%mul3A_860] : memref<819200xi32, #tpu.memory_space<hbm>> -> memref<128xi32, #tpu.memory_space<hbm>>
      %dma_start3A_866 = tpu.memref_slice %arg3[%mul3A_860] : memref<819200xi32, #tpu.memory_space<hbm>> -> memref<128xi32, #tpu.memory_space<hbm>>
      %dma_start3A_867 = arith.constant 0 : i32
      %dma_start3A_868 = tpu.memref_slice %arg4[%dma_start3A_861, %dma_start3A_867] : memref<56x128xi32, #tpu.memory_space<vmem>> -> memref<1x128xi32, #tpu.memory_space<vmem>>
      %dma_start3A_869 = tpu.memref_squeeze %dma_start3A_868 : memref<1x128xi32, #tpu.memory_space<vmem>> -> memref<128xi32, #tpu.memory_space<vmem>>
      tpu.enqueue_dma source(%dma_start3A_869 : memref<128xi32, #tpu.memory_space<vmem>>) target(%dma_start3A_866 : memref<128xi32, #tpu.memory_space<hbm>>) target_semaphore(%arg6 : memref<!tpu.dma_semaphore, #tpu.memory_space<semaphore_mem>>)
      %mul3A_870 = arith.constant 50 : i32
      %mul3A_871 = arith.muli %add3A_9, %mul3A_870 : i32
      %add3A_872 = arith.constant 48 : i32
      %add3A_873 = arith.addi %mul3A_871, %add3A_872 : i32
      %mul3A_874 = arith.constant 128 : i32
      %mul3A_875 = arith.muli %add3A_873, %mul3A_874 : i32
      %dma_start3A_876 = arith.constant 48 : i32
      %dma_start3A_877 = arith.constant 0 : i32
      %dma_start3A_878 = tpu.memref_slice %arg4[%dma_start3A_876, %dma_start3A_877] : memref<56x128xi32, #tpu.memory_space<vmem>> -> memref<1x128xi32, #tpu.memory_space<vmem>>
      %dma_start3A_879 = tpu.memref_squeeze %dma_start3A_878 : memref<1x128xi32, #tpu.memory_space<vmem>> -> memref<128xi32, #tpu.memory_space<vmem>>
      %dma_start3A_880 = tpu.memref_slice %arg3[%mul3A_875] : memref<819200xi32, #tpu.memory_space<hbm>> -> memref<128xi32, #tpu.memory_space<hbm>>
      %dma_start3A_881 = tpu.memref_slice %arg3[%mul3A_875] : memref<819200xi32, #tpu.memory_space<hbm>> -> memref<128xi32, #tpu.memory_space<hbm>>
      %dma_start3A_882 = arith.constant 0 : i32
      %dma_start3A_883 = tpu.memref_slice %arg4[%dma_start3A_876, %dma_start3A_882] : memref<56x128xi32, #tpu.memory_space<vmem>> -> memref<1x128xi32, #tpu.memory_space<vmem>>
      %dma_start3A_884 = tpu.memref_squeeze %dma_start3A_883 : memref<1x128xi32, #tpu.memory_space<vmem>> -> memref<128xi32, #tpu.memory_space<vmem>>
      tpu.enqueue_dma source(%dma_start3A_884 : memref<128xi32, #tpu.memory_space<vmem>>) target(%dma_start3A_881 : memref<128xi32, #tpu.memory_space<hbm>>) target_semaphore(%arg6 : memref<!tpu.dma_semaphore, #tpu.memory_space<semaphore_mem>>)
      %mul3A_885 = arith.constant 50 : i32
      %mul3A_886 = arith.muli %add3A_9, %mul3A_885 : i32
      %add3A_887 = arith.constant 49 : i32
      %add3A_888 = arith.addi %mul3A_886, %add3A_887 : i32
      %mul3A_889 = arith.constant 128 : i32
      %mul3A_890 = arith.muli %add3A_888, %mul3A_889 : i32
      %dma_start3A_891 = arith.constant 49 : i32
      %dma_start3A_892 = arith.constant 0 : i32
      %dma_start3A_893 = tpu.memref_slice %arg4[%dma_start3A_891, %dma_start3A_892] : memref<56x128xi32, #tpu.memory_space<vmem>> -> memref<1x128xi32, #tpu.memory_space<vmem>>
      %dma_start3A_894 = tpu.memref_squeeze %dma_start3A_893 : memref<1x128xi32, #tpu.memory_space<vmem>> -> memref<128xi32, #tpu.memory_space<vmem>>
      %dma_start3A_895 = tpu.memref_slice %arg3[%mul3A_890] : memref<819200xi32, #tpu.memory_space<hbm>> -> memref<128xi32, #tpu.memory_space<hbm>>
      %dma_start3A_896 = tpu.memref_slice %arg3[%mul3A_890] : memref<819200xi32, #tpu.memory_space<hbm>> -> memref<128xi32, #tpu.memory_space<hbm>>
      %dma_start3A_897 = arith.constant 0 : i32
      %dma_start3A_898 = tpu.memref_slice %arg4[%dma_start3A_891, %dma_start3A_897] : memref<56x128xi32, #tpu.memory_space<vmem>> -> memref<1x128xi32, #tpu.memory_space<vmem>>
      %dma_start3A_899 = tpu.memref_squeeze %dma_start3A_898 : memref<1x128xi32, #tpu.memory_space<vmem>> -> memref<128xi32, #tpu.memory_space<vmem>>
      tpu.enqueue_dma source(%dma_start3A_899 : memref<128xi32, #tpu.memory_space<vmem>>) target(%dma_start3A_896 : memref<128xi32, #tpu.memory_space<hbm>>) target_semaphore(%arg6 : memref<!tpu.dma_semaphore, #tpu.memory_space<semaphore_mem>>)
      %mul3A_900 = arith.constant 50 : i32
      %mul3A_901 = arith.muli %add3A_9, %mul3A_900 : i32
      %add3A_902 = arith.constant 0 : i32
      %add3A_903 = arith.addi %mul3A_901, %add3A_902 : i32
      %mul3A_904 = arith.constant 128 : i32
      %mul3A_905 = arith.muli %add3A_903, %mul3A_904 : i32
      %dma_wait3A_906 = arith.constant 0 : i32
      %dma_wait3A_907 = arith.constant 0 : i32
      %dma_wait3A_908 = tpu.memref_slice %arg4[%dma_wait3A_906, %dma_wait3A_907] : memref<56x128xi32, #tpu.memory_space<vmem>> -> memref<1x128xi32, #tpu.memory_space<vmem>>
      %dma_wait3A_909 = tpu.memref_squeeze %dma_wait3A_908 : memref<1x128xi32, #tpu.memory_space<vmem>> -> memref<128xi32, #tpu.memory_space<vmem>>
      %dma_wait3A_910 = tpu.memref_slice %arg3[%mul3A_905] : memref<819200xi32, #tpu.memory_space<hbm>> -> memref<128xi32, #tpu.memory_space<hbm>>
      %dma_wait3A_911 = tpu.memref_slice %arg3[%mul3A_905] : memref<819200xi32, #tpu.memory_space<hbm>> -> memref<128xi32, #tpu.memory_space<hbm>>
      %dma_wait3A_912 = arith.constant 0 : i32
      %dma_wait3A_913 = tpu.memref_slice %arg4[%dma_wait3A_906, %dma_wait3A_912] : memref<56x128xi32, #tpu.memory_space<vmem>> -> memref<1x128xi32, #tpu.memory_space<vmem>>
      %dma_wait3A_914 = tpu.memref_squeeze %dma_wait3A_913 : memref<1x128xi32, #tpu.memory_space<vmem>> -> memref<128xi32, #tpu.memory_space<vmem>>
      tpu.wait_dma2 semaphore(%arg6 : memref<!tpu.dma_semaphore, #tpu.memory_space<semaphore_mem>>) src(%dma_wait3A_914 : memref<128xi32, #tpu.memory_space<vmem>>) dst(%dma_wait3A_911 : memref<128xi32, #tpu.memory_space<hbm>>)
      %mul3A_915 = arith.constant 50 : i32
      %mul3A_916 = arith.muli %add3A_9, %mul3A_915 : i32
      %add3A_917 = arith.constant 1 : i32
      %add3A_918 = arith.addi %mul3A_916, %add3A_917 : i32
      %mul3A_919 = arith.constant 128 : i32
      %mul3A_920 = arith.muli %add3A_918, %mul3A_919 : i32
      %dma_wait3A_921 = arith.constant 1 : i32
      %dma_wait3A_922 = arith.constant 0 : i32
      %dma_wait3A_923 = tpu.memref_slice %arg4[%dma_wait3A_921, %dma_wait3A_922] : memref<56x128xi32, #tpu.memory_space<vmem>> -> memref<1x128xi32, #tpu.memory_space<vmem>>
      %dma_wait3A_924 = tpu.memref_squeeze %dma_wait3A_923 : memref<1x128xi32, #tpu.memory_space<vmem>> -> memref<128xi32, #tpu.memory_space<vmem>>
      %dma_wait3A_925 = tpu.memref_slice %arg3[%mul3A_920] : memref<819200xi32, #tpu.memory_space<hbm>> -> memref<128xi32, #tpu.memory_space<hbm>>
      %dma_wait3A_926 = tpu.memref_slice %arg3[%mul3A_920] : memref<819200xi32, #tpu.memory_space<hbm>> -> memref<128xi32, #tpu.memory_space<hbm>>
      %dma_wait3A_927 = arith.constant 0 : i32
      %dma_wait3A_928 = tpu.memref_slice %arg4[%dma_wait3A_921, %dma_wait3A_927] : memref<56x128xi32, #tpu.memory_space<vmem>> -> memref<1x128xi32, #tpu.memory_space<vmem>>
      %dma_wait3A_929 = tpu.memref_squeeze %dma_wait3A_928 : memref<1x128xi32, #tpu.memory_space<vmem>> -> memref<128xi32, #tpu.memory_space<vmem>>
      tpu.wait_dma2 semaphore(%arg6 : memref<!tpu.dma_semaphore, #tpu.memory_space<semaphore_mem>>) src(%dma_wait3A_929 : memref<128xi32, #tpu.memory_space<vmem>>) dst(%dma_wait3A_926 : memref<128xi32, #tpu.memory_space<hbm>>)
      %mul3A_930 = arith.constant 50 : i32
      %mul3A_931 = arith.muli %add3A_9, %mul3A_930 : i32
      %add3A_932 = arith.constant 2 : i32
      %add3A_933 = arith.addi %mul3A_931, %add3A_932 : i32
      %mul3A_934 = arith.constant 128 : i32
      %mul3A_935 = arith.muli %add3A_933, %mul3A_934 : i32
      %dma_wait3A_936 = arith.constant 2 : i32
      %dma_wait3A_937 = arith.constant 0 : i32
      %dma_wait3A_938 = tpu.memref_slice %arg4[%dma_wait3A_936, %dma_wait3A_937] : memref<56x128xi32, #tpu.memory_space<vmem>> -> memref<1x128xi32, #tpu.memory_space<vmem>>
      %dma_wait3A_939 = tpu.memref_squeeze %dma_wait3A_938 : memref<1x128xi32, #tpu.memory_space<vmem>> -> memref<128xi32, #tpu.memory_space<vmem>>
      %dma_wait3A_940 = tpu.memref_slice %arg3[%mul3A_935] : memref<819200xi32, #tpu.memory_space<hbm>> -> memref<128xi32, #tpu.memory_space<hbm>>
      %dma_wait3A_941 = tpu.memref_slice %arg3[%mul3A_935] : memref<819200xi32, #tpu.memory_space<hbm>> -> memref<128xi32, #tpu.memory_space<hbm>>
      %dma_wait3A_942 = arith.constant 0 : i32
      %dma_wait3A_943 = tpu.memref_slice %arg4[%dma_wait3A_936, %dma_wait3A_942] : memref<56x128xi32, #tpu.memory_space<vmem>> -> memref<1x128xi32, #tpu.memory_space<vmem>>
      %dma_wait3A_944 = tpu.memref_squeeze %dma_wait3A_943 : memref<1x128xi32, #tpu.memory_space<vmem>> -> memref<128xi32, #tpu.memory_space<vmem>>
      tpu.wait_dma2 semaphore(%arg6 : memref<!tpu.dma_semaphore, #tpu.memory_space<semaphore_mem>>) src(%dma_wait3A_944 : memref<128xi32, #tpu.memory_space<vmem>>) dst(%dma_wait3A_941 : memref<128xi32, #tpu.memory_space<hbm>>)
      %mul3A_945 = arith.constant 50 : i32
      %mul3A_946 = arith.muli %add3A_9, %mul3A_945 : i32
      %add3A_947 = arith.constant 3 : i32
      %add3A_948 = arith.addi %mul3A_946, %add3A_947 : i32
      %mul3A_949 = arith.constant 128 : i32
      %mul3A_950 = arith.muli %add3A_948, %mul3A_949 : i32
      %dma_wait3A_951 = arith.constant 3 : i32
      %dma_wait3A_952 = arith.constant 0 : i32
      %dma_wait3A_953 = tpu.memref_slice %arg4[%dma_wait3A_951, %dma_wait3A_952] : memref<56x128xi32, #tpu.memory_space<vmem>> -> memref<1x128xi32, #tpu.memory_space<vmem>>
      %dma_wait3A_954 = tpu.memref_squeeze %dma_wait3A_953 : memref<1x128xi32, #tpu.memory_space<vmem>> -> memref<128xi32, #tpu.memory_space<vmem>>
      %dma_wait3A_955 = tpu.memref_slice %arg3[%mul3A_950] : memref<819200xi32, #tpu.memory_space<hbm>> -> memref<128xi32, #tpu.memory_space<hbm>>
      %dma_wait3A_956 = tpu.memref_slice %arg3[%mul3A_950] : memref<819200xi32, #tpu.memory_space<hbm>> -> memref<128xi32, #tpu.memory_space<hbm>>
      %dma_wait3A_957 = arith.constant 0 : i32
      %dma_wait3A_958 = tpu.memref_slice %arg4[%dma_wait3A_951, %dma_wait3A_957] : memref<56x128xi32, #tpu.memory_space<vmem>> -> memref<1x128xi32, #tpu.memory_space<vmem>>
      %dma_wait3A_959 = tpu.memref_squeeze %dma_wait3A_958 : memref<1x128xi32, #tpu.memory_space<vmem>> -> memref<128xi32, #tpu.memory_space<vmem>>
      tpu.wait_dma2 semaphore(%arg6 : memref<!tpu.dma_semaphore, #tpu.memory_space<semaphore_mem>>) src(%dma_wait3A_959 : memref<128xi32, #tpu.memory_space<vmem>>) dst(%dma_wait3A_956 : memref<128xi32, #tpu.memory_space<hbm>>)
      %mul3A_960 = arith.constant 50 : i32
      %mul3A_961 = arith.muli %add3A_9, %mul3A_960 : i32
      %add3A_962 = arith.constant 4 : i32
      %add3A_963 = arith.addi %mul3A_961, %add3A_962 : i32
      %mul3A_964 = arith.constant 128 : i32
      %mul3A_965 = arith.muli %add3A_963, %mul3A_964 : i32
      %dma_wait3A_966 = arith.constant 4 : i32
      %dma_wait3A_967 = arith.constant 0 : i32
      %dma_wait3A_968 = tpu.memref_slice %arg4[%dma_wait3A_966, %dma_wait3A_967] : memref<56x128xi32, #tpu.memory_space<vmem>> -> memref<1x128xi32, #tpu.memory_space<vmem>>
      %dma_wait3A_969 = tpu.memref_squeeze %dma_wait3A_968 : memref<1x128xi32, #tpu.memory_space<vmem>> -> memref<128xi32, #tpu.memory_space<vmem>>
      %dma_wait3A_970 = tpu.memref_slice %arg3[%mul3A_965] : memref<819200xi32, #tpu.memory_space<hbm>> -> memref<128xi32, #tpu.memory_space<hbm>>
      %dma_wait3A_971 = tpu.memref_slice %arg3[%mul3A_965] : memref<819200xi32, #tpu.memory_space<hbm>> -> memref<128xi32, #tpu.memory_space<hbm>>
      %dma_wait3A_972 = arith.constant 0 : i32
      %dma_wait3A_973 = tpu.memref_slice %arg4[%dma_wait3A_966, %dma_wait3A_972] : memref<56x128xi32, #tpu.memory_space<vmem>> -> memref<1x128xi32, #tpu.memory_space<vmem>>
      %dma_wait3A_974 = tpu.memref_squeeze %dma_wait3A_973 : memref<1x128xi32, #tpu.memory_space<vmem>> -> memref<128xi32, #tpu.memory_space<vmem>>
      tpu.wait_dma2 semaphore(%arg6 : memref<!tpu.dma_semaphore, #tpu.memory_space<semaphore_mem>>) src(%dma_wait3A_974 : memref<128xi32, #tpu.memory_space<vmem>>) dst(%dma_wait3A_971 : memref<128xi32, #tpu.memory_space<hbm>>)
      %mul3A_975 = arith.constant 50 : i32
      %mul3A_976 = arith.muli %add3A_9, %mul3A_975 : i32
      %add3A_977 = arith.constant 5 : i32
      %add3A_978 = arith.addi %mul3A_976, %add3A_977 : i32
      %mul3A_979 = arith.constant 128 : i32
      %mul3A_980 = arith.muli %add3A_978, %mul3A_979 : i32
      %dma_wait3A_981 = arith.constant 5 : i32
      %dma_wait3A_982 = arith.constant 0 : i32
      %dma_wait3A_983 = tpu.memref_slice %arg4[%dma_wait3A_981, %dma_wait3A_982] : memref<56x128xi32, #tpu.memory_space<vmem>> -> memref<1x128xi32, #tpu.memory_space<vmem>>
      %dma_wait3A_984 = tpu.memref_squeeze %dma_wait3A_983 : memref<1x128xi32, #tpu.memory_space<vmem>> -> memref<128xi32, #tpu.memory_space<vmem>>
      %dma_wait3A_985 = tpu.memref_slice %arg3[%mul3A_980] : memref<819200xi32, #tpu.memory_space<hbm>> -> memref<128xi32, #tpu.memory_space<hbm>>
      %dma_wait3A_986 = tpu.memref_slice %arg3[%mul3A_980] : memref<819200xi32, #tpu.memory_space<hbm>> -> memref<128xi32, #tpu.memory_space<hbm>>
      %dma_wait3A_987 = arith.constant 0 : i32
      %dma_wait3A_988 = tpu.memref_slice %arg4[%dma_wait3A_981, %dma_wait3A_987] : memref<56x128xi32, #tpu.memory_space<vmem>> -> memref<1x128xi32, #tpu.memory_space<vmem>>
      %dma_wait3A_989 = tpu.memref_squeeze %dma_wait3A_988 : memref<1x128xi32, #tpu.memory_space<vmem>> -> memref<128xi32, #tpu.memory_space<vmem>>
      tpu.wait_dma2 semaphore(%arg6 : memref<!tpu.dma_semaphore, #tpu.memory_space<semaphore_mem>>) src(%dma_wait3A_989 : memref<128xi32, #tpu.memory_space<vmem>>) dst(%dma_wait3A_986 : memref<128xi32, #tpu.memory_space<hbm>>)
      %mul3A_990 = arith.constant 50 : i32
      %mul3A_991 = arith.muli %add3A_9, %mul3A_990 : i32
      %add3A_992 = arith.constant 6 : i32
      %add3A_993 = arith.addi %mul3A_991, %add3A_992 : i32
      %mul3A_994 = arith.constant 128 : i32
      %mul3A_995 = arith.muli %add3A_993, %mul3A_994 : i32
      %dma_wait3A_996 = arith.constant 6 : i32
      %dma_wait3A_997 = arith.constant 0 : i32
      %dma_wait3A_998 = tpu.memref_slice %arg4[%dma_wait3A_996, %dma_wait3A_997] : memref<56x128xi32, #tpu.memory_space<vmem>> -> memref<1x128xi32, #tpu.memory_space<vmem>>
      %dma_wait3A_999 = tpu.memref_squeeze %dma_wait3A_998 : memref<1x128xi32, #tpu.memory_space<vmem>> -> memref<128xi32, #tpu.memory_space<vmem>>
      %dma_wait3A_1000 = tpu.memref_slice %arg3[%mul3A_995] : memref<819200xi32, #tpu.memory_space<hbm>> -> memref<128xi32, #tpu.memory_space<hbm>>
      %dma_wait3A_1001 = tpu.memref_slice %arg3[%mul3A_995] : memref<819200xi32, #tpu.memory_space<hbm>> -> memref<128xi32, #tpu.memory_space<hbm>>
      %dma_wait3A_1002 = arith.constant 0 : i32
      %dma_wait3A_1003 = tpu.memref_slice %arg4[%dma_wait3A_996, %dma_wait3A_1002] : memref<56x128xi32, #tpu.memory_space<vmem>> -> memref<1x128xi32, #tpu.memory_space<vmem>>
      %dma_wait3A_1004 = tpu.memref_squeeze %dma_wait3A_1003 : memref<1x128xi32, #tpu.memory_space<vmem>> -> memref<128xi32, #tpu.memory_space<vmem>>
      tpu.wait_dma2 semaphore(%arg6 : memref<!tpu.dma_semaphore, #tpu.memory_space<semaphore_mem>>) src(%dma_wait3A_1004 : memref<128xi32, #tpu.memory_space<vmem>>) dst(%dma_wait3A_1001 : memref<128xi32, #tpu.memory_space<hbm>>)
      %mul3A_1005 = arith.constant 50 : i32
      %mul3A_1006 = arith.muli %add3A_9, %mul3A_1005 : i32
      %add3A_1007 = arith.constant 7 : i32
      %add3A_1008 = arith.addi %mul3A_1006, %add3A_1007 : i32
      %mul3A_1009 = arith.constant 128 : i32
      %mul3A_1010 = arith.muli %add3A_1008, %mul3A_1009 : i32
      %dma_wait3A_1011 = arith.constant 7 : i32
      %dma_wait3A_1012 = arith.constant 0 : i32
      %dma_wait3A_1013 = tpu.memref_slice %arg4[%dma_wait3A_1011, %dma_wait3A_1012] : memref<56x128xi32, #tpu.memory_space<vmem>> -> memref<1x128xi32, #tpu.memory_space<vmem>>
      %dma_wait3A_1014 = tpu.memref_squeeze %dma_wait3A_1013 : memref<1x128xi32, #tpu.memory_space<vmem>> -> memref<128xi32, #tpu.memory_space<vmem>>
      %dma_wait3A_1015 = tpu.memref_slice %arg3[%mul3A_1010] : memref<819200xi32, #tpu.memory_space<hbm>> -> memref<128xi32, #tpu.memory_space<hbm>>
      %dma_wait3A_1016 = tpu.memref_slice %arg3[%mul3A_1010] : memref<819200xi32, #tpu.memory_space<hbm>> -> memref<128xi32, #tpu.memory_space<hbm>>
      %dma_wait3A_1017 = arith.constant 0 : i32
      %dma_wait3A_1018 = tpu.memref_slice %arg4[%dma_wait3A_1011, %dma_wait3A_1017] : memref<56x128xi32, #tpu.memory_space<vmem>> -> memref<1x128xi32, #tpu.memory_space<vmem>>
      %dma_wait3A_1019 = tpu.memref_squeeze %dma_wait3A_1018 : memref<1x128xi32, #tpu.memory_space<vmem>> -> memref<128xi32, #tpu.memory_space<vmem>>
      tpu.wait_dma2 semaphore(%arg6 : memref<!tpu.dma_semaphore, #tpu.memory_space<semaphore_mem>>) src(%dma_wait3A_1019 : memref<128xi32, #tpu.memory_space<vmem>>) dst(%dma_wait3A_1016 : memref<128xi32, #tpu.memory_space<hbm>>)
      %mul3A_1020 = arith.constant 50 : i32
      %mul3A_1021 = arith.muli %add3A_9, %mul3A_1020 : i32
      %add3A_1022 = arith.constant 8 : i32
      %add3A_1023 = arith.addi %mul3A_1021, %add3A_1022 : i32
      %mul3A_1024 = arith.constant 128 : i32
      %mul3A_1025 = arith.muli %add3A_1023, %mul3A_1024 : i32
      %dma_wait3A_1026 = arith.constant 8 : i32
      %dma_wait3A_1027 = arith.constant 0 : i32
      %dma_wait3A_1028 = tpu.memref_slice %arg4[%dma_wait3A_1026, %dma_wait3A_1027] : memref<56x128xi32, #tpu.memory_space<vmem>> -> memref<1x128xi32, #tpu.memory_space<vmem>>
      %dma_wait3A_1029 = tpu.memref_squeeze %dma_wait3A_1028 : memref<1x128xi32, #tpu.memory_space<vmem>> -> memref<128xi32, #tpu.memory_space<vmem>>
      %dma_wait3A_1030 = tpu.memref_slice %arg3[%mul3A_1025] : memref<819200xi32, #tpu.memory_space<hbm>> -> memref<128xi32, #tpu.memory_space<hbm>>
      %dma_wait3A_1031 = tpu.memref_slice %arg3[%mul3A_1025] : memref<819200xi32, #tpu.memory_space<hbm>> -> memref<128xi32, #tpu.memory_space<hbm>>
      %dma_wait3A_1032 = arith.constant 0 : i32
      %dma_wait3A_1033 = tpu.memref_slice %arg4[%dma_wait3A_1026, %dma_wait3A_1032] : memref<56x128xi32, #tpu.memory_space<vmem>> -> memref<1x128xi32, #tpu.memory_space<vmem>>
      %dma_wait3A_1034 = tpu.memref_squeeze %dma_wait3A_1033 : memref<1x128xi32, #tpu.memory_space<vmem>> -> memref<128xi32, #tpu.memory_space<vmem>>
      tpu.wait_dma2 semaphore(%arg6 : memref<!tpu.dma_semaphore, #tpu.memory_space<semaphore_mem>>) src(%dma_wait3A_1034 : memref<128xi32, #tpu.memory_space<vmem>>) dst(%dma_wait3A_1031 : memref<128xi32, #tpu.memory_space<hbm>>)
      %mul3A_1035 = arith.constant 50 : i32
      %mul3A_1036 = arith.muli %add3A_9, %mul3A_1035 : i32
      %add3A_1037 = arith.constant 9 : i32
      %add3A_1038 = arith.addi %mul3A_1036, %add3A_1037 : i32
      %mul3A_1039 = arith.constant 128 : i32
      %mul3A_1040 = arith.muli %add3A_1038, %mul3A_1039 : i32
      %dma_wait3A_1041 = arith.constant 9 : i32
      %dma_wait3A_1042 = arith.constant 0 : i32
      %dma_wait3A_1043 = tpu.memref_slice %arg4[%dma_wait3A_1041, %dma_wait3A_1042] : memref<56x128xi32, #tpu.memory_space<vmem>> -> memref<1x128xi32, #tpu.memory_space<vmem>>
      %dma_wait3A_1044 = tpu.memref_squeeze %dma_wait3A_1043 : memref<1x128xi32, #tpu.memory_space<vmem>> -> memref<128xi32, #tpu.memory_space<vmem>>
      %dma_wait3A_1045 = tpu.memref_slice %arg3[%mul3A_1040] : memref<819200xi32, #tpu.memory_space<hbm>> -> memref<128xi32, #tpu.memory_space<hbm>>
      %dma_wait3A_1046 = tpu.memref_slice %arg3[%mul3A_1040] : memref<819200xi32, #tpu.memory_space<hbm>> -> memref<128xi32, #tpu.memory_space<hbm>>
      %dma_wait3A_1047 = arith.constant 0 : i32
      %dma_wait3A_1048 = tpu.memref_slice %arg4[%dma_wait3A_1041, %dma_wait3A_1047] : memref<56x128xi32, #tpu.memory_space<vmem>> -> memref<1x128xi32, #tpu.memory_space<vmem>>
      %dma_wait3A_1049 = tpu.memref_squeeze %dma_wait3A_1048 : memref<1x128xi32, #tpu.memory_space<vmem>> -> memref<128xi32, #tpu.memory_space<vmem>>
      tpu.wait_dma2 semaphore(%arg6 : memref<!tpu.dma_semaphore, #tpu.memory_space<semaphore_mem>>) src(%dma_wait3A_1049 : memref<128xi32, #tpu.memory_space<vmem>>) dst(%dma_wait3A_1046 : memref<128xi32, #tpu.memory_space<hbm>>)
      %mul3A_1050 = arith.constant 50 : i32
      %mul3A_1051 = arith.muli %add3A_9, %mul3A_1050 : i32
      %add3A_1052 = arith.constant 10 : i32
      %add3A_1053 = arith.addi %mul3A_1051, %add3A_1052 : i32
      %mul3A_1054 = arith.constant 128 : i32
      %mul3A_1055 = arith.muli %add3A_1053, %mul3A_1054 : i32
      %dma_wait3A_1056 = arith.constant 10 : i32
      %dma_wait3A_1057 = arith.constant 0 : i32
      %dma_wait3A_1058 = tpu.memref_slice %arg4[%dma_wait3A_1056, %dma_wait3A_1057] : memref<56x128xi32, #tpu.memory_space<vmem>> -> memref<1x128xi32, #tpu.memory_space<vmem>>
      %dma_wait3A_1059 = tpu.memref_squeeze %dma_wait3A_1058 : memref<1x128xi32, #tpu.memory_space<vmem>> -> memref<128xi32, #tpu.memory_space<vmem>>
      %dma_wait3A_1060 = tpu.memref_slice %arg3[%mul3A_1055] : memref<819200xi32, #tpu.memory_space<hbm>> -> memref<128xi32, #tpu.memory_space<hbm>>
      %dma_wait3A_1061 = tpu.memref_slice %arg3[%mul3A_1055] : memref<819200xi32, #tpu.memory_space<hbm>> -> memref<128xi32, #tpu.memory_space<hbm>>
      %dma_wait3A_1062 = arith.constant 0 : i32
      %dma_wait3A_1063 = tpu.memref_slice %arg4[%dma_wait3A_1056, %dma_wait3A_1062] : memref<56x128xi32, #tpu.memory_space<vmem>> -> memref<1x128xi32, #tpu.memory_space<vmem>>
      %dma_wait3A_1064 = tpu.memref_squeeze %dma_wait3A_1063 : memref<1x128xi32, #tpu.memory_space<vmem>> -> memref<128xi32, #tpu.memory_space<vmem>>
      tpu.wait_dma2 semaphore(%arg6 : memref<!tpu.dma_semaphore, #tpu.memory_space<semaphore_mem>>) src(%dma_wait3A_1064 : memref<128xi32, #tpu.memory_space<vmem>>) dst(%dma_wait3A_1061 : memref<128xi32, #tpu.memory_space<hbm>>)
      %mul3A_1065 = arith.constant 50 : i32
      %mul3A_1066 = arith.muli %add3A_9, %mul3A_1065 : i32
      %add3A_1067 = arith.constant 11 : i32
      %add3A_1068 = arith.addi %mul3A_1066, %add3A_1067 : i32
      %mul3A_1069 = arith.constant 128 : i32
      %mul3A_1070 = arith.muli %add3A_1068, %mul3A_1069 : i32
      %dma_wait3A_1071 = arith.constant 11 : i32
      %dma_wait3A_1072 = arith.constant 0 : i32
      %dma_wait3A_1073 = tpu.memref_slice %arg4[%dma_wait3A_1071, %dma_wait3A_1072] : memref<56x128xi32, #tpu.memory_space<vmem>> -> memref<1x128xi32, #tpu.memory_space<vmem>>
      %dma_wait3A_1074 = tpu.memref_squeeze %dma_wait3A_1073 : memref<1x128xi32, #tpu.memory_space<vmem>> -> memref<128xi32, #tpu.memory_space<vmem>>
      %dma_wait3A_1075 = tpu.memref_slice %arg3[%mul3A_1070] : memref<819200xi32, #tpu.memory_space<hbm>> -> memref<128xi32, #tpu.memory_space<hbm>>
      %dma_wait3A_1076 = tpu.memref_slice %arg3[%mul3A_1070] : memref<819200xi32, #tpu.memory_space<hbm>> -> memref<128xi32, #tpu.memory_space<hbm>>
      %dma_wait3A_1077 = arith.constant 0 : i32
      %dma_wait3A_1078 = tpu.memref_slice %arg4[%dma_wait3A_1071, %dma_wait3A_1077] : memref<56x128xi32, #tpu.memory_space<vmem>> -> memref<1x128xi32, #tpu.memory_space<vmem>>
      %dma_wait3A_1079 = tpu.memref_squeeze %dma_wait3A_1078 : memref<1x128xi32, #tpu.memory_space<vmem>> -> memref<128xi32, #tpu.memory_space<vmem>>
      tpu.wait_dma2 semaphore(%arg6 : memref<!tpu.dma_semaphore, #tpu.memory_space<semaphore_mem>>) src(%dma_wait3A_1079 : memref<128xi32, #tpu.memory_space<vmem>>) dst(%dma_wait3A_1076 : memref<128xi32, #tpu.memory_space<hbm>>)
      %mul3A_1080 = arith.constant 50 : i32
      %mul3A_1081 = arith.muli %add3A_9, %mul3A_1080 : i32
      %add3A_1082 = arith.constant 12 : i32
      %add3A_1083 = arith.addi %mul3A_1081, %add3A_1082 : i32
      %mul3A_1084 = arith.constant 128 : i32
      %mul3A_1085 = arith.muli %add3A_1083, %mul3A_1084 : i32
      %dma_wait3A_1086 = arith.constant 12 : i32
      %dma_wait3A_1087 = arith.constant 0 : i32
      %dma_wait3A_1088 = tpu.memref_slice %arg4[%dma_wait3A_1086, %dma_wait3A_1087] : memref<56x128xi32, #tpu.memory_space<vmem>> -> memref<1x128xi32, #tpu.memory_space<vmem>>
      %dma_wait3A_1089 = tpu.memref_squeeze %dma_wait3A_1088 : memref<1x128xi32, #tpu.memory_space<vmem>> -> memref<128xi32, #tpu.memory_space<vmem>>
      %dma_wait3A_1090 = tpu.memref_slice %arg3[%mul3A_1085] : memref<819200xi32, #tpu.memory_space<hbm>> -> memref<128xi32, #tpu.memory_space<hbm>>
      %dma_wait3A_1091 = tpu.memref_slice %arg3[%mul3A_1085] : memref<819200xi32, #tpu.memory_space<hbm>> -> memref<128xi32, #tpu.memory_space<hbm>>
      %dma_wait3A_1092 = arith.constant 0 : i32
      %dma_wait3A_1093 = tpu.memref_slice %arg4[%dma_wait3A_1086, %dma_wait3A_1092] : memref<56x128xi32, #tpu.memory_space<vmem>> -> memref<1x128xi32, #tpu.memory_space<vmem>>
      %dma_wait3A_1094 = tpu.memref_squeeze %dma_wait3A_1093 : memref<1x128xi32, #tpu.memory_space<vmem>> -> memref<128xi32, #tpu.memory_space<vmem>>
      tpu.wait_dma2 semaphore(%arg6 : memref<!tpu.dma_semaphore, #tpu.memory_space<semaphore_mem>>) src(%dma_wait3A_1094 : memref<128xi32, #tpu.memory_space<vmem>>) dst(%dma_wait3A_1091 : memref<128xi32, #tpu.memory_space<hbm>>)
      %mul3A_1095 = arith.constant 50 : i32
      %mul3A_1096 = arith.muli %add3A_9, %mul3A_1095 : i32
      %add3A_1097 = arith.constant 13 : i32
      %add3A_1098 = arith.addi %mul3A_1096, %add3A_1097 : i32
      %mul3A_1099 = arith.constant 128 : i32
      %mul3A_1100 = arith.muli %add3A_1098, %mul3A_1099 : i32
      %dma_wait3A_1101 = arith.constant 13 : i32
      %dma_wait3A_1102 = arith.constant 0 : i32
      %dma_wait3A_1103 = tpu.memref_slice %arg4[%dma_wait3A_1101, %dma_wait3A_1102] : memref<56x128xi32, #tpu.memory_space<vmem>> -> memref<1x128xi32, #tpu.memory_space<vmem>>
      %dma_wait3A_1104 = tpu.memref_squeeze %dma_wait3A_1103 : memref<1x128xi32, #tpu.memory_space<vmem>> -> memref<128xi32, #tpu.memory_space<vmem>>
      %dma_wait3A_1105 = tpu.memref_slice %arg3[%mul3A_1100] : memref<819200xi32, #tpu.memory_space<hbm>> -> memref<128xi32, #tpu.memory_space<hbm>>
      %dma_wait3A_1106 = tpu.memref_slice %arg3[%mul3A_1100] : memref<819200xi32, #tpu.memory_space<hbm>> -> memref<128xi32, #tpu.memory_space<hbm>>
      %dma_wait3A_1107 = arith.constant 0 : i32
      %dma_wait3A_1108 = tpu.memref_slice %arg4[%dma_wait3A_1101, %dma_wait3A_1107] : memref<56x128xi32, #tpu.memory_space<vmem>> -> memref<1x128xi32, #tpu.memory_space<vmem>>
      %dma_wait3A_1109 = tpu.memref_squeeze %dma_wait3A_1108 : memref<1x128xi32, #tpu.memory_space<vmem>> -> memref<128xi32, #tpu.memory_space<vmem>>
      tpu.wait_dma2 semaphore(%arg6 : memref<!tpu.dma_semaphore, #tpu.memory_space<semaphore_mem>>) src(%dma_wait3A_1109 : memref<128xi32, #tpu.memory_space<vmem>>) dst(%dma_wait3A_1106 : memref<128xi32, #tpu.memory_space<hbm>>)
      %mul3A_1110 = arith.constant 50 : i32
      %mul3A_1111 = arith.muli %add3A_9, %mul3A_1110 : i32
      %add3A_1112 = arith.constant 14 : i32
      %add3A_1113 = arith.addi %mul3A_1111, %add3A_1112 : i32
      %mul3A_1114 = arith.constant 128 : i32
      %mul3A_1115 = arith.muli %add3A_1113, %mul3A_1114 : i32
      %dma_wait3A_1116 = arith.constant 14 : i32
      %dma_wait3A_1117 = arith.constant 0 : i32
      %dma_wait3A_1118 = tpu.memref_slice %arg4[%dma_wait3A_1116, %dma_wait3A_1117] : memref<56x128xi32, #tpu.memory_space<vmem>> -> memref<1x128xi32, #tpu.memory_space<vmem>>
      %dma_wait3A_1119 = tpu.memref_squeeze %dma_wait3A_1118 : memref<1x128xi32, #tpu.memory_space<vmem>> -> memref<128xi32, #tpu.memory_space<vmem>>
      %dma_wait3A_1120 = tpu.memref_slice %arg3[%mul3A_1115] : memref<819200xi32, #tpu.memory_space<hbm>> -> memref<128xi32, #tpu.memory_space<hbm>>
      %dma_wait3A_1121 = tpu.memref_slice %arg3[%mul3A_1115] : memref<819200xi32, #tpu.memory_space<hbm>> -> memref<128xi32, #tpu.memory_space<hbm>>
      %dma_wait3A_1122 = arith.constant 0 : i32
      %dma_wait3A_1123 = tpu.memref_slice %arg4[%dma_wait3A_1116, %dma_wait3A_1122] : memref<56x128xi32, #tpu.memory_space<vmem>> -> memref<1x128xi32, #tpu.memory_space<vmem>>
      %dma_wait3A_1124 = tpu.memref_squeeze %dma_wait3A_1123 : memref<1x128xi32, #tpu.memory_space<vmem>> -> memref<128xi32, #tpu.memory_space<vmem>>
      tpu.wait_dma2 semaphore(%arg6 : memref<!tpu.dma_semaphore, #tpu.memory_space<semaphore_mem>>) src(%dma_wait3A_1124 : memref<128xi32, #tpu.memory_space<vmem>>) dst(%dma_wait3A_1121 : memref<128xi32, #tpu.memory_space<hbm>>)
      %mul3A_1125 = arith.constant 50 : i32
      %mul3A_1126 = arith.muli %add3A_9, %mul3A_1125 : i32
      %add3A_1127 = arith.constant 15 : i32
      %add3A_1128 = arith.addi %mul3A_1126, %add3A_1127 : i32
      %mul3A_1129 = arith.constant 128 : i32
      %mul3A_1130 = arith.muli %add3A_1128, %mul3A_1129 : i32
      %dma_wait3A_1131 = arith.constant 15 : i32
      %dma_wait3A_1132 = arith.constant 0 : i32
      %dma_wait3A_1133 = tpu.memref_slice %arg4[%dma_wait3A_1131, %dma_wait3A_1132] : memref<56x128xi32, #tpu.memory_space<vmem>> -> memref<1x128xi32, #tpu.memory_space<vmem>>
      %dma_wait3A_1134 = tpu.memref_squeeze %dma_wait3A_1133 : memref<1x128xi32, #tpu.memory_space<vmem>> -> memref<128xi32, #tpu.memory_space<vmem>>
      %dma_wait3A_1135 = tpu.memref_slice %arg3[%mul3A_1130] : memref<819200xi32, #tpu.memory_space<hbm>> -> memref<128xi32, #tpu.memory_space<hbm>>
      %dma_wait3A_1136 = tpu.memref_slice %arg3[%mul3A_1130] : memref<819200xi32, #tpu.memory_space<hbm>> -> memref<128xi32, #tpu.memory_space<hbm>>
      %dma_wait3A_1137 = arith.constant 0 : i32
      %dma_wait3A_1138 = tpu.memref_slice %arg4[%dma_wait3A_1131, %dma_wait3A_1137] : memref<56x128xi32, #tpu.memory_space<vmem>> -> memref<1x128xi32, #tpu.memory_space<vmem>>
      %dma_wait3A_1139 = tpu.memref_squeeze %dma_wait3A_1138 : memref<1x128xi32, #tpu.memory_space<vmem>> -> memref<128xi32, #tpu.memory_space<vmem>>
      tpu.wait_dma2 semaphore(%arg6 : memref<!tpu.dma_semaphore, #tpu.memory_space<semaphore_mem>>) src(%dma_wait3A_1139 : memref<128xi32, #tpu.memory_space<vmem>>) dst(%dma_wait3A_1136 : memref<128xi32, #tpu.memory_space<hbm>>)
      %mul3A_1140 = arith.constant 50 : i32
      %mul3A_1141 = arith.muli %add3A_9, %mul3A_1140 : i32
      %add3A_1142 = arith.constant 16 : i32
      %add3A_1143 = arith.addi %mul3A_1141, %add3A_1142 : i32
      %mul3A_1144 = arith.constant 128 : i32
      %mul3A_1145 = arith.muli %add3A_1143, %mul3A_1144 : i32
      %dma_wait3A_1146 = arith.constant 16 : i32
      %dma_wait3A_1147 = arith.constant 0 : i32
      %dma_wait3A_1148 = tpu.memref_slice %arg4[%dma_wait3A_1146, %dma_wait3A_1147] : memref<56x128xi32, #tpu.memory_space<vmem>> -> memref<1x128xi32, #tpu.memory_space<vmem>>
      %dma_wait3A_1149 = tpu.memref_squeeze %dma_wait3A_1148 : memref<1x128xi32, #tpu.memory_space<vmem>> -> memref<128xi32, #tpu.memory_space<vmem>>
      %dma_wait3A_1150 = tpu.memref_slice %arg3[%mul3A_1145] : memref<819200xi32, #tpu.memory_space<hbm>> -> memref<128xi32, #tpu.memory_space<hbm>>
      %dma_wait3A_1151 = tpu.memref_slice %arg3[%mul3A_1145] : memref<819200xi32, #tpu.memory_space<hbm>> -> memref<128xi32, #tpu.memory_space<hbm>>
      %dma_wait3A_1152 = arith.constant 0 : i32
      %dma_wait3A_1153 = tpu.memref_slice %arg4[%dma_wait3A_1146, %dma_wait3A_1152] : memref<56x128xi32, #tpu.memory_space<vmem>> -> memref<1x128xi32, #tpu.memory_space<vmem>>
      %dma_wait3A_1154 = tpu.memref_squeeze %dma_wait3A_1153 : memref<1x128xi32, #tpu.memory_space<vmem>> -> memref<128xi32, #tpu.memory_space<vmem>>
      tpu.wait_dma2 semaphore(%arg6 : memref<!tpu.dma_semaphore, #tpu.memory_space<semaphore_mem>>) src(%dma_wait3A_1154 : memref<128xi32, #tpu.memory_space<vmem>>) dst(%dma_wait3A_1151 : memref<128xi32, #tpu.memory_space<hbm>>)
      %mul3A_1155 = arith.constant 50 : i32
      %mul3A_1156 = arith.muli %add3A_9, %mul3A_1155 : i32
      %add3A_1157 = arith.constant 17 : i32
      %add3A_1158 = arith.addi %mul3A_1156, %add3A_1157 : i32
      %mul3A_1159 = arith.constant 128 : i32
      %mul3A_1160 = arith.muli %add3A_1158, %mul3A_1159 : i32
      %dma_wait3A_1161 = arith.constant 17 : i32
      %dma_wait3A_1162 = arith.constant 0 : i32
      %dma_wait3A_1163 = tpu.memref_slice %arg4[%dma_wait3A_1161, %dma_wait3A_1162] : memref<56x128xi32, #tpu.memory_space<vmem>> -> memref<1x128xi32, #tpu.memory_space<vmem>>
      %dma_wait3A_1164 = tpu.memref_squeeze %dma_wait3A_1163 : memref<1x128xi32, #tpu.memory_space<vmem>> -> memref<128xi32, #tpu.memory_space<vmem>>
      %dma_wait3A_1165 = tpu.memref_slice %arg3[%mul3A_1160] : memref<819200xi32, #tpu.memory_space<hbm>> -> memref<128xi32, #tpu.memory_space<hbm>>
      %dma_wait3A_1166 = tpu.memref_slice %arg3[%mul3A_1160] : memref<819200xi32, #tpu.memory_space<hbm>> -> memref<128xi32, #tpu.memory_space<hbm>>
      %dma_wait3A_1167 = arith.constant 0 : i32
      %dma_wait3A_1168 = tpu.memref_slice %arg4[%dma_wait3A_1161, %dma_wait3A_1167] : memref<56x128xi32, #tpu.memory_space<vmem>> -> memref<1x128xi32, #tpu.memory_space<vmem>>
      %dma_wait3A_1169 = tpu.memref_squeeze %dma_wait3A_1168 : memref<1x128xi32, #tpu.memory_space<vmem>> -> memref<128xi32, #tpu.memory_space<vmem>>
      tpu.wait_dma2 semaphore(%arg6 : memref<!tpu.dma_semaphore, #tpu.memory_space<semaphore_mem>>) src(%dma_wait3A_1169 : memref<128xi32, #tpu.memory_space<vmem>>) dst(%dma_wait3A_1166 : memref<128xi32, #tpu.memory_space<hbm>>)
      %mul3A_1170 = arith.constant 50 : i32
      %mul3A_1171 = arith.muli %add3A_9, %mul3A_1170 : i32
      %add3A_1172 = arith.constant 18 : i32
      %add3A_1173 = arith.addi %mul3A_1171, %add3A_1172 : i32
      %mul3A_1174 = arith.constant 128 : i32
      %mul3A_1175 = arith.muli %add3A_1173, %mul3A_1174 : i32
      %dma_wait3A_1176 = arith.constant 18 : i32
      %dma_wait3A_1177 = arith.constant 0 : i32
      %dma_wait3A_1178 = tpu.memref_slice %arg4[%dma_wait3A_1176, %dma_wait3A_1177] : memref<56x128xi32, #tpu.memory_space<vmem>> -> memref<1x128xi32, #tpu.memory_space<vmem>>
      %dma_wait3A_1179 = tpu.memref_squeeze %dma_wait3A_1178 : memref<1x128xi32, #tpu.memory_space<vmem>> -> memref<128xi32, #tpu.memory_space<vmem>>
      %dma_wait3A_1180 = tpu.memref_slice %arg3[%mul3A_1175] : memref<819200xi32, #tpu.memory_space<hbm>> -> memref<128xi32, #tpu.memory_space<hbm>>
      %dma_wait3A_1181 = tpu.memref_slice %arg3[%mul3A_1175] : memref<819200xi32, #tpu.memory_space<hbm>> -> memref<128xi32, #tpu.memory_space<hbm>>
      %dma_wait3A_1182 = arith.constant 0 : i32
      %dma_wait3A_1183 = tpu.memref_slice %arg4[%dma_wait3A_1176, %dma_wait3A_1182] : memref<56x128xi32, #tpu.memory_space<vmem>> -> memref<1x128xi32, #tpu.memory_space<vmem>>
      %dma_wait3A_1184 = tpu.memref_squeeze %dma_wait3A_1183 : memref<1x128xi32, #tpu.memory_space<vmem>> -> memref<128xi32, #tpu.memory_space<vmem>>
      tpu.wait_dma2 semaphore(%arg6 : memref<!tpu.dma_semaphore, #tpu.memory_space<semaphore_mem>>) src(%dma_wait3A_1184 : memref<128xi32, #tpu.memory_space<vmem>>) dst(%dma_wait3A_1181 : memref<128xi32, #tpu.memory_space<hbm>>)
      %mul3A_1185 = arith.constant 50 : i32
      %mul3A_1186 = arith.muli %add3A_9, %mul3A_1185 : i32
      %add3A_1187 = arith.constant 19 : i32
      %add3A_1188 = arith.addi %mul3A_1186, %add3A_1187 : i32
      %mul3A_1189 = arith.constant 128 : i32
      %mul3A_1190 = arith.muli %add3A_1188, %mul3A_1189 : i32
      %dma_wait3A_1191 = arith.constant 19 : i32
      %dma_wait3A_1192 = arith.constant 0 : i32
      %dma_wait3A_1193 = tpu.memref_slice %arg4[%dma_wait3A_1191, %dma_wait3A_1192] : memref<56x128xi32, #tpu.memory_space<vmem>> -> memref<1x128xi32, #tpu.memory_space<vmem>>
      %dma_wait3A_1194 = tpu.memref_squeeze %dma_wait3A_1193 : memref<1x128xi32, #tpu.memory_space<vmem>> -> memref<128xi32, #tpu.memory_space<vmem>>
      %dma_wait3A_1195 = tpu.memref_slice %arg3[%mul3A_1190] : memref<819200xi32, #tpu.memory_space<hbm>> -> memref<128xi32, #tpu.memory_space<hbm>>
      %dma_wait3A_1196 = tpu.memref_slice %arg3[%mul3A_1190] : memref<819200xi32, #tpu.memory_space<hbm>> -> memref<128xi32, #tpu.memory_space<hbm>>
      %dma_wait3A_1197 = arith.constant 0 : i32
      %dma_wait3A_1198 = tpu.memref_slice %arg4[%dma_wait3A_1191, %dma_wait3A_1197] : memref<56x128xi32, #tpu.memory_space<vmem>> -> memref<1x128xi32, #tpu.memory_space<vmem>>
      %dma_wait3A_1199 = tpu.memref_squeeze %dma_wait3A_1198 : memref<1x128xi32, #tpu.memory_space<vmem>> -> memref<128xi32, #tpu.memory_space<vmem>>
      tpu.wait_dma2 semaphore(%arg6 : memref<!tpu.dma_semaphore, #tpu.memory_space<semaphore_mem>>) src(%dma_wait3A_1199 : memref<128xi32, #tpu.memory_space<vmem>>) dst(%dma_wait3A_1196 : memref<128xi32, #tpu.memory_space<hbm>>)
      %mul3A_1200 = arith.constant 50 : i32
      %mul3A_1201 = arith.muli %add3A_9, %mul3A_1200 : i32
      %add3A_1202 = arith.constant 20 : i32
      %add3A_1203 = arith.addi %mul3A_1201, %add3A_1202 : i32
      %mul3A_1204 = arith.constant 128 : i32
      %mul3A_1205 = arith.muli %add3A_1203, %mul3A_1204 : i32
      %dma_wait3A_1206 = arith.constant 20 : i32
      %dma_wait3A_1207 = arith.constant 0 : i32
      %dma_wait3A_1208 = tpu.memref_slice %arg4[%dma_wait3A_1206, %dma_wait3A_1207] : memref<56x128xi32, #tpu.memory_space<vmem>> -> memref<1x128xi32, #tpu.memory_space<vmem>>
      %dma_wait3A_1209 = tpu.memref_squeeze %dma_wait3A_1208 : memref<1x128xi32, #tpu.memory_space<vmem>> -> memref<128xi32, #tpu.memory_space<vmem>>
      %dma_wait3A_1210 = tpu.memref_slice %arg3[%mul3A_1205] : memref<819200xi32, #tpu.memory_space<hbm>> -> memref<128xi32, #tpu.memory_space<hbm>>
      %dma_wait3A_1211 = tpu.memref_slice %arg3[%mul3A_1205] : memref<819200xi32, #tpu.memory_space<hbm>> -> memref<128xi32, #tpu.memory_space<hbm>>
      %dma_wait3A_1212 = arith.constant 0 : i32
      %dma_wait3A_1213 = tpu.memref_slice %arg4[%dma_wait3A_1206, %dma_wait3A_1212] : memref<56x128xi32, #tpu.memory_space<vmem>> -> memref<1x128xi32, #tpu.memory_space<vmem>>
      %dma_wait3A_1214 = tpu.memref_squeeze %dma_wait3A_1213 : memref<1x128xi32, #tpu.memory_space<vmem>> -> memref<128xi32, #tpu.memory_space<vmem>>
      tpu.wait_dma2 semaphore(%arg6 : memref<!tpu.dma_semaphore, #tpu.memory_space<semaphore_mem>>) src(%dma_wait3A_1214 : memref<128xi32, #tpu.memory_space<vmem>>) dst(%dma_wait3A_1211 : memref<128xi32, #tpu.memory_space<hbm>>)
      %mul3A_1215 = arith.constant 50 : i32
      %mul3A_1216 = arith.muli %add3A_9, %mul3A_1215 : i32
      %add3A_1217 = arith.constant 21 : i32
      %add3A_1218 = arith.addi %mul3A_1216, %add3A_1217 : i32
      %mul3A_1219 = arith.constant 128 : i32
      %mul3A_1220 = arith.muli %add3A_1218, %mul3A_1219 : i32
      %dma_wait3A_1221 = arith.constant 21 : i32
      %dma_wait3A_1222 = arith.constant 0 : i32
      %dma_wait3A_1223 = tpu.memref_slice %arg4[%dma_wait3A_1221, %dma_wait3A_1222] : memref<56x128xi32, #tpu.memory_space<vmem>> -> memref<1x128xi32, #tpu.memory_space<vmem>>
      %dma_wait3A_1224 = tpu.memref_squeeze %dma_wait3A_1223 : memref<1x128xi32, #tpu.memory_space<vmem>> -> memref<128xi32, #tpu.memory_space<vmem>>
      %dma_wait3A_1225 = tpu.memref_slice %arg3[%mul3A_1220] : memref<819200xi32, #tpu.memory_space<hbm>> -> memref<128xi32, #tpu.memory_space<hbm>>
      %dma_wait3A_1226 = tpu.memref_slice %arg3[%mul3A_1220] : memref<819200xi32, #tpu.memory_space<hbm>> -> memref<128xi32, #tpu.memory_space<hbm>>
      %dma_wait3A_1227 = arith.constant 0 : i32
      %dma_wait3A_1228 = tpu.memref_slice %arg4[%dma_wait3A_1221, %dma_wait3A_1227] : memref<56x128xi32, #tpu.memory_space<vmem>> -> memref<1x128xi32, #tpu.memory_space<vmem>>
      %dma_wait3A_1229 = tpu.memref_squeeze %dma_wait3A_1228 : memref<1x128xi32, #tpu.memory_space<vmem>> -> memref<128xi32, #tpu.memory_space<vmem>>
      tpu.wait_dma2 semaphore(%arg6 : memref<!tpu.dma_semaphore, #tpu.memory_space<semaphore_mem>>) src(%dma_wait3A_1229 : memref<128xi32, #tpu.memory_space<vmem>>) dst(%dma_wait3A_1226 : memref<128xi32, #tpu.memory_space<hbm>>)
      %mul3A_1230 = arith.constant 50 : i32
      %mul3A_1231 = arith.muli %add3A_9, %mul3A_1230 : i32
      %add3A_1232 = arith.constant 22 : i32
      %add3A_1233 = arith.addi %mul3A_1231, %add3A_1232 : i32
      %mul3A_1234 = arith.constant 128 : i32
      %mul3A_1235 = arith.muli %add3A_1233, %mul3A_1234 : i32
      %dma_wait3A_1236 = arith.constant 22 : i32
      %dma_wait3A_1237 = arith.constant 0 : i32
      %dma_wait3A_1238 = tpu.memref_slice %arg4[%dma_wait3A_1236, %dma_wait3A_1237] : memref<56x128xi32, #tpu.memory_space<vmem>> -> memref<1x128xi32, #tpu.memory_space<vmem>>
      %dma_wait3A_1239 = tpu.memref_squeeze %dma_wait3A_1238 : memref<1x128xi32, #tpu.memory_space<vmem>> -> memref<128xi32, #tpu.memory_space<vmem>>
      %dma_wait3A_1240 = tpu.memref_slice %arg3[%mul3A_1235] : memref<819200xi32, #tpu.memory_space<hbm>> -> memref<128xi32, #tpu.memory_space<hbm>>
      %dma_wait3A_1241 = tpu.memref_slice %arg3[%mul3A_1235] : memref<819200xi32, #tpu.memory_space<hbm>> -> memref<128xi32, #tpu.memory_space<hbm>>
      %dma_wait3A_1242 = arith.constant 0 : i32
      %dma_wait3A_1243 = tpu.memref_slice %arg4[%dma_wait3A_1236, %dma_wait3A_1242] : memref<56x128xi32, #tpu.memory_space<vmem>> -> memref<1x128xi32, #tpu.memory_space<vmem>>
      %dma_wait3A_1244 = tpu.memref_squeeze %dma_wait3A_1243 : memref<1x128xi32, #tpu.memory_space<vmem>> -> memref<128xi32, #tpu.memory_space<vmem>>
      tpu.wait_dma2 semaphore(%arg6 : memref<!tpu.dma_semaphore, #tpu.memory_space<semaphore_mem>>) src(%dma_wait3A_1244 : memref<128xi32, #tpu.memory_space<vmem>>) dst(%dma_wait3A_1241 : memref<128xi32, #tpu.memory_space<hbm>>)
      %mul3A_1245 = arith.constant 50 : i32
      %mul3A_1246 = arith.muli %add3A_9, %mul3A_1245 : i32
      %add3A_1247 = arith.constant 23 : i32
      %add3A_1248 = arith.addi %mul3A_1246, %add3A_1247 : i32
      %mul3A_1249 = arith.constant 128 : i32
      %mul3A_1250 = arith.muli %add3A_1248, %mul3A_1249 : i32
      %dma_wait3A_1251 = arith.constant 23 : i32
      %dma_wait3A_1252 = arith.constant 0 : i32
      %dma_wait3A_1253 = tpu.memref_slice %arg4[%dma_wait3A_1251, %dma_wait3A_1252] : memref<56x128xi32, #tpu.memory_space<vmem>> -> memref<1x128xi32, #tpu.memory_space<vmem>>
      %dma_wait3A_1254 = tpu.memref_squeeze %dma_wait3A_1253 : memref<1x128xi32, #tpu.memory_space<vmem>> -> memref<128xi32, #tpu.memory_space<vmem>>
      %dma_wait3A_1255 = tpu.memref_slice %arg3[%mul3A_1250] : memref<819200xi32, #tpu.memory_space<hbm>> -> memref<128xi32, #tpu.memory_space<hbm>>
      %dma_wait3A_1256 = tpu.memref_slice %arg3[%mul3A_1250] : memref<819200xi32, #tpu.memory_space<hbm>> -> memref<128xi32, #tpu.memory_space<hbm>>
      %dma_wait3A_1257 = arith.constant 0 : i32
      %dma_wait3A_1258 = tpu.memref_slice %arg4[%dma_wait3A_1251, %dma_wait3A_1257] : memref<56x128xi32, #tpu.memory_space<vmem>> -> memref<1x128xi32, #tpu.memory_space<vmem>>
      %dma_wait3A_1259 = tpu.memref_squeeze %dma_wait3A_1258 : memref<1x128xi32, #tpu.memory_space<vmem>> -> memref<128xi32, #tpu.memory_space<vmem>>
      tpu.wait_dma2 semaphore(%arg6 : memref<!tpu.dma_semaphore, #tpu.memory_space<semaphore_mem>>) src(%dma_wait3A_1259 : memref<128xi32, #tpu.memory_space<vmem>>) dst(%dma_wait3A_1256 : memref<128xi32, #tpu.memory_space<hbm>>)
      %mul3A_1260 = arith.constant 50 : i32
      %mul3A_1261 = arith.muli %add3A_9, %mul3A_1260 : i32
      %add3A_1262 = arith.constant 24 : i32
      %add3A_1263 = arith.addi %mul3A_1261, %add3A_1262 : i32
      %mul3A_1264 = arith.constant 128 : i32
      %mul3A_1265 = arith.muli %add3A_1263, %mul3A_1264 : i32
      %dma_wait3A_1266 = arith.constant 24 : i32
      %dma_wait3A_1267 = arith.constant 0 : i32
      %dma_wait3A_1268 = tpu.memref_slice %arg4[%dma_wait3A_1266, %dma_wait3A_1267] : memref<56x128xi32, #tpu.memory_space<vmem>> -> memref<1x128xi32, #tpu.memory_space<vmem>>
      %dma_wait3A_1269 = tpu.memref_squeeze %dma_wait3A_1268 : memref<1x128xi32, #tpu.memory_space<vmem>> -> memref<128xi32, #tpu.memory_space<vmem>>
      %dma_wait3A_1270 = tpu.memref_slice %arg3[%mul3A_1265] : memref<819200xi32, #tpu.memory_space<hbm>> -> memref<128xi32, #tpu.memory_space<hbm>>
      %dma_wait3A_1271 = tpu.memref_slice %arg3[%mul3A_1265] : memref<819200xi32, #tpu.memory_space<hbm>> -> memref<128xi32, #tpu.memory_space<hbm>>
      %dma_wait3A_1272 = arith.constant 0 : i32
      %dma_wait3A_1273 = tpu.memref_slice %arg4[%dma_wait3A_1266, %dma_wait3A_1272] : memref<56x128xi32, #tpu.memory_space<vmem>> -> memref<1x128xi32, #tpu.memory_space<vmem>>
      %dma_wait3A_1274 = tpu.memref_squeeze %dma_wait3A_1273 : memref<1x128xi32, #tpu.memory_space<vmem>> -> memref<128xi32, #tpu.memory_space<vmem>>
      tpu.wait_dma2 semaphore(%arg6 : memref<!tpu.dma_semaphore, #tpu.memory_space<semaphore_mem>>) src(%dma_wait3A_1274 : memref<128xi32, #tpu.memory_space<vmem>>) dst(%dma_wait3A_1271 : memref<128xi32, #tpu.memory_space<hbm>>)
      %mul3A_1275 = arith.constant 50 : i32
      %mul3A_1276 = arith.muli %add3A_9, %mul3A_1275 : i32
      %add3A_1277 = arith.constant 25 : i32
      %add3A_1278 = arith.addi %mul3A_1276, %add3A_1277 : i32
      %mul3A_1279 = arith.constant 128 : i32
      %mul3A_1280 = arith.muli %add3A_1278, %mul3A_1279 : i32
      %dma_wait3A_1281 = arith.constant 25 : i32
      %dma_wait3A_1282 = arith.constant 0 : i32
      %dma_wait3A_1283 = tpu.memref_slice %arg4[%dma_wait3A_1281, %dma_wait3A_1282] : memref<56x128xi32, #tpu.memory_space<vmem>> -> memref<1x128xi32, #tpu.memory_space<vmem>>
      %dma_wait3A_1284 = tpu.memref_squeeze %dma_wait3A_1283 : memref<1x128xi32, #tpu.memory_space<vmem>> -> memref<128xi32, #tpu.memory_space<vmem>>
      %dma_wait3A_1285 = tpu.memref_slice %arg3[%mul3A_1280] : memref<819200xi32, #tpu.memory_space<hbm>> -> memref<128xi32, #tpu.memory_space<hbm>>
      %dma_wait3A_1286 = tpu.memref_slice %arg3[%mul3A_1280] : memref<819200xi32, #tpu.memory_space<hbm>> -> memref<128xi32, #tpu.memory_space<hbm>>
      %dma_wait3A_1287 = arith.constant 0 : i32
      %dma_wait3A_1288 = tpu.memref_slice %arg4[%dma_wait3A_1281, %dma_wait3A_1287] : memref<56x128xi32, #tpu.memory_space<vmem>> -> memref<1x128xi32, #tpu.memory_space<vmem>>
      %dma_wait3A_1289 = tpu.memref_squeeze %dma_wait3A_1288 : memref<1x128xi32, #tpu.memory_space<vmem>> -> memref<128xi32, #tpu.memory_space<vmem>>
      tpu.wait_dma2 semaphore(%arg6 : memref<!tpu.dma_semaphore, #tpu.memory_space<semaphore_mem>>) src(%dma_wait3A_1289 : memref<128xi32, #tpu.memory_space<vmem>>) dst(%dma_wait3A_1286 : memref<128xi32, #tpu.memory_space<hbm>>)
      %mul3A_1290 = arith.constant 50 : i32
      %mul3A_1291 = arith.muli %add3A_9, %mul3A_1290 : i32
      %add3A_1292 = arith.constant 26 : i32
      %add3A_1293 = arith.addi %mul3A_1291, %add3A_1292 : i32
      %mul3A_1294 = arith.constant 128 : i32
      %mul3A_1295 = arith.muli %add3A_1293, %mul3A_1294 : i32
      %dma_wait3A_1296 = arith.constant 26 : i32
      %dma_wait3A_1297 = arith.constant 0 : i32
      %dma_wait3A_1298 = tpu.memref_slice %arg4[%dma_wait3A_1296, %dma_wait3A_1297] : memref<56x128xi32, #tpu.memory_space<vmem>> -> memref<1x128xi32, #tpu.memory_space<vmem>>
      %dma_wait3A_1299 = tpu.memref_squeeze %dma_wait3A_1298 : memref<1x128xi32, #tpu.memory_space<vmem>> -> memref<128xi32, #tpu.memory_space<vmem>>
      %dma_wait3A_1300 = tpu.memref_slice %arg3[%mul3A_1295] : memref<819200xi32, #tpu.memory_space<hbm>> -> memref<128xi32, #tpu.memory_space<hbm>>
      %dma_wait3A_1301 = tpu.memref_slice %arg3[%mul3A_1295] : memref<819200xi32, #tpu.memory_space<hbm>> -> memref<128xi32, #tpu.memory_space<hbm>>
      %dma_wait3A_1302 = arith.constant 0 : i32
      %dma_wait3A_1303 = tpu.memref_slice %arg4[%dma_wait3A_1296, %dma_wait3A_1302] : memref<56x128xi32, #tpu.memory_space<vmem>> -> memref<1x128xi32, #tpu.memory_space<vmem>>
      %dma_wait3A_1304 = tpu.memref_squeeze %dma_wait3A_1303 : memref<1x128xi32, #tpu.memory_space<vmem>> -> memref<128xi32, #tpu.memory_space<vmem>>
      tpu.wait_dma2 semaphore(%arg6 : memref<!tpu.dma_semaphore, #tpu.memory_space<semaphore_mem>>) src(%dma_wait3A_1304 : memref<128xi32, #tpu.memory_space<vmem>>) dst(%dma_wait3A_1301 : memref<128xi32, #tpu.memory_space<hbm>>)
      %mul3A_1305 = arith.constant 50 : i32
      %mul3A_1306 = arith.muli %add3A_9, %mul3A_1305 : i32
      %add3A_1307 = arith.constant 27 : i32
      %add3A_1308 = arith.addi %mul3A_1306, %add3A_1307 : i32
      %mul3A_1309 = arith.constant 128 : i32
      %mul3A_1310 = arith.muli %add3A_1308, %mul3A_1309 : i32
      %dma_wait3A_1311 = arith.constant 27 : i32
      %dma_wait3A_1312 = arith.constant 0 : i32
      %dma_wait3A_1313 = tpu.memref_slice %arg4[%dma_wait3A_1311, %dma_wait3A_1312] : memref<56x128xi32, #tpu.memory_space<vmem>> -> memref<1x128xi32, #tpu.memory_space<vmem>>
      %dma_wait3A_1314 = tpu.memref_squeeze %dma_wait3A_1313 : memref<1x128xi32, #tpu.memory_space<vmem>> -> memref<128xi32, #tpu.memory_space<vmem>>
      %dma_wait3A_1315 = tpu.memref_slice %arg3[%mul3A_1310] : memref<819200xi32, #tpu.memory_space<hbm>> -> memref<128xi32, #tpu.memory_space<hbm>>
      %dma_wait3A_1316 = tpu.memref_slice %arg3[%mul3A_1310] : memref<819200xi32, #tpu.memory_space<hbm>> -> memref<128xi32, #tpu.memory_space<hbm>>
      %dma_wait3A_1317 = arith.constant 0 : i32
      %dma_wait3A_1318 = tpu.memref_slice %arg4[%dma_wait3A_1311, %dma_wait3A_1317] : memref<56x128xi32, #tpu.memory_space<vmem>> -> memref<1x128xi32, #tpu.memory_space<vmem>>
      %dma_wait3A_1319 = tpu.memref_squeeze %dma_wait3A_1318 : memref<1x128xi32, #tpu.memory_space<vmem>> -> memref<128xi32, #tpu.memory_space<vmem>>
      tpu.wait_dma2 semaphore(%arg6 : memref<!tpu.dma_semaphore, #tpu.memory_space<semaphore_mem>>) src(%dma_wait3A_1319 : memref<128xi32, #tpu.memory_space<vmem>>) dst(%dma_wait3A_1316 : memref<128xi32, #tpu.memory_space<hbm>>)
      %mul3A_1320 = arith.constant 50 : i32
      %mul3A_1321 = arith.muli %add3A_9, %mul3A_1320 : i32
      %add3A_1322 = arith.constant 28 : i32
      %add3A_1323 = arith.addi %mul3A_1321, %add3A_1322 : i32
      %mul3A_1324 = arith.constant 128 : i32
      %mul3A_1325 = arith.muli %add3A_1323, %mul3A_1324 : i32
      %dma_wait3A_1326 = arith.constant 28 : i32
      %dma_wait3A_1327 = arith.constant 0 : i32
      %dma_wait3A_1328 = tpu.memref_slice %arg4[%dma_wait3A_1326, %dma_wait3A_1327] : memref<56x128xi32, #tpu.memory_space<vmem>> -> memref<1x128xi32, #tpu.memory_space<vmem>>
      %dma_wait3A_1329 = tpu.memref_squeeze %dma_wait3A_1328 : memref<1x128xi32, #tpu.memory_space<vmem>> -> memref<128xi32, #tpu.memory_space<vmem>>
      %dma_wait3A_1330 = tpu.memref_slice %arg3[%mul3A_1325] : memref<819200xi32, #tpu.memory_space<hbm>> -> memref<128xi32, #tpu.memory_space<hbm>>
      %dma_wait3A_1331 = tpu.memref_slice %arg3[%mul3A_1325] : memref<819200xi32, #tpu.memory_space<hbm>> -> memref<128xi32, #tpu.memory_space<hbm>>
      %dma_wait3A_1332 = arith.constant 0 : i32
      %dma_wait3A_1333 = tpu.memref_slice %arg4[%dma_wait3A_1326, %dma_wait3A_1332] : memref<56x128xi32, #tpu.memory_space<vmem>> -> memref<1x128xi32, #tpu.memory_space<vmem>>
      %dma_wait3A_1334 = tpu.memref_squeeze %dma_wait3A_1333 : memref<1x128xi32, #tpu.memory_space<vmem>> -> memref<128xi32, #tpu.memory_space<vmem>>
      tpu.wait_dma2 semaphore(%arg6 : memref<!tpu.dma_semaphore, #tpu.memory_space<semaphore_mem>>) src(%dma_wait3A_1334 : memref<128xi32, #tpu.memory_space<vmem>>) dst(%dma_wait3A_1331 : memref<128xi32, #tpu.memory_space<hbm>>)
      %mul3A_1335 = arith.constant 50 : i32
      %mul3A_1336 = arith.muli %add3A_9, %mul3A_1335 : i32
      %add3A_1337 = arith.constant 29 : i32
      %add3A_1338 = arith.addi %mul3A_1336, %add3A_1337 : i32
      %mul3A_1339 = arith.constant 128 : i32
      %mul3A_1340 = arith.muli %add3A_1338, %mul3A_1339 : i32
      %dma_wait3A_1341 = arith.constant 29 : i32
      %dma_wait3A_1342 = arith.constant 0 : i32
      %dma_wait3A_1343 = tpu.memref_slice %arg4[%dma_wait3A_1341, %dma_wait3A_1342] : memref<56x128xi32, #tpu.memory_space<vmem>> -> memref<1x128xi32, #tpu.memory_space<vmem>>
      %dma_wait3A_1344 = tpu.memref_squeeze %dma_wait3A_1343 : memref<1x128xi32, #tpu.memory_space<vmem>> -> memref<128xi32, #tpu.memory_space<vmem>>
      %dma_wait3A_1345 = tpu.memref_slice %arg3[%mul3A_1340] : memref<819200xi32, #tpu.memory_space<hbm>> -> memref<128xi32, #tpu.memory_space<hbm>>
      %dma_wait3A_1346 = tpu.memref_slice %arg3[%mul3A_1340] : memref<819200xi32, #tpu.memory_space<hbm>> -> memref<128xi32, #tpu.memory_space<hbm>>
      %dma_wait3A_1347 = arith.constant 0 : i32
      %dma_wait3A_1348 = tpu.memref_slice %arg4[%dma_wait3A_1341, %dma_wait3A_1347] : memref<56x128xi32, #tpu.memory_space<vmem>> -> memref<1x128xi32, #tpu.memory_space<vmem>>
      %dma_wait3A_1349 = tpu.memref_squeeze %dma_wait3A_1348 : memref<1x128xi32, #tpu.memory_space<vmem>> -> memref<128xi32, #tpu.memory_space<vmem>>
      tpu.wait_dma2 semaphore(%arg6 : memref<!tpu.dma_semaphore, #tpu.memory_space<semaphore_mem>>) src(%dma_wait3A_1349 : memref<128xi32, #tpu.memory_space<vmem>>) dst(%dma_wait3A_1346 : memref<128xi32, #tpu.memory_space<hbm>>)
      %mul3A_1350 = arith.constant 50 : i32
      %mul3A_1351 = arith.muli %add3A_9, %mul3A_1350 : i32
      %add3A_1352 = arith.constant 30 : i32
      %add3A_1353 = arith.addi %mul3A_1351, %add3A_1352 : i32
      %mul3A_1354 = arith.constant 128 : i32
      %mul3A_1355 = arith.muli %add3A_1353, %mul3A_1354 : i32
      %dma_wait3A_1356 = arith.constant 30 : i32
      %dma_wait3A_1357 = arith.constant 0 : i32
      %dma_wait3A_1358 = tpu.memref_slice %arg4[%dma_wait3A_1356, %dma_wait3A_1357] : memref<56x128xi32, #tpu.memory_space<vmem>> -> memref<1x128xi32, #tpu.memory_space<vmem>>
      %dma_wait3A_1359 = tpu.memref_squeeze %dma_wait3A_1358 : memref<1x128xi32, #tpu.memory_space<vmem>> -> memref<128xi32, #tpu.memory_space<vmem>>
      %dma_wait3A_1360 = tpu.memref_slice %arg3[%mul3A_1355] : memref<819200xi32, #tpu.memory_space<hbm>> -> memref<128xi32, #tpu.memory_space<hbm>>
      %dma_wait3A_1361 = tpu.memref_slice %arg3[%mul3A_1355] : memref<819200xi32, #tpu.memory_space<hbm>> -> memref<128xi32, #tpu.memory_space<hbm>>
      %dma_wait3A_1362 = arith.constant 0 : i32
      %dma_wait3A_1363 = tpu.memref_slice %arg4[%dma_wait3A_1356, %dma_wait3A_1362] : memref<56x128xi32, #tpu.memory_space<vmem>> -> memref<1x128xi32, #tpu.memory_space<vmem>>
      %dma_wait3A_1364 = tpu.memref_squeeze %dma_wait3A_1363 : memref<1x128xi32, #tpu.memory_space<vmem>> -> memref<128xi32, #tpu.memory_space<vmem>>
      tpu.wait_dma2 semaphore(%arg6 : memref<!tpu.dma_semaphore, #tpu.memory_space<semaphore_mem>>) src(%dma_wait3A_1364 : memref<128xi32, #tpu.memory_space<vmem>>) dst(%dma_wait3A_1361 : memref<128xi32, #tpu.memory_space<hbm>>)
      %mul3A_1365 = arith.constant 50 : i32
      %mul3A_1366 = arith.muli %add3A_9, %mul3A_1365 : i32
      %add3A_1367 = arith.constant 31 : i32
      %add3A_1368 = arith.addi %mul3A_1366, %add3A_1367 : i32
      %mul3A_1369 = arith.constant 128 : i32
      %mul3A_1370 = arith.muli %add3A_1368, %mul3A_1369 : i32
      %dma_wait3A_1371 = arith.constant 31 : i32
      %dma_wait3A_1372 = arith.constant 0 : i32
      %dma_wait3A_1373 = tpu.memref_slice %arg4[%dma_wait3A_1371, %dma_wait3A_1372] : memref<56x128xi32, #tpu.memory_space<vmem>> -> memref<1x128xi32, #tpu.memory_space<vmem>>
      %dma_wait3A_1374 = tpu.memref_squeeze %dma_wait3A_1373 : memref<1x128xi32, #tpu.memory_space<vmem>> -> memref<128xi32, #tpu.memory_space<vmem>>
      %dma_wait3A_1375 = tpu.memref_slice %arg3[%mul3A_1370] : memref<819200xi32, #tpu.memory_space<hbm>> -> memref<128xi32, #tpu.memory_space<hbm>>
      %dma_wait3A_1376 = tpu.memref_slice %arg3[%mul3A_1370] : memref<819200xi32, #tpu.memory_space<hbm>> -> memref<128xi32, #tpu.memory_space<hbm>>
      %dma_wait3A_1377 = arith.constant 0 : i32
      %dma_wait3A_1378 = tpu.memref_slice %arg4[%dma_wait3A_1371, %dma_wait3A_1377] : memref<56x128xi32, #tpu.memory_space<vmem>> -> memref<1x128xi32, #tpu.memory_space<vmem>>
      %dma_wait3A_1379 = tpu.memref_squeeze %dma_wait3A_1378 : memref<1x128xi32, #tpu.memory_space<vmem>> -> memref<128xi32, #tpu.memory_space<vmem>>
      tpu.wait_dma2 semaphore(%arg6 : memref<!tpu.dma_semaphore, #tpu.memory_space<semaphore_mem>>) src(%dma_wait3A_1379 : memref<128xi32, #tpu.memory_space<vmem>>) dst(%dma_wait3A_1376 : memref<128xi32, #tpu.memory_space<hbm>>)
      %mul3A_1380 = arith.constant 50 : i32
      %mul3A_1381 = arith.muli %add3A_9, %mul3A_1380 : i32
      %add3A_1382 = arith.constant 32 : i32
      %add3A_1383 = arith.addi %mul3A_1381, %add3A_1382 : i32
      %mul3A_1384 = arith.constant 128 : i32
      %mul3A_1385 = arith.muli %add3A_1383, %mul3A_1384 : i32
      %dma_wait3A_1386 = arith.constant 32 : i32
      %dma_wait3A_1387 = arith.constant 0 : i32
      %dma_wait3A_1388 = tpu.memref_slice %arg4[%dma_wait3A_1386, %dma_wait3A_1387] : memref<56x128xi32, #tpu.memory_space<vmem>> -> memref<1x128xi32, #tpu.memory_space<vmem>>
      %dma_wait3A_1389 = tpu.memref_squeeze %dma_wait3A_1388 : memref<1x128xi32, #tpu.memory_space<vmem>> -> memref<128xi32, #tpu.memory_space<vmem>>
      %dma_wait3A_1390 = tpu.memref_slice %arg3[%mul3A_1385] : memref<819200xi32, #tpu.memory_space<hbm>> -> memref<128xi32, #tpu.memory_space<hbm>>
      %dma_wait3A_1391 = tpu.memref_slice %arg3[%mul3A_1385] : memref<819200xi32, #tpu.memory_space<hbm>> -> memref<128xi32, #tpu.memory_space<hbm>>
      %dma_wait3A_1392 = arith.constant 0 : i32
      %dma_wait3A_1393 = tpu.memref_slice %arg4[%dma_wait3A_1386, %dma_wait3A_1392] : memref<56x128xi32, #tpu.memory_space<vmem>> -> memref<1x128xi32, #tpu.memory_space<vmem>>
      %dma_wait3A_1394 = tpu.memref_squeeze %dma_wait3A_1393 : memref<1x128xi32, #tpu.memory_space<vmem>> -> memref<128xi32, #tpu.memory_space<vmem>>
      tpu.wait_dma2 semaphore(%arg6 : memref<!tpu.dma_semaphore, #tpu.memory_space<semaphore_mem>>) src(%dma_wait3A_1394 : memref<128xi32, #tpu.memory_space<vmem>>) dst(%dma_wait3A_1391 : memref<128xi32, #tpu.memory_space<hbm>>)
      %mul3A_1395 = arith.constant 50 : i32
      %mul3A_1396 = arith.muli %add3A_9, %mul3A_1395 : i32
      %add3A_1397 = arith.constant 33 : i32
      %add3A_1398 = arith.addi %mul3A_1396, %add3A_1397 : i32
      %mul3A_1399 = arith.constant 128 : i32
      %mul3A_1400 = arith.muli %add3A_1398, %mul3A_1399 : i32
      %dma_wait3A_1401 = arith.constant 33 : i32
      %dma_wait3A_1402 = arith.constant 0 : i32
      %dma_wait3A_1403 = tpu.memref_slice %arg4[%dma_wait3A_1401, %dma_wait3A_1402] : memref<56x128xi32, #tpu.memory_space<vmem>> -> memref<1x128xi32, #tpu.memory_space<vmem>>
      %dma_wait3A_1404 = tpu.memref_squeeze %dma_wait3A_1403 : memref<1x128xi32, #tpu.memory_space<vmem>> -> memref<128xi32, #tpu.memory_space<vmem>>
      %dma_wait3A_1405 = tpu.memref_slice %arg3[%mul3A_1400] : memref<819200xi32, #tpu.memory_space<hbm>> -> memref<128xi32, #tpu.memory_space<hbm>>
      %dma_wait3A_1406 = tpu.memref_slice %arg3[%mul3A_1400] : memref<819200xi32, #tpu.memory_space<hbm>> -> memref<128xi32, #tpu.memory_space<hbm>>
      %dma_wait3A_1407 = arith.constant 0 : i32
      %dma_wait3A_1408 = tpu.memref_slice %arg4[%dma_wait3A_1401, %dma_wait3A_1407] : memref<56x128xi32, #tpu.memory_space<vmem>> -> memref<1x128xi32, #tpu.memory_space<vmem>>
      %dma_wait3A_1409 = tpu.memref_squeeze %dma_wait3A_1408 : memref<1x128xi32, #tpu.memory_space<vmem>> -> memref<128xi32, #tpu.memory_space<vmem>>
      tpu.wait_dma2 semaphore(%arg6 : memref<!tpu.dma_semaphore, #tpu.memory_space<semaphore_mem>>) src(%dma_wait3A_1409 : memref<128xi32, #tpu.memory_space<vmem>>) dst(%dma_wait3A_1406 : memref<128xi32, #tpu.memory_space<hbm>>)
      %mul3A_1410 = arith.constant 50 : i32
      %mul3A_1411 = arith.muli %add3A_9, %mul3A_1410 : i32
      %add3A_1412 = arith.constant 34 : i32
      %add3A_1413 = arith.addi %mul3A_1411, %add3A_1412 : i32
      %mul3A_1414 = arith.constant 128 : i32
      %mul3A_1415 = arith.muli %add3A_1413, %mul3A_1414 : i32
      %dma_wait3A_1416 = arith.constant 34 : i32
      %dma_wait3A_1417 = arith.constant 0 : i32
      %dma_wait3A_1418 = tpu.memref_slice %arg4[%dma_wait3A_1416, %dma_wait3A_1417] : memref<56x128xi32, #tpu.memory_space<vmem>> -> memref<1x128xi32, #tpu.memory_space<vmem>>
      %dma_wait3A_1419 = tpu.memref_squeeze %dma_wait3A_1418 : memref<1x128xi32, #tpu.memory_space<vmem>> -> memref<128xi32, #tpu.memory_space<vmem>>
      %dma_wait3A_1420 = tpu.memref_slice %arg3[%mul3A_1415] : memref<819200xi32, #tpu.memory_space<hbm>> -> memref<128xi32, #tpu.memory_space<hbm>>
      %dma_wait3A_1421 = tpu.memref_slice %arg3[%mul3A_1415] : memref<819200xi32, #tpu.memory_space<hbm>> -> memref<128xi32, #tpu.memory_space<hbm>>
      %dma_wait3A_1422 = arith.constant 0 : i32
      %dma_wait3A_1423 = tpu.memref_slice %arg4[%dma_wait3A_1416, %dma_wait3A_1422] : memref<56x128xi32, #tpu.memory_space<vmem>> -> memref<1x128xi32, #tpu.memory_space<vmem>>
      %dma_wait3A_1424 = tpu.memref_squeeze %dma_wait3A_1423 : memref<1x128xi32, #tpu.memory_space<vmem>> -> memref<128xi32, #tpu.memory_space<vmem>>
      tpu.wait_dma2 semaphore(%arg6 : memref<!tpu.dma_semaphore, #tpu.memory_space<semaphore_mem>>) src(%dma_wait3A_1424 : memref<128xi32, #tpu.memory_space<vmem>>) dst(%dma_wait3A_1421 : memref<128xi32, #tpu.memory_space<hbm>>)
      %mul3A_1425 = arith.constant 50 : i32
      %mul3A_1426 = arith.muli %add3A_9, %mul3A_1425 : i32
      %add3A_1427 = arith.constant 35 : i32
      %add3A_1428 = arith.addi %mul3A_1426, %add3A_1427 : i32
      %mul3A_1429 = arith.constant 128 : i32
      %mul3A_1430 = arith.muli %add3A_1428, %mul3A_1429 : i32
      %dma_wait3A_1431 = arith.constant 35 : i32
      %dma_wait3A_1432 = arith.constant 0 : i32
      %dma_wait3A_1433 = tpu.memref_slice %arg4[%dma_wait3A_1431, %dma_wait3A_1432] : memref<56x128xi32, #tpu.memory_space<vmem>> -> memref<1x128xi32, #tpu.memory_space<vmem>>
      %dma_wait3A_1434 = tpu.memref_squeeze %dma_wait3A_1433 : memref<1x128xi32, #tpu.memory_space<vmem>> -> memref<128xi32, #tpu.memory_space<vmem>>
      %dma_wait3A_1435 = tpu.memref_slice %arg3[%mul3A_1430] : memref<819200xi32, #tpu.memory_space<hbm>> -> memref<128xi32, #tpu.memory_space<hbm>>
      %dma_wait3A_1436 = tpu.memref_slice %arg3[%mul3A_1430] : memref<819200xi32, #tpu.memory_space<hbm>> -> memref<128xi32, #tpu.memory_space<hbm>>
      %dma_wait3A_1437 = arith.constant 0 : i32
      %dma_wait3A_1438 = tpu.memref_slice %arg4[%dma_wait3A_1431, %dma_wait3A_1437] : memref<56x128xi32, #tpu.memory_space<vmem>> -> memref<1x128xi32, #tpu.memory_space<vmem>>
      %dma_wait3A_1439 = tpu.memref_squeeze %dma_wait3A_1438 : memref<1x128xi32, #tpu.memory_space<vmem>> -> memref<128xi32, #tpu.memory_space<vmem>>
      tpu.wait_dma2 semaphore(%arg6 : memref<!tpu.dma_semaphore, #tpu.memory_space<semaphore_mem>>) src(%dma_wait3A_1439 : memref<128xi32, #tpu.memory_space<vmem>>) dst(%dma_wait3A_1436 : memref<128xi32, #tpu.memory_space<hbm>>)
      %mul3A_1440 = arith.constant 50 : i32
      %mul3A_1441 = arith.muli %add3A_9, %mul3A_1440 : i32
      %add3A_1442 = arith.constant 36 : i32
      %add3A_1443 = arith.addi %mul3A_1441, %add3A_1442 : i32
      %mul3A_1444 = arith.constant 128 : i32
      %mul3A_1445 = arith.muli %add3A_1443, %mul3A_1444 : i32
      %dma_wait3A_1446 = arith.constant 36 : i32
      %dma_wait3A_1447 = arith.constant 0 : i32
      %dma_wait3A_1448 = tpu.memref_slice %arg4[%dma_wait3A_1446, %dma_wait3A_1447] : memref<56x128xi32, #tpu.memory_space<vmem>> -> memref<1x128xi32, #tpu.memory_space<vmem>>
      %dma_wait3A_1449 = tpu.memref_squeeze %dma_wait3A_1448 : memref<1x128xi32, #tpu.memory_space<vmem>> -> memref<128xi32, #tpu.memory_space<vmem>>
      %dma_wait3A_1450 = tpu.memref_slice %arg3[%mul3A_1445] : memref<819200xi32, #tpu.memory_space<hbm>> -> memref<128xi32, #tpu.memory_space<hbm>>
      %dma_wait3A_1451 = tpu.memref_slice %arg3[%mul3A_1445] : memref<819200xi32, #tpu.memory_space<hbm>> -> memref<128xi32, #tpu.memory_space<hbm>>
      %dma_wait3A_1452 = arith.constant 0 : i32
      %dma_wait3A_1453 = tpu.memref_slice %arg4[%dma_wait3A_1446, %dma_wait3A_1452] : memref<56x128xi32, #tpu.memory_space<vmem>> -> memref<1x128xi32, #tpu.memory_space<vmem>>
      %dma_wait3A_1454 = tpu.memref_squeeze %dma_wait3A_1453 : memref<1x128xi32, #tpu.memory_space<vmem>> -> memref<128xi32, #tpu.memory_space<vmem>>
      tpu.wait_dma2 semaphore(%arg6 : memref<!tpu.dma_semaphore, #tpu.memory_space<semaphore_mem>>) src(%dma_wait3A_1454 : memref<128xi32, #tpu.memory_space<vmem>>) dst(%dma_wait3A_1451 : memref<128xi32, #tpu.memory_space<hbm>>)
      %mul3A_1455 = arith.constant 50 : i32
      %mul3A_1456 = arith.muli %add3A_9, %mul3A_1455 : i32
      %add3A_1457 = arith.constant 37 : i32
      %add3A_1458 = arith.addi %mul3A_1456, %add3A_1457 : i32
      %mul3A_1459 = arith.constant 128 : i32
      %mul3A_1460 = arith.muli %add3A_1458, %mul3A_1459 : i32
      %dma_wait3A_1461 = arith.constant 37 : i32
      %dma_wait3A_1462 = arith.constant 0 : i32
      %dma_wait3A_1463 = tpu.memref_slice %arg4[%dma_wait3A_1461, %dma_wait3A_1462] : memref<56x128xi32, #tpu.memory_space<vmem>> -> memref<1x128xi32, #tpu.memory_space<vmem>>
      %dma_wait3A_1464 = tpu.memref_squeeze %dma_wait3A_1463 : memref<1x128xi32, #tpu.memory_space<vmem>> -> memref<128xi32, #tpu.memory_space<vmem>>
      %dma_wait3A_1465 = tpu.memref_slice %arg3[%mul3A_1460] : memref<819200xi32, #tpu.memory_space<hbm>> -> memref<128xi32, #tpu.memory_space<hbm>>
      %dma_wait3A_1466 = tpu.memref_slice %arg3[%mul3A_1460] : memref<819200xi32, #tpu.memory_space<hbm>> -> memref<128xi32, #tpu.memory_space<hbm>>
      %dma_wait3A_1467 = arith.constant 0 : i32
      %dma_wait3A_1468 = tpu.memref_slice %arg4[%dma_wait3A_1461, %dma_wait3A_1467] : memref<56x128xi32, #tpu.memory_space<vmem>> -> memref<1x128xi32, #tpu.memory_space<vmem>>
      %dma_wait3A_1469 = tpu.memref_squeeze %dma_wait3A_1468 : memref<1x128xi32, #tpu.memory_space<vmem>> -> memref<128xi32, #tpu.memory_space<vmem>>
      tpu.wait_dma2 semaphore(%arg6 : memref<!tpu.dma_semaphore, #tpu.memory_space<semaphore_mem>>) src(%dma_wait3A_1469 : memref<128xi32, #tpu.memory_space<vmem>>) dst(%dma_wait3A_1466 : memref<128xi32, #tpu.memory_space<hbm>>)
      %mul3A_1470 = arith.constant 50 : i32
      %mul3A_1471 = arith.muli %add3A_9, %mul3A_1470 : i32
      %add3A_1472 = arith.constant 38 : i32
      %add3A_1473 = arith.addi %mul3A_1471, %add3A_1472 : i32
      %mul3A_1474 = arith.constant 128 : i32
      %mul3A_1475 = arith.muli %add3A_1473, %mul3A_1474 : i32
      %dma_wait3A_1476 = arith.constant 38 : i32
      %dma_wait3A_1477 = arith.constant 0 : i32
      %dma_wait3A_1478 = tpu.memref_slice %arg4[%dma_wait3A_1476, %dma_wait3A_1477] : memref<56x128xi32, #tpu.memory_space<vmem>> -> memref<1x128xi32, #tpu.memory_space<vmem>>
      %dma_wait3A_1479 = tpu.memref_squeeze %dma_wait3A_1478 : memref<1x128xi32, #tpu.memory_space<vmem>> -> memref<128xi32, #tpu.memory_space<vmem>>
      %dma_wait3A_1480 = tpu.memref_slice %arg3[%mul3A_1475] : memref<819200xi32, #tpu.memory_space<hbm>> -> memref<128xi32, #tpu.memory_space<hbm>>
      %dma_wait3A_1481 = tpu.memref_slice %arg3[%mul3A_1475] : memref<819200xi32, #tpu.memory_space<hbm>> -> memref<128xi32, #tpu.memory_space<hbm>>
      %dma_wait3A_1482 = arith.constant 0 : i32
      %dma_wait3A_1483 = tpu.memref_slice %arg4[%dma_wait3A_1476, %dma_wait3A_1482] : memref<56x128xi32, #tpu.memory_space<vmem>> -> memref<1x128xi32, #tpu.memory_space<vmem>>
      %dma_wait3A_1484 = tpu.memref_squeeze %dma_wait3A_1483 : memref<1x128xi32, #tpu.memory_space<vmem>> -> memref<128xi32, #tpu.memory_space<vmem>>
      tpu.wait_dma2 semaphore(%arg6 : memref<!tpu.dma_semaphore, #tpu.memory_space<semaphore_mem>>) src(%dma_wait3A_1484 : memref<128xi32, #tpu.memory_space<vmem>>) dst(%dma_wait3A_1481 : memref<128xi32, #tpu.memory_space<hbm>>)
      %mul3A_1485 = arith.constant 50 : i32
      %mul3A_1486 = arith.muli %add3A_9, %mul3A_1485 : i32
      %add3A_1487 = arith.constant 39 : i32
      %add3A_1488 = arith.addi %mul3A_1486, %add3A_1487 : i32
      %mul3A_1489 = arith.constant 128 : i32
      %mul3A_1490 = arith.muli %add3A_1488, %mul3A_1489 : i32
      %dma_wait3A_1491 = arith.constant 39 : i32
      %dma_wait3A_1492 = arith.constant 0 : i32
      %dma_wait3A_1493 = tpu.memref_slice %arg4[%dma_wait3A_1491, %dma_wait3A_1492] : memref<56x128xi32, #tpu.memory_space<vmem>> -> memref<1x128xi32, #tpu.memory_space<vmem>>
      %dma_wait3A_1494 = tpu.memref_squeeze %dma_wait3A_1493 : memref<1x128xi32, #tpu.memory_space<vmem>> -> memref<128xi32, #tpu.memory_space<vmem>>
      %dma_wait3A_1495 = tpu.memref_slice %arg3[%mul3A_1490] : memref<819200xi32, #tpu.memory_space<hbm>> -> memref<128xi32, #tpu.memory_space<hbm>>
      %dma_wait3A_1496 = tpu.memref_slice %arg3[%mul3A_1490] : memref<819200xi32, #tpu.memory_space<hbm>> -> memref<128xi32, #tpu.memory_space<hbm>>
      %dma_wait3A_1497 = arith.constant 0 : i32
      %dma_wait3A_1498 = tpu.memref_slice %arg4[%dma_wait3A_1491, %dma_wait3A_1497] : memref<56x128xi32, #tpu.memory_space<vmem>> -> memref<1x128xi32, #tpu.memory_space<vmem>>
      %dma_wait3A_1499 = tpu.memref_squeeze %dma_wait3A_1498 : memref<1x128xi32, #tpu.memory_space<vmem>> -> memref<128xi32, #tpu.memory_space<vmem>>
      tpu.wait_dma2 semaphore(%arg6 : memref<!tpu.dma_semaphore, #tpu.memory_space<semaphore_mem>>) src(%dma_wait3A_1499 : memref<128xi32, #tpu.memory_space<vmem>>) dst(%dma_wait3A_1496 : memref<128xi32, #tpu.memory_space<hbm>>)
      %mul3A_1500 = arith.constant 50 : i32
      %mul3A_1501 = arith.muli %add3A_9, %mul3A_1500 : i32
      %add3A_1502 = arith.constant 40 : i32
      %add3A_1503 = arith.addi %mul3A_1501, %add3A_1502 : i32
      %mul3A_1504 = arith.constant 128 : i32
      %mul3A_1505 = arith.muli %add3A_1503, %mul3A_1504 : i32
      %dma_wait3A_1506 = arith.constant 40 : i32
      %dma_wait3A_1507 = arith.constant 0 : i32
      %dma_wait3A_1508 = tpu.memref_slice %arg4[%dma_wait3A_1506, %dma_wait3A_1507] : memref<56x128xi32, #tpu.memory_space<vmem>> -> memref<1x128xi32, #tpu.memory_space<vmem>>
      %dma_wait3A_1509 = tpu.memref_squeeze %dma_wait3A_1508 : memref<1x128xi32, #tpu.memory_space<vmem>> -> memref<128xi32, #tpu.memory_space<vmem>>
      %dma_wait3A_1510 = tpu.memref_slice %arg3[%mul3A_1505] : memref<819200xi32, #tpu.memory_space<hbm>> -> memref<128xi32, #tpu.memory_space<hbm>>
      %dma_wait3A_1511 = tpu.memref_slice %arg3[%mul3A_1505] : memref<819200xi32, #tpu.memory_space<hbm>> -> memref<128xi32, #tpu.memory_space<hbm>>
      %dma_wait3A_1512 = arith.constant 0 : i32
      %dma_wait3A_1513 = tpu.memref_slice %arg4[%dma_wait3A_1506, %dma_wait3A_1512] : memref<56x128xi32, #tpu.memory_space<vmem>> -> memref<1x128xi32, #tpu.memory_space<vmem>>
      %dma_wait3A_1514 = tpu.memref_squeeze %dma_wait3A_1513 : memref<1x128xi32, #tpu.memory_space<vmem>> -> memref<128xi32, #tpu.memory_space<vmem>>
      tpu.wait_dma2 semaphore(%arg6 : memref<!tpu.dma_semaphore, #tpu.memory_space<semaphore_mem>>) src(%dma_wait3A_1514 : memref<128xi32, #tpu.memory_space<vmem>>) dst(%dma_wait3A_1511 : memref<128xi32, #tpu.memory_space<hbm>>)
      %mul3A_1515 = arith.constant 50 : i32
      %mul3A_1516 = arith.muli %add3A_9, %mul3A_1515 : i32
      %add3A_1517 = arith.constant 41 : i32
      %add3A_1518 = arith.addi %mul3A_1516, %add3A_1517 : i32
      %mul3A_1519 = arith.constant 128 : i32
      %mul3A_1520 = arith.muli %add3A_1518, %mul3A_1519 : i32
      %dma_wait3A_1521 = arith.constant 41 : i32
      %dma_wait3A_1522 = arith.constant 0 : i32
      %dma_wait3A_1523 = tpu.memref_slice %arg4[%dma_wait3A_1521, %dma_wait3A_1522] : memref<56x128xi32, #tpu.memory_space<vmem>> -> memref<1x128xi32, #tpu.memory_space<vmem>>
      %dma_wait3A_1524 = tpu.memref_squeeze %dma_wait3A_1523 : memref<1x128xi32, #tpu.memory_space<vmem>> -> memref<128xi32, #tpu.memory_space<vmem>>
      %dma_wait3A_1525 = tpu.memref_slice %arg3[%mul3A_1520] : memref<819200xi32, #tpu.memory_space<hbm>> -> memref<128xi32, #tpu.memory_space<hbm>>
      %dma_wait3A_1526 = tpu.memref_slice %arg3[%mul3A_1520] : memref<819200xi32, #tpu.memory_space<hbm>> -> memref<128xi32, #tpu.memory_space<hbm>>
      %dma_wait3A_1527 = arith.constant 0 : i32
      %dma_wait3A_1528 = tpu.memref_slice %arg4[%dma_wait3A_1521, %dma_wait3A_1527] : memref<56x128xi32, #tpu.memory_space<vmem>> -> memref<1x128xi32, #tpu.memory_space<vmem>>
      %dma_wait3A_1529 = tpu.memref_squeeze %dma_wait3A_1528 : memref<1x128xi32, #tpu.memory_space<vmem>> -> memref<128xi32, #tpu.memory_space<vmem>>
      tpu.wait_dma2 semaphore(%arg6 : memref<!tpu.dma_semaphore, #tpu.memory_space<semaphore_mem>>) src(%dma_wait3A_1529 : memref<128xi32, #tpu.memory_space<vmem>>) dst(%dma_wait3A_1526 : memref<128xi32, #tpu.memory_space<hbm>>)
      %mul3A_1530 = arith.constant 50 : i32
      %mul3A_1531 = arith.muli %add3A_9, %mul3A_1530 : i32
      %add3A_1532 = arith.constant 42 : i32
      %add3A_1533 = arith.addi %mul3A_1531, %add3A_1532 : i32
      %mul3A_1534 = arith.constant 128 : i32
      %mul3A_1535 = arith.muli %add3A_1533, %mul3A_1534 : i32
      %dma_wait3A_1536 = arith.constant 42 : i32
      %dma_wait3A_1537 = arith.constant 0 : i32
      %dma_wait3A_1538 = tpu.memref_slice %arg4[%dma_wait3A_1536, %dma_wait3A_1537] : memref<56x128xi32, #tpu.memory_space<vmem>> -> memref<1x128xi32, #tpu.memory_space<vmem>>
      %dma_wait3A_1539 = tpu.memref_squeeze %dma_wait3A_1538 : memref<1x128xi32, #tpu.memory_space<vmem>> -> memref<128xi32, #tpu.memory_space<vmem>>
      %dma_wait3A_1540 = tpu.memref_slice %arg3[%mul3A_1535] : memref<819200xi32, #tpu.memory_space<hbm>> -> memref<128xi32, #tpu.memory_space<hbm>>
      %dma_wait3A_1541 = tpu.memref_slice %arg3[%mul3A_1535] : memref<819200xi32, #tpu.memory_space<hbm>> -> memref<128xi32, #tpu.memory_space<hbm>>
      %dma_wait3A_1542 = arith.constant 0 : i32
      %dma_wait3A_1543 = tpu.memref_slice %arg4[%dma_wait3A_1536, %dma_wait3A_1542] : memref<56x128xi32, #tpu.memory_space<vmem>> -> memref<1x128xi32, #tpu.memory_space<vmem>>
      %dma_wait3A_1544 = tpu.memref_squeeze %dma_wait3A_1543 : memref<1x128xi32, #tpu.memory_space<vmem>> -> memref<128xi32, #tpu.memory_space<vmem>>
      tpu.wait_dma2 semaphore(%arg6 : memref<!tpu.dma_semaphore, #tpu.memory_space<semaphore_mem>>) src(%dma_wait3A_1544 : memref<128xi32, #tpu.memory_space<vmem>>) dst(%dma_wait3A_1541 : memref<128xi32, #tpu.memory_space<hbm>>)
      %mul3A_1545 = arith.constant 50 : i32
      %mul3A_1546 = arith.muli %add3A_9, %mul3A_1545 : i32
      %add3A_1547 = arith.constant 43 : i32
      %add3A_1548 = arith.addi %mul3A_1546, %add3A_1547 : i32
      %mul3A_1549 = arith.constant 128 : i32
      %mul3A_1550 = arith.muli %add3A_1548, %mul3A_1549 : i32
      %dma_wait3A_1551 = arith.constant 43 : i32
      %dma_wait3A_1552 = arith.constant 0 : i32
      %dma_wait3A_1553 = tpu.memref_slice %arg4[%dma_wait3A_1551, %dma_wait3A_1552] : memref<56x128xi32, #tpu.memory_space<vmem>> -> memref<1x128xi32, #tpu.memory_space<vmem>>
      %dma_wait3A_1554 = tpu.memref_squeeze %dma_wait3A_1553 : memref<1x128xi32, #tpu.memory_space<vmem>> -> memref<128xi32, #tpu.memory_space<vmem>>
      %dma_wait3A_1555 = tpu.memref_slice %arg3[%mul3A_1550] : memref<819200xi32, #tpu.memory_space<hbm>> -> memref<128xi32, #tpu.memory_space<hbm>>
      %dma_wait3A_1556 = tpu.memref_slice %arg3[%mul3A_1550] : memref<819200xi32, #tpu.memory_space<hbm>> -> memref<128xi32, #tpu.memory_space<hbm>>
      %dma_wait3A_1557 = arith.constant 0 : i32
      %dma_wait3A_1558 = tpu.memref_slice %arg4[%dma_wait3A_1551, %dma_wait3A_1557] : memref<56x128xi32, #tpu.memory_space<vmem>> -> memref<1x128xi32, #tpu.memory_space<vmem>>
      %dma_wait3A_1559 = tpu.memref_squeeze %dma_wait3A_1558 : memref<1x128xi32, #tpu.memory_space<vmem>> -> memref<128xi32, #tpu.memory_space<vmem>>
      tpu.wait_dma2 semaphore(%arg6 : memref<!tpu.dma_semaphore, #tpu.memory_space<semaphore_mem>>) src(%dma_wait3A_1559 : memref<128xi32, #tpu.memory_space<vmem>>) dst(%dma_wait3A_1556 : memref<128xi32, #tpu.memory_space<hbm>>)
      %mul3A_1560 = arith.constant 50 : i32
      %mul3A_1561 = arith.muli %add3A_9, %mul3A_1560 : i32
      %add3A_1562 = arith.constant 44 : i32
      %add3A_1563 = arith.addi %mul3A_1561, %add3A_1562 : i32
      %mul3A_1564 = arith.constant 128 : i32
      %mul3A_1565 = arith.muli %add3A_1563, %mul3A_1564 : i32
      %dma_wait3A_1566 = arith.constant 44 : i32
      %dma_wait3A_1567 = arith.constant 0 : i32
      %dma_wait3A_1568 = tpu.memref_slice %arg4[%dma_wait3A_1566, %dma_wait3A_1567] : memref<56x128xi32, #tpu.memory_space<vmem>> -> memref<1x128xi32, #tpu.memory_space<vmem>>
      %dma_wait3A_1569 = tpu.memref_squeeze %dma_wait3A_1568 : memref<1x128xi32, #tpu.memory_space<vmem>> -> memref<128xi32, #tpu.memory_space<vmem>>
      %dma_wait3A_1570 = tpu.memref_slice %arg3[%mul3A_1565] : memref<819200xi32, #tpu.memory_space<hbm>> -> memref<128xi32, #tpu.memory_space<hbm>>
      %dma_wait3A_1571 = tpu.memref_slice %arg3[%mul3A_1565] : memref<819200xi32, #tpu.memory_space<hbm>> -> memref<128xi32, #tpu.memory_space<hbm>>
      %dma_wait3A_1572 = arith.constant 0 : i32
      %dma_wait3A_1573 = tpu.memref_slice %arg4[%dma_wait3A_1566, %dma_wait3A_1572] : memref<56x128xi32, #tpu.memory_space<vmem>> -> memref<1x128xi32, #tpu.memory_space<vmem>>
      %dma_wait3A_1574 = tpu.memref_squeeze %dma_wait3A_1573 : memref<1x128xi32, #tpu.memory_space<vmem>> -> memref<128xi32, #tpu.memory_space<vmem>>
      tpu.wait_dma2 semaphore(%arg6 : memref<!tpu.dma_semaphore, #tpu.memory_space<semaphore_mem>>) src(%dma_wait3A_1574 : memref<128xi32, #tpu.memory_space<vmem>>) dst(%dma_wait3A_1571 : memref<128xi32, #tpu.memory_space<hbm>>)
      %mul3A_1575 = arith.constant 50 : i32
      %mul3A_1576 = arith.muli %add3A_9, %mul3A_1575 : i32
      %add3A_1577 = arith.constant 45 : i32
      %add3A_1578 = arith.addi %mul3A_1576, %add3A_1577 : i32
      %mul3A_1579 = arith.constant 128 : i32
      %mul3A_1580 = arith.muli %add3A_1578, %mul3A_1579 : i32
      %dma_wait3A_1581 = arith.constant 45 : i32
      %dma_wait3A_1582 = arith.constant 0 : i32
      %dma_wait3A_1583 = tpu.memref_slice %arg4[%dma_wait3A_1581, %dma_wait3A_1582] : memref<56x128xi32, #tpu.memory_space<vmem>> -> memref<1x128xi32, #tpu.memory_space<vmem>>
      %dma_wait3A_1584 = tpu.memref_squeeze %dma_wait3A_1583 : memref<1x128xi32, #tpu.memory_space<vmem>> -> memref<128xi32, #tpu.memory_space<vmem>>
      %dma_wait3A_1585 = tpu.memref_slice %arg3[%mul3A_1580] : memref<819200xi32, #tpu.memory_space<hbm>> -> memref<128xi32, #tpu.memory_space<hbm>>
      %dma_wait3A_1586 = tpu.memref_slice %arg3[%mul3A_1580] : memref<819200xi32, #tpu.memory_space<hbm>> -> memref<128xi32, #tpu.memory_space<hbm>>
      %dma_wait3A_1587 = arith.constant 0 : i32
      %dma_wait3A_1588 = tpu.memref_slice %arg4[%dma_wait3A_1581, %dma_wait3A_1587] : memref<56x128xi32, #tpu.memory_space<vmem>> -> memref<1x128xi32, #tpu.memory_space<vmem>>
      %dma_wait3A_1589 = tpu.memref_squeeze %dma_wait3A_1588 : memref<1x128xi32, #tpu.memory_space<vmem>> -> memref<128xi32, #tpu.memory_space<vmem>>
      tpu.wait_dma2 semaphore(%arg6 : memref<!tpu.dma_semaphore, #tpu.memory_space<semaphore_mem>>) src(%dma_wait3A_1589 : memref<128xi32, #tpu.memory_space<vmem>>) dst(%dma_wait3A_1586 : memref<128xi32, #tpu.memory_space<hbm>>)
      %mul3A_1590 = arith.constant 50 : i32
      %mul3A_1591 = arith.muli %add3A_9, %mul3A_1590 : i32
      %add3A_1592 = arith.constant 46 : i32
      %add3A_1593 = arith.addi %mul3A_1591, %add3A_1592 : i32
      %mul3A_1594 = arith.constant 128 : i32
      %mul3A_1595 = arith.muli %add3A_1593, %mul3A_1594 : i32
      %dma_wait3A_1596 = arith.constant 46 : i32
      %dma_wait3A_1597 = arith.constant 0 : i32
      %dma_wait3A_1598 = tpu.memref_slice %arg4[%dma_wait3A_1596, %dma_wait3A_1597] : memref<56x128xi32, #tpu.memory_space<vmem>> -> memref<1x128xi32, #tpu.memory_space<vmem>>
      %dma_wait3A_1599 = tpu.memref_squeeze %dma_wait3A_1598 : memref<1x128xi32, #tpu.memory_space<vmem>> -> memref<128xi32, #tpu.memory_space<vmem>>
      %dma_wait3A_1600 = tpu.memref_slice %arg3[%mul3A_1595] : memref<819200xi32, #tpu.memory_space<hbm>> -> memref<128xi32, #tpu.memory_space<hbm>>
      %dma_wait3A_1601 = tpu.memref_slice %arg3[%mul3A_1595] : memref<819200xi32, #tpu.memory_space<hbm>> -> memref<128xi32, #tpu.memory_space<hbm>>
      %dma_wait3A_1602 = arith.constant 0 : i32
      %dma_wait3A_1603 = tpu.memref_slice %arg4[%dma_wait3A_1596, %dma_wait3A_1602] : memref<56x128xi32, #tpu.memory_space<vmem>> -> memref<1x128xi32, #tpu.memory_space<vmem>>
      %dma_wait3A_1604 = tpu.memref_squeeze %dma_wait3A_1603 : memref<1x128xi32, #tpu.memory_space<vmem>> -> memref<128xi32, #tpu.memory_space<vmem>>
      tpu.wait_dma2 semaphore(%arg6 : memref<!tpu.dma_semaphore, #tpu.memory_space<semaphore_mem>>) src(%dma_wait3A_1604 : memref<128xi32, #tpu.memory_space<vmem>>) dst(%dma_wait3A_1601 : memref<128xi32, #tpu.memory_space<hbm>>)
      %mul3A_1605 = arith.constant 50 : i32
      %mul3A_1606 = arith.muli %add3A_9, %mul3A_1605 : i32
      %add3A_1607 = arith.constant 47 : i32
      %add3A_1608 = arith.addi %mul3A_1606, %add3A_1607 : i32
      %mul3A_1609 = arith.constant 128 : i32
      %mul3A_1610 = arith.muli %add3A_1608, %mul3A_1609 : i32
      %dma_wait3A_1611 = arith.constant 47 : i32
      %dma_wait3A_1612 = arith.constant 0 : i32
      %dma_wait3A_1613 = tpu.memref_slice %arg4[%dma_wait3A_1611, %dma_wait3A_1612] : memref<56x128xi32, #tpu.memory_space<vmem>> -> memref<1x128xi32, #tpu.memory_space<vmem>>
      %dma_wait3A_1614 = tpu.memref_squeeze %dma_wait3A_1613 : memref<1x128xi32, #tpu.memory_space<vmem>> -> memref<128xi32, #tpu.memory_space<vmem>>
      %dma_wait3A_1615 = tpu.memref_slice %arg3[%mul3A_1610] : memref<819200xi32, #tpu.memory_space<hbm>> -> memref<128xi32, #tpu.memory_space<hbm>>
      %dma_wait3A_1616 = tpu.memref_slice %arg3[%mul3A_1610] : memref<819200xi32, #tpu.memory_space<hbm>> -> memref<128xi32, #tpu.memory_space<hbm>>
      %dma_wait3A_1617 = arith.constant 0 : i32
      %dma_wait3A_1618 = tpu.memref_slice %arg4[%dma_wait3A_1611, %dma_wait3A_1617] : memref<56x128xi32, #tpu.memory_space<vmem>> -> memref<1x128xi32, #tpu.memory_space<vmem>>
      %dma_wait3A_1619 = tpu.memref_squeeze %dma_wait3A_1618 : memref<1x128xi32, #tpu.memory_space<vmem>> -> memref<128xi32, #tpu.memory_space<vmem>>
      tpu.wait_dma2 semaphore(%arg6 : memref<!tpu.dma_semaphore, #tpu.memory_space<semaphore_mem>>) src(%dma_wait3A_1619 : memref<128xi32, #tpu.memory_space<vmem>>) dst(%dma_wait3A_1616 : memref<128xi32, #tpu.memory_space<hbm>>)
      %mul3A_1620 = arith.constant 50 : i32
      %mul3A_1621 = arith.muli %add3A_9, %mul3A_1620 : i32
      %add3A_1622 = arith.constant 48 : i32
      %add3A_1623 = arith.addi %mul3A_1621, %add3A_1622 : i32
      %mul3A_1624 = arith.constant 128 : i32
      %mul3A_1625 = arith.muli %add3A_1623, %mul3A_1624 : i32
      %dma_wait3A_1626 = arith.constant 48 : i32
      %dma_wait3A_1627 = arith.constant 0 : i32
      %dma_wait3A_1628 = tpu.memref_slice %arg4[%dma_wait3A_1626, %dma_wait3A_1627] : memref<56x128xi32, #tpu.memory_space<vmem>> -> memref<1x128xi32, #tpu.memory_space<vmem>>
      %dma_wait3A_1629 = tpu.memref_squeeze %dma_wait3A_1628 : memref<1x128xi32, #tpu.memory_space<vmem>> -> memref<128xi32, #tpu.memory_space<vmem>>
      %dma_wait3A_1630 = tpu.memref_slice %arg3[%mul3A_1625] : memref<819200xi32, #tpu.memory_space<hbm>> -> memref<128xi32, #tpu.memory_space<hbm>>
      %dma_wait3A_1631 = tpu.memref_slice %arg3[%mul3A_1625] : memref<819200xi32, #tpu.memory_space<hbm>> -> memref<128xi32, #tpu.memory_space<hbm>>
      %dma_wait3A_1632 = arith.constant 0 : i32
      %dma_wait3A_1633 = tpu.memref_slice %arg4[%dma_wait3A_1626, %dma_wait3A_1632] : memref<56x128xi32, #tpu.memory_space<vmem>> -> memref<1x128xi32, #tpu.memory_space<vmem>>
      %dma_wait3A_1634 = tpu.memref_squeeze %dma_wait3A_1633 : memref<1x128xi32, #tpu.memory_space<vmem>> -> memref<128xi32, #tpu.memory_space<vmem>>
      tpu.wait_dma2 semaphore(%arg6 : memref<!tpu.dma_semaphore, #tpu.memory_space<semaphore_mem>>) src(%dma_wait3A_1634 : memref<128xi32, #tpu.memory_space<vmem>>) dst(%dma_wait3A_1631 : memref<128xi32, #tpu.memory_space<hbm>>)
      %mul3A_1635 = arith.constant 50 : i32
      %mul3A_1636 = arith.muli %add3A_9, %mul3A_1635 : i32
      %add3A_1637 = arith.constant 49 : i32
      %add3A_1638 = arith.addi %mul3A_1636, %add3A_1637 : i32
      %mul3A_1639 = arith.constant 128 : i32
      %mul3A_1640 = arith.muli %add3A_1638, %mul3A_1639 : i32
      %dma_wait3A_1641 = arith.constant 49 : i32
      %dma_wait3A_1642 = arith.constant 0 : i32
      %dma_wait3A_1643 = tpu.memref_slice %arg4[%dma_wait3A_1641, %dma_wait3A_1642] : memref<56x128xi32, #tpu.memory_space<vmem>> -> memref<1x128xi32, #tpu.memory_space<vmem>>
      %dma_wait3A_1644 = tpu.memref_squeeze %dma_wait3A_1643 : memref<1x128xi32, #tpu.memory_space<vmem>> -> memref<128xi32, #tpu.memory_space<vmem>>
      %dma_wait3A_1645 = tpu.memref_slice %arg3[%mul3A_1640] : memref<819200xi32, #tpu.memory_space<hbm>> -> memref<128xi32, #tpu.memory_space<hbm>>
      %dma_wait3A_1646 = tpu.memref_slice %arg3[%mul3A_1640] : memref<819200xi32, #tpu.memory_space<hbm>> -> memref<128xi32, #tpu.memory_space<hbm>>
      %dma_wait3A_1647 = arith.constant 0 : i32
      %dma_wait3A_1648 = tpu.memref_slice %arg4[%dma_wait3A_1641, %dma_wait3A_1647] : memref<56x128xi32, #tpu.memory_space<vmem>> -> memref<1x128xi32, #tpu.memory_space<vmem>>
      %dma_wait3A_1649 = tpu.memref_squeeze %dma_wait3A_1648 : memref<1x128xi32, #tpu.memory_space<vmem>> -> memref<128xi32, #tpu.memory_space<vmem>>
      tpu.wait_dma2 semaphore(%arg6 : memref<!tpu.dma_semaphore, #tpu.memory_space<semaphore_mem>>) src(%dma_wait3A_1649 : memref<128xi32, #tpu.memory_space<vmem>>) dst(%dma_wait3A_1646 : memref<128xi32, #tpu.memory_space<hbm>>)
    }
    %scan3A_5 = arith.constant 4 : i32
    return
  }
}

</mosaic_0001>

<sc_bundles>
// kernel: kernel.4.cloned.1.call-start
scs
__scs_entry_jumppad:
0x0: {  	(pc) =	sbr.rel $0x88, $3  }
0x1: {  	(tag) =	ssettag $0x0;
	lr =	simm.s32 $0x1  }
0x2: {  	[smem:$0x3F9F] =	sst lr;
	_ =	strace $0xD0000000  }
0x3: {  	_ = 	snop  }
0x4: {  	_ = 	snop  }
0x5: {  	_ = 	snop  }
0x6: {  	_ = 	snop  }
0x7: {  	_ = 	snop  }
__scs_overlays_trampoline_lowered:
0x8: {  	[smem:$0x3FAE] =	sst s0  }
0x9: {  	[smem:$0x3FAF] =	sst s1  }
0xa: {  	[smem:$0x3FB0] =	sst s2  }
0xb: {  	[smem:$0x3FB1] =	sst s3  }
0xc: {  	[smem:$0x3FB2] =	sst s4  }
0xd: {  	[smem:$0x3FB3] =	sst s5  }
0xe: {  	[smem:$0x3FB4] =	sst s6  }
0xf: {  	[smem:$0x3FB5] =	sst s7  }
0x10: {  	[smem:$0x3FB6] =	sst s8  }
0x11: {  	[smem:$0x3FB7] =	sst s9;
	s0 =	simm.s32 @!p0 $0x0  }
0x12: {  	s1 =	sld [smem:$0x3F9D];
	s0 =	simm.s32 @p0 $0x1  }
0x13: {  	[smem:$0x3FB8] =	sst s0;
	s0 =	simm.s32 @!p1 $0x0  }
0x14: {  	s2 =	sld [smem:$0x3F9C];
	s0 =	simm.s32 @p1 $0x1  }
0x15: {  	[smem:$0x3FB9] =	sst s0;
	s0 =	simm.s32 @!p2 $0x0  }
0x16: {  	s3 =	sld [smem:$0x3FDB];
	s0 =	simm.s32 @p2 $0x1  }
0x17: {  	s4 =	simm.s32 $0x1BF5;
	[smem:$0x3FBB] =	sst s0  }
0x18: {  	s0 =	sld [smem:$0x3F9E];
	_ =	swait.ge [sflag:s4], $0x0  }
0x19: {  	s7 =	sld [smem:$0x3F9F]  }
0x1a: {  	s8 =	sadd.s32 $0xFFFFE003, lr  }
0x1b: {  	s9 =	sadd.s32 $0xFFFFFEF7, lr;
	s5 =	simm.s32 $0xFFFFFFFF;
	p2 =	slt.u32 s8, $0xFFFFF086  }
0x1c: {  	p1 =	slt.u32 s9, $0xF7A;
	s5 =	simm.s32 @!p2 $0x0  }
0x1d: {  	s5 =	simm.s32 @p1 $0x1;
	p0 =	seq.s32 s7, s2  }
0x1e: {  	s7 =	smul.u32 @!p0 $0xF7A, s2;
	p2 =	seq.s32 @!p0 s5, $0x0  }
0x1f: {  	s9 =	smul.u32 $0xF7A, s1;
	s8 =	simm.s32 @!p0 $0x1BF5;
	p2 =	por !p2, p0  }
0x20: {  	[sflag:s8] =	ssyncset.s32 @!p0 $0xFFFFF086;
	s6 =	sadd.s32 @!p0 s3, s7;
	s7 =	simm.s32 @!p0 $0x108  }
0x21: {  	s3 =	sadd.s32 s3, s9;
	s6 =	sadd.s32 @!p0 $0x88, s6;
	s7 =	simm.s32 @p2 $0x1082  }
0x22: {  	[simem:s7], [sflag:s8] =	dma.local @!p0 [hbm:s6], $0xF7A  }
0x23: {  	s9 =	sor.u32 $0xD0000000, s2;
	s6 =	simm.s32 $0x108;
	_ =	swait.ge @!p0 [sflag:s8], $0x0  }
0x24: {  	s3 =	sadd.s32 $0x88, s3;
	s6 =	simm.s32 @!p1 $0x1082;
	[sflag:s4] =	ssyncset.s32 $0xFFFFF086  }
0x25: {  	[simem:s6], [sflag:s4] =	dma.local [hbm:s3], $0xF7A  }
0x26: {  	[smem:$0x3F9F] =	sst s1;
	(tag) =	ssettag s2;
	_ =	strace s9  }
0x27: {  	s1 =	sld [smem:$0x3FAF]  }
0x28: {  	s2 =	sld [smem:$0x3FB0]  }
0x29: {  	s4 =	sld [smem:$0x3FB2]  }
0x2a: {  	p0 =	seq.s32 s5, $0x0;
	s5 =	sld [smem:$0x3FB3]  }
0x2b: {  	s6 =	sld [smem:$0x3FB4]  }
0x2c: {  	s7 =	sld [smem:$0x3FB5]  }
0x2d: {  	s3 =	simm.s32 $0x108;
	s8 =	sld [smem:$0x3FB6]  }
0x2e: {  	s3 =	simm.s32 @!p0 $0x1082;
	s9 =	sld [smem:$0x3FB7]  }
0x2f: {  	lr =	sadd.s32 s0, s3;
	s0 =	sld [smem:$0x3FAE]  }
0x30: {  	s3 =	sld [smem:$0x3FB1]  }
0x31: {  	[smem:$0x3FBA] =	sst s10  }
0x32: {  	s10 =	sld [smem:$0x3FB8];
	_ =	sdelay $0x3  }
0x33: {  	p0 =	seq.s32 s10, $0x1;
	s10 =	sld [smem:$0x3FBA];
	_ =	sdelay $0x3  }
0x34: {  	[smem:$0x3FBA] =	sst s10  }
0x35: {  	s10 =	sld [smem:$0x3FB9];
	_ =	sdelay $0x3  }
0x36: {  	p1 =	seq.s32 s10, $0x1;
	s10 =	sld [smem:$0x3FBA];
	_ =	sdelay $0x3  }
0x37: {  	[smem:$0x3FBA] =	sst s10  }
0x38: {  	s10 =	sld [smem:$0x3FBB]  }
0x39: {  	_ = 	snop;
	(pc) =	sbr.ind lr, $3  }
0x3a: {  	_ = 	snop  }
0x3b: {  	_ = 	snop  }
0x3c: {  	p2 =	seq.s32 s10, $0x1;
	s10 =	sld [smem:$0x3FBA]  }
0x3d: {  	_ =	shalt  }
0x3e: {  	_ =	shalt  }
0x3f: {  	_ =	shalt  }
0x40: {  	_ =	shalt  }
0x41: {  	_ =	shalt  }
0x42: {  	_ =	shalt  }
0x43: {  	_ =	shalt  }
0x44: {  	_ =	shalt  }
0x45: {  	_ =	shalt  }
0x46: {  	_ =	shalt  }
0x47: {  	_ =	shalt  }
0x48: {  	_ =	shalt  }
0x49: {  	_ =	shalt  }
0x4a: {  	_ =	shalt  }
0x4b: {  	_ =	shalt  }
0x4c: {  	_ =	shalt  }
0x4d: {  	_ =	shalt  }
0x4e: {  	_ =	shalt  }
0x4f: {  	_ =	shalt  }
0x50: {  	_ =	shalt  }
0x51: {  	_ =	shalt  }
0x52: {  	_ =	shalt  }
0x53: {  	_ =	shalt  }
0x54: {  	_ =	shalt  }
0x55: {  	_ =	shalt  }
0x56: {  	_ =	shalt  }
0x57: {  	_ =	shalt  }
0x58: {  	_ =	shalt  }
0x59: {  	_ =	shalt  }
0x5a: {  	_ =	shalt  }
0x5b: {  	_ =	shalt  }
0x5c: {  	_ =	shalt  }
0x5d: {  	_ =	shalt  }
0x5e: {  	_ =	shalt  }
0x5f: {  	_ =	shalt  }
0x60: {  	_ =	shalt  }
0x61: {  	_ =	shalt  }
0x62: {  	_ =	shalt  }
0x63: {  	_ =	shalt  }
0x64: {  	_ =	shalt  }
0x65: {  	_ =	shalt  }
0x66: {  	_ =	shalt  }
0x67: {  	_ =	shalt  }
0x68: {  	_ =	shalt  }
0x69: {  	_ =	shalt  }
0x6a: {  	_ =	shalt  }
0x6b: {  	_ =	shalt  }
0x6c: {  	_ =	shalt  }
0x6d: {  	_ =	shalt  }
0x6e: {  	_ =	shalt  }
0x6f: {  	_ =	shalt  }
0x70: {  	_ =	shalt  }
0x71: {  	_ =	shalt  }
0x72: {  	_ =	shalt  }
0x73: {  	_ =	shalt  }
0x74: {  	_ =	shalt  }
0x75: {  	_ =	shalt  }
0x76: {  	_ =	shalt  }
0x77: {  	_ =	shalt  }
0x78: {  	_ =	shalt  }
0x79: {  	_ =	shalt  }
0x7a: {  	_ =	shalt  }
0x7b: {  	_ =	shalt  }
0x7c: {  	_ =	shalt  }
0x7d: {  	_ =	shalt  }
0x7e: {  	_ =	shalt  }
0x7f: {  	_ =	shalt  }
0x80: {  	_ =	shalt  }
0x81: {  	_ =	shalt  }
0x82: {  	_ =	shalt  }
0x83: {  	_ =	shalt  }
0x84: {  	_ =	shalt  }
0x85: {  	_ =	shalt  }
0x86: {  	_ =	shalt  }
0x87: {  	_ =	shalt  }
.Lfunc_end0:
.L_simem_size_0:
called_computation_lowered:
.L_overlay_start_0:
0x88: {  	s2 =	sld [smem:$0x3FD9]  }
0x89: {  	s3 =	sld [smem:$0x3FFE];
	_ =	sdelay $0x1  }
0x8a: {  	s1 =	srdreg.scid  }
0x8b: {  	s0 =	sand.u32 $0x1, s1  }
0x8c: {  	s18 =	sshll.u32 s0, $0xA;
	s2 =	sadd.s32 s3, s2  }
0x8d: {  	s2 =	sadd.s32 s2, s18  }
0x8e: {  	[smem:$0x3FC6] =	sst s2  }
0x8f: {  	_ = 	snop  }
0x90: {  	s2 =	sld [smem:$0x3FC9]  }
0x91: {  	s19 =	sld [smem:$0x3FD0];
	(tm) =	ssettm $0x1  }
0x92: {  	s4 =	sld [smem:$0x3FFB];
	_ =	sdelay $0x3  }
0x93: {  	_ =	strace s4  }
0x94: {  	s4 =	sld [smem:$0x3FFC];
	_ =	sdelay $0x3  }
0x95: {  	_ =	strace s4  }
0x96: {  	s4 =	sld [smem:$0x3FFD];
	_ =	sdelay $0x3  }
0x97: {  	_ =	strace s4  }
0x98: {  	_ =	strace $0x8FFFFFFF  }
0x99: {  	s20 =	sld [smem:$0x3FDB];
	_ =	sdelay $0x1  }
0x9a: {  	s5 =	simm.s32 $_scs_section_size  }
0x9b: {  	s6 =	simm.s32 $_size__tile_overlayer_lowered;
	s7 =	simm.s32 $_tile_overlayer_lowered  }
0x9c: {  	s23 =	simm.s32 $0x1BFF;
	s22 =	sshll.u32 s7, $0x1;
	s4 =	sadd.s32 s5, s20  }
0x9d: {  	s8 =	simm.s32 $0x0;
	s21 =	sshll.u32 s6, $0x1;
	s6 =	sadd.s32 s22, s4  }
0x9e: {  	[timem:s8], [sflag:s23] =	dma.local [hbm:s6], s21  }
0x9f: {  	_ =	swait.ge [sflag:s23], s21  }
0xa0: {  	s5 =	ssub.s32 $0x0, s21;
	[sflag:s23] =	ssyncset.done $0x0  }
0xa1: {  	[sflag:s23] =	ssyncadd.s32 s5;
	_ =	sdelay $0x1  }
0xa2: {  	s24 =	simm.s32 $0x1B8B  }
0xa3: {  	_ =	swait.ge [sflag:s24], $0x1  }
0xa4: {  	[sflag:s24] =	ssyncset.done $0x0  }
0xa5: {  	s25 =	simm.s32 $0x1B8E;
	[sflag:s24] =	ssyncadd.s32 $0xFFFFFFFF  }
0xa6: {  	s26 =	simm.s32 $execute0_lowered;
	[smem:$0x3FD2] =	sst s25  }
0xa7: {  	s5 =	sshll.u32 s26, $0x1;
	_ =	strace $0x80000046;
	[dreg:$0x1] =	wrdreg $0xFFFFFFFF  }
0xa8: {  	s28 =	simm.s32 $_size_execute0_lowered;
	s4 =	sadd.s32 s4, s5;
	[dreg:$0x0] =	wrdreg $0x0  }
0xa9: {  	s5 =	sshll.u32 s28, $0x1;
	[dreg:$0x2] =	wrdreg s4  }
0xaa: {  	[dreg:$0x3] =	wrdreg s5  }
0xab: {  	[dreg:$0x4] =	wrdreg $0xC0  }
0xac: {  	_ =	task [dreg:s8], $0x5FFFF  }
0xad: {  	[dreg:$0x1] =	wrdreg $0xFFFFFFFF  }
0xae: {  	[dreg:$0x0] =	wrdreg $0x60  }
0xaf: {  	[dreg:$0x2] =	wrdreg s2  }
0xb0: {  	[dreg:$0x3] =	wrdreg s19  }
0xb1: {  	[dreg:$0x4] =	wrdreg $0x9  }
0xb2: {  	_ =	task.clear_ibuf [dreg:s8], $0x5FFFF;
	_ =	strace $0x90000046  }
0xb3: {  	s29 =	simm.s32 $0x9;
	_ =	strace $0x80000048  }
0xb4: {  	_ =	swait.ge [sflag:s29], $0x1  }
0xb5: {  	[sflag:s29] =	ssyncadd.s32 $0xFFFFFFFF  }
0xb6: {  	_ =	strace $0x90000048  }
0xb7: {  	_ =	sfence  }
0xb8: {  	s30 =	sld [smem:$0x0];
	_ =	sdelay $0x2  }
0xb9: {  	s31 =	sshll.u32 s1, $0xD;
	s1 =	sshrl.u32 s1, $0x2  }
0xba: {  	s3 =	sand.u32 $0x4000, s31;
	s1 =	sadd.s32 s1, s30  }
0xbb: {  	s0 =	sor.u32 s3, s0;
	s1 =	sshll.u32 s1, $0x11  }
0xbc: {  	s0 =	sor.u32 s1, s0  }
0xbd: {  	s0 =	sadd.s32 $0x8F2B, s0  }
0xbe: {  	[sflag:s0] =	ssyncadd.remote.s32 $0x1  }
0xbf: {  	_ =	sfence.sel $0xFFFF  }
0xc0: {  	[dreg:$0x0] =	wrdreg $0xFFFFFFFF;
	(pc) =	sbr.abs _section_cstart, $3  }
0xc1: {  	[dreg:$0x1] =	wrdreg $0xFFFFFFFF  }
0xc2: {  	_ =	task.clear_ibuf [dreg:s8], $0x2FFFF;
	_ =	strace $0x9FFFFFFF  }
0xc3: {  	(tm) =	ssettm $0x7FFFFFFF  }
tec
execute0_lowered:
.L_overlay_start_1:
0x0: {  	(tag) =	ssettag $0x1  }
0x1: {  	s1 =	srdreg.scid;
	s0 =	stileid.u32  }
0x2: {  	s4 =	sand.u32 $0x1, s1;
	s14 =	smul.u32 $0xC800, s0  }
0x3: {  	s2 =	smul.u32 $0x6400, s4  }
0x4: {  	s5 =	rddreg [dreg:$0x0]  }
0x5: {  	s3 =	rddreg [dreg:$0x1];
	s6 =	sadd.s32 s2, s14  }
0x6: {  	s1 =	rddreg [dreg:$0x2];
	s2 =	simm.s32 $0x0;
	s7 =	sadd.s32 $0x1880, s6  }
0x7: {  	[smem:$0x7FF] =	sst s2;
	s8 =	sadd.s32 $0x1800, s6;
	s16 =	sadd.s32 $0x1780, s6  }
0x8: {  	s9 =	sadd.s32 $0x1700, s6;
	s20 =	sadd.s32 $0x1680, s6;
	s22 =	sadd.s32 $0x1600, s6  }
0x9: {  	s23 =	sadd.s32 $0x1580, s6;
	s28 =	sadd.s32 $0x1500, s6;
	s30 =	sadd.s32 $0x1480, s6  }
0xa: {  	s31 =	sadd.s32 $0x1400, s6;
	s13 =	sadd.s32 $0x1380, s6;
	s7 =	sshrl.u32 s7, $0x3  }
0xb: {  	_ =	strace $0x80000047;
	s15 =	sshrl.u32 s8, $0x3;
	s8 =	sshrl.u32 s16, $0x3  }
0xc: {  	s18 =	sshrl.u32 s9, $0x3;
	s21 =	sshrl.u32 s20, $0x3;
	s25 =	sshrl.u32 s23, $0x3  }
0xd: {  	s29 =	sshrl.u32 s28, $0x3;
	s11 =	sshrl.u32 s31, $0x3;
	s14 =	sshrl.u32 s13, $0x3  }
0xe: {  	s16 =	sadd.s32 $0x1280, s6;
	s20 =	sadd.s32 $0x1200, s6;
	s23 =	sadd.s32 $0x1100, s6  }
0xf: {  	s28 =	sadd.s32 $0x1080, s6;
	s31 =	sadd.s32 $0xF80, s6;
	s13 =	sadd.s32 $0xF00, s6  }
0x10: {  	s7 =	sadd.s32 s7, s3;
	s17 =	sadd.s32 s8, s3;
	s19 =	sadd.s32 s18, s3  }
0x11: {  	s8 =	sshrl.u32 s22, $0x3;
	s26 =	sadd.s32 s25, s3;
	s12 =	sadd.s32 s11, s3  }
0x12: {  	s18 =	sshrl.u32 s16, $0x3;
	s22 =	sadd.s32 $0x1180, s6;
	[dreg:$0x3] =	wrdreg s7  }
0x13: {  	s25 =	sshrl.u32 s23, $0x3;
	s11 =	sshrl.u32 s31, $0x3;
	[dreg:$0x5] =	wrdreg s17  }
0x14: {  	s16 =	sadd.s32 $0xE00, s6;
	s23 =	sadd.s32 $0xC80, s6;
	[dreg:$0x6] =	wrdreg s19  }
0x15: {  	s31 =	sadd.s32 $0xB00, s6;
	s7 =	sadd.s32 s15, s3;
	[dreg:$0x9] =	wrdreg s26  }
0x16: {  	s24 =	sadd.s32 s8, s3;
	s8 =	sshrl.u32 s30, $0x3;
	[dreg:$0xc] =	wrdreg s12  }
0x17: {  	s15 =	sadd.s32 $0x1300, s6;
	s19 =	sadd.s32 s18, s3;
	s26 =	sadd.s32 s25, s3  }
0x18: {  	s30 =	sadd.s32 $0x1000, s6;
	s12 =	sadd.s32 s11, s3;
	s18 =	sshrl.u32 s16, $0x3  }
0x19: {  	s25 =	sshrl.u32 s23, $0x3;
	s11 =	sshrl.u32 s31, $0x3;
	[dreg:$0x4] =	wrdreg s7  }
0x1a: {  	s16 =	sadd.s32 $0x980, s6;
	s23 =	sadd.s32 $0x800, s6;
	[dreg:$0x8] =	wrdreg s24  }
0x1b: {  	s31 =	sadd.s32 $0x680, s6;
	s7 =	sadd.s32 s21, s3;
	[dreg:$0xf] =	wrdreg s19  }
0x1c: {  	s10 =	sadd.s32 s8, s3;
	s8 =	sshrl.u32 s15, $0x3;
	[dreg:$0x12] =	wrdreg s26  }
0x1d: {  	s21 =	sshrl.u32 s20, $0x3;
	[dreg:$0x15] =	wrdreg s12;
	s15 =	sadd.s32 $0xE80, s6  }
0x1e: {  	s19 =	sadd.s32 s18, s3;
	s20 =	sadd.s32 $0xD80, s6;
	s26 =	sadd.s32 s25, s3  }
0x1f: {  	s12 =	sadd.s32 s11, s3;
	s18 =	sshrl.u32 s16, $0x3;
	[dreg:$0x7] =	wrdreg s7  }
0x20: {  	s25 =	sshrl.u32 s23, $0x3;
	s9 =	sshrl.u32 s31, $0x3;
	[dreg:$0xb] =	wrdreg s10  }
0x21: {  	s7 =	sadd.s32 s29, s3;
	s17 =	sadd.s32 s8, s3;
	[dreg:$0x18] =	wrdreg s19  }
0x22: {  	s8 =	sshrl.u32 s22, $0x3;
	s29 =	sshrl.u32 s28, $0x3;
	[dreg:$0x1b] =	wrdreg s26  }
0x23: {  	s22 =	sadd.s32 $0xD00, s6;
	s28 =	sadd.s32 $0xC00, s6;
	[dreg:$0x1e] =	wrdreg s12  }
0x24: {  	s19 =	sadd.s32 s18, s3;
	s26 =	sadd.s32 s25, s3;
	[dreg:$0xa] =	wrdreg s7  }
0x25: {  	s18 =	sadd.s32 $0x480, s6;
	s25 =	sor.u32 $0x300, s6;
	[dreg:$0xe] =	wrdreg s17  }
0x26: {  	s7 =	sadd.s32 s14, s3;
	s24 =	sadd.s32 s8, s3;
	[smem:$0x7BF] =	sst s19  }
0x27: {  	s8 =	sshrl.u32 s30, $0x3;
	s14 =	sshrl.u32 s13, $0x3;
	[smem:$0x7C2] =	sst s26  }
0x28: {  	s30 =	sadd.s32 $0xB80, s6;
	s13 =	sadd.s32 $0xA80, s6;
	[dreg:$0xd] =	wrdreg s7  }
0x29: {  	s19 =	sshrl.u32 s18, $0x3;
	s18 =	simm.s32 $0x300;
	[dreg:$0x11] =	wrdreg s24  }
0x2a: {  	s26 =	sshrl.u32 s25, $0x3;
	s25 =	simm.s32 $0x700;
	[smem:$0x7D8] =	sst s18  }
0x2b: {  	s7 =	sadd.s32 s21, s3;
	s10 =	sadd.s32 s8, s3;
	[smem:$0x7DF] =	sst s25  }
0x2c: {  	s8 =	sshrl.u32 s15, $0x3;
	s21 =	sshrl.u32 s20, $0x3;
	[dreg:$0x10] =	wrdreg s7  }
0x2d: {  	s15 =	sadd.s32 $0xA00, s6;
	s18 =	simm.s32 $0x1080;
	[dreg:$0x14] =	wrdreg s10  }
0x2e: {  	s20 =	sadd.s32 $0x900, s6;
	s25 =	simm.s32 $0x1380;
	[smem:$0x7EF] =	sst s18  }
0x2f: {  	s7 =	sadd.s32 s29, s3;
	s17 =	sadd.s32 s8, s3;
	[smem:$0x7F5] =	sst s25  }
0x30: {  	s8 =	sshrl.u32 s22, $0x3;
	s29 =	sshrl.u32 s28, $0x3;
	[dreg:$0x13] =	wrdreg s7  }
0x31: {  	s22 =	sadd.s32 $0x880, s6;
	s7 =	sadd.s32 s14, s3;
	[dreg:$0x17] =	wrdreg s17  }
0x32: {  	s28 =	sadd.s32 $0x780, s6;
	s24 =	sadd.s32 s8, s3;
	[dreg:$0x16] =	wrdreg s7  }
0x33: {  	s8 =	sshrl.u32 s30, $0x3;
	s7 =	sadd.s32 s21, s3;
	[dreg:$0x1a] =	wrdreg s24  }
0x34: {  	s14 =	sshrl.u32 s13, $0x3;
	s10 =	sadd.s32 s8, s3;
	[dreg:$0x19] =	wrdreg s7  }
0x35: {  	s8 =	sshrl.u32 s15, $0x3;
	s7 =	sadd.s32 s29, s3;
	[dreg:$0x1d] =	wrdreg s10  }
0x36: {  	s30 =	sadd.s32 $0x700, s6;
	s17 =	sadd.s32 s8, s3;
	[dreg:$0x1c] =	wrdreg s7  }
0x37: {  	s21 =	sshrl.u32 s20, $0x3;
	s10 =	sadd.s32 s9, s3;
	[smem:$0x7BE] =	sst s17  }
0x38: {  	s8 =	sshrl.u32 s22, $0x3;
	s7 =	sadd.s32 s14, s3;
	[smem:$0x7C5] =	sst s10  }
0x39: {  	s29 =	sshrl.u32 s28, $0x3;
	s24 =	sadd.s32 s8, s3;
	[dreg:$0x1f] =	wrdreg s7  }
0x3a: {  	s8 =	sshrl.u32 s30, $0x3;
	s7 =	sadd.s32 s21, s3;
	[smem:$0x7C1] =	sst s24  }
0x3b: {  	s14 =	sadd.s32 $0x500, s6;
	s8 =	sadd.s32 s8, s3;
	[smem:$0x7C0] =	sst s7  }
0x3c: {  	s16 =	sshrl.u32 s14, $0x3;
	s14 =	simm.s32 $0x100;
	[smem:$0x7C4] =	sst s8  }
0x3d: {  	s11 =	sadd.s32 $0x600, s6;
	s7 =	sadd.s32 s29, s3;
	[smem:$0x7D4] =	sst s14  }
0x3e: {  	s13 =	sadd.s32 $0x580, s6;
	s17 =	sadd.s32 s16, s3;
	[smem:$0x7C3] =	sst s7  }
0x3f: {  	s8 =	sshrl.u32 s13, $0x3;
	s13 =	simm.s32 $0x80;
	[smem:$0x7C8] =	sst s17  }
0x40: {  	s21 =	sor.u32 $0x380, s6;
	s16 =	simm.s32 $0x200;
	[smem:$0x7D3] =	sst s13  }
0x41: {  	s23 =	sshrl.u32 s21, $0x3;
	s21 =	simm.s32 $0x500;
	[smem:$0x7D6] =	sst s16  }
0x42: {  	s12 =	sshrl.u32 s11, $0x3;
	s14 =	simm.s32 $0xF00;
	[smem:$0x7DB] =	sst s21  }
0x43: {  	s7 =	sadd.s32 s12, s3;
	[smem:$0x7ED] =	sst s14  }
0x44: {  	s15 =	sadd.s32 s8, s3;
	[smem:$0x7C6] =	sst s7  }
0x45: {  	s24 =	sadd.s32 s23, s3;
	[smem:$0x7C7] =	sst s15  }
0x46: {  	s12 =	simm.s32 $0x20000;
	[smem:$0x7CB] =	sst s24  }
0x47: {  	s20 =	sadd.s32 $0x400, s6;
	s17 =	simm.s32 $0x280;
	[smem:$0x7D2] =	sst s12  }
0x48: {  	s8 =	sshrl.u32 s20, $0x3;
	s20 =	simm.s32 $0x480;
	[smem:$0x7D7] =	sst s17  }
0x49: {  	s29 =	sor.u32 $0x200, s6;
	s23 =	simm.s32 $0x600;
	[smem:$0x7DA] =	sst s20  }
0x4a: {  	s31 =	sshrl.u32 s29, $0x3;
	s29 =	simm.s32 $0x900;
	[smem:$0x7DD] =	sst s23  }
0x4b: {  	s28 =	sor.u32 $0x280, s6;
	s13 =	simm.s32 $0xE80;
	[smem:$0x7E2] =	sst s29  }
0x4c: {  	s9 =	sor.u32 $0x180, s6;
	s16 =	simm.s32 $0xF80;
	[smem:$0x7EC] =	sst s13  }
0x4d: {  	s6 =	sor.u32 $0x100, s6;
	s7 =	sadd.s32 s19, s3;
	[smem:$0x7EE] =	sst s16  }
0x4e: {  	s6 =	sshrl.u32 s6, $0x3;
	s22 =	sadd.s32 s8, s3;
	[smem:$0x7C9] =	sst s7  }
0x4f: {  	s6 =	sadd.s32 s6, s3;
	[smem:$0x7CA] =	sst s22  }
0x50: {  	s15 =	simm.s32 $0x180;
	[smem:$0x7D0] =	sst s6  }
0x51: {  	s19 =	simm.s32 $0x380;
	[smem:$0x7D5] =	sst s15  }
0x52: {  	s24 =	simm.s32 $0x680;
	[smem:$0x7D9] =	sst s19  }
0x53: {  	s8 =	sshrl.u32 s28, $0x3;
	s28 =	simm.s32 $0x880;
	[smem:$0x7DE] =	sst s24  }
0x54: {  	s12 =	simm.s32 $0xE00;
	[smem:$0x7E1] =	sst s28  }
0x55: {  	s20 =	simm.s32 $0x1180;
	[smem:$0x7EB] =	sst s12  }
0x56: {  	s23 =	simm.s32 $0x1280;
	[smem:$0x7F1] =	sst s20  }
0x57: {  	s29 =	simm.s32 $0x1580;
	[smem:$0x7F3] =	sst s23  }
0x58: {  	s7 =	sadd.s32 s26, s3;
	[smem:$0x7F8] =	sst s29  }
0x59: {  	s30 =	sadd.s32 s8, s3;
	[smem:$0x7CC] =	sst s7  }
0x5a: {  	s8 =	sadd.s32 s31, s3;
	[smem:$0x7CD] =	sst s30  }
0x5b: {  	s22 =	simm.s32 $0x580;
	[smem:$0x7CE] =	sst s8  }
0x5c: {  	s26 =	simm.s32 $0x780;
	[smem:$0x7DC] =	sst s22  }
0x5d: {  	s11 =	smul.u32 $0xC80, s4;
	s31 =	simm.s32 $0xA00;
	[smem:$0x7E0] =	sst s26  }
0x5e: {  	s10 =	smul.u32 $0x1900, s0;
	s6 =	simm.s32 $0xA80;
	[smem:$0x7E4] =	sst s31  }
0x5f: {  	s21 =	sshll.u32 s0, $0xA;
	s19 =	simm.s32 $0x1100;
	[smem:$0x7E5] =	sst s6  }
0x60: {  	s5 =	sadd.s32 s21, s5;
	s24 =	simm.s32 $0x1300;
	[smem:$0x7F0] =	sst s19  }
0x61: {  	s13 =	simm.s32 $0x0;
	s28 =	simm.s32 $0x1500;
	[smem:$0x7F4] =	sst s24  }
0x62: {  	s15 =	ssub.s32 $0x2, s4;
	s12 =	simm.s32 $0x1780;
	[smem:$0x7F7] =	sst s28  }
0x63: {  	s4 =	sshll.u32 s4, $0x9;
	s30 =	simm.s32 $0x980;
	[smem:$0x7FC] =	sst s12  }
0x64: {  	s7 =	sshrl.u32 s9, $0x3;
	s8 =	simm.s32 $0xB80;
	[smem:$0x7E3] =	sst s30  }
0x65: {  	s9 =	simm.s32 $0xC80;
	s17 =	sshrl.u32 s15, $0x1;
	[smem:$0x7E7] =	sst s8  }
0x66: {  	s22 =	simm.s32 $0x1200;
	s4 =	sadd.s32 s4, s5;
	[smem:$0x7E8] =	sst s9  }
0x67: {  	s26 =	simm.s32 $0x1480;
	s5 =	simm.s32 $0x400;
	[smem:$0x7F2] =	sst s22  }
0x68: {  	s31 =	simm.s32 $0x1880;
	s12 =	simm.s32 $0x2;
	[smem:$0x7F6] =	sst s26  }
0x69: {  	s7 =	sadd.s32 s7, s3;
	s3 =	sadd.s32 s10, s3;
	[smem:$0x7FD] =	sst s31  }
0x6a: {  	s10 =	simm.s32 $0xD00;
	s6 =	ssub.s32 s15, s17;
	[smem:$0x7CF] =	sst s7  }
0x6b: {  	s4 =	sadd.s32 $0x18000, s4;
	s30 =	simm.s32 $0x1600;
	[smem:$0x7E9] =	sst s10  }
0x6c: {  	s8 =	simm.s32 $0x1000;
	s3 =	sadd.s32 s11, s3;
	[smem:$0x7F9] =	sst s30  }
0x6d: {  	s9 =	simm.s32 $0x1400;
	s7 =	simm.s32 $0xB00;
	[smem:$0x7D1] =	sst s3  }
0x6e: {  	s11 =	simm.s32 $0xD80;
	s10 =	simm.s32 $0x1680;
	[smem:$0x7E6] =	sst s7  }
0x6f: {  	[smem:$0x7EA] =	sst s11;
	s3 =	smax.u32 s6, $0x1;
	s6 =	simm.s32 $0x800  }
0x70: {  	s7 =	simm.s32 $0xC00;
	[smem:$0x7FA] =	sst s10;
	s11 =	simm.s32 $0x1700  }
0x71: {  	s10 =	simm.s32 $0x1800;
	[smem:$0x7FB] =	sst s11;
	s11 =	simm.s32 $0x1  }
.LBB2_1:
0x72: {  	s14 =	smov.u32 s4;
	s15 =	simm.s32 $0x0  }
.LBB2_2:
0x73: {  	s16 =	sadd.s32 $0xFFFE8000, s14  }
0x74: {  	[tilespmem:s2], [sflag:$0x1] =	stream.linear.gather [hbm4b:s16+s2], $0x400, $0x38;
	[tilespmem:$0x1C00] =	vst v63  }
0x75: {  	s26 =	sadd.s32 $0xFFFEC000, s14  }
0x76: {  	[tilespmem:s5], [sflag:$0x1] =	stream.linear.gather [hbm4b:s26+s2], $0x400, $0x38;
	[tilespmem:$0x1C00] =	vst v63  }
0x77: {  	s28 =	sadd.s32 $0xFFFF0000, s14  }
0x78: {  	[tilespmem:s6], [sflag:$0x1] =	stream.linear.gather [hbm4b:s28+s2], $0x400, $0x38;
	[tilespmem:$0x1C00] =	vst v63  }
0x79: {  	s29 =	sadd.s32 $0xFFFF4000, s14  }
0x7a: {  	[tilespmem:s7], [sflag:$0x1] =	stream.linear.gather [hbm4b:s29+s2], $0x400, $0x38;
	[tilespmem:$0x1C00] =	vst v63  }
0x7b: {  	s30 =	sadd.s32 $0xFFFF8000, s14  }
0x7c: {  	[tilespmem:s8], [sflag:$0x1] =	stream.linear.gather [hbm4b:s30+s2], $0x400, $0x38;
	[tilespmem:$0x1C00] =	vst v63  }
0x7d: {  	s31 =	sadd.s32 $0xFFFFC000, s14;
	s17 =	sld [smem:$0x7D2]  }
0x7e: {  	[tilespmem:s9], [sflag:$0x1] =	stream.linear.gather [hbm4b:s31+s2], $0x400, $0x38;
	[tilespmem:$0x1C00] =	vst v63  }
0x7f: {  	_ = 	snop  }
0x80: {  	[tilespmem:s10], [sflag:$0x1] =	stream.strided.gather [hbm4b:s14+s5], $0x0, s17, s5, $0x38;
	[tilespmem:$0x1C00] =	vst v63  }
0x81: {  	_ = 	snop  }
0x82: {  	[tilespmem:s10], [sflag:$0x1] =	stream.linear.gather [hbm4b:s14+s2], $0x100, $0x38;
	[tilespmem:$0x1C00] =	vst v63  }
0x83: {  	_ =	swait.ge [sflag:s11], $0x400  }
0x84: {  	[sflag:s11] =	ssyncset.done $0x0  }
0x85: {  	[sflag:s11] =	ssyncadd.s32 $0xFFFFFC00  }
0x86: {  	_ =	swait.ge [sflag:s11], $0x400  }
0x87: {  	[sflag:s11] =	ssyncset.done $0x0  }
0x88: {  	[sflag:s11] =	ssyncadd.s32 $0xFFFFFC00  }
0x89: {  	_ =	swait.ge [sflag:s11], $0x400  }
0x8a: {  	[sflag:s11] =	ssyncset.done $0x0  }
0x8b: {  	[sflag:s11] =	ssyncadd.s32 $0xFFFFFC00  }
0x8c: {  	_ =	swait.ge [sflag:s11], $0x400  }
0x8d: {  	[sflag:s11] =	ssyncset.done $0x0  }
0x8e: {  	[sflag:s11] =	ssyncadd.s32 $0xFFFFFC00  }
0x8f: {  	_ =	swait.ge [sflag:s11], $0x400  }
0x90: {  	[sflag:s11] =	ssyncset.done $0x0  }
0x91: {  	[sflag:s11] =	ssyncadd.s32 $0xFFFFFC00  }
0x92: {  	_ =	swait.ge [sflag:s11], $0x400  }
0x93: {  	[sflag:s11] =	ssyncset.done $0x0  }
0x94: {  	[sflag:s11] =	ssyncadd.s32 $0xFFFFFC00  }
0x95: {  	_ =	swait.ge [sflag:s11], $0x100  }
0x96: {  	s17 =	sld [smem:$0x7D1]  }
0x97: {  	s18 =	sld [smem:$0x7D3]  }
0x98: {  	s19 =	sld [smem:$0x7D0]  }
0x99: {  	s20 =	sld [smem:$0x7D4]  }
0x9a: {  	s22 =	sld [smem:$0x7CE]  }
0x9b: {  	s23 =	sld [smem:$0x7D6]  }
0x9c: {  	s24 =	sld [smem:$0x7CD]  }
0x9d: {  	s25 =	sld [smem:$0x7D7]  }
0x9e: {  	s28 =	sld [smem:$0x7CC]  }
0x9f: {  	s29 =	sld [smem:$0x7D8]  }
0xa0: {  	[sflag:s11] =	ssyncset.done $0x0;
	s30 =	sld [smem:$0x7CB]  }
0xa1: {  	s31 =	sld [smem:$0x7D9];
	[sflag:s11] =	ssyncadd.s32 $0xFFFFFF00  }
0xa2: {  	s16 =	sadd.s32 s15, s17;
	s26 =	sadd.s32 s15, s24;
	s24 =	sld [smem:$0x7C7]  }
0xa3: {  	[hbm4b:s16+s2] =	stream.linear.scatter [tilespmem:s2], [sflag:$0x2], $0x80, $0x38;
	[tilespmem:$0x1C00] =	vst v63  }
0xa4: {  	s17 =	sadd.s32 s15, s30;
	s30 =	sld [smem:$0x7C5];
	s16 =	sadd.s32 $0x10, s16  }
0xa5: {  	[hbm4b:s16+s2] =	stream.linear.scatter [tilespmem:s18], [sflag:$0x2], $0x80, $0x38;
	[tilespmem:$0x1C00] =	vst v63  }
0xa6: {  	s18 =	sld [smem:$0x7CF]  }
0xa7: {  	s16 =	sadd.s32 s15, s19;
	s19 =	sld [smem:$0x7D5]  }
0xa8: {  	[hbm4b:s16+s2] =	stream.linear.scatter [tilespmem:s20], [sflag:$0x2], $0x80, $0x38;
	[tilespmem:$0x1C00] =	vst v63  }
0xa9: {  	s20 =	sld [smem:$0x7C9]  }
0xaa: {  	s16 =	sadd.s32 s15, s22;
	s22 =	sld [smem:$0x7C8]  }
0xab: {  	s21 =	sadd.s32 s15, s18;
	s18 =	sld [smem:$0x7CA]  }
0xac: {  	[hbm4b:s21+s2] =	stream.linear.scatter [tilespmem:s19], [sflag:$0x2], $0x80, $0x38;
	[tilespmem:$0x1C00] =	vst v63  }
0xad: {  	s21 =	sld [smem:$0x7DA]  }
0xae: {  	s19 =	sld [smem:$0x7C4]  }
0xaf: {  	[hbm4b:s16+s2] =	stream.linear.scatter [tilespmem:s23], [sflag:$0x2], $0x80, $0x38;
	[tilespmem:$0x1C00] =	vst v63  }
0xb0: {  	s23 =	sld [smem:$0x7DB]  }
0xb1: {  	s16 =	sadd.s32 s15, s28;
	s28 =	sld [smem:$0x7C6]  }
0xb2: {  	[hbm4b:s26+s2] =	stream.linear.scatter [tilespmem:s25], [sflag:$0x2], $0x80, $0x38;
	[tilespmem:$0x1C00] =	vst v63  }
0xb3: {  	s25 =	sld [smem:$0x7DC]  }
0xb4: {  	s26 =	sadd.s32 s15, s24;
	s24 =	sld [smem:$0x7C2]  }
0xb5: {  	[hbm4b:s16+s2] =	stream.linear.scatter [tilespmem:s29], [sflag:$0x2], $0x80, $0x38;
	[tilespmem:$0x1C00] =	vst v63  }
0xb6: {  	s29 =	sld [smem:$0x7DD]  }
0xb7: {  	s16 =	sadd.s32 s15, s20;
	s20 =	sld [smem:$0x7DF]  }
0xb8: {  	[hbm4b:s17+s2] =	stream.linear.scatter [tilespmem:s31], [sflag:$0x2], $0x80, $0x38;
	[tilespmem:$0x1C00] =	vst v63  }
0xb9: {  	s31 =	sld [smem:$0x7DE]  }
0xba: {  	s17 =	sadd.s32 s15, s18;
	s18 =	sadd.s32 s15, s30;
	s30 =	sld [smem:$0x7BF]  }
0xbb: {  	[hbm4b:s17+s2] =	stream.linear.scatter [tilespmem:s5], [sflag:$0x2], $0x80, $0x38;
	[tilespmem:$0x1C00] =	vst v63  }
0xbc: {  	s17 =	sadd.s32 s15, s24;
	s24 =	sld [smem:$0x7E6]  }
0xbd: {  	[hbm4b:s16+s2] =	stream.linear.scatter [tilespmem:s21], [sflag:$0x2], $0x80, $0x38;
	[tilespmem:$0x1C00] =	vst v63  }
0xbe: {  	s21 =	sld [smem:$0x7C3]  }
0xbf: {  	s16 =	sadd.s32 s15, s22;
	s22 =	sld [smem:$0x7E0]  }
0xc0: {  	[hbm4b:s16+s2] =	stream.linear.scatter [tilespmem:s23], [sflag:$0x2], $0x80, $0x38;
	[tilespmem:$0x1C00] =	vst v63  }
0xc1: {  	s16 =	sadd.s32 s15, s28;
	s28 =	sld [smem:$0x7C0]  }
0xc2: {  	s23 =	sadd.s32 s15, s21;
	s21 =	sld [smem:$0x7E5]  }
0xc3: {  	[hbm4b:s26+s2] =	stream.linear.scatter [tilespmem:s25], [sflag:$0x2], $0x80, $0x38;
	[tilespmem:$0x1C00] =	vst v63  }
0xc4: {  	s25 =	sld [smem:$0x7C1]  }
0xc5: {  	s26 =	sld [smem:$0x7E1]  }
0xc6: {  	[hbm4b:s16+s2] =	stream.linear.scatter [tilespmem:s29], [sflag:$0x2], $0x80, $0x38;
	[tilespmem:$0x1C00] =	vst v63  }
0xc7: {  	s29 =	sld [smem:$0x7E2]  }
0xc8: {  	s16 =	sadd.s32 s15, s19;
	s19 =	sld [smem:$0x7E4]  }
0xc9: {  	[hbm4b:s18+s2] =	stream.linear.scatter [tilespmem:s31], [sflag:$0x2], $0x80, $0x38;
	[tilespmem:$0x1C00] =	vst v63  }
0xca: {  	s31 =	sld [smem:$0x7E3]  }
0xcb: {  	s18 =	sld [smem:$0x7BE]  }
0xcc: {  	[hbm4b:s16+s2] =	stream.linear.scatter [tilespmem:s20], [sflag:$0x2], $0x80, $0x38;
	[tilespmem:$0x1C00] =	vst v63  }
0xcd: {  	s20 =	rddreg [dreg:$0x1f]  }
0xce: {  	s16 =	sadd.s32 s15, s25;
	s25 =	rddreg [dreg:$0x1d]  }
0xcf: {  	[hbm4b:s23+s2] =	stream.linear.scatter [tilespmem:s22], [sflag:$0x2], $0x80, $0x38;
	[tilespmem:$0x1C00] =	vst v63  }
0xd0: {  	s23 =	rddreg [dreg:$0x1e]  }
0xd1: {  	s22 =	sadd.s32 s15, s20;
	s20 =	sld [smem:$0x7EA]  }
0xd2: {  	[hbm4b:s17+s2] =	stream.linear.scatter [tilespmem:s6], [sflag:$0x2], $0x80, $0x38;
	[tilespmem:$0x1C00] =	vst v63  }
0xd3: {  	s17 =	sadd.s32 s15, s30;
	s30 =	rddreg [dreg:$0x1b]  }
0xd4: {  	[hbm4b:s16+s2] =	stream.linear.scatter [tilespmem:s26], [sflag:$0x2], $0x80, $0x38;
	[tilespmem:$0x1C00] =	vst v63  }
0xd5: {  	s26 =	sld [smem:$0x7E7]  }
0xd6: {  	s16 =	sadd.s32 s15, s28;
	s28 =	sadd.s32 s15, s25;
	s25 =	sld [smem:$0x7EC]  }
0xd7: {  	[hbm4b:s16+s2] =	stream.linear.scatter [tilespmem:s29], [sflag:$0x2], $0x80, $0x38;
	[tilespmem:$0x1C00] =	vst v63  }
0xd8: {  	s29 =	rddreg [dreg:$0x1c]  }
0xd9: {  	s16 =	sadd.s32 s15, s18;
	s18 =	sld [smem:$0x7E9]  }
0xda: {  	[hbm4b:s17+s2] =	stream.linear.scatter [tilespmem:s31], [sflag:$0x2], $0x80, $0x38;
	[tilespmem:$0x1C00] =	vst v63  }
0xdb: {  	s31 =	sld [smem:$0x7E8]  }
0xdc: {  	s17 =	sadd.s32 s15, s29;
	s29 =	sld [smem:$0x7ED]  }
0xdd: {  	[hbm4b:s16+s2] =	stream.linear.scatter [tilespmem:s19], [sflag:$0x2], $0x80, $0x38;
	[tilespmem:$0x1C00] =	vst v63  }
0xde: {  	s19 =	rddreg [dreg:$0x19]  }
0xdf: {  	s16 =	sadd.s32 s15, s23;
	s23 =	sld [smem:$0x7EB]  }
0xe0: {  	[hbm4b:s22+s2] =	stream.linear.scatter [tilespmem:s21], [sflag:$0x2], $0x80, $0x38;
	[tilespmem:$0x1C00] =	vst v63  }
0xe1: {  	s22 =	rddreg [dreg:$0x18]  }
0xe2: {  	s21 =	sadd.s32 s15, s19;
	s19 =	rddreg [dreg:$0xe]  }
0xe3: {  	[hbm4b:s16+s2] =	stream.linear.scatter [tilespmem:s24], [sflag:$0x2], $0x80, $0x38;
	[tilespmem:$0x1C00] =	vst v63  }
0xe4: {  	s24 =	rddreg [dreg:$0x17]  }
0xe5: {  	s16 =	sadd.s32 s15, s30;
	s30 =	rddreg [dreg:$0x15]  }
0xe6: {  	[hbm4b:s28+s2] =	stream.linear.scatter [tilespmem:s26], [sflag:$0x2], $0x80, $0x38;
	[tilespmem:$0x1C00] =	vst v63  }
0xe7: {  	s28 =	rddreg [dreg:$0x16]  }
0xe8: {  	s26 =	sadd.s32 s15, s24;
	s24 =	rddreg [dreg:$0x11]  }
0xe9: {  	[hbm4b:s17+s2] =	stream.linear.scatter [tilespmem:s7], [sflag:$0x2], $0x80, $0x38;
	[tilespmem:$0x1C00] =	vst v63  }
0xea: {  	s17 =	rddreg [dreg:$0x1a]  }
0xeb: {  	[hbm4b:s16+s2] =	stream.linear.scatter [tilespmem:s31], [sflag:$0x2], $0x80, $0x38;
	[tilespmem:$0x1C00] =	vst v63  }
0xec: {  	s31 =	sld [smem:$0x7EE]  }
0xed: {  	s16 =	sadd.s32 s15, s17;
	s17 =	sadd.s32 s15, s30;
	s30 =	rddreg [dreg:$0xf]  }
0xee: {  	[hbm4b:s16+s2] =	stream.linear.scatter [tilespmem:s18], [sflag:$0x2], $0x80, $0x38;
	[tilespmem:$0x1C00] =	vst v63  }
0xef: {  	s18 =	rddreg [dreg:$0x14]  }
0xf0: {  	s16 =	sadd.s32 s15, s22;
	s22 =	rddreg [dreg:$0x12]  }
0xf1: {  	[hbm4b:s21+s2] =	stream.linear.scatter [tilespmem:s20], [sflag:$0x2], $0x80, $0x38;
	[tilespmem:$0x1C00] =	vst v63  }
0xf2: {  	s20 =	rddreg [dreg:$0x13]  }
0xf3: {  	s21 =	sld [smem:$0x7EF]  }
0xf4: {  	[hbm4b:s16+s2] =	stream.linear.scatter [tilespmem:s23], [sflag:$0x2], $0x80, $0x38;
	[tilespmem:$0x1C00] =	vst v63  }
0xf5: {  	s23 =	sld [smem:$0x7F0]  }
0xf6: {  	s16 =	sadd.s32 s15, s28;
	s28 =	rddreg [dreg:$0x10]  }
0xf7: {  	[hbm4b:s26+s2] =	stream.linear.scatter [tilespmem:s25], [sflag:$0x2], $0x80, $0x38;
	[tilespmem:$0x1C00] =	vst v63  }
0xf8: {  	s25 =	sld [smem:$0x7F1]  }
0xf9: {  	s26 =	sadd.s32 s15, s24;
	s24 =	rddreg [dreg:$0xc]  }
0xfa: {  	[hbm4b:s16+s2] =	stream.linear.scatter [tilespmem:s29], [sflag:$0x2], $0x80, $0x38;
	[tilespmem:$0x1C00] =	vst v63  }
0xfb: {  	s29 =	sld [smem:$0x7F2]  }
0xfc: {  	s16 =	sadd.s32 s15, s20;
	s20 =	sld [smem:$0x7F4]  }
0xfd: {  	[hbm4b:s17+s2] =	stream.linear.scatter [tilespmem:s31], [sflag:$0x2], $0x80, $0x38;
	[tilespmem:$0x1C00] =	vst v63  }
0xfe: {  	s31 =	sld [smem:$0x7F3]  }
0xff: {  	s17 =	sadd.s32 s15, s18;
	s18 =	sadd.s32 s15, s30;
	s30 =	rddreg [dreg:$0x9]  }
0x100: {  	[hbm4b:s17+s2] =	stream.linear.scatter [tilespmem:s8], [sflag:$0x2], $0x80, $0x38;
	[tilespmem:$0x1C00] =	vst v63  }
0x101: {  	s17 =	sadd.s32 s15, s24;
	s24 =	sld [smem:$0x7FB]  }
0x102: {  	[hbm4b:s16+s2] =	stream.linear.scatter [tilespmem:s21], [sflag:$0x2], $0x80, $0x38;
	[tilespmem:$0x1C00] =	vst v63  }
0x103: {  	s21 =	rddreg [dreg:$0xd]  }
0x104: {  	s16 =	sadd.s32 s15, s22;
	s22 =	sld [smem:$0x7F5]  }
0x105: {  	[hbm4b:s16+s2] =	stream.linear.scatter [tilespmem:s23], [sflag:$0x2], $0x80, $0x38;
	[tilespmem:$0x1C00] =	vst v63  }
0x106: {  	s16 =	sadd.s32 s15, s28;
	s28 =	rddreg [dreg:$0xa]  }
0x107: {  	s23 =	sadd.s32 s15, s21;
	s21 =	sld [smem:$0x7FA]  }
0x108: {  	[hbm4b:s26+s2] =	stream.linear.scatter [tilespmem:s25], [sflag:$0x2], $0x80, $0x38;
	[tilespmem:$0x1C00] =	vst v63  }
0x109: {  	s25 =	rddreg [dreg:$0xb]  }
0x10a: {  	[hbm4b:s16+s2] =	stream.linear.scatter [tilespmem:s29], [sflag:$0x2], $0x80, $0x38;
	[tilespmem:$0x1C00] =	vst v63  }
0x10b: {  	s26 =	sld [smem:$0x7F6]  }
0x10c: {  	[hbm4b:s18+s2] =	stream.linear.scatter [tilespmem:s31], [sflag:$0x2], $0x80, $0x38;
	[tilespmem:$0x1C00] =	vst v63  }
0x10d: {  	s16 =	sadd.s32 s15, s19;
	s29 =	sld [smem:$0x7F7]  }
0x10e: {  	[hbm4b:s16+s2] =	stream.linear.scatter [tilespmem:s20], [sflag:$0x2], $0x80, $0x38;
	[tilespmem:$0x1C00] =	vst v63  }
0x10f: {  	s19 =	sld [smem:$0x7F9]  }
0x110: {  	[hbm4b:s23+s2] =	stream.linear.scatter [tilespmem:s22], [sflag:$0x2], $0x80, $0x38;
	[tilespmem:$0x1C00] =	vst v63  }
0x111: {  	s31 =	sld [smem:$0x7F8]  }
0x112: {  	[hbm4b:s17+s2] =	stream.linear.scatter [tilespmem:s9], [sflag:$0x2], $0x80, $0x38;
	[tilespmem:$0x1C00] =	vst v63  }
0x113: {  	s18 =	rddreg [dreg:$0x8];
	s16 =	sadd.s32 s15, s25  }
0x114: {  	[hbm4b:s16+s2] =	stream.linear.scatter [tilespmem:s26], [sflag:$0x2], $0x80, $0x38;
	[tilespmem:$0x1C00] =	vst v63  }
0x115: {  	s20 =	rddreg [dreg:$0x7];
	s16 =	sadd.s32 s15, s28  }
0x116: {  	[hbm4b:s16+s2] =	stream.linear.scatter [tilespmem:s29], [sflag:$0x2], $0x80, $0x38;
	[tilespmem:$0x1C00] =	vst v63  }
0x117: {  	s25 =	rddreg [dreg:$0x5];
	s17 =	sadd.s32 s15, s30  }
0x118: {  	[hbm4b:s17+s2] =	stream.linear.scatter [tilespmem:s31], [sflag:$0x2], $0x80, $0x38;
	[tilespmem:$0x1C00] =	vst v63  }
0x119: {  	s23 =	rddreg [dreg:$0x6];
	s16 =	sadd.s32 s15, s18  }
0x11a: {  	[hbm4b:s16+s2] =	stream.linear.scatter [tilespmem:s19], [sflag:$0x2], $0x80, $0x38;
	[tilespmem:$0x1C00] =	vst v63  }
0x11b: {  	s22 =	sadd.s32 s15, s20;
	s30 =	rddreg [dreg:$0x3]  }
0x11c: {  	[hbm4b:s22+s2] =	stream.linear.scatter [tilespmem:s21], [sflag:$0x2], $0x80, $0x38;
	[tilespmem:$0x1C00] =	vst v63  }
0x11d: {  	s26 =	sld [smem:$0x7FC];
	s16 =	sadd.s32 s15, s23  }
0x11e: {  	[hbm4b:s16+s2] =	stream.linear.scatter [tilespmem:s24], [sflag:$0x2], $0x80, $0x38;
	[tilespmem:$0x1C00] =	vst v63  }
0x11f: {  	s28 =	sadd.s32 s15, s25;
	s29 =	rddreg [dreg:$0x4]  }
0x120: {  	[hbm4b:s28+s2] =	stream.linear.scatter [tilespmem:s26], [sflag:$0x2], $0x80, $0x38;
	[tilespmem:$0x1C00] =	vst v63  }
0x121: {  	s17 =	sadd.s32 s15, s29;
	s31 =	sld [smem:$0x7FD]  }
0x122: {  	[hbm4b:s17+s2] =	stream.linear.scatter [tilespmem:s10], [sflag:$0x2], $0x80, $0x38;
	[tilespmem:$0x1C00] =	vst v63  }
0x123: {  	s16 =	sadd.s32 s15, s30  }
0x124: {  	[hbm4b:s16+s2] =	stream.linear.scatter [tilespmem:s31], [sflag:$0x2], $0x80, $0x38;
	[tilespmem:$0x1C00] =	vst v63  }
0x125: {  	_ =	swait.ge [sflag:s12], $0x80  }
0x126: {  	[sflag:s12] =	ssyncset.done $0x0  }
0x127: {  	[sflag:s12] =	ssyncadd.s32 $0xFFFFFF80  }
0x128: {  	_ =	swait.ge [sflag:s12], $0x80  }
0x129: {  	[sflag:s12] =	ssyncset.done $0x0  }
0x12a: {  	[sflag:s12] =	ssyncadd.s32 $0xFFFFFF80  }
0x12b: {  	_ =	swait.ge [sflag:s12], $0x80  }
0x12c: {  	[sflag:s12] =	ssyncset.done $0x0  }
0x12d: {  	[sflag:s12] =	ssyncadd.s32 $0xFFFFFF80  }
0x12e: {  	_ =	swait.ge [sflag:s12], $0x80  }
0x12f: {  	[sflag:s12] =	ssyncset.done $0x0  }
0x130: {  	[sflag:s12] =	ssyncadd.s32 $0xFFFFFF80  }
0x131: {  	_ =	swait.ge [sflag:s12], $0x80  }
0x132: {  	[sflag:s12] =	ssyncset.done $0x0  }
0x133: {  	[sflag:s12] =	ssyncadd.s32 $0xFFFFFF80  }
0x134: {  	_ =	swait.ge [sflag:s12], $0x80  }
0x135: {  	[sflag:s12] =	ssyncset.done $0x0  }
0x136: {  	[sflag:s12] =	ssyncadd.s32 $0xFFFFFF80  }
0x137: {  	_ =	swait.ge [sflag:s12], $0x80  }
0x138: {  	[sflag:s12] =	ssyncset.done $0x0  }
0x139: {  	[sflag:s12] =	ssyncadd.s32 $0xFFFFFF80  }
0x13a: {  	_ =	swait.ge [sflag:s12], $0x80  }
0x13b: {  	[sflag:s12] =	ssyncset.done $0x0  }
0x13c: {  	[sflag:s12] =	ssyncadd.s32 $0xFFFFFF80  }
0x13d: {  	_ =	swait.ge [sflag:s12], $0x80  }
0x13e: {  	[sflag:s12] =	ssyncset.done $0x0  }
0x13f: {  	[sflag:s12] =	ssyncadd.s32 $0xFFFFFF80  }
0x140: {  	_ =	swait.ge [sflag:s12], $0x80  }
0x141: {  	[sflag:s12] =	ssyncset.done $0x0  }
0x142: {  	[sflag:s12] =	ssyncadd.s32 $0xFFFFFF80  }
0x143: {  	_ =	swait.ge [sflag:s12], $0x80  }
0x144: {  	[sflag:s12] =	ssyncset.done $0x0  }
0x145: {  	[sflag:s12] =	ssyncadd.s32 $0xFFFFFF80  }
0x146: {  	_ =	swait.ge [sflag:s12], $0x80  }
0x147: {  	[sflag:s12] =	ssyncset.done $0x0  }
0x148: {  	[sflag:s12] =	ssyncadd.s32 $0xFFFFFF80  }
0x149: {  	_ =	swait.ge [sflag:s12], $0x80  }
0x14a: {  	[sflag:s12] =	ssyncset.done $0x0  }
0x14b: {  	[sflag:s12] =	ssyncadd.s32 $0xFFFFFF80  }
0x14c: {  	_ =	swait.ge [sflag:s12], $0x80  }
0x14d: {  	[sflag:s12] =	ssyncset.done $0x0  }
0x14e: {  	[sflag:s12] =	ssyncadd.s32 $0xFFFFFF80  }
0x14f: {  	_ =	swait.ge [sflag:s12], $0x80  }
0x150: {  	[sflag:s12] =	ssyncset.done $0x0  }
0x151: {  	[sflag:s12] =	ssyncadd.s32 $0xFFFFFF80  }
0x152: {  	_ =	swait.ge [sflag:s12], $0x80  }
0x153: {  	[sflag:s12] =	ssyncset.done $0x0  }
0x154: {  	[sflag:s12] =	ssyncadd.s32 $0xFFFFFF80  }
0x155: {  	_ =	swait.ge [sflag:s12], $0x80  }
0x156: {  	[sflag:s12] =	ssyncset.done $0x0  }
0x157: {  	[sflag:s12] =	ssyncadd.s32 $0xFFFFFF80  }
0x158: {  	_ =	swait.ge [sflag:s12], $0x80  }
0x159: {  	[sflag:s12] =	ssyncset.done $0x0  }
0x15a: {  	[sflag:s12] =	ssyncadd.s32 $0xFFFFFF80  }
0x15b: {  	_ =	swait.ge [sflag:s12], $0x80  }
0x15c: {  	[sflag:s12] =	ssyncset.done $0x0  }
0x15d: {  	[sflag:s12] =	ssyncadd.s32 $0xFFFFFF80  }
0x15e: {  	_ =	swait.ge [sflag:s12], $0x80  }
0x15f: {  	[sflag:s12] =	ssyncset.done $0x0  }
0x160: {  	[sflag:s12] =	ssyncadd.s32 $0xFFFFFF80  }
0x161: {  	_ =	swait.ge [sflag:s12], $0x80  }
0x162: {  	[sflag:s12] =	ssyncset.done $0x0  }
0x163: {  	[sflag:s12] =	ssyncadd.s32 $0xFFFFFF80  }
0x164: {  	_ =	swait.ge [sflag:s12], $0x80  }
0x165: {  	[sflag:s12] =	ssyncset.done $0x0  }
0x166: {  	[sflag:s12] =	ssyncadd.s32 $0xFFFFFF80  }
0x167: {  	_ =	swait.ge [sflag:s12], $0x80  }
0x168: {  	[sflag:s12] =	ssyncset.done $0x0  }
0x169: {  	[sflag:s12] =	ssyncadd.s32 $0xFFFFFF80  }
0x16a: {  	_ =	swait.ge [sflag:s12], $0x80  }
0x16b: {  	[sflag:s12] =	ssyncset.done $0x0  }
0x16c: {  	[sflag:s12] =	ssyncadd.s32 $0xFFFFFF80  }
0x16d: {  	_ =	swait.ge [sflag:s12], $0x80  }
0x16e: {  	[sflag:s12] =	ssyncset.done $0x0  }
0x16f: {  	[sflag:s12] =	ssyncadd.s32 $0xFFFFFF80  }
0x170: {  	_ =	swait.ge [sflag:s12], $0x80  }
0x171: {  	[sflag:s12] =	ssyncset.done $0x0  }
0x172: {  	[sflag:s12] =	ssyncadd.s32 $0xFFFFFF80  }
0x173: {  	_ =	swait.ge [sflag:s12], $0x80  }
0x174: {  	[sflag:s12] =	ssyncset.done $0x0  }
0x175: {  	[sflag:s12] =	ssyncadd.s32 $0xFFFFFF80  }
0x176: {  	_ =	swait.ge [sflag:s12], $0x80  }
0x177: {  	[sflag:s12] =	ssyncset.done $0x0  }
0x178: {  	[sflag:s12] =	ssyncadd.s32 $0xFFFFFF80  }
0x179: {  	_ =	swait.ge [sflag:s12], $0x80  }
0x17a: {  	[sflag:s12] =	ssyncset.done $0x0  }
0x17b: {  	[sflag:s12] =	ssyncadd.s32 $0xFFFFFF80  }
0x17c: {  	_ =	swait.ge [sflag:s12], $0x80  }
0x17d: {  	[sflag:s12] =	ssyncset.done $0x0  }
0x17e: {  	[sflag:s12] =	ssyncadd.s32 $0xFFFFFF80  }
0x17f: {  	_ =	swait.ge [sflag:s12], $0x80  }
0x180: {  	[sflag:s12] =	ssyncset.done $0x0  }
0x181: {  	[sflag:s12] =	ssyncadd.s32 $0xFFFFFF80  }
0x182: {  	_ =	swait.ge [sflag:s12], $0x80  }
0x183: {  	[sflag:s12] =	ssyncset.done $0x0  }
0x184: {  	[sflag:s12] =	ssyncadd.s32 $0xFFFFFF80  }
0x185: {  	_ =	swait.ge [sflag:s12], $0x80  }
0x186: {  	[sflag:s12] =	ssyncset.done $0x0  }
0x187: {  	[sflag:s12] =	ssyncadd.s32 $0xFFFFFF80  }
0x188: {  	_ =	swait.ge [sflag:s12], $0x80  }
0x189: {  	[sflag:s12] =	ssyncset.done $0x0  }
0x18a: {  	[sflag:s12] =	ssyncadd.s32 $0xFFFFFF80  }
0x18b: {  	_ =	swait.ge [sflag:s12], $0x80  }
0x18c: {  	[sflag:s12] =	ssyncset.done $0x0  }
0x18d: {  	[sflag:s12] =	ssyncadd.s32 $0xFFFFFF80  }
0x18e: {  	_ =	swait.ge [sflag:s12], $0x80  }
0x18f: {  	[sflag:s12] =	ssyncset.done $0x0  }
0x190: {  	[sflag:s12] =	ssyncadd.s32 $0xFFFFFF80  }
0x191: {  	_ =	swait.ge [sflag:s12], $0x80  }
0x192: {  	[sflag:s12] =	ssyncset.done $0x0  }
0x193: {  	[sflag:s12] =	ssyncadd.s32 $0xFFFFFF80  }
0x194: {  	_ =	swait.ge [sflag:s12], $0x80  }
0x195: {  	[sflag:s12] =	ssyncset.done $0x0  }
0x196: {  	[sflag:s12] =	ssyncadd.s32 $0xFFFFFF80  }
0x197: {  	_ =	swait.ge [sflag:s12], $0x80  }
0x198: {  	[sflag:s12] =	ssyncset.done $0x0  }
0x199: {  	[sflag:s12] =	ssyncadd.s32 $0xFFFFFF80  }
0x19a: {  	_ =	swait.ge [sflag:s12], $0x80  }
0x19b: {  	[sflag:s12] =	ssyncset.done $0x0  }
0x19c: {  	[sflag:s12] =	ssyncadd.s32 $0xFFFFFF80  }
0x19d: {  	_ =	swait.ge [sflag:s12], $0x80  }
0x19e: {  	[sflag:s12] =	ssyncset.done $0x0  }
0x19f: {  	[sflag:s12] =	ssyncadd.s32 $0xFFFFFF80  }
0x1a0: {  	_ =	swait.ge [sflag:s12], $0x80  }
0x1a1: {  	[sflag:s12] =	ssyncset.done $0x0  }
0x1a2: {  	[sflag:s12] =	ssyncadd.s32 $0xFFFFFF80  }
0x1a3: {  	_ =	swait.ge [sflag:s12], $0x80  }
0x1a4: {  	[sflag:s12] =	ssyncset.done $0x0  }
0x1a5: {  	[sflag:s12] =	ssyncadd.s32 $0xFFFFFF80  }
0x1a6: {  	_ =	swait.ge [sflag:s12], $0x80  }
0x1a7: {  	[sflag:s12] =	ssyncset.done $0x0  }
0x1a8: {  	[sflag:s12] =	ssyncadd.s32 $0xFFFFFF80  }
0x1a9: {  	_ =	swait.ge [sflag:s12], $0x80  }
0x1aa: {  	[sflag:s12] =	ssyncset.done $0x0  }
0x1ab: {  	[sflag:s12] =	ssyncadd.s32 $0xFFFFFF80  }
0x1ac: {  	_ =	swait.ge [sflag:s12], $0x80  }
0x1ad: {  	[sflag:s12] =	ssyncset.done $0x0  }
0x1ae: {  	[sflag:s12] =	ssyncadd.s32 $0xFFFFFF80  }
0x1af: {  	_ =	swait.ge [sflag:s12], $0x80  }
0x1b0: {  	[sflag:s12] =	ssyncset.done $0x0  }
0x1b1: {  	[sflag:s12] =	ssyncadd.s32 $0xFFFFFF80  }
0x1b2: {  	_ =	swait.ge [sflag:s12], $0x80  }
0x1b3: {  	[sflag:s12] =	ssyncset.done $0x0  }
0x1b4: {  	[sflag:s12] =	ssyncadd.s32 $0xFFFFFF80  }
0x1b5: {  	p0 =	sne.s32 s15, $0x960;
	_ =	swait.ge [sflag:s12], $0x80  }
.Ltmp0:
0x1b6: {  	[sflag:s12] =	ssyncset.done $0x0;
	(pc) =	sbr.rel @p0 .LBB2_2-.Ltmp0, $4  }
0x1b7: {  	[sflag:s12] =	ssyncadd.s32 $0xFFFFFF80  }
0x1b8: {  	_ =	swait.ge [sflag:s12], $0x80  }
0x1b9: {  	[sflag:s12] =	ssyncset.done $0x0  }
0x1ba: {  	s14 =	sadd.s32 $0x80, s14;
	s15 =	sadd.s32 $0x320, s15;
	[sflag:s12] =	ssyncadd.s32 $0xFFFFFF80  }
0x1bb: {  	s13 =	sadd.s32 $0x1, s13  }
0x1bc: {  	p0 =	sne.s32 s13, s3  }
.Ltmp1:
0x1bd: {  	_ = 	snop;
	(pc) =	sbr.rel @p0 .LBB2_1-.Ltmp1, $1  }
0x1be: {  	_ =	sdelay $0x3  }
0x1bf: {  	_ =	sfence.sel $0x180000  }
0x1c0: {  	[bflag:$0x0] =	sbarrier.arrive $0xFFFF  }
0x1c1: {  	p0 =	sne.s32 s0, $0x0;
	_ =	strace $0x90000047  }
0x1c2: {  	s0 =	sadd.s32 @!p0 $0x100000, s1;
	[bflag:$0x2] =	sbarrier.arrive $0xFFFF  }
0x1c3: {  	[sflag:s0] =	ssyncadd.tile.s32 @!p0 $0x1;
	_ =	shalt  }
.Lfunc_end2:
_tile_overlayer_lowered:
.L_overlay_start_2:
0x1c4: {  	(tag) =	ssettag $0x2  }
0x1c5: {  	s0 =	rddreg [dreg:$0x0];
	s2 =	stileid.u32  }
0x1c6: {  	s1 =	rddreg [dreg:$0x1];
	p0 =	sne.s32 s2, $0x0  }
0x1c7: {  	s3 =	rddreg [dreg:$0x2];
	[bflag:$0x3] =	sbarrier.arrive $0xFFFF;
	s2 =	simm.s32 @!p0 $0x1C03  }
0x1c8: {  	[timem:s3], [sflag:s2] =	dma.local @!p0 [hbm:s0], s1  }
0x1c9: {  	s0 =	simm.s32 @!p0 $0x3  }
0x1ca: {  	_ =	swait.ge @!p0 [sflag:s0], s1  }
0x1cb: {  	s1 =	ssub.s32 @!p0 $0x0, s1;
	[sflag:s0] =	ssyncset.done @!p0 $0x0  }
0x1cc: {  	[sflag:s0] =	ssyncadd.s32 @!p0 s1  }
0x1cd: {  	[bflag:$0x3] =	sbarrier.arrive $0xFFFF  }
0x1ce: {  	_ =	shalt  }

// kernel: kernel.7.cloned.1.call-start
scs
__scs_entry_jumppad:
0x0: {  	(pc) =	sbr.rel $0x88, $3  }
0x1: {  	(tag) =	ssettag $0x0;
	lr =	simm.s32 $0x1  }
0x2: {  	[smem:$0x3F9F] =	sst lr;
	_ =	strace $0xD0000000  }
0x3: {  	_ = 	snop  }
0x4: {  	_ = 	snop  }
0x5: {  	_ = 	snop  }
0x6: {  	_ = 	snop  }
0x7: {  	_ = 	snop  }
__scs_overlays_trampoline_lowered:
0x8: {  	[smem:$0x3FAE] =	sst s0  }
0x9: {  	[smem:$0x3FAF] =	sst s1  }
0xa: {  	[smem:$0x3FB0] =	sst s2  }
0xb: {  	[smem:$0x3FB1] =	sst s3  }
0xc: {  	[smem:$0x3FB2] =	sst s4  }
0xd: {  	[smem:$0x3FB3] =	sst s5  }
0xe: {  	[smem:$0x3FB4] =	sst s6  }
0xf: {  	[smem:$0x3FB5] =	sst s7  }
0x10: {  	[smem:$0x3FB6] =	sst s8  }
0x11: {  	[smem:$0x3FB7] =	sst s9;
	s0 =	simm.s32 @!p0 $0x0  }
0x12: {  	s1 =	sld [smem:$0x3F9D];
	s0 =	simm.s32 @p0 $0x1  }
0x13: {  	[smem:$0x3FB8] =	sst s0;
	s0 =	simm.s32 @!p1 $0x0  }
0x14: {  	s2 =	sld [smem:$0x3F9C];
	s0 =	simm.s32 @p1 $0x1  }
0x15: {  	[smem:$0x3FB9] =	sst s0;
	s0 =	simm.s32 @!p2 $0x0  }
0x16: {  	s3 =	sld [smem:$0x3FDB];
	s0 =	simm.s32 @p2 $0x1  }
0x17: {  	s4 =	simm.s32 $0x1BF5;
	[smem:$0x3FBB] =	sst s0  }
0x18: {  	s0 =	sld [smem:$0x3F9E];
	_ =	swait.ge [sflag:s4], $0x0  }
0x19: {  	s7 =	sld [smem:$0x3F9F]  }
0x1a: {  	s8 =	sadd.s32 $0xFFFFE003, lr  }
0x1b: {  	s9 =	sadd.s32 $0xFFFFFEF7, lr;
	s5 =	simm.s32 $0xFFFFFFFF;
	p2 =	slt.u32 s8, $0xFFFFF086  }
0x1c: {  	p1 =	slt.u32 s9, $0xF7A;
	s5 =	simm.s32 @!p2 $0x0  }
0x1d: {  	s5 =	simm.s32 @p1 $0x1;
	p0 =	seq.s32 s7, s2  }
0x1e: {  	s7 =	smul.u32 @!p0 $0xF7A, s2;
	p2 =	seq.s32 @!p0 s5, $0x0  }
0x1f: {  	s9 =	smul.u32 $0xF7A, s1;
	s8 =	simm.s32 @!p0 $0x1BF5;
	p2 =	por !p2, p0  }
0x20: {  	[sflag:s8] =	ssyncset.s32 @!p0 $0xFFFFF086;
	s6 =	sadd.s32 @!p0 s3, s7;
	s7 =	simm.s32 @!p0 $0x108  }
0x21: {  	s3 =	sadd.s32 s3, s9;
	s6 =	sadd.s32 @!p0 $0x88, s6;
	s7 =	simm.s32 @p2 $0x1082  }
0x22: {  	[simem:s7], [sflag:s8] =	dma.local @!p0 [hbm:s6], $0xF7A  }
0x23: {  	s9 =	sor.u32 $0xD0000000, s2;
	s6 =	simm.s32 $0x108;
	_ =	swait.ge @!p0 [sflag:s8], $0x0  }
0x24: {  	s3 =	sadd.s32 $0x88, s3;
	s6 =	simm.s32 @!p1 $0x1082;
	[sflag:s4] =	ssyncset.s32 $0xFFFFF086  }
0x25: {  	[simem:s6], [sflag:s4] =	dma.local [hbm:s3], $0xF7A  }
0x26: {  	[smem:$0x3F9F] =	sst s1;
	(tag) =	ssettag s2;
	_ =	strace s9  }
0x27: {  	s1 =	sld [smem:$0x3FAF]  }
0x28: {  	s2 =	sld [smem:$0x3FB0]  }
0x29: {  	s4 =	sld [smem:$0x3FB2]  }
0x2a: {  	p0 =	seq.s32 s5, $0x0;
	s5 =	sld [smem:$0x3FB3]  }
0x2b: {  	s6 =	sld [smem:$0x3FB4]  }
0x2c: {  	s7 =	sld [smem:$0x3FB5]  }
0x2d: {  	s3 =	simm.s32 $0x108;
	s8 =	sld [smem:$0x3FB6]  }
0x2e: {  	s3 =	simm.s32 @!p0 $0x1082;
	s9 =	sld [smem:$0x3FB7]  }
0x2f: {  	lr =	sadd.s32 s0, s3;
	s0 =	sld [smem:$0x3FAE]  }
0x30: {  	s3 =	sld [smem:$0x3FB1]  }
0x31: {  	[smem:$0x3FBA] =	sst s10  }
0x32: {  	s10 =	sld [smem:$0x3FB8];
	_ =	sdelay $0x3  }
0x33: {  	p0 =	seq.s32 s10, $0x1;
	s10 =	sld [smem:$0x3FBA];
	_ =	sdelay $0x3  }
0x34: {  	[smem:$0x3FBA] =	sst s10  }
0x35: {  	s10 =	sld [smem:$0x3FB9];
	_ =	sdelay $0x3  }
0x36: {  	p1 =	seq.s32 s10, $0x1;
	s10 =	sld [smem:$0x3FBA];
	_ =	sdelay $0x3  }
0x37: {  	[smem:$0x3FBA] =	sst s10  }
0x38: {  	s10 =	sld [smem:$0x3FBB]  }
0x39: {  	_ = 	snop;
	(pc) =	sbr.ind lr, $3  }
0x3a: {  	_ = 	snop  }
0x3b: {  	_ = 	snop  }
0x3c: {  	p2 =	seq.s32 s10, $0x1;
	s10 =	sld [smem:$0x3FBA]  }
0x3d: {  	_ =	shalt  }
0x3e: {  	_ =	shalt  }
0x3f: {  	_ =	shalt  }
0x40: {  	_ =	shalt  }
0x41: {  	_ =	shalt  }
0x42: {  	_ =	shalt  }
0x43: {  	_ =	shalt  }
0x44: {  	_ =	shalt  }
0x45: {  	_ =	shalt  }
0x46: {  	_ =	shalt  }
0x47: {  	_ =	shalt  }
0x48: {  	_ =	shalt  }
0x49: {  	_ =	shalt  }
0x4a: {  	_ =	shalt  }
0x4b: {  	_ =	shalt  }
0x4c: {  	_ =	shalt  }
0x4d: {  	_ =	shalt  }
0x4e: {  	_ =	shalt  }
0x4f: {  	_ =	shalt  }
0x50: {  	_ =	shalt  }
0x51: {  	_ =	shalt  }
0x52: {  	_ =	shalt  }
0x53: {  	_ =	shalt  }
0x54: {  	_ =	shalt  }
0x55: {  	_ =	shalt  }
0x56: {  	_ =	shalt  }
0x57: {  	_ =	shalt  }
0x58: {  	_ =	shalt  }
0x59: {  	_ =	shalt  }
0x5a: {  	_ =	shalt  }
0x5b: {  	_ =	shalt  }
0x5c: {  	_ =	shalt  }
0x5d: {  	_ =	shalt  }
0x5e: {  	_ =	shalt  }
0x5f: {  	_ =	shalt  }
0x60: {  	_ =	shalt  }
0x61: {  	_ =	shalt  }
0x62: {  	_ =	shalt  }
0x63: {  	_ =	shalt  }
0x64: {  	_ =	shalt  }
0x65: {  	_ =	shalt  }
0x66: {  	_ =	shalt  }
0x67: {  	_ =	shalt  }
0x68: {  	_ =	shalt  }
0x69: {  	_ =	shalt  }
0x6a: {  	_ =	shalt  }
0x6b: {  	_ =	shalt  }
0x6c: {  	_ =	shalt  }
0x6d: {  	_ =	shalt  }
0x6e: {  	_ =	shalt  }
0x6f: {  	_ =	shalt  }
0x70: {  	_ =	shalt  }
0x71: {  	_ =	shalt  }
0x72: {  	_ =	shalt  }
0x73: {  	_ =	shalt  }
0x74: {  	_ =	shalt  }
0x75: {  	_ =	shalt  }
0x76: {  	_ =	shalt  }
0x77: {  	_ =	shalt  }
0x78: {  	_ =	shalt  }
0x79: {  	_ =	shalt  }
0x7a: {  	_ =	shalt  }
0x7b: {  	_ =	shalt  }
0x7c: {  	_ =	shalt  }
0x7d: {  	_ =	shalt  }
0x7e: {  	_ =	shalt  }
0x7f: {  	_ =	shalt  }
0x80: {  	_ =	shalt  }
0x81: {  	_ =	shalt  }
0x82: {  	_ =	shalt  }
0x83: {  	_ =	shalt  }
0x84: {  	_ =	shalt  }
0x85: {  	_ =	shalt  }
0x86: {  	_ =	shalt  }
0x87: {  	_ =	shalt  }
.Lfunc_end0:
.L_simem_size_0:
called_computation.1_lowered:
.L_overlay_start_0:
0x88: {  	s2 =	sld [smem:$0x3FD9]  }
0x89: {  	s3 =	sld [smem:$0x3FFE];
	_ =	sdelay $0x1  }
0x8a: {  	s1 =	srdreg.scid  }
0x8b: {  	s0 =	sand.u32 $0x1, s1  }
0x8c: {  	s17 =	sshll.u32 s0, $0xA;
	s2 =	sadd.s32 s3, s2  }
0x8d: {  	s2 =	sadd.s32 s2, s17  }
0x8e: {  	[smem:$0x3FC6] =	sst s2  }
0x8f: {  	_ = 	snop  }
0x90: {  	s2 =	sld [smem:$0x3FD0];
	(tm) =	ssettm $0x1  }
0x91: {  	s18 =	sld [smem:$0x3FFB];
	_ =	sdelay $0x3  }
0x92: {  	_ =	strace s18  }
0x93: {  	s3 =	sld [smem:$0x3FFC];
	_ =	sdelay $0x3  }
0x94: {  	_ =	strace s3  }
0x95: {  	s3 =	sld [smem:$0x3FFD];
	_ =	sdelay $0x3  }
0x96: {  	_ =	strace s3  }
0x97: {  	_ =	strace $0x8FFFFFFF  }
0x98: {  	s19 =	sld [smem:$0x3FDB];
	_ =	sdelay $0x1  }
0x99: {  	s4 =	simm.s32 $_scs_section_size  }
0x9a: {  	s5 =	simm.s32 $_size__tile_overlayer_lowered;
	s6 =	simm.s32 $_tile_overlayer_lowered  }
0x9b: {  	s22 =	simm.s32 $0x1BFF;
	s21 =	sshll.u32 s6, $0x1;
	s3 =	sadd.s32 s4, s19  }
0x9c: {  	s7 =	simm.s32 $0x0;
	s20 =	sshll.u32 s5, $0x1;
	s5 =	sadd.s32 s21, s3  }
0x9d: {  	[timem:s7], [sflag:s22] =	dma.local [hbm:s5], s20  }
0x9e: {  	_ =	swait.ge [sflag:s22], s20  }
0x9f: {  	s4 =	ssub.s32 $0x0, s20;
	[sflag:s22] =	ssyncset.done $0x0  }
0xa0: {  	[sflag:s22] =	ssyncadd.s32 s4;
	_ =	sdelay $0x1  }
0xa1: {  	s23 =	simm.s32 $0x1B8B  }
0xa2: {  	_ =	swait.ge [sflag:s23], $0x1  }
0xa3: {  	[sflag:s23] =	ssyncset.done $0x0  }
0xa4: {  	s25 =	simm.s32 $0x1B8E;
	s24 =	sld [smem:$0x3FFE];
	[sflag:s23] =	ssyncadd.s32 $0xFFFFFFFF  }
0xa5: {  	s26 =	simm.s32 $execute0_lowered;
	[smem:$0x3FD2] =	sst s25  }
0xa6: {  	s5 =	sshll.u32 s26, $0x1;
	_ =	strace $0x80000049;
	[dreg:$0x1] =	wrdreg $0xFFFFFFFF  }
0xa7: {  	s28 =	simm.s32 $_size_execute0_lowered;
	s3 =	sadd.s32 s3, s5;
	[dreg:$0x0] =	wrdreg $0x0  }
0xa8: {  	s5 =	sshll.u32 s28, $0x1;
	[dreg:$0x2] =	wrdreg s3  }
0xa9: {  	[dreg:$0x3] =	wrdreg s5  }
0xaa: {  	[dreg:$0x4] =	wrdreg $0xC0  }
0xab: {  	_ =	task [dreg:s7], $0x5FFFF  }
0xac: {  	[dreg:$0x1] =	wrdreg $0xFFFFFFFF  }
0xad: {  	[dreg:$0x0] =	wrdreg $0x60  }
0xae: {  	[dreg:$0x2] =	wrdreg s2  }
0xaf: {  	[dreg:$0x3] =	wrdreg s24  }
0xb0: {  	[dreg:$0x4] =	wrdreg $0x9  }
0xb1: {  	_ =	task.clear_ibuf [dreg:s7], $0x5FFFF;
	_ =	strace $0x90000049  }
0xb2: {  	s29 =	simm.s32 $0x9;
	_ =	strace $0x8000004B  }
0xb3: {  	_ =	swait.ge [sflag:s29], $0x1  }
0xb4: {  	[sflag:s29] =	ssyncadd.s32 $0xFFFFFFFF  }
0xb5: {  	_ =	strace $0x9000004B  }
0xb6: {  	_ =	sfence  }
0xb7: {  	s30 =	sld [smem:$0x0];
	_ =	sdelay $0x2  }
0xb8: {  	s31 =	sshll.u32 s1, $0xD;
	s1 =	sshrl.u32 s1, $0x2  }
0xb9: {  	s3 =	sand.u32 $0x4000, s31;
	s1 =	sadd.s32 s1, s30  }
0xba: {  	s0 =	sor.u32 s3, s0;
	s1 =	sshll.u32 s1, $0x11  }
0xbb: {  	s0 =	sor.u32 s1, s0  }
0xbc: {  	s0 =	sadd.s32 $0x8F2B, s0  }
0xbd: {  	[sflag:s0] =	ssyncadd.remote.s32 $0x1  }
0xbe: {  	_ =	sfence.sel $0xFFFF  }
0xbf: {  	[dreg:$0x0] =	wrdreg $0xFFFFFFFF;
	(pc) =	sbr.abs _section_cstart, $3  }
0xc0: {  	[dreg:$0x1] =	wrdreg $0xFFFFFFFF  }
0xc1: {  	_ =	task.clear_ibuf [dreg:s7], $0x2FFFF;
	_ =	strace $0x9FFFFFFF  }
0xc2: {  	(tm) =	ssettm $0x7FFFFFFF  }
0xc3: {  	_ =	shalt  }
tec
execute0_lowered:
.L_overlay_start_1:
0x0: {  	(tag) =	ssettag $0x1  }
0x1: {  	s0 =	rddreg [dreg:$0x1];
	s6 =	simm.s32 $0x0  }
0x2: {  	s1 =	srdreg.scid;
	s5 =	stileid.u32;
	s9 =	simm.s32 $0x80  }
0x3: {  	s10 =	simm.s32 $0x1900;
	s20 =	simm.s32 $0x8900;
	s21 =	simm.s32 $0x9900  }
0x4: {  	s22 =	simm.s32 $0xA900;
	s23 =	simm.s32 $0x2;
	s28 =	simm.s32 $0xD900  }
0x5: {  	s29 =	simm.s32 $0xE900;
	s30 =	simm.s32 $0xF900;
	s31 =	simm.s32 $0x3  }
0x6: {  	[smem:$0x7FF] =	sst s6;
	s1 =	sand.u32 $0x1, s1;
	s4 =	sadd.s32 $0xF42C00, s0  }
0x7: {  	s24 =	sshll.u32 s5, $0x3;
	s5 =	sadd.s32 $0x800, s0;
	s2 =	ssub.s32 $0x2, s1  }
0x8: {  	v0 =	vlaneseq.u32;
	s0 =	simm.s32 $0x4;
	s1 =	sshll.u32 s1, $0x2;
	s3 =	sshrl.u32 s2, $0x1  }
0x9: {  	v1 =	vmul.u32 $0x20, v0;
	v2 =	vand.u32 $0x7, v0;
	_ =	strace $0x8000004A;
	s25 =	sor.u32 s1, s24;
	s2 =	ssub.s32 s2, s3  }
0xa: {  	v3 =	vor.u32 $0x78, v0;
	v5 =	vor.u32 $0x1000, v2;
	v7 =	vor.u32 $0x2000, v2;
	s24 =	simm.s32 $0xB900;
	[dreg:$0x4] =	wrdreg s25;
	s26 =	smax.u32 s2, $0x1  }
0xb: {  	v4 =	vor.u32 $0x1000, v1;
	v6 =	vor.u32 $0x2000, v1;
	v8 =	vor.u32 $0x3000, v1;
	s25 =	simm.s32 $0x4000;
	[dreg:$0x5] =	wrdreg s26;
	s26 =	simm.s32 $0xC900  }
.LBB2_1:
0xc: {  	[dreg:$0x3] =	wrdreg s6;
	s3 =	simm.s32 $0x0  }
.LBB2_2:
0xd: {  	s1 =	rddreg [dreg:$0x4]  }
0xe: {  	s1 =	sadd.s32 s1, s3  }
0xf: {  	s2 =	smul.u32 $0x320, s1  }
0x10: {  	s6 =	rddreg [dreg:$0x0]  }
0x11: {  	s7 =	simm.s32 $0x0;
	s12 =	simm.s32 $0x1;
	s2 =	sadd.s32 s6, s2  }
0x12: {  	[tilespmem:s7], [sflag:$0x1] =	stream.linear.gather [hbm4b:s2+s7], $0x1900, $0x38;
	[tilespmem:$0x10900] =	vst v63  }
0x13: {  	_ =	swait.ge [sflag:s12], $0x1900  }
0x14: {  	[sflag:s12] =	ssyncset.done $0x0  }
0x15: {  	[sflag:s12] =	ssyncadd.s32 $0xFFFFE700  }
0x16: {  	[tilespmem:s10], [sflag:$0x2] =	stream.indirect.gather [hbm4b:s4+s9], $0x20, s7, s9, $0xb8;
	[tilespmem:$0x10900] =	vst v63  }
0x17: {  	s13 =	simm.s32 $0x2900;
	s14 =	simm.s32 $0x100  }
0x18: {  	[tilespmem:s13], [sflag:$0x2] =	stream.indirect.gather [hbm4b:s4+s9], $0x20, s9, s9, $0xb8;
	[tilespmem:$0x10900] =	vst v63  }
0x19: {  	s15 =	simm.s32 $0x3900;
	s16 =	simm.s32 $0x180;
	s17 =	simm.s32 $0x4900  }
0x1a: {  	[tilespmem:s15], [sflag:$0x2] =	stream.indirect.gather [hbm4b:s4+s9], $0x20, s14, s9, $0xb8;
	[tilespmem:$0x10900] =	vst v63  }
0x1b: {  	s18 =	simm.s32 $0x200;
	s19 =	simm.s32 $0x5900;
	s2 =	sshll.u32 s1, $0x7  }
0x1c: {  	[tilespmem:s17], [sflag:$0x2] =	stream.indirect.gather [hbm4b:s4+s9], $0x20, s16, s9, $0xb8;
	[tilespmem:$0x10900] =	vst v63  }
0x1d: {  	s1 =	sadd.s32 $0x100000, s2;
	s11 =	sadd.s32 $0x180000, s2;
	s12 =	sadd.s32 $0x200000, s2  }
0x1e: {  	[tilespmem:s19], [sflag:$0x2] =	stream.indirect.gather [hbm4b:s4+s9], $0x20, s18, s9, $0xb8;
	[tilespmem:$0x10900] =	vst v63  }
.LBB2_3:
0x1f: {  	s16 =	sshllo.u32 s7, $0x1  }
0x20: {  	s6 =	smul.u32 $0xA00, s16  }
0x21: {  	s8 =	smul.u32 $0x5, s16;
	_ =	sdelay $0x1  }
0x22: {  	s13 =	simm.s32 $0x6900;
	s6 =	sshra.s32 s6, $0x2;
	s17 =	sadd.s32 $0x1, s8  }
0x23: {  	[tilespmem:s13], [sflag:$0x3] =	stream.indirect.gather [hbm4b:s4+s9], $0x20, s6, s9, $0xb8;
	[tilespmem:$0x10900] =	vst v63  }
0x24: {  	s15 =	sshll.u32 s17, $0x7  }
0x25: {  	s18 =	simm.s32 $0x7900;
	s6 =	sand.u32 $0x3FFFFF00, s15;
	s15 =	sadd.s32 $0x2, s8  }
0x26: {  	[tilespmem:s18], [sflag:$0x3] =	stream.indirect.gather [hbm4b:s4+s9], $0x20, s6, s9, $0xb8;
	[tilespmem:$0x10900] =	vst v63  }
0x27: {  	s14 =	sadd.s32 $0x3, s8;
	s19 =	sshll.u32 s15, $0x7  }
0x28: {  	s13 =	sshll.u32 s14, $0x7;
	s6 =	sand.u32 $0x3FFFFF80, s19  }
0x29: {  	[tilespmem:s20], [sflag:$0x3] =	stream.indirect.gather [hbm4b:s4+s9], $0x20, s6, s9, $0xb8;
	[tilespmem:$0x10900] =	vst v63  }
0x2a: {  	s6 =	sand.u32 $0x3FFFFF00, s13;
	s13 =	sadd.s32 $0x4, s8  }
0x2b: {  	s18 =	sshll.u32 s13, $0x7  }
0x2c: {  	[tilespmem:s21], [sflag:$0x3] =	stream.indirect.gather [hbm4b:s4+s9], $0x20, s6, s9, $0xb8;
	[tilespmem:$0x10900] =	vst v63  }
0x2d: {  	s6 =	sand.u32 $0x3FFFFF80, s18  }
0x2e: {  	[tilespmem:s22], [sflag:$0x3] =	stream.indirect.gather [hbm4b:s4+s9], $0x20, s6, s9, $0xb8;
	[tilespmem:$0x10900] =	vst v63  }
0x2f: {  	s19 =	sor.u32 s3, s7;
	_ =	swait.ge [sflag:s23], $0x5000  }
0x30: {  	p0 =	seq.s32 s19, $0x0;
	[sflag:s23] =	ssyncset.done $0x0  }
0x31: {  	s6 =	simm.s32 @!p0 $0x4;
	[sflag:s23] =	ssyncadd.s32 $0xFFFFB000  }
0x32: {  	_ =	swait.ge @!p0 [sflag:s6], $0x5000  }
0x33: {  	[sflag:s6] =	ssyncset.done @!p0 $0x0  }
0x34: {  	s8 =	simm.s32 $0x0;
	[sflag:s6] =	ssyncadd.s32 @!p0 $0xFFFFB000  }
.LBB2_4:
0x35: {  	s6 =	sshll.u32 s8, $0x4  }
0x36: {  	v10 =	vor.u32 s6, v0  }
0x37: {  	v11 =	vshll.u32 v10, $0x5  }
0x38: {  	p0 =	por $0x1, $0x1;
	s6 =	simm.s32 $0x0;
	v10 =	vand.u32 v3, v10;
	v9 =	vor.u32 v2, v11  }
.LBB2_5:
0x39: {  	v12 =	vadd.s32 s6, v0;
	s18 =	sor.u32 $0x1, s6  }
0x3a: {  	s19 =	sor.u32 $0x2, s6;
	v13 =	vand.u32 $0x8, v12;
	v14 =	vadd.s32 s18, v0  }
0x3b: {  	v16 =	vadd.s32 s19, v0;
	v12 =	vshll.u32 v12, $0x7;
	v13 =	vor.u32 v13, v9  }
0x3c: {  	s19 =	sor.u32 $0x3, s6;
	v15 =	vand.u32 $0xF, v14;
	v17 =	vand.u32 $0xF, v16;
	v12 =	vand.u32 $0x780, v12  }
0x3d: {  	v18 =	vadd.s32 s19, v0;
	v14 =	vshll.u32 v14, $0x7;
	v16 =	vshll.u32 v16, $0x7  }
0x3e: {  	s19 =	sor.u32 $0x4, s6;
	v15 =	vor.u32 v11, v15;
	v17 =	vor.u32 v11, v17;
	v12 =	vor.u32 v12, v10  }
0x3f: {  	v19 =	vand.u32 $0xF, v18;
	v20 =	vadd.s32 s19, v0;
	s19 =	sor.u32 $0x5, s6;
	v14 =	vand.u32 $0x780, v14  }
0x40: {  	v19 =	vor.u32 v11, v19;
	v21 =	vand.u32 $0xF, v20;
	v22 =	vadd.s32 s19, v0;
	s19 =	sor.u32 $0x6, s6  }
0x41: {  	v21 =	vor.u32 v11, v21;
	v23 =	vand.u32 $0xF, v22;
	v24 =	vadd.s32 s19, v0;
	s19 =	sor.u32 $0x7, s6  }
0x42: {  	v23 =	vor.u32 v11, v23;
	v25 =	vand.u32 $0xF, v24;
	v26 =	vadd.s32 s19, v0;
	v13 =	vld.idx.msk [tilespmem:v13+s10+$0x0], $0xffff  }
0x43: {  	v16 =	vand.u32 $0x780, v16;
	v25 =	vor.u32 v11, v25;
	v27 =	vand.u32 $0xF, v26;
	v15 =	vld.idx.msk [tilespmem:v15+s10+$0x0], $0xffff  }
0x44: {  	v18 =	vshll.u32 v18, $0x7;
	v14 =	vor.u32 v14, v10;
	v17 =	vld.idx.msk [tilespmem:v17+s10+$0x0], $0xffff;
	v27 =	vor.u32 v11, v27  }
0x45: {  	v16 =	vor.u32 v16, v10;
	v18 =	vand.u32 $0x780, v18;
	v20 =	vshll.u32 v20, $0x7;
	v19 =	vld.idx.msk [tilespmem:v19+s10+$0x0], $0xffff  }
0x46: {  	v18 =	vor.u32 v18, v10;
	v20 =	vand.u32 $0x780, v20;
	v22 =	vshll.u32 v22, $0x7;
	v21 =	vld.idx.msk [tilespmem:v21+s10+$0x0], $0xffff  }
0x47: {  	v20 =	vor.u32 v20, v10;
	v22 =	vand.u32 $0x780, v22;
	v23 =	vld.idx.msk [tilespmem:v23+s10+$0x0], $0xffff;
	v13 =	vmul.f32 $5.656854150e+00, v13  }
0x48: {  	v24 =	vshll.u32 v24, $0x7;
	v54 =	vor.u32 v22, v10;
	v25 =	vld.idx.msk [tilespmem:v25+s10+$0x0], $0xffff;
	v15 =	vmul.f32 $5.656854150e+00, v15  }
0x49: {  	v55 =	vand.u32 $0x780, v24;
	v57 =	vshll.u32 v26, $0x7;
	v17 =	vmul.f32 $5.656854150e+00, v17;
	v56 =	vld.idx.msk [tilespmem:v27+s10+$0x0], $0xffff;
	[tilespmem:v12+s24+$0x0] =	vst.idx.msk $0xffff, v13  }
0x4a: {  	v59 =	vand.u32 $0x780, v57;
	v58 =	vmul.f32 $5.656854150e+00, v19;
	v13 =	vor.u32 v55, v10;
	[tilespmem:v14+s24+$0x0] =	vst.idx.msk $0xffff, v15  }
0x4b: {  	p1 =	por p0, p0;
	[tilespmem:v16+s24+$0x0] =	vst.idx.msk $0xffff, v17;
	v60 =	vmul.f32 $5.656854150e+00, v21;
	v15 =	vor.u32 v59, v10  }
.Ltmp0:
0x4c: {  	[tilespmem:v18+s24+$0x0] =	vst.idx.msk $0xffff, v58;
	v61 =	vmul.f32 $5.656854150e+00, v23;
	(pc) =	sbr.rel @p1 .LBB2_5-.Ltmp0, $4  }
0x4d: {  	[tilespmem:v20+s24+$0x0] =	vst.idx.msk $0xffff, v60;
	v62 =	vmul.f32 $5.656854150e+00, v25  }
0x4e: {  	[tilespmem:v54+s24+$0x0] =	vst.idx.msk $0xffff, v61;
	v63 =	vmul.f32 $5.656854150e+00, v56  }
0x4f: {  	[tilespmem:v13+s24+$0x0] =	vst.idx.msk $0xffff, v62  }
0x50: {  	p0 =	por $0x0, $0x0;
	s6 =	simm.s32 $0x8;
	[tilespmem:v15+s24+$0x0] =	vst.idx.msk $0xffff, v63  }
0x51: {  	v11 =	vor.u32 $0x10, v11;
	v12 =	vor.u32 $0x800, v10;
	s6 =	simm.s32 $0x0;
	p0 =	por $0x1, $0x1  }
.LBB2_7:
0x52: {  	v13 =	vadd.s32 s6, v0  }
0x53: {  	v13 =	vor.u32 $0x10, v13  }
0x54: {  	s18 =	sor.u32 $0x1, s6;
	v14 =	vand.u32 $0x18, v13  }
0x55: {  	s19 =	sor.u32 $0x2, s6;
	v15 =	vadd.s32 s18, v0;
	v14 =	vor.u32 v14, v9  }
0x56: {  	v17 =	vadd.s32 s19, v0;
	s19 =	sor.u32 $0x3, s6;
	v16 =	vor.u32 v11, v15  }
0x57: {  	v18 =	vor.u32 v11, v17;
	v19 =	vadd.s32 s19, v0;
	s19 =	sor.u32 $0x4, s6  }
0x58: {  	v20 =	vor.u32 v11, v19;
	v21 =	vadd.s32 s19, v0;
	s19 =	sor.u32 $0x5, s6  }
0x59: {  	v22 =	vor.u32 v11, v21;
	v23 =	vadd.s32 s19, v0;
	s19 =	sor.u32 $0x6, s6  }
0x5a: {  	v24 =	vor.u32 v11, v23;
	v25 =	vadd.s32 s19, v0;
	s19 =	sor.u32 $0x7, s6;
	v14 =	vld.idx.msk [tilespmem:v14+s10+$0x0], $0xffff  }
0x5b: {  	v13 =	vshll.u32 v13, $0x7;
	v26 =	vor.u32 v11, v25;
	v27 =	vadd.s32 s19, v0;
	v16 =	vld.idx.msk [tilespmem:v16+s10+$0x0], $0xffff  }
0x5c: {  	v15 =	vshll.u32 v15, $0x7;
	v13 =	vor.u32 v10, v13;
	v18 =	vld.idx.msk [tilespmem:v18+s10+$0x0], $0xffff;
	v28 =	vor.u32 v11, v27  }
0x5d: {  	v17 =	vshll.u32 v17, $0x7;
	v15 =	vor.u32 v12, v15;
	v20 =	vld.idx.msk [tilespmem:v20+s10+$0x0], $0xffff  }
0x5e: {  	v17 =	vor.u32 v12, v17;
	v19 =	vshll.u32 v19, $0x7;
	v22 =	vld.idx.msk [tilespmem:v22+s10+$0x0], $0xffff  }
0x5f: {  	v19 =	vor.u32 v12, v19;
	v21 =	vshll.u32 v21, $0x7;
	v24 =	vld.idx.msk [tilespmem:v24+s10+$0x0], $0xffff;
	v14 =	vmul.f32 $5.656854150e+00, v14  }
0x60: {  	v21 =	vor.u32 v12, v21;
	v23 =	vshll.u32 v23, $0x7;
	v26 =	vld.idx.msk [tilespmem:v26+s10+$0x0], $0xffff;
	v16 =	vmul.f32 $5.656854150e+00, v16  }
0x61: {  	v59 =	vshll.u32 v25, $0x7;
	v60 =	vld.idx.msk [tilespmem:v28+s10+$0x0], $0xffff;
	[tilespmem:v13+s24+$0x0] =	vst.idx.msk $0xffff, v14;
	v13 =	vmul.f32 $5.656854150e+00, v18;
	v14 =	vor.u32 v12, v23  }
0x62: {  	v61 =	vor.u32 v12, v59;
	v62 =	vshll.u32 v27, $0x7;
	[tilespmem:v15+s24+$0x0] =	vst.idx.msk $0xffff, v16;
	v15 =	vmul.f32 $5.656854150e+00, v20  }
0x63: {  	p1 =	por p0, p0;
	v63 =	vor.u32 v12, v62;
	[tilespmem:v17+s24+$0x0] =	vst.idx.msk $0xffff, v13;
	v13 =	vmul.f32 $5.656854150e+00, v22  }
.Ltmp1:
0x64: {  	[tilespmem:v19+s24+$0x0] =	vst.idx.msk $0xffff, v15;
	v15 =	vmul.f32 $5.656854150e+00, v24;
	(pc) =	sbr.rel @p1 .LBB2_7-.Ltmp1, $4  }
0x65: {  	[tilespmem:v21+s24+$0x0] =	vst.idx.msk $0xffff, v13;
	v13 =	vmul.f32 $5.656854150e+00, v26  }
0x66: {  	[tilespmem:v14+s24+$0x0] =	vst.idx.msk $0xffff, v15;
	v14 =	vmul.f32 $5.656854150e+00, v60  }
0x67: {  	[tilespmem:v61+s24+$0x0] =	vst.idx.msk $0xffff, v13  }
0x68: {  	p0 =	por $0x0, $0x0;
	s6 =	simm.s32 $0x8;
	[tilespmem:v63+s24+$0x0] =	vst.idx.msk $0xffff, v14  }
0x69: {  	s8 =	sadd.s32 $0x1, s8  }
0x6a: {  	p0 =	sne.s32 s8, $0x8  }
.Ltmp2:
0x6b: {  	_ = 	snop;
	(pc) =	sbr.rel @p0 .LBB2_4-.Ltmp2, $2  }
0x6c: {  	_ =	sdelay $0x2  }
0x6d: {  	s6 =	simm.s32 $0x0  }
.LBB2_9:
0x6e: {  	s8 =	sshll.u32 s6, $0x4  }
0x6f: {  	v9 =	vmov s8  }
0x70: {  	v10 =	vor.u32 s8, v0;
	v9 =	vshll.u32 v9, $0x5  }
0x71: {  	v10 =	vand.u32 $0x78, v10;
	v11 =	vor.u32 v4, v9  }
0x72: {  	p0 =	por $0x1, $0x1;
	s8 =	simm.s32 $0x0;
	v10 =	vor.u32 v5, v10;
	v9 =	vor.u32 v2, v11  }
.LBB2_10:
0x73: {  	v12 =	vadd.s32 s8, v0;
	s18 =	sor.u32 $0x1, s8  }
0x74: {  	s19 =	sor.u32 $0x2, s8;
	v13 =	vand.u32 $0x8, v12;
	v14 =	vadd.s32 s18, v0  }
0x75: {  	v16 =	vadd.s32 s19, v0;
	v12 =	vshll.u32 v12, $0x7;
	v13 =	vor.u32 v13, v9  }
0x76: {  	s19 =	sor.u32 $0x3, s8;
	v15 =	vand.u32 $0xF, v14;
	v17 =	vand.u32 $0xF, v16;
	v12 =	vand.u32 $0x780, v12  }
0x77: {  	v18 =	vadd.s32 s19, v0;
	v14 =	vshll.u32 v14, $0x7;
	v16 =	vshll.u32 v16, $0x7  }
0x78: {  	s19 =	sor.u32 $0x4, s8;
	v15 =	vor.u32 v11, v15;
	v17 =	vor.u32 v11, v17;
	v12 =	vor.u32 v12, v10  }
0x79: {  	v19 =	vand.u32 $0xF, v18;
	v20 =	vadd.s32 s19, v0;
	s19 =	sor.u32 $0x5, s8;
	v14 =	vand.u32 $0x780, v14  }
0x7a: {  	v19 =	vor.u32 v11, v19;
	v21 =	vand.u32 $0xF, v20;
	v22 =	vadd.s32 s19, v0;
	s19 =	sor.u32 $0x6, s8  }
0x7b: {  	v21 =	vor.u32 v11, v21;
	v23 =	vand.u32 $0xF, v22;
	v24 =	vadd.s32 s19, v0;
	s19 =	sor.u32 $0x7, s8  }
0x7c: {  	v23 =	vor.u32 v11, v23;
	v25 =	vand.u32 $0xF, v24;
	v26 =	vadd.s32 s19, v0;
	v13 =	vld.idx.msk [tilespmem:v13+s10+$0x0], $0xffff  }
0x7d: {  	v16 =	vand.u32 $0x780, v16;
	v25 =	vor.u32 v11, v25;
	v27 =	vand.u32 $0xF, v26;
	v15 =	vld.idx.msk [tilespmem:v15+s10+$0x0], $0xffff  }
0x7e: {  	v18 =	vshll.u32 v18, $0x7;
	v14 =	vor.u32 v14, v10;
	v17 =	vld.idx.msk [tilespmem:v17+s10+$0x0], $0xffff;
	v27 =	vor.u32 v11, v27  }
0x7f: {  	v16 =	vor.u32 v16, v10;
	v18 =	vand.u32 $0x780, v18;
	v20 =	vshll.u32 v20, $0x7;
	v19 =	vld.idx.msk [tilespmem:v19+s10+$0x0], $0xffff  }
0x80: {  	v18 =	vor.u32 v18, v10;
	v20 =	vand.u32 $0x780, v20;
	v22 =	vshll.u32 v22, $0x7;
	v21 =	vld.idx.msk [tilespmem:v21+s10+$0x0], $0xffff  }
0x81: {  	v20 =	vor.u32 v20, v10;
	v22 =	vand.u32 $0x780, v22;
	v23 =	vld.idx.msk [tilespmem:v23+s10+$0x0], $0xffff;
	v13 =	vmul.f32 $5.656854150e+00, v13  }
0x82: {  	v24 =	vshll.u32 v24, $0x7;
	v54 =	vor.u32 v22, v10;
	v25 =	vld.idx.msk [tilespmem:v25+s10+$0x0], $0xffff;
	v15 =	vmul.f32 $5.656854150e+00, v15  }
0x83: {  	v55 =	vand.u32 $0x780, v24;
	v57 =	vshll.u32 v26, $0x7;
	v17 =	vmul.f32 $5.656854150e+00, v17;
	v56 =	vld.idx.msk [tilespmem:v27+s10+$0x0], $0xffff;
	[tilespmem:v12+s24+$0x0] =	vst.idx.msk $0xffff, v13  }
0x84: {  	v59 =	vand.u32 $0x780, v57;
	v58 =	vmul.f32 $5.656854150e+00, v19;
	v13 =	vor.u32 v55, v10;
	[tilespmem:v14+s24+$0x0] =	vst.idx.msk $0xffff, v15  }
0x85: {  	p1 =	por p0, p0;
	[tilespmem:v16+s24+$0x0] =	vst.idx.msk $0xffff, v17;
	v60 =	vmul.f32 $5.656854150e+00, v21;
	v15 =	vor.u32 v59, v10  }
.Ltmp3:
0x86: {  	[tilespmem:v18+s24+$0x0] =	vst.idx.msk $0xffff, v58;
	v61 =	vmul.f32 $5.656854150e+00, v23;
	(pc) =	sbr.rel @p1 .LBB2_10-.Ltmp3, $4  }
0x87: {  	[tilespmem:v20+s24+$0x0] =	vst.idx.msk $0xffff, v60;
	v62 =	vmul.f32 $5.656854150e+00, v25  }
0x88: {  	[tilespmem:v54+s24+$0x0] =	vst.idx.msk $0xffff, v61;
	v63 =	vmul.f32 $5.656854150e+00, v56  }
0x89: {  	[tilespmem:v13+s24+$0x0] =	vst.idx.msk $0xffff, v62  }
0x8a: {  	p0 =	por $0x0, $0x0;
	s8 =	simm.s32 $0x8;
	[tilespmem:v15+s24+$0x0] =	vst.idx.msk $0xffff, v63  }
0x8b: {  	v11 =	vor.u32 $0x10, v11;
	s8 =	simm.s32 $0x0;
	p0 =	por $0x1, $0x1  }
.LBB2_12:
0x8c: {  	s18 =	sor.u32 $0x1, s8  }
0x8d: {  	v12 =	vadd.s32 s8, v0;
	s19 =	sor.u32 $0x2, s8;
	v14 =	vadd.s32 s18, v0  }
0x8e: {  	v12 =	vor.u32 $0x10, v12;
	v16 =	vadd.s32 s19, v0;
	s19 =	sor.u32 $0x3, s8;
	v15 =	vor.u32 v11, v14  }
0x8f: {  	v13 =	vand.u32 $0x18, v12;
	v17 =	vor.u32 v11, v16;
	v18 =	vadd.s32 s19, v0;
	s19 =	sor.u32 $0x4, s8  }
0x90: {  	v12 =	vshll.u32 v12, $0x7;
	v13 =	vor.u32 v13, v9;
	v20 =	vadd.s32 s19, v0;
	s19 =	sor.u32 $0x5, s8  }
0x91: {  	v14 =	vshll.u32 v14, $0x7;
	v19 =	vor.u32 v11, v18;
	v22 =	vadd.s32 s19, v0;
	s19 =	sor.u32 $0x6, s8  }
0x92: {  	v16 =	vshll.u32 v16, $0x7;
	v21 =	vor.u32 v11, v20;
	v24 =	vadd.s32 s19, v0;
	s19 =	sor.u32 $0x7, s8  }
0x93: {  	v12 =	vor.u32 v10, v12;
	v23 =	vor.u32 v11, v22;
	v26 =	vadd.s32 s19, v0;
	v15 =	vld.idx.msk [tilespmem:v15+s10+$0x0], $0xffff  }
0x94: {  	v14 =	vor.u32 $0x800, v14;
	v16 =	vor.u32 $0x800, v16;
	v17 =	vld.idx.msk [tilespmem:v17+s10+$0x0], $0xffff;
	v27 =	vor.u32 v11, v26  }
0x95: {  	v18 =	vshll.u32 v18, $0x7;
	v14 =	vadd.s32 v10, v14;
	v25 =	vor.u32 v11, v24;
	v13 =	vld.idx.msk [tilespmem:v13+s10+$0x0], $0xffff  }
0x96: {  	v16 =	vadd.s32 v10, v16;
	v18 =	vor.u32 $0x800, v18;
	v20 =	vshll.u32 v20, $0x7;
	v19 =	vld.idx.msk [tilespmem:v19+s10+$0x0], $0xffff  }
0x97: {  	v18 =	vadd.s32 v10, v18;
	v20 =	vor.u32 $0x800, v20;
	v22 =	vshll.u32 v22, $0x7;
	v21 =	vld.idx.msk [tilespmem:v21+s10+$0x0], $0xffff  }
0x98: {  	v20 =	vadd.s32 v10, v20;
	v22 =	vor.u32 $0x800, v22;
	v23 =	vld.idx.msk [tilespmem:v23+s10+$0x0], $0xffff;
	v15 =	vmul.f32 $5.656854150e+00, v15  }
0x99: {  	v24 =	vshll.u32 v24, $0x7;
	v57 =	vshll.u32 v26, $0x7;
	v17 =	vmul.f32 $5.656854150e+00, v17;
	v56 =	vld.idx.msk [tilespmem:v27+s10+$0x0], $0xffff  }
0x9a: {  	v54 =	vadd.s32 v10, v22;
	v59 =	vor.u32 $0x800, v57;
	v25 =	vld.idx.msk [tilespmem:v25+s10+$0x0], $0xffff;
	v13 =	vmul.f32 $5.656854150e+00, v13;
	[tilespmem:v14+s24+$0x0] =	vst.idx.msk $0xffff, v15  }
0x9b: {  	v55 =	vor.u32 $0x800, v24;
	v58 =	vmul.f32 $5.656854150e+00, v19;
	[tilespmem:v16+s24+$0x0] =	vst.idx.msk $0xffff, v17;
	v15 =	vadd.s32 v10, v59  }
0x9c: {  	p1 =	por p0, p0;
	v60 =	vmul.f32 $5.656854150e+00, v21;
	[tilespmem:v12+s24+$0x0] =	vst.idx.msk $0xffff, v13;
	v13 =	vadd.s32 v10, v55  }
.Ltmp4:
0x9d: {  	[tilespmem:v18+s24+$0x0] =	vst.idx.msk $0xffff, v58;
	v61 =	vmul.f32 $5.656854150e+00, v23;
	(pc) =	sbr.rel @p1 .LBB2_12-.Ltmp4, $4  }
0x9e: {  	[tilespmem:v20+s24+$0x0] =	vst.idx.msk $0xffff, v60;
	v63 =	vmul.f32 $5.656854150e+00, v56  }
0x9f: {  	v62 =	vmul.f32 $5.656854150e+00, v25;
	[tilespmem:v54+s24+$0x0] =	vst.idx.msk $0xffff, v61  }
0xa0: {  	[tilespmem:v15+s24+$0x0] =	vst.idx.msk $0xffff, v63  }
0xa1: {  	p0 =	por $0x0, $0x0;
	s8 =	simm.s32 $0x8;
	[tilespmem:v13+s24+$0x0] =	vst.idx.msk $0xffff, v62  }
0xa2: {  	s6 =	sadd.s32 $0x1, s6  }
0xa3: {  	p0 =	sne.s32 s6, $0x8  }
.Ltmp5:
0xa4: {  	_ = 	snop;
	(pc) =	sbr.rel @p0 .LBB2_9-.Ltmp5, $2  }
0xa5: {  	_ =	sdelay $0x2  }
0xa6: {  	s18 =	simm.s32 $0x0  }
.LBB2_14:
0xa7: {  	s6 =	sshll.u32 s18, $0x4  }
0xa8: {  	v9 =	vmov s6  }
0xa9: {  	v10 =	vor.u32 s6, v0;
	v9 =	vshll.u32 v9, $0x5  }
0xaa: {  	v10 =	vand.u32 $0x78, v10;
	v11 =	vor.u32 v6, v9  }
0xab: {  	p0 =	por $0x1, $0x1;
	s6 =	simm.s32 $0x0;
	v10 =	vor.u32 v7, v10;
	v9 =	vor.u32 v2, v11  }
.LBB2_15:
0xac: {  	v12 =	vadd.s32 s6, v0;
	s8 =	sor.u32 $0x1, s6  }
0xad: {  	s19 =	sor.u32 $0x2, s6;
	v13 =	vand.u32 $0x8, v12;
	v14 =	vadd.s32 s8, v0  }
0xae: {  	v16 =	vadd.s32 s19, v0;
	v12 =	vshll.u32 v12, $0x7;
	v13 =	vor.u32 v13, v9  }
0xaf: {  	s19 =	sor.u32 $0x3, s6;
	v15 =	vand.u32 $0xF, v14;
	v17 =	vand.u32 $0xF, v16;
	v12 =	vand.u32 $0x780, v12  }
0xb0: {  	v18 =	vadd.s32 s19, v0;
	v14 =	vshll.u32 v14, $0x7;
	v16 =	vshll.u32 v16, $0x7  }
0xb1: {  	s19 =	sor.u32 $0x4, s6;
	v15 =	vor.u32 v11, v15;
	v17 =	vor.u32 v11, v17;
	v12 =	vor.u32 v12, v10  }
0xb2: {  	v19 =	vand.u32 $0xF, v18;
	v20 =	vadd.s32 s19, v0;
	s19 =	sor.u32 $0x5, s6;
	v14 =	vand.u32 $0x780, v14  }
0xb3: {  	v19 =	vor.u32 v11, v19;
	v21 =	vand.u32 $0xF, v20;
	v22 =	vadd.s32 s19, v0;
	s19 =	sor.u32 $0x6, s6  }
0xb4: {  	v21 =	vor.u32 v11, v21;
	v23 =	vand.u32 $0xF, v22;
	v24 =	vadd.s32 s19, v0;
	s19 =	sor.u32 $0x7, s6  }
0xb5: {  	v23 =	vor.u32 v11, v23;
	v25 =	vand.u32 $0xF, v24;
	v26 =	vadd.s32 s19, v0;
	v13 =	vld.idx.msk [tilespmem:v13+s10+$0x0], $0xffff  }
0xb6: {  	v16 =	vand.u32 $0x780, v16;
	v25 =	vor.u32 v11, v25;
	v27 =	vand.u32 $0xF, v26;
	v15 =	vld.idx.msk [tilespmem:v15+s10+$0x0], $0xffff  }
0xb7: {  	v18 =	vshll.u32 v18, $0x7;
	v14 =	vor.u32 v14, v10;
	v17 =	vld.idx.msk [tilespmem:v17+s10+$0x0], $0xffff;
	v27 =	vor.u32 v11, v27  }
0xb8: {  	v16 =	vor.u32 v16, v10;
	v18 =	vand.u32 $0x780, v18;
	v20 =	vshll.u32 v20, $0x7;
	v19 =	vld.idx.msk [tilespmem:v19+s10+$0x0], $0xffff  }
0xb9: {  	v18 =	vor.u32 v18, v10;
	v20 =	vand.u32 $0x780, v20;
	v22 =	vshll.u32 v22, $0x7;
	v21 =	vld.idx.msk [tilespmem:v21+s10+$0x0], $0xffff  }
0xba: {  	v20 =	vor.u32 v20, v10;
	v22 =	vand.u32 $0x780, v22;
	v23 =	vld.idx.msk [tilespmem:v23+s10+$0x0], $0xffff;
	v13 =	vmul.f32 $5.656854150e+00, v13  }
0xbb: {  	v24 =	vshll.u32 v24, $0x7;
	v54 =	vor.u32 v22, v10;
	v25 =	vld.idx.msk [tilespmem:v25+s10+$0x0], $0xffff;
	v15 =	vmul.f32 $5.656854150e+00, v15  }
0xbc: {  	v55 =	vand.u32 $0x780, v24;
	v57 =	vshll.u32 v26, $0x7;
	v17 =	vmul.f32 $5.656854150e+00, v17;
	v56 =	vld.idx.msk [tilespmem:v27+s10+$0x0], $0xffff;
	[tilespmem:v12+s24+$0x0] =	vst.idx.msk $0xffff, v13  }
0xbd: {  	v59 =	vand.u32 $0x780, v57;
	v58 =	vmul.f32 $5.656854150e+00, v19;
	v13 =	vor.u32 v55, v10;
	[tilespmem:v14+s24+$0x0] =	vst.idx.msk $0xffff, v15  }
0xbe: {  	p1 =	por p0, p0;
	[tilespmem:v16+s24+$0x0] =	vst.idx.msk $0xffff, v17;
	v60 =	vmul.f32 $5.656854150e+00, v21;
	v15 =	vor.u32 v59, v10  }
.Ltmp6:
0xbf: {  	[tilespmem:v18+s24+$0x0] =	vst.idx.msk $0xffff, v58;
	v61 =	vmul.f32 $5.656854150e+00, v23;
	(pc) =	sbr.rel @p1 .LBB2_15-.Ltmp6, $4  }
0xc0: {  	[tilespmem:v20+s24+$0x0] =	vst.idx.msk $0xffff, v60;
	v62 =	vmul.f32 $5.656854150e+00, v25  }
0xc1: {  	[tilespmem:v54+s24+$0x0] =	vst.idx.msk $0xffff, v61;
	v63 =	vmul.f32 $5.656854150e+00, v56  }
0xc2: {  	[tilespmem:v13+s24+$0x0] =	vst.idx.msk $0xffff, v62  }
0xc3: {  	p0 =	por $0x0, $0x0;
	s6 =	simm.s32 $0x8;
	[tilespmem:v15+s24+$0x0] =	vst.idx.msk $0xffff, v63  }
0xc4: {  	v11 =	vor.u32 $0x10, v11;
	s6 =	simm.s32 $0x0;
	p0 =	por $0x1, $0x1  }
.LBB2_17:
0xc5: {  	s8 =	sor.u32 $0x1, s6  }
0xc6: {  	v12 =	vadd.s32 s6, v0;
	s19 =	sor.u32 $0x2, s6;
	v14 =	vadd.s32 s8, v0  }
0xc7: {  	v12 =	vor.u32 $0x10, v12;
	v16 =	vadd.s32 s19, v0;
	s19 =	sor.u32 $0x3, s6;
	v15 =	vor.u32 v11, v14  }
0xc8: {  	v13 =	vand.u32 $0x18, v12;
	v17 =	vor.u32 v11, v16;
	v18 =	vadd.s32 s19, v0;
	s19 =	sor.u32 $0x4, s6  }
0xc9: {  	v12 =	vshll.u32 v12, $0x7;
	v13 =	vor.u32 v13, v9;
	v20 =	vadd.s32 s19, v0;
	s19 =	sor.u32 $0x5, s6  }
0xca: {  	v14 =	vshll.u32 v14, $0x7;
	v19 =	vor.u32 v11, v18;
	v22 =	vadd.s32 s19, v0;
	s19 =	sor.u32 $0x6, s6  }
0xcb: {  	v16 =	vshll.u32 v16, $0x7;
	v21 =	vor.u32 v11, v20;
	v24 =	vadd.s32 s19, v0;
	s19 =	sor.u32 $0x7, s6  }
0xcc: {  	v12 =	vor.u32 v10, v12;
	v23 =	vor.u32 v11, v22;
	v26 =	vadd.s32 s19, v0;
	v15 =	vld.idx.msk [tilespmem:v15+s10+$0x0], $0xffff  }
0xcd: {  	v14 =	vor.u32 $0x800, v14;
	v16 =	vor.u32 $0x800, v16;
	v17 =	vld.idx.msk [tilespmem:v17+s10+$0x0], $0xffff;
	v27 =	vor.u32 v11, v26  }
0xce: {  	v18 =	vshll.u32 v18, $0x7;
	v14 =	vadd.s32 v10, v14;
	v25 =	vor.u32 v11, v24;
	v13 =	vld.idx.msk [tilespmem:v13+s10+$0x0], $0xffff  }
0xcf: {  	v16 =	vadd.s32 v10, v16;
	v18 =	vor.u32 $0x800, v18;
	v20 =	vshll.u32 v20, $0x7;
	v19 =	vld.idx.msk [tilespmem:v19+s10+$0x0], $0xffff  }
0xd0: {  	v18 =	vadd.s32 v10, v18;
	v20 =	vor.u32 $0x800, v20;
	v22 =	vshll.u32 v22, $0x7;
	v21 =	vld.idx.msk [tilespmem:v21+s10+$0x0], $0xffff  }
0xd1: {  	v20 =	vadd.s32 v10, v20;
	v22 =	vor.u32 $0x800, v22;
	v23 =	vld.idx.msk [tilespmem:v23+s10+$0x0], $0xffff;
	v15 =	vmul.f32 $5.656854150e+00, v15  }
0xd2: {  	v24 =	vshll.u32 v24, $0x7;
	v57 =	vshll.u32 v26, $0x7;
	v17 =	vmul.f32 $5.656854150e+00, v17;
	v56 =	vld.idx.msk [tilespmem:v27+s10+$0x0], $0xffff  }
0xd3: {  	v54 =	vadd.s32 v10, v22;
	v59 =	vor.u32 $0x800, v57;
	v25 =	vld.idx.msk [tilespmem:v25+s10+$0x0], $0xffff;
	v13 =	vmul.f32 $5.656854150e+00, v13;
	[tilespmem:v14+s24+$0x0] =	vst.idx.msk $0xffff, v15  }
0xd4: {  	v55 =	vor.u32 $0x800, v24;
	v58 =	vmul.f32 $5.656854150e+00, v19;
	[tilespmem:v16+s24+$0x0] =	vst.idx.msk $0xffff, v17;
	v15 =	vadd.s32 v10, v59  }
0xd5: {  	p1 =	por p0, p0;
	v60 =	vmul.f32 $5.656854150e+00, v21;
	[tilespmem:v12+s24+$0x0] =	vst.idx.msk $0xffff, v13;
	v13 =	vadd.s32 v10, v55  }
.Ltmp7:
0xd6: {  	[tilespmem:v18+s24+$0x0] =	vst.idx.msk $0xffff, v58;
	v61 =	vmul.f32 $5.656854150e+00, v23;
	(pc) =	sbr.rel @p1 .LBB2_17-.Ltmp7, $4  }
0xd7: {  	[tilespmem:v20+s24+$0x0] =	vst.idx.msk $0xffff, v60;
	v63 =	vmul.f32 $5.656854150e+00, v56  }
0xd8: {  	v62 =	vmul.f32 $5.656854150e+00, v25;
	[tilespmem:v54+s24+$0x0] =	vst.idx.msk $0xffff, v61  }
0xd9: {  	[tilespmem:v15+s24+$0x0] =	vst.idx.msk $0xffff, v63  }
0xda: {  	p0 =	por $0x0, $0x0;
	s6 =	simm.s32 $0x8;
	[tilespmem:v13+s24+$0x0] =	vst.idx.msk $0xffff, v62  }
0xdb: {  	s18 =	sadd.s32 $0x1, s18  }
0xdc: {  	p0 =	sne.s32 s18, $0x8  }
.Ltmp8:
0xdd: {  	_ = 	snop;
	(pc) =	sbr.rel @p0 .LBB2_14-.Ltmp8, $2  }
0xde: {  	_ =	sdelay $0x2  }
0xdf: {  	s8 =	simm.s32 $0x0  }
.LBB2_19:
0xe0: {  	s6 =	sshll.u32 s8, $0x4  }
0xe1: {  	v9 =	vmov s6  }
0xe2: {  	v10 =	vor.u32 s6, v0;
	v9 =	vshll.u32 v9, $0x5  }
0xe3: {  	v11 =	vand.u32 $0x78, v10;
	v10 =	vor.u32 $0x3000, v2;
	v12 =	vor.u32 v8, v9  }
0xe4: {  	p0 =	por $0x1, $0x1;
	s6 =	simm.s32 $0x0;
	v11 =	vor.u32 v10, v11;
	v9 =	vor.u32 v2, v12  }
.LBB2_20:
0xe5: {  	v13 =	vadd.s32 s6, v0;
	s18 =	sor.u32 $0x1, s6  }
0xe6: {  	s19 =	sor.u32 $0x2, s6;
	v14 =	vand.u32 $0x8, v13;
	v15 =	vadd.s32 s18, v0  }
0xe7: {  	v17 =	vadd.s32 s19, v0;
	v13 =	vshll.u32 v13, $0x7;
	v14 =	vor.u32 v14, v9  }
0xe8: {  	s19 =	sor.u32 $0x3, s6;
	v16 =	vand.u32 $0xF, v15;
	v18 =	vand.u32 $0xF, v17;
	v13 =	vand.u32 $0x780, v13  }
0xe9: {  	v19 =	vadd.s32 s19, v0;
	v15 =	vshll.u32 v15, $0x7;
	v17 =	vshll.u32 v17, $0x7  }
0xea: {  	s19 =	sor.u32 $0x4, s6;
	v16 =	vor.u32 v12, v16;
	v18 =	vor.u32 v12, v18;
	v13 =	vor.u32 v13, v11  }
0xeb: {  	v20 =	vand.u32 $0xF, v19;
	v21 =	vadd.s32 s19, v0;
	s19 =	sor.u32 $0x5, s6;
	v15 =	vand.u32 $0x780, v15  }
0xec: {  	v20 =	vor.u32 v12, v20;
	v22 =	vand.u32 $0xF, v21;
	v23 =	vadd.s32 s19, v0;
	s19 =	sor.u32 $0x6, s6  }
0xed: {  	v22 =	vor.u32 v12, v22;
	v24 =	vand.u32 $0xF, v23;
	v25 =	vadd.s32 s19, v0;
	s19 =	sor.u32 $0x7, s6  }
0xee: {  	v24 =	vor.u32 v12, v24;
	v26 =	vand.u32 $0xF, v25;
	v27 =	vadd.s32 s19, v0;
	v14 =	vld.idx.msk [tilespmem:v14+s10+$0x0], $0xffff  }
0xef: {  	v17 =	vand.u32 $0x780, v17;
	v26 =	vor.u32 v12, v26;
	v28 =	vand.u32 $0xF, v27;
	v16 =	vld.idx.msk [tilespmem:v16+s10+$0x0], $0xffff  }
0xf0: {  	v19 =	vshll.u32 v19, $0x7;
	v15 =	vor.u32 v15, v11;
	v18 =	vld.idx.msk [tilespmem:v18+s10+$0x0], $0xffff;
	v28 =	vor.u32 v12, v28  }
0xf1: {  	v17 =	vor.u32 v17, v11;
	v19 =	vand.u32 $0x780, v19;
	v21 =	vshll.u32 v21, $0x7;
	v20 =	vld.idx.msk [tilespmem:v20+s10+$0x0], $0xffff  }
0xf2: {  	v19 =	vor.u32 v19, v11;
	v21 =	vand.u32 $0x780, v21;
	v23 =	vshll.u32 v23, $0x7;
	v22 =	vld.idx.msk [tilespmem:v22+s10+$0x0], $0xffff  }
0xf3: {  	v21 =	vor.u32 v21, v11;
	v23 =	vand.u32 $0x780, v23;
	v24 =	vld.idx.msk [tilespmem:v24+s10+$0x0], $0xffff;
	v14 =	vmul.f32 $5.656854150e+00, v14  }
0xf4: {  	v25 =	vshll.u32 v25, $0x7;
	v60 =	vshll.u32 v27, $0x7;
	v26 =	vld.idx.msk [tilespmem:v26+s10+$0x0], $0xffff;
	v16 =	vmul.f32 $5.656854150e+00, v16  }
0xf5: {  	v18 =	vmul.f32 $5.656854150e+00, v18;
	v59 =	vld.idx.msk [tilespmem:v28+s10+$0x0], $0xffff;
	[tilespmem:v13+s24+$0x0] =	vst.idx.msk $0xffff, v14;
	v13 =	vor.u32 v23, v11;
	v14 =	vand.u32 $0x780, v25  }
0xf6: {  	v61 =	vand.u32 $0x780, v60;
	[tilespmem:v15+s24+$0x0] =	vst.idx.msk $0xffff, v16;
	v15 =	vmul.f32 $5.656854150e+00, v20;
	v14 =	vor.u32 v14, v11  }
0xf7: {  	p1 =	por p0, p0;
	[tilespmem:v17+s24+$0x0] =	vst.idx.msk $0xffff, v18;
	v62 =	vmul.f32 $5.656854150e+00, v22;
	v16 =	vor.u32 v61, v11  }
.Ltmp9:
0xf8: {  	[tilespmem:v19+s24+$0x0] =	vst.idx.msk $0xffff, v15;
	v15 =	vmul.f32 $5.656854150e+00, v24;
	(pc) =	sbr.rel @p1 .LBB2_20-.Ltmp9, $4  }
0xf9: {  	[tilespmem:v21+s24+$0x0] =	vst.idx.msk $0xffff, v62;
	v63 =	vmul.f32 $5.656854150e+00, v26  }
0xfa: {  	[tilespmem:v13+s24+$0x0] =	vst.idx.msk $0xffff, v15;
	v13 =	vmul.f32 $5.656854150e+00, v59  }
0xfb: {  	[tilespmem:v14+s24+$0x0] =	vst.idx.msk $0xffff, v63  }
0xfc: {  	p0 =	por $0x0, $0x0;
	s6 =	simm.s32 $0x8;
	[tilespmem:v16+s24+$0x0] =	vst.idx.msk $0xffff, v13  }
0xfd: {  	v12 =	vor.u32 $0x10, v12;
	s6 =	simm.s32 $0x0;
	p0 =	por $0x1, $0x1  }
.LBB2_22:
0xfe: {  	v13 =	vadd.s32 s6, v0  }
0xff: {  	v13 =	vor.u32 $0x10, v13  }
0x100: {  	s18 =	sor.u32 $0x1, s6;
	s19 =	sor.u32 $0x2, s6;
	v14 =	vand.u32 $0x18, v13  }
0x101: {  	v15 =	vadd.s32 s18, v0;
	v17 =	vadd.s32 s19, v0;
	v14 =	vor.u32 v14, v9  }
0x102: {  	s19 =	sor.u32 $0x3, s6;
	v16 =	vor.u32 v12, v15;
	v18 =	vor.u32 v12, v17  }
0x103: {  	v13 =	vshll.u32 v13, $0x7;
	v19 =	vadd.s32 s19, v0;
	s19 =	sor.u32 $0x4, s6;
	v15 =	vshll.u32 v15, $0x7  }
0x104: {  	v17 =	vshll.u32 v17, $0x7;
	v20 =	vor.u32 v12, v19;
	v21 =	vadd.s32 s19, v0;
	s19 =	sor.u32 $0x5, s6  }
0x105: {  	v13 =	vor.u32 v11, v13;
	v22 =	vor.u32 v12, v21;
	v23 =	vadd.s32 s19, v0;
	s19 =	sor.u32 $0x6, s6  }
0x106: {  	v15 =	vor.u32 $0x800, v15;
	v24 =	vor.u32 v12, v23;
	v25 =	vadd.s32 s19, v0;
	s19 =	sor.u32 $0x7, s6;
	v14 =	vld.idx.msk [tilespmem:v14+s10+$0x0], $0xffff  }
0x107: {  	v17 =	vor.u32 $0x800, v17;
	v26 =	vor.u32 v12, v25;
	v27 =	vadd.s32 s19, v0;
	v16 =	vld.idx.msk [tilespmem:v16+s10+$0x0], $0xffff  }
0x108: {  	v19 =	vshll.u32 v19, $0x7;
	v15 =	vadd.s32 v11, v15;
	v18 =	vld.idx.msk [tilespmem:v18+s10+$0x0], $0xffff;
	v28 =	vor.u32 v12, v27  }
0x109: {  	v17 =	vadd.s32 v11, v17;
	v19 =	vor.u32 $0x800, v19;
	v21 =	vshll.u32 v21, $0x7;
	v20 =	vld.idx.msk [tilespmem:v20+s10+$0x0], $0xffff  }
0x10a: {  	v19 =	vadd.s32 v11, v19;
	v21 =	vor.u32 $0x800, v21;
	v23 =	vshll.u32 v23, $0x7;
	v22 =	vld.idx.msk [tilespmem:v22+s10+$0x0], $0xffff  }
0x10b: {  	v21 =	vadd.s32 v11, v21;
	v23 =	vor.u32 $0x800, v23;
	v24 =	vld.idx.msk [tilespmem:v24+s10+$0x0], $0xffff;
	v14 =	vmul.f32 $5.656854150e+00, v14  }
0x10c: {  	v25 =	vshll.u32 v25, $0x7;
	v60 =	vshll.u32 v27, $0x7;
	v26 =	vld.idx.msk [tilespmem:v26+s10+$0x0], $0xffff;
	v16 =	vmul.f32 $5.656854150e+00, v16  }
0x10d: {  	v18 =	vmul.f32 $5.656854150e+00, v18;
	v59 =	vld.idx.msk [tilespmem:v28+s10+$0x0], $0xffff;
	[tilespmem:v13+s24+$0x0] =	vst.idx.msk $0xffff, v14;
	v13 =	vadd.s32 v11, v23;
	v14 =	vor.u32 $0x800, v25  }
0x10e: {  	v61 =	vor.u32 $0x800, v60;
	[tilespmem:v15+s24+$0x0] =	vst.idx.msk $0xffff, v16;
	v15 =	vmul.f32 $5.656854150e+00, v20;
	v14 =	vadd.s32 v11, v14  }
0x10f: {  	p1 =	por p0, p0;
	[tilespmem:v17+s24+$0x0] =	vst.idx.msk $0xffff, v18;
	v62 =	vmul.f32 $5.656854150e+00, v22;
	v16 =	vadd.s32 v11, v61  }
.Ltmp10:
0x110: {  	[tilespmem:v19+s24+$0x0] =	vst.idx.msk $0xffff, v15;
	v15 =	vmul.f32 $5.656854150e+00, v24;
	(pc) =	sbr.rel @p1 .LBB2_22-.Ltmp10, $4  }
0x111: {  	[tilespmem:v21+s24+$0x0] =	vst.idx.msk $0xffff, v62;
	v63 =	vmul.f32 $5.656854150e+00, v26  }
0x112: {  	[tilespmem:v13+s24+$0x0] =	vst.idx.msk $0xffff, v15;
	v13 =	vmul.f32 $5.656854150e+00, v59  }
0x113: {  	[tilespmem:v14+s24+$0x0] =	vst.idx.msk $0xffff, v63  }
0x114: {  	p0 =	por $0x0, $0x0;
	s6 =	simm.s32 $0x8;
	[tilespmem:v16+s24+$0x0] =	vst.idx.msk $0xffff, v13  }
0x115: {  	s8 =	sadd.s32 $0x1, s8  }
0x116: {  	p0 =	sne.s32 s8, $0x8  }
.Ltmp11:
0x117: {  	_ = 	snop;
	(pc) =	sbr.rel @p0 .LBB2_19-.Ltmp11, $2  }
0x118: {  	_ =	sdelay $0x2  }
0x119: {  	s6 =	simm.s32 $0x0  }
.LBB2_24:
0x11a: {  	s8 =	sshll.u32 s6, $0x4  }
0x11b: {  	v9 =	vmov s8  }
0x11c: {  	v11 =	vor.u32 s8, v0;
	v12 =	vshll.u32 v9, $0x5;
	v9 =	vor.u32 $0x4000, v1  }
0x11d: {  	v13 =	vand.u32 $0x78, v11;
	v11 =	vor.u32 $0x4000, v2;
	v14 =	vor.u32 v9, v12  }
0x11e: {  	p0 =	por $0x1, $0x1;
	s8 =	simm.s32 $0x0;
	v13 =	vor.u32 v11, v13;
	v12 =	vor.u32 v2, v14  }
.LBB2_25:
0x11f: {  	v15 =	vadd.s32 s8, v0;
	s18 =	sor.u32 $0x1, s8  }
0x120: {  	s19 =	sor.u32 $0x2, s8;
	v16 =	vand.u32 $0x8, v15;
	v17 =	vadd.s32 s18, v0  }
0x121: {  	v19 =	vadd.s32 s19, v0;
	v15 =	vshll.u32 v15, $0x7;
	v16 =	vor.u32 v16, v12  }
0x122: {  	s19 =	sor.u32 $0x3, s8;
	v18 =	vand.u32 $0xF, v17;
	v20 =	vand.u32 $0xF, v19;
	v15 =	vand.u32 $0x780, v15  }
0x123: {  	v21 =	vadd.s32 s19, v0;
	v17 =	vshll.u32 v17, $0x7;
	v19 =	vshll.u32 v19, $0x7  }
0x124: {  	s19 =	sor.u32 $0x4, s8;
	v18 =	vor.u32 v14, v18;
	v20 =	vor.u32 v14, v20;
	v15 =	vor.u32 v15, v13  }
0x125: {  	v22 =	vand.u32 $0xF, v21;
	v23 =	vadd.s32 s19, v0;
	s19 =	sor.u32 $0x5, s8;
	v17 =	vand.u32 $0x780, v17  }
0x126: {  	v22 =	vor.u32 v14, v22;
	v24 =	vand.u32 $0xF, v23;
	v25 =	vadd.s32 s19, v0;
	s19 =	sor.u32 $0x6, s8  }
0x127: {  	v24 =	vor.u32 v14, v24;
	v26 =	vand.u32 $0xF, v25;
	v27 =	vadd.s32 s19, v0;
	s19 =	sor.u32 $0x7, s8  }
0x128: {  	v26 =	vor.u32 v14, v26;
	v28 =	vand.u32 $0xF, v27;
	v29 =	vadd.s32 s19, v0;
	v16 =	vld.idx.msk [tilespmem:v16+s10+$0x0], $0xffff  }
0x129: {  	v19 =	vand.u32 $0x780, v19;
	v28 =	vor.u32 v14, v28;
	v30 =	vand.u32 $0xF, v29;
	v18 =	vld.idx.msk [tilespmem:v18+s10+$0x0], $0xffff  }
0x12a: {  	v21 =	vshll.u32 v21, $0x7;
	v17 =	vor.u32 v17, v13;
	v20 =	vld.idx.msk [tilespmem:v20+s10+$0x0], $0xffff;
	v30 =	vor.u32 v14, v30  }
0x12b: {  	v19 =	vor.u32 v19, v13;
	v21 =	vand.u32 $0x780, v21;
	v23 =	vshll.u32 v23, $0x7;
	v22 =	vld.idx.msk [tilespmem:v22+s10+$0x0], $0xffff  }
0x12c: {  	v21 =	vor.u32 v21, v13;
	v23 =	vand.u32 $0x780, v23;
	v25 =	vshll.u32 v25, $0x7;
	v24 =	vld.idx.msk [tilespmem:v24+s10+$0x0], $0xffff  }
0x12d: {  	v23 =	vor.u32 v23, v13;
	v27 =	vshll.u32 v27, $0x7;
	v26 =	vld.idx.msk [tilespmem:v26+s10+$0x0], $0xffff;
	v16 =	vmul.f32 $5.656854150e+00, v16  }
0x12e: {  	v25 =	vand.u32 $0x780, v25;
	v56 =	vand.u32 $0x780, v27;
	v28 =	vld.idx.msk [tilespmem:v28+s10+$0x0], $0xffff;
	v18 =	vmul.f32 $5.656854150e+00, v18  }
0x12f: {  	v58 =	vshll.u32 v29, $0x7;
	v20 =	vmul.f32 $5.656854150e+00, v20;
	v57 =	vld.idx.msk [tilespmem:v30+s10+$0x0], $0xffff;
	[tilespmem:v15+s24+$0x0] =	vst.idx.msk $0xffff, v16;
	v15 =	vor.u32 v25, v13  }
0x130: {  	v60 =	vand.u32 $0x780, v58;
	v59 =	vmul.f32 $5.656854150e+00, v22;
	v16 =	vor.u32 v56, v13;
	[tilespmem:v17+s24+$0x0] =	vst.idx.msk $0xffff, v18  }
0x131: {  	p1 =	por p0, p0;
	[tilespmem:v19+s24+$0x0] =	vst.idx.msk $0xffff, v20;
	v61 =	vmul.f32 $5.656854150e+00, v24;
	v18 =	vor.u32 v60, v13  }
.Ltmp12:
0x132: {  	[tilespmem:v21+s24+$0x0] =	vst.idx.msk $0xffff, v59;
	v62 =	vmul.f32 $5.656854150e+00, v26;
	(pc) =	sbr.rel @p1 .LBB2_25-.Ltmp12, $4  }
0x133: {  	[tilespmem:v23+s24+$0x0] =	vst.idx.msk $0xffff, v61;
	v63 =	vmul.f32 $5.656854150e+00, v28  }
0x134: {  	[tilespmem:v15+s24+$0x0] =	vst.idx.msk $0xffff, v62;
	v15 =	vmul.f32 $5.656854150e+00, v57  }
0x135: {  	[tilespmem:v16+s24+$0x0] =	vst.idx.msk $0xffff, v63  }
0x136: {  	p0 =	por $0x0, $0x0;
	s8 =	simm.s32 $0x8;
	[tilespmem:v18+s24+$0x0] =	vst.idx.msk $0xffff, v15  }
0x137: {  	v14 =	vor.u32 $0x10, v14;
	s8 =	simm.s32 $0x0;
	p0 =	por $0x1, $0x1  }
.LBB2_27:
0x138: {  	v15 =	vadd.s32 s8, v0  }
0x139: {  	v15 =	vor.u32 $0x10, v15  }
0x13a: {  	s18 =	sor.u32 $0x1, s8;
	s19 =	sor.u32 $0x2, s8;
	v16 =	vand.u32 $0x18, v15  }
0x13b: {  	v17 =	vadd.s32 s18, v0;
	v19 =	vadd.s32 s19, v0;
	v16 =	vor.u32 v16, v12  }
0x13c: {  	s19 =	sor.u32 $0x3, s8;
	v18 =	vor.u32 v14, v17;
	v20 =	vor.u32 v14, v19  }
0x13d: {  	v15 =	vshll.u32 v15, $0x7;
	v21 =	vadd.s32 s19, v0;
	s19 =	sor.u32 $0x4, s8;
	v17 =	vshll.u32 v17, $0x7  }
0x13e: {  	v19 =	vshll.u32 v19, $0x7;
	v22 =	vor.u32 v14, v21;
	v23 =	vadd.s32 s19, v0;
	s19 =	sor.u32 $0x5, s8  }
0x13f: {  	v15 =	vor.u32 v13, v15;
	v24 =	vor.u32 v14, v23;
	v25 =	vadd.s32 s19, v0;
	s19 =	sor.u32 $0x6, s8  }
0x140: {  	v17 =	vor.u32 $0x800, v17;
	v26 =	vor.u32 v14, v25;
	v27 =	vadd.s32 s19, v0;
	s19 =	sor.u32 $0x7, s8;
	v16 =	vld.idx.msk [tilespmem:v16+s10+$0x0], $0xffff  }
0x141: {  	v19 =	vor.u32 $0x800, v19;
	v28 =	vor.u32 v14, v27;
	v29 =	vadd.s32 s19, v0;
	v18 =	vld.idx.msk [tilespmem:v18+s10+$0x0], $0xffff  }
0x142: {  	v21 =	vshll.u32 v21, $0x7;
	v17 =	vadd.s32 v13, v17;
	v20 =	vld.idx.msk [tilespmem:v20+s10+$0x0], $0xffff;
	v30 =	vor.u32 v14, v29  }
0x143: {  	v19 =	vadd.s32 v13, v19;
	v21 =	vor.u32 $0x800, v21;
	v23 =	vshll.u32 v23, $0x7;
	v22 =	vld.idx.msk [tilespmem:v22+s10+$0x0], $0xffff  }
0x144: {  	v21 =	vadd.s32 v13, v21;
	v23 =	vor.u32 $0x800, v23;
	v25 =	vshll.u32 v25, $0x7;
	v24 =	vld.idx.msk [tilespmem:v24+s10+$0x0], $0xffff  }
0x145: {  	v23 =	vadd.s32 v13, v23;
	v27 =	vshll.u32 v27, $0x7;
	v26 =	vld.idx.msk [tilespmem:v26+s10+$0x0], $0xffff;
	v16 =	vmul.f32 $5.656854150e+00, v16  }
0x146: {  	v25 =	vor.u32 $0x800, v25;
	v56 =	vor.u32 $0x800, v27;
	v28 =	vld.idx.msk [tilespmem:v28+s10+$0x0], $0xffff;
	v18 =	vmul.f32 $5.656854150e+00, v18  }
0x147: {  	v58 =	vshll.u32 v29, $0x7;
	v20 =	vmul.f32 $5.656854150e+00, v20;
	v57 =	vld.idx.msk [tilespmem:v30+s10+$0x0], $0xffff;
	[tilespmem:v15+s24+$0x0] =	vst.idx.msk $0xffff, v16;
	v15 =	vadd.s32 v13, v25  }
0x148: {  	v60 =	vor.u32 $0x800, v58;
	v59 =	vmul.f32 $5.656854150e+00, v22;
	[tilespmem:v17+s24+$0x0] =	vst.idx.msk $0xffff, v18;
	v16 =	vadd.s32 v13, v56  }
0x149: {  	p1 =	por p0, p0;
	[tilespmem:v19+s24+$0x0] =	vst.idx.msk $0xffff, v20;
	v61 =	vmul.f32 $5.656854150e+00, v24;
	v18 =	vadd.s32 v13, v60  }
.Ltmp13:
0x14a: {  	[tilespmem:v21+s24+$0x0] =	vst.idx.msk $0xffff, v59;
	v62 =	vmul.f32 $5.656854150e+00, v26;
	(pc) =	sbr.rel @p1 .LBB2_27-.Ltmp13, $4  }
0x14b: {  	[tilespmem:v23+s24+$0x0] =	vst.idx.msk $0xffff, v61;
	v63 =	vmul.f32 $5.656854150e+00, v28  }
0x14c: {  	[tilespmem:v15+s24+$0x0] =	vst.idx.msk $0xffff, v62;
	v15 =	vmul.f32 $5.656854150e+00, v57  }
0x14d: {  	[tilespmem:v16+s24+$0x0] =	vst.idx.msk $0xffff, v63  }
0x14e: {  	p0 =	por $0x0, $0x0;
	s8 =	simm.s32 $0x8;
	[tilespmem:v18+s24+$0x0] =	vst.idx.msk $0xffff, v15  }
0x14f: {  	s6 =	sadd.s32 $0x1, s6  }
0x150: {  	p0 =	sne.s32 s6, $0x8  }
.Ltmp14:
0x151: {  	_ = 	snop;
	(pc) =	sbr.rel @p0 .LBB2_24-.Ltmp14, $1  }
0x152: {  	_ =	sdelay $0x3  }
0x153: {  	s6 =	smul.u32 $0x500000, s7;
	_ =	sdelay $0x1  }
0x154: {  	s8 =	sor.u32 s2, s6  }
0x155: {  	s8 =	sshrl.u32 s8, $0x3  }
0x156: {  	s18 =	sadd.s32 s5, s8;
	s8 =	sor.u32 $0x10000, s8  }
0x157: {  	[hbm4b:s18+s9] =	stream.strided.scatter [tilespmem:s24], [sflag:$0x4], $0x1000, s25, s9, $0x38;
	[tilespmem:$0x10900] =	vst v63  }
0x158: {  	s8 =	sadd.s32 s5, s8;
	s18 =	sadd.s32 s1, s6  }
0x159: {  	[hbm4b:s8+s9] =	stream.strided.scatter [tilespmem:s26], [sflag:$0x4], $0x1000, s25, s9, $0x38;
	[tilespmem:$0x10900] =	vst v63  }
0x15a: {  	s8 =	sshrl.u32 s18, $0x3  }
0x15b: {  	s19 =	sadd.s32 s11, s6;
	s8 =	sadd.s32 s5, s8  }
0x15c: {  	[hbm4b:s8+s9] =	stream.strided.scatter [tilespmem:s28], [sflag:$0x4], $0x1000, s25, s9, $0x38;
	[tilespmem:$0x10900] =	vst v63  }
0x15d: {  	s6 =	sadd.s32 s12, s6;
	s8 =	sshrl.u32 s19, $0x3  }
0x15e: {  	p0 =	seq.s32 s7, $0x4;
	s6 =	sshrl.u32 s6, $0x3;
	s8 =	sadd.s32 s5, s8  }
0x15f: {  	[hbm4b:s8+s9] =	stream.strided.scatter [tilespmem:s29], [sflag:$0x4], $0x1000, s25, s9, $0x38;
	[tilespmem:$0x10900] =	vst v63  }
0x160: {  	s6 =	sadd.s32 s5, s6;
	s8 =	smul.u32 @!p0 $0x1400, s7  }
0x161: {  	[hbm4b:s6+s9] =	stream.strided.scatter [tilespmem:s30], [sflag:$0x4], $0x1000, s25, s9, $0x38;
	[tilespmem:$0x10900] =	vst v63  }
0x162: {  	s6 =	sshra.s32 @!p0 s8, $0x2  }
0x163: {  	s18 =	simm.s32 @!p0 $0x80;
	s19 =	simm.s32 @!p0 $0x1900;
	s8 =	sadd.s32 @!p0 $0x500, s6  }
0x164: {  	[tilespmem:s19], [sflag:$0x2] =	stream.indirect.gather @!p0 [hbm4b:s4+s18], $0x20, s8, s18, $0xb8;
	[tilespmem:$0x10900] =	vst v63  }
0x165: {  	s8 =	sadd.s32 @!p0 $0x580, s6;
	s19 =	simm.s32 @!p0 $0x2900  }
0x166: {  	[tilespmem:s19], [sflag:$0x2] =	stream.indirect.gather @!p0 [hbm4b:s4+s18], $0x20, s8, s18, $0xb8;
	[tilespmem:$0x10900] =	vst v63  }
0x167: {  	s8 =	sadd.s32 @!p0 $0x600, s6;
	s19 =	simm.s32 @!p0 $0x3900  }
0x168: {  	[tilespmem:s19], [sflag:$0x2] =	stream.indirect.gather @!p0 [hbm4b:s4+s18], $0x20, s8, s18, $0xb8;
	[tilespmem:$0x10900] =	vst v63  }
0x169: {  	s8 =	sadd.s32 @!p0 $0x680, s6;
	s19 =	simm.s32 @!p0 $0x4900  }
0x16a: {  	[tilespmem:s19], [sflag:$0x2] =	stream.indirect.gather @!p0 [hbm4b:s4+s18], $0x20, s8, s18, $0xb8;
	[tilespmem:$0x10900] =	vst v63  }
0x16b: {  	s6 =	sadd.s32 @!p0 $0x700, s6;
	s8 =	simm.s32 @!p0 $0x5900  }
0x16c: {  	[tilespmem:s8], [sflag:$0x2] =	stream.indirect.gather @!p0 [hbm4b:s4+s18], $0x20, s6, s18, $0xb8;
	[tilespmem:$0x10900] =	vst v63  }
0x16d: {  	_ =	swait.ge [sflag:s31], $0x5000  }
0x16e: {  	[sflag:s31] =	ssyncset.done $0x0  }
0x16f: {  	[sflag:s31] =	ssyncadd.s32 $0xFFFFB000  }
0x170: {  	_ =	swait.ge [sflag:s0], $0x5000  }
0x171: {  	[sflag:s0] =	ssyncset.done $0x0  }
0x172: {  	s8 =	simm.s32 $0x0;
	[sflag:s0] =	ssyncadd.s32 $0xFFFFB000  }
.LBB2_30:
0x173: {  	s6 =	sshll.u32 s8, $0x4  }
0x174: {  	v14 =	vor.u32 s6, v0  }
0x175: {  	v12 =	vor.u32 $0x5000, v2;
	v13 =	vshll.u32 v14, $0x5  }
0x176: {  	p0 =	por $0x1, $0x1;
	s6 =	simm.s32 $0x0;
	v14 =	vand.u32 v3, v14;
	v15 =	vadd.s32 $0x5000, v13;
	v13 =	vadd.s32 v12, v13  }
.LBB2_31:
0x177: {  	v16 =	vadd.s32 s6, v0;
	s18 =	sor.u32 $0x1, s6  }
0x178: {  	s19 =	sor.u32 $0x2, s6;
	v17 =	vand.u32 $0x8, v16;
	v18 =	vadd.s32 s18, v0  }
0x179: {  	v20 =	vadd.s32 s19, v0;
	v16 =	vshll.u32 v16, $0x7;
	v17 =	vor.u32 v17, v13  }
0x17a: {  	s19 =	sor.u32 $0x3, s6;
	v19 =	vand.u32 $0xF, v18;
	v21 =	vand.u32 $0xF, v20;
	v16 =	vand.u32 $0x780, v16  }
0x17b: {  	v22 =	vadd.s32 s19, v0;
	v18 =	vshll.u32 v18, $0x7;
	v20 =	vshll.u32 v20, $0x7  }
0x17c: {  	s19 =	sor.u32 $0x4, s6;
	v19 =	vor.u32 v15, v19;
	v21 =	vor.u32 v15, v21;
	v16 =	vor.u32 v16, v14  }
0x17d: {  	v23 =	vand.u32 $0xF, v22;
	v24 =	vadd.s32 s19, v0;
	s19 =	sor.u32 $0x5, s6;
	v18 =	vand.u32 $0x780, v18  }
0x17e: {  	v23 =	vor.u32 v15, v23;
	v25 =	vand.u32 $0xF, v24;
	v26 =	vadd.s32 s19, v0;
	s19 =	sor.u32 $0x6, s6  }
0x17f: {  	v25 =	vor.u32 v15, v25;
	v27 =	vand.u32 $0xF, v26;
	v28 =	vadd.s32 s19, v0;
	s19 =	sor.u32 $0x7, s6  }
0x180: {  	v27 =	vor.u32 v15, v27;
	v29 =	vand.u32 $0xF, v28;
	v30 =	vadd.s32 s19, v0;
	v17 =	vld.idx.msk [tilespmem:v17+s10+$0x0], $0xffff  }
0x181: {  	v20 =	vand.u32 $0x780, v20;
	v29 =	vor.u32 v15, v29;
	v31 =	vand.u32 $0xF, v30;
	v19 =	vld.idx.msk [tilespmem:v19+s10+$0x0], $0xffff  }
0x182: {  	v22 =	vshll.u32 v22, $0x7;
	v18 =	vor.u32 v18, v14;
	v21 =	vld.idx.msk [tilespmem:v21+s10+$0x0], $0xffff;
	v31 =	vor.u32 v15, v31  }
0x183: {  	v20 =	vor.u32 v20, v14;
	v22 =	vand.u32 $0x780, v22;
	v24 =	vshll.u32 v24, $0x7;
	v23 =	vld.idx.msk [tilespmem:v23+s10+$0x0], $0xffff  }
0x184: {  	v22 =	vor.u32 v22, v14;
	v24 =	vand.u32 $0x780, v24;
	v26 =	vshll.u32 v26, $0x7;
	v25 =	vld.idx.msk [tilespmem:v25+s10+$0x0], $0xffff  }
0x185: {  	v24 =	vor.u32 v24, v14;
	v26 =	vand.u32 $0x780, v26;
	v27 =	vld.idx.msk [tilespmem:v27+s10+$0x0], $0xffff;
	v17 =	vmul.f32 $5.656854150e+00, v17  }
0x186: {  	v28 =	vshll.u32 v28, $0x7;
	v58 =	vshll.u32 v30, $0x7;
	v29 =	vld.idx.msk [tilespmem:v29+s10+$0x0], $0xffff;
	v19 =	vmul.f32 $5.656854150e+00, v19  }
0x187: {  	v21 =	vmul.f32 $5.656854150e+00, v21;
	v57 =	vld.idx.msk [tilespmem:v31+s10+$0x0], $0xffff;
	[tilespmem:v16+s24+$0x0] =	vst.idx.msk $0xffff, v17;
	v16 =	vor.u32 v26, v14;
	v17 =	vand.u32 $0x780, v28  }
0x188: {  	v60 =	vand.u32 $0x780, v58;
	v59 =	vmul.f32 $5.656854150e+00, v23;
	[tilespmem:v18+s24+$0x0] =	vst.idx.msk $0xffff, v19;
	v17 =	vor.u32 v17, v14  }
0x189: {  	p1 =	por p0, p0;
	[tilespmem:v20+s24+$0x0] =	vst.idx.msk $0xffff, v21;
	v61 =	vmul.f32 $5.656854150e+00, v25;
	v19 =	vor.u32 v60, v14  }
.Ltmp15:
0x18a: {  	[tilespmem:v22+s24+$0x0] =	vst.idx.msk $0xffff, v59;
	v62 =	vmul.f32 $5.656854150e+00, v27;
	(pc) =	sbr.rel @p1 .LBB2_31-.Ltmp15, $4  }
0x18b: {  	[tilespmem:v24+s24+$0x0] =	vst.idx.msk $0xffff, v61;
	v63 =	vmul.f32 $5.656854150e+00, v29  }
0x18c: {  	[tilespmem:v16+s24+$0x0] =	vst.idx.msk $0xffff, v62;
	v16 =	vmul.f32 $5.656854150e+00, v57  }
0x18d: {  	[tilespmem:v17+s24+$0x0] =	vst.idx.msk $0xffff, v63  }
0x18e: {  	p0 =	por $0x0, $0x0;
	s6 =	simm.s32 $0x8;
	[tilespmem:v19+s24+$0x0] =	vst.idx.msk $0xffff, v16  }
0x18f: {  	v15 =	vor.u32 $0x10, v15;
	v16 =	vor.u32 $0x800, v14;
	s6 =	simm.s32 $0x0;
	p0 =	por $0x1, $0x1  }
.LBB2_33:
0x190: {  	v17 =	vadd.s32 s6, v0  }
0x191: {  	v17 =	vor.u32 $0x10, v17  }
0x192: {  	s18 =	sor.u32 $0x1, s6;
	v18 =	vand.u32 $0x18, v17  }
0x193: {  	s19 =	sor.u32 $0x2, s6;
	v19 =	vadd.s32 s18, v0;
	v18 =	vor.u32 v18, v13  }
0x194: {  	v21 =	vadd.s32 s19, v0;
	s19 =	sor.u32 $0x3, s6;
	v20 =	vor.u32 v15, v19  }
0x195: {  	v22 =	vor.u32 v15, v21;
	v23 =	vadd.s32 s19, v0;
	s19 =	sor.u32 $0x4, s6  }
0x196: {  	v24 =	vor.u32 v15, v23;
	v25 =	vadd.s32 s19, v0;
	s19 =	sor.u32 $0x5, s6  }
0x197: {  	v26 =	vor.u32 v15, v25;
	v27 =	vadd.s32 s19, v0;
	s19 =	sor.u32 $0x6, s6  }
0x198: {  	v28 =	vor.u32 v15, v27;
	v29 =	vadd.s32 s19, v0;
	s19 =	sor.u32 $0x7, s6;
	v18 =	vld.idx.msk [tilespmem:v18+s10+$0x0], $0xffff  }
0x199: {  	v17 =	vshll.u32 v17, $0x7;
	v30 =	vor.u32 v15, v29;
	v31 =	vadd.s32 s19, v0;
	v20 =	vld.idx.msk [tilespmem:v20+s10+$0x0], $0xffff  }
0x19a: {  	v19 =	vshll.u32 v19, $0x7;
	v17 =	vor.u32 v14, v17;
	v22 =	vld.idx.msk [tilespmem:v22+s10+$0x0], $0xffff;
	v32 =	vor.u32 v15, v31  }
0x19b: {  	v21 =	vshll.u32 v21, $0x7;
	v19 =	vor.u32 v16, v19;
	v24 =	vld.idx.msk [tilespmem:v24+s10+$0x0], $0xffff  }
0x19c: {  	v21 =	vor.u32 v16, v21;
	v23 =	vshll.u32 v23, $0x7;
	v26 =	vld.idx.msk [tilespmem:v26+s10+$0x0], $0xffff  }
0x19d: {  	v23 =	vor.u32 v16, v23;
	v25 =	vshll.u32 v25, $0x7;
	v28 =	vld.idx.msk [tilespmem:v28+s10+$0x0], $0xffff;
	v18 =	vmul.f32 $5.656854150e+00, v18  }
0x19e: {  	v25 =	vor.u32 v16, v25;
	v27 =	vshll.u32 v27, $0x7;
	v30 =	vld.idx.msk [tilespmem:v30+s10+$0x0], $0xffff;
	v20 =	vmul.f32 $5.656854150e+00, v20  }
0x19f: {  	v59 =	vshll.u32 v29, $0x7;
	v60 =	vld.idx.msk [tilespmem:v32+s10+$0x0], $0xffff;
	[tilespmem:v17+s24+$0x0] =	vst.idx.msk $0xffff, v18;
	v17 =	vmul.f32 $5.656854150e+00, v22;
	v18 =	vor.u32 v16, v27  }
0x1a0: {  	v61 =	vor.u32 v16, v59;
	v62 =	vshll.u32 v31, $0x7;
	[tilespmem:v19+s24+$0x0] =	vst.idx.msk $0xffff, v20;
	v19 =	vmul.f32 $5.656854150e+00, v24  }
0x1a1: {  	p1 =	por p0, p0;
	v63 =	vor.u32 v16, v62;
	[tilespmem:v21+s24+$0x0] =	vst.idx.msk $0xffff, v17;
	v17 =	vmul.f32 $5.656854150e+00, v26  }
.Ltmp16:
0x1a2: {  	[tilespmem:v23+s24+$0x0] =	vst.idx.msk $0xffff, v19;
	v19 =	vmul.f32 $5.656854150e+00, v28;
	(pc) =	sbr.rel @p1 .LBB2_33-.Ltmp16, $4  }
0x1a3: {  	[tilespmem:v25+s24+$0x0] =	vst.idx.msk $0xffff, v17;
	v17 =	vmul.f32 $5.656854150e+00, v30  }
0x1a4: {  	[tilespmem:v18+s24+$0x0] =	vst.idx.msk $0xffff, v19;
	v18 =	vmul.f32 $5.656854150e+00, v60  }
0x1a5: {  	[tilespmem:v61+s24+$0x0] =	vst.idx.msk $0xffff, v17  }
0x1a6: {  	p0 =	por $0x0, $0x0;
	s6 =	simm.s32 $0x8;
	[tilespmem:v63+s24+$0x0] =	vst.idx.msk $0xffff, v18  }
0x1a7: {  	s8 =	sadd.s32 $0x1, s8  }
0x1a8: {  	p0 =	sne.s32 s8, $0x8  }
.Ltmp17:
0x1a9: {  	_ = 	snop;
	(pc) =	sbr.rel @p0 .LBB2_30-.Ltmp17, $2  }
0x1aa: {  	_ =	sdelay $0x2  }
0x1ab: {  	s6 =	simm.s32 $0x0  }
.LBB2_35:
0x1ac: {  	s8 =	sshll.u32 s6, $0x4  }
0x1ad: {  	v13 =	vmov s8  }
0x1ae: {  	v14 =	vor.u32 s8, v0;
	v13 =	vshll.u32 v13, $0x5  }
0x1af: {  	v14 =	vand.u32 $0x78, v14;
	v13 =	vor.u32 v4, v13  }
0x1b0: {  	p0 =	por $0x1, $0x1;
	s8 =	simm.s32 $0x0;
	v14 =	vor.u32 v5, v14;
	v15 =	vadd.s32 $0x5000, v13;
	v13 =	vadd.s32 v12, v13  }
.LBB2_36:
0x1b1: {  	v16 =	vadd.s32 s8, v0;
	s18 =	sor.u32 $0x1, s8  }
0x1b2: {  	s19 =	sor.u32 $0x2, s8;
	v17 =	vand.u32 $0x8, v16;
	v18 =	vadd.s32 s18, v0  }
0x1b3: {  	v20 =	vadd.s32 s19, v0;
	v16 =	vshll.u32 v16, $0x7;
	v17 =	vor.u32 v17, v13  }
0x1b4: {  	s19 =	sor.u32 $0x3, s8;
	v19 =	vand.u32 $0xF, v18;
	v21 =	vand.u32 $0xF, v20;
	v16 =	vand.u32 $0x780, v16  }
0x1b5: {  	v22 =	vadd.s32 s19, v0;
	v18 =	vshll.u32 v18, $0x7;
	v20 =	vshll.u32 v20, $0x7  }
0x1b6: {  	s19 =	sor.u32 $0x4, s8;
	v19 =	vor.u32 v15, v19;
	v21 =	vor.u32 v15, v21;
	v16 =	vor.u32 v16, v14  }
0x1b7: {  	v23 =	vand.u32 $0xF, v22;
	v24 =	vadd.s32 s19, v0;
	s19 =	sor.u32 $0x5, s8;
	v18 =	vand.u32 $0x780, v18  }
0x1b8: {  	v23 =	vor.u32 v15, v23;
	v25 =	vand.u32 $0xF, v24;
	v26 =	vadd.s32 s19, v0;
	s19 =	sor.u32 $0x6, s8  }
0x1b9: {  	v25 =	vor.u32 v15, v25;
	v27 =	vand.u32 $0xF, v26;
	v28 =	vadd.s32 s19, v0;
	s19 =	sor.u32 $0x7, s8  }
0x1ba: {  	v27 =	vor.u32 v15, v27;
	v29 =	vand.u32 $0xF, v28;
	v30 =	vadd.s32 s19, v0;
	v17 =	vld.idx.msk [tilespmem:v17+s10+$0x0], $0xffff  }
0x1bb: {  	v20 =	vand.u32 $0x780, v20;
	v29 =	vor.u32 v15, v29;
	v31 =	vand.u32 $0xF, v30;
	v19 =	vld.idx.msk [tilespmem:v19+s10+$0x0], $0xffff  }
0x1bc: {  	v22 =	vshll.u32 v22, $0x7;
	v18 =	vor.u32 v18, v14;
	v21 =	vld.idx.msk [tilespmem:v21+s10+$0x0], $0xffff;
	v31 =	vor.u32 v15, v31  }
0x1bd: {  	v20 =	vor.u32 v20, v14;
	v22 =	vand.u32 $0x780, v22;
	v24 =	vshll.u32 v24, $0x7;
	v23 =	vld.idx.msk [tilespmem:v23+s10+$0x0], $0xffff  }
0x1be: {  	v22 =	vor.u32 v22, v14;
	v24 =	vand.u32 $0x780, v24;
	v26 =	vshll.u32 v26, $0x7;
	v25 =	vld.idx.msk [tilespmem:v25+s10+$0x0], $0xffff  }
0x1bf: {  	v24 =	vor.u32 v24, v14;
	v26 =	vand.u32 $0x780, v26;
	v27 =	vld.idx.msk [tilespmem:v27+s10+$0x0], $0xffff;
	v17 =	vmul.f32 $5.656854150e+00, v17  }
0x1c0: {  	v28 =	vshll.u32 v28, $0x7;
	v58 =	vshll.u32 v30, $0x7;
	v29 =	vld.idx.msk [tilespmem:v29+s10+$0x0], $0xffff;
	v19 =	vmul.f32 $5.656854150e+00, v19  }
0x1c1: {  	v21 =	vmul.f32 $5.656854150e+00, v21;
	v57 =	vld.idx.msk [tilespmem:v31+s10+$0x0], $0xffff;
	[tilespmem:v16+s24+$0x0] =	vst.idx.msk $0xffff, v17;
	v16 =	vor.u32 v26, v14;
	v17 =	vand.u32 $0x780, v28  }
0x1c2: {  	v60 =	vand.u32 $0x780, v58;
	v59 =	vmul.f32 $5.656854150e+00, v23;
	[tilespmem:v18+s24+$0x0] =	vst.idx.msk $0xffff, v19;
	v17 =	vor.u32 v17, v14  }
0x1c3: {  	p1 =	por p0, p0;
	[tilespmem:v20+s24+$0x0] =	vst.idx.msk $0xffff, v21;
	v61 =	vmul.f32 $5.656854150e+00, v25;
	v19 =	vor.u32 v60, v14  }
.Ltmp18:
0x1c4: {  	[tilespmem:v22+s24+$0x0] =	vst.idx.msk $0xffff, v59;
	v62 =	vmul.f32 $5.656854150e+00, v27;
	(pc) =	sbr.rel @p1 .LBB2_36-.Ltmp18, $4  }
0x1c5: {  	[tilespmem:v24+s24+$0x0] =	vst.idx.msk $0xffff, v61;
	v63 =	vmul.f32 $5.656854150e+00, v29  }
0x1c6: {  	[tilespmem:v16+s24+$0x0] =	vst.idx.msk $0xffff, v62;
	v16 =	vmul.f32 $5.656854150e+00, v57  }
0x1c7: {  	[tilespmem:v17+s24+$0x0] =	vst.idx.msk $0xffff, v63  }
0x1c8: {  	p0 =	por $0x0, $0x0;
	s8 =	simm.s32 $0x8;
	[tilespmem:v19+s24+$0x0] =	vst.idx.msk $0xffff, v16  }
0x1c9: {  	v15 =	vor.u32 $0x10, v15;
	s8 =	simm.s32 $0x0;
	p0 =	por $0x1, $0x1  }
.LBB2_38:
0x1ca: {  	v16 =	vadd.s32 s8, v0  }
0x1cb: {  	v16 =	vor.u32 $0x10, v16  }
0x1cc: {  	s18 =	sor.u32 $0x1, s8;
	s19 =	sor.u32 $0x2, s8;
	v17 =	vand.u32 $0x18, v16  }
0x1cd: {  	v18 =	vadd.s32 s18, v0;
	v20 =	vadd.s32 s19, v0;
	v17 =	vor.u32 v17, v13  }
0x1ce: {  	s19 =	sor.u32 $0x3, s8;
	v19 =	vor.u32 v15, v18;
	v21 =	vor.u32 v15, v20  }
0x1cf: {  	v16 =	vshll.u32 v16, $0x7;
	v22 =	vadd.s32 s19, v0;
	s19 =	sor.u32 $0x4, s8;
	v18 =	vshll.u32 v18, $0x7  }
0x1d0: {  	v20 =	vshll.u32 v20, $0x7;
	v23 =	vor.u32 v15, v22;
	v24 =	vadd.s32 s19, v0;
	s19 =	sor.u32 $0x5, s8  }
0x1d1: {  	v16 =	vor.u32 v14, v16;
	v25 =	vor.u32 v15, v24;
	v26 =	vadd.s32 s19, v0;
	s19 =	sor.u32 $0x6, s8  }
0x1d2: {  	v18 =	vor.u32 $0x800, v18;
	v27 =	vor.u32 v15, v26;
	v28 =	vadd.s32 s19, v0;
	s19 =	sor.u32 $0x7, s8;
	v17 =	vld.idx.msk [tilespmem:v17+s10+$0x0], $0xffff  }
0x1d3: {  	v20 =	vor.u32 $0x800, v20;
	v29 =	vor.u32 v15, v28;
	v30 =	vadd.s32 s19, v0;
	v19 =	vld.idx.msk [tilespmem:v19+s10+$0x0], $0xffff  }
0x1d4: {  	v22 =	vshll.u32 v22, $0x7;
	v18 =	vadd.s32 v14, v18;
	v21 =	vld.idx.msk [tilespmem:v21+s10+$0x0], $0xffff;
	v31 =	vor.u32 v15, v30  }
0x1d5: {  	v20 =	vadd.s32 v14, v20;
	v22 =	vor.u32 $0x800, v22;
	v24 =	vshll.u32 v24, $0x7;
	v23 =	vld.idx.msk [tilespmem:v23+s10+$0x0], $0xffff  }
0x1d6: {  	v22 =	vadd.s32 v14, v22;
	v24 =	vor.u32 $0x800, v24;
	v26 =	vshll.u32 v26, $0x7;
	v25 =	vld.idx.msk [tilespmem:v25+s10+$0x0], $0xffff  }
0x1d7: {  	v24 =	vadd.s32 v14, v24;
	v26 =	vor.u32 $0x800, v26;
	v27 =	vld.idx.msk [tilespmem:v27+s10+$0x0], $0xffff;
	v17 =	vmul.f32 $5.656854150e+00, v17  }
0x1d8: {  	v28 =	vshll.u32 v28, $0x7;
	v58 =	vshll.u32 v30, $0x7;
	v29 =	vld.idx.msk [tilespmem:v29+s10+$0x0], $0xffff;
	v19 =	vmul.f32 $5.656854150e+00, v19  }
0x1d9: {  	v21 =	vmul.f32 $5.656854150e+00, v21;
	v57 =	vld.idx.msk [tilespmem:v31+s10+$0x0], $0xffff;
	[tilespmem:v16+s24+$0x0] =	vst.idx.msk $0xffff, v17;
	v16 =	vadd.s32 v14, v26;
	v17 =	vor.u32 $0x800, v28  }
0x1da: {  	v60 =	vor.u32 $0x800, v58;
	v59 =	vmul.f32 $5.656854150e+00, v23;
	[tilespmem:v18+s24+$0x0] =	vst.idx.msk $0xffff, v19;
	v17 =	vadd.s32 v14, v17  }
0x1db: {  	p1 =	por p0, p0;
	[tilespmem:v20+s24+$0x0] =	vst.idx.msk $0xffff, v21;
	v61 =	vmul.f32 $5.656854150e+00, v25;
	v19 =	vadd.s32 v14, v60  }
.Ltmp19:
0x1dc: {  	[tilespmem:v22+s24+$0x0] =	vst.idx.msk $0xffff, v59;
	v62 =	vmul.f32 $5.656854150e+00, v27;
	(pc) =	sbr.rel @p1 .LBB2_38-.Ltmp19, $4  }
0x1dd: {  	[tilespmem:v24+s24+$0x0] =	vst.idx.msk $0xffff, v61;
	v63 =	vmul.f32 $5.656854150e+00, v29  }
0x1de: {  	[tilespmem:v16+s24+$0x0] =	vst.idx.msk $0xffff, v62;
	v16 =	vmul.f32 $5.656854150e+00, v57  }
0x1df: {  	[tilespmem:v17+s24+$0x0] =	vst.idx.msk $0xffff, v63  }
0x1e0: {  	p0 =	por $0x0, $0x0;
	s8 =	simm.s32 $0x8;
	[tilespmem:v19+s24+$0x0] =	vst.idx.msk $0xffff, v16  }
0x1e1: {  	s6 =	sadd.s32 $0x1, s6  }
0x1e2: {  	p0 =	sne.s32 s6, $0x8  }
.Ltmp20:
0x1e3: {  	_ = 	snop;
	(pc) =	sbr.rel @p0 .LBB2_35-.Ltmp20, $2  }
0x1e4: {  	_ =	sdelay $0x2  }
0x1e5: {  	s8 =	simm.s32 $0x0  }
.LBB2_40:
0x1e6: {  	s6 =	sshll.u32 s8, $0x4  }
0x1e7: {  	v13 =	vmov s6  }
0x1e8: {  	v14 =	vor.u32 s6, v0;
	v13 =	vshll.u32 v13, $0x5  }
0x1e9: {  	v14 =	vand.u32 $0x78, v14;
	v13 =	vor.u32 v6, v13  }
0x1ea: {  	p0 =	por $0x1, $0x1;
	s6 =	simm.s32 $0x0;
	v14 =	vor.u32 v7, v14;
	v15 =	vadd.s32 $0x5000, v13;
	v13 =	vadd.s32 v12, v13  }
.LBB2_41:
0x1eb: {  	v16 =	vadd.s32 s6, v0;
	s18 =	sor.u32 $0x1, s6  }
0x1ec: {  	s19 =	sor.u32 $0x2, s6;
	v17 =	vand.u32 $0x8, v16;
	v18 =	vadd.s32 s18, v0  }
0x1ed: {  	v20 =	vadd.s32 s19, v0;
	v16 =	vshll.u32 v16, $0x7;
	v17 =	vor.u32 v17, v13  }
0x1ee: {  	s19 =	sor.u32 $0x3, s6;
	v19 =	vand.u32 $0xF, v18;
	v21 =	vand.u32 $0xF, v20;
	v16 =	vand.u32 $0x780, v16  }
0x1ef: {  	v22 =	vadd.s32 s19, v0;
	v18 =	vshll.u32 v18, $0x7;
	v20 =	vshll.u32 v20, $0x7  }
0x1f0: {  	s19 =	sor.u32 $0x4, s6;
	v19 =	vor.u32 v15, v19;
	v21 =	vor.u32 v15, v21;
	v16 =	vor.u32 v16, v14  }
0x1f1: {  	v23 =	vand.u32 $0xF, v22;
	v24 =	vadd.s32 s19, v0;
	s19 =	sor.u32 $0x5, s6;
	v18 =	vand.u32 $0x780, v18  }
0x1f2: {  	v23 =	vor.u32 v15, v23;
	v25 =	vand.u32 $0xF, v24;
	v26 =	vadd.s32 s19, v0;
	s19 =	sor.u32 $0x6, s6  }
0x1f3: {  	v25 =	vor.u32 v15, v25;
	v27 =	vand.u32 $0xF, v26;
	v28 =	vadd.s32 s19, v0;
	s19 =	sor.u32 $0x7, s6  }
0x1f4: {  	v27 =	vor.u32 v15, v27;
	v29 =	vand.u32 $0xF, v28;
	v30 =	vadd.s32 s19, v0;
	v17 =	vld.idx.msk [tilespmem:v17+s10+$0x0], $0xffff  }
0x1f5: {  	v20 =	vand.u32 $0x780, v20;
	v29 =	vor.u32 v15, v29;
	v31 =	vand.u32 $0xF, v30;
	v19 =	vld.idx.msk [tilespmem:v19+s10+$0x0], $0xffff  }
0x1f6: {  	v22 =	vshll.u32 v22, $0x7;
	v18 =	vor.u32 v18, v14;
	v21 =	vld.idx.msk [tilespmem:v21+s10+$0x0], $0xffff;
	v31 =	vor.u32 v15, v31  }
0x1f7: {  	v20 =	vor.u32 v20, v14;
	v22 =	vand.u32 $0x780, v22;
	v24 =	vshll.u32 v24, $0x7;
	v23 =	vld.idx.msk [tilespmem:v23+s10+$0x0], $0xffff  }
0x1f8: {  	v22 =	vor.u32 v22, v14;
	v24 =	vand.u32 $0x780, v24;
	v26 =	vshll.u32 v26, $0x7;
	v25 =	vld.idx.msk [tilespmem:v25+s10+$0x0], $0xffff  }
0x1f9: {  	v24 =	vor.u32 v24, v14;
	v26 =	vand.u32 $0x780, v26;
	v27 =	vld.idx.msk [tilespmem:v27+s10+$0x0], $0xffff;
	v17 =	vmul.f32 $5.656854150e+00, v17  }
0x1fa: {  	v28 =	vshll.u32 v28, $0x7;
	v58 =	vshll.u32 v30, $0x7;
	v29 =	vld.idx.msk [tilespmem:v29+s10+$0x0], $0xffff;
	v19 =	vmul.f32 $5.656854150e+00, v19  }
0x1fb: {  	v21 =	vmul.f32 $5.656854150e+00, v21;
	v57 =	vld.idx.msk [tilespmem:v31+s10+$0x0], $0xffff;
	[tilespmem:v16+s24+$0x0] =	vst.idx.msk $0xffff, v17;
	v16 =	vor.u32 v26, v14;
	v17 =	vand.u32 $0x780, v28  }
0x1fc: {  	v60 =	vand.u32 $0x780, v58;
	v59 =	vmul.f32 $5.656854150e+00, v23;
	[tilespmem:v18+s24+$0x0] =	vst.idx.msk $0xffff, v19;
	v17 =	vor.u32 v17, v14  }
0x1fd: {  	p1 =	por p0, p0;
	[tilespmem:v20+s24+$0x0] =	vst.idx.msk $0xffff, v21;
	v61 =	vmul.f32 $5.656854150e+00, v25;
	v19 =	vor.u32 v60, v14  }
.Ltmp21:
0x1fe: {  	[tilespmem:v22+s24+$0x0] =	vst.idx.msk $0xffff, v59;
	v62 =	vmul.f32 $5.656854150e+00, v27;
	(pc) =	sbr.rel @p1 .LBB2_41-.Ltmp21, $4  }
0x1ff: {  	[tilespmem:v24+s24+$0x0] =	vst.idx.msk $0xffff, v61;
	v63 =	vmul.f32 $5.656854150e+00, v29  }
0x200: {  	[tilespmem:v16+s24+$0x0] =	vst.idx.msk $0xffff, v62;
	v16 =	vmul.f32 $5.656854150e+00, v57  }
0x201: {  	[tilespmem:v17+s24+$0x0] =	vst.idx.msk $0xffff, v63  }
0x202: {  	p0 =	por $0x0, $0x0;
	s6 =	simm.s32 $0x8;
	[tilespmem:v19+s24+$0x0] =	vst.idx.msk $0xffff, v16  }
0x203: {  	v15 =	vor.u32 $0x10, v15;
	s6 =	simm.s32 $0x0;
	p0 =	por $0x1, $0x1  }
.LBB2_43:
0x204: {  	v16 =	vadd.s32 s6, v0  }
0x205: {  	v16 =	vor.u32 $0x10, v16  }
0x206: {  	s18 =	sor.u32 $0x1, s6;
	s19 =	sor.u32 $0x2, s6;
	v17 =	vand.u32 $0x18, v16  }
0x207: {  	v18 =	vadd.s32 s18, v0;
	v20 =	vadd.s32 s19, v0;
	v17 =	vor.u32 v17, v13  }
0x208: {  	s19 =	sor.u32 $0x3, s6;
	v19 =	vor.u32 v15, v18;
	v21 =	vor.u32 v15, v20  }
0x209: {  	v16 =	vshll.u32 v16, $0x7;
	v22 =	vadd.s32 s19, v0;
	s19 =	sor.u32 $0x4, s6;
	v18 =	vshll.u32 v18, $0x7  }
0x20a: {  	v20 =	vshll.u32 v20, $0x7;
	v23 =	vor.u32 v15, v22;
	v24 =	vadd.s32 s19, v0;
	s19 =	sor.u32 $0x5, s6  }
0x20b: {  	v16 =	vor.u32 v14, v16;
	v25 =	vor.u32 v15, v24;
	v26 =	vadd.s32 s19, v0;
	s19 =	sor.u32 $0x6, s6  }
0x20c: {  	v18 =	vor.u32 $0x800, v18;
	v27 =	vor.u32 v15, v26;
	v28 =	vadd.s32 s19, v0;
	s19 =	sor.u32 $0x7, s6;
	v17 =	vld.idx.msk [tilespmem:v17+s10+$0x0], $0xffff  }
0x20d: {  	v20 =	vor.u32 $0x800, v20;
	v29 =	vor.u32 v15, v28;
	v30 =	vadd.s32 s19, v0;
	v19 =	vld.idx.msk [tilespmem:v19+s10+$0x0], $0xffff  }
0x20e: {  	v22 =	vshll.u32 v22, $0x7;
	v18 =	vadd.s32 v14, v18;
	v21 =	vld.idx.msk [tilespmem:v21+s10+$0x0], $0xffff;
	v31 =	vor.u32 v15, v30  }
0x20f: {  	v20 =	vadd.s32 v14, v20;
	v22 =	vor.u32 $0x800, v22;
	v24 =	vshll.u32 v24, $0x7;
	v23 =	vld.idx.msk [tilespmem:v23+s10+$0x0], $0xffff  }
0x210: {  	v22 =	vadd.s32 v14, v22;
	v24 =	vor.u32 $0x800, v24;
	v26 =	vshll.u32 v26, $0x7;
	v25 =	vld.idx.msk [tilespmem:v25+s10+$0x0], $0xffff  }
0x211: {  	v24 =	vadd.s32 v14, v24;
	v26 =	vor.u32 $0x800, v26;
	v27 =	vld.idx.msk [tilespmem:v27+s10+$0x0], $0xffff;
	v17 =	vmul.f32 $5.656854150e+00, v17  }
0x212: {  	v28 =	vshll.u32 v28, $0x7;
	v58 =	vshll.u32 v30, $0x7;
	v29 =	vld.idx.msk [tilespmem:v29+s10+$0x0], $0xffff;
	v19 =	vmul.f32 $5.656854150e+00, v19  }
0x213: {  	v21 =	vmul.f32 $5.656854150e+00, v21;
	v57 =	vld.idx.msk [tilespmem:v31+s10+$0x0], $0xffff;
	[tilespmem:v16+s24+$0x0] =	vst.idx.msk $0xffff, v17;
	v16 =	vadd.s32 v14, v26;
	v17 =	vor.u32 $0x800, v28  }
0x214: {  	v60 =	vor.u32 $0x800, v58;
	v59 =	vmul.f32 $5.656854150e+00, v23;
	[tilespmem:v18+s24+$0x0] =	vst.idx.msk $0xffff, v19;
	v17 =	vadd.s32 v14, v17  }
0x215: {  	p1 =	por p0, p0;
	[tilespmem:v20+s24+$0x0] =	vst.idx.msk $0xffff, v21;
	v61 =	vmul.f32 $5.656854150e+00, v25;
	v19 =	vadd.s32 v14, v60  }
.Ltmp22:
0x216: {  	[tilespmem:v22+s24+$0x0] =	vst.idx.msk $0xffff, v59;
	v62 =	vmul.f32 $5.656854150e+00, v27;
	(pc) =	sbr.rel @p1 .LBB2_43-.Ltmp22, $4  }
0x217: {  	[tilespmem:v24+s24+$0x0] =	vst.idx.msk $0xffff, v61;
	v63 =	vmul.f32 $5.656854150e+00, v29  }
0x218: {  	[tilespmem:v16+s24+$0x0] =	vst.idx.msk $0xffff, v62;
	v16 =	vmul.f32 $5.656854150e+00, v57  }
0x219: {  	[tilespmem:v17+s24+$0x0] =	vst.idx.msk $0xffff, v63  }
0x21a: {  	p0 =	por $0x0, $0x0;
	s6 =	simm.s32 $0x8;
	[tilespmem:v19+s24+$0x0] =	vst.idx.msk $0xffff, v16  }
0x21b: {  	s8 =	sadd.s32 $0x1, s8  }
0x21c: {  	p0 =	sne.s32 s8, $0x8  }
.Ltmp23:
0x21d: {  	_ = 	snop;
	(pc) =	sbr.rel @p0 .LBB2_40-.Ltmp23, $2  }
0x21e: {  	_ =	sdelay $0x2  }
0x21f: {  	s6 =	simm.s32 $0x0  }
.LBB2_45:
0x220: {  	s8 =	sshll.u32 s6, $0x4  }
0x221: {  	v13 =	vmov s8  }
0x222: {  	v14 =	vor.u32 s8, v0;
	v13 =	vshll.u32 v13, $0x5  }
0x223: {  	v14 =	vand.u32 $0x78, v14;
	v13 =	vor.u32 v8, v13  }
0x224: {  	p0 =	por $0x1, $0x1;
	s8 =	simm.s32 $0x0;
	v14 =	vor.u32 v10, v14;
	v15 =	vadd.s32 $0x5000, v13;
	v13 =	vadd.s32 v12, v13  }
.LBB2_46:
0x225: {  	v16 =	vadd.s32 s8, v0;
	s18 =	sor.u32 $0x1, s8  }
0x226: {  	s19 =	sor.u32 $0x2, s8;
	v17 =	vand.u32 $0x8, v16;
	v18 =	vadd.s32 s18, v0  }
0x227: {  	v20 =	vadd.s32 s19, v0;
	v16 =	vshll.u32 v16, $0x7;
	v17 =	vor.u32 v17, v13  }
0x228: {  	s19 =	sor.u32 $0x3, s8;
	v19 =	vand.u32 $0xF, v18;
	v21 =	vand.u32 $0xF, v20;
	v16 =	vand.u32 $0x780, v16  }
0x229: {  	v22 =	vadd.s32 s19, v0;
	v18 =	vshll.u32 v18, $0x7;
	v20 =	vshll.u32 v20, $0x7  }
0x22a: {  	s19 =	sor.u32 $0x4, s8;
	v19 =	vor.u32 v15, v19;
	v21 =	vor.u32 v15, v21;
	v16 =	vor.u32 v16, v14  }
0x22b: {  	v23 =	vand.u32 $0xF, v22;
	v24 =	vadd.s32 s19, v0;
	s19 =	sor.u32 $0x5, s8;
	v18 =	vand.u32 $0x780, v18  }
0x22c: {  	v23 =	vor.u32 v15, v23;
	v25 =	vand.u32 $0xF, v24;
	v26 =	vadd.s32 s19, v0;
	s19 =	sor.u32 $0x6, s8  }
0x22d: {  	v25 =	vor.u32 v15, v25;
	v27 =	vand.u32 $0xF, v26;
	v28 =	vadd.s32 s19, v0;
	s19 =	sor.u32 $0x7, s8  }
0x22e: {  	v27 =	vor.u32 v15, v27;
	v29 =	vand.u32 $0xF, v28;
	v30 =	vadd.s32 s19, v0;
	v17 =	vld.idx.msk [tilespmem:v17+s10+$0x0], $0xffff  }
0x22f: {  	v20 =	vand.u32 $0x780, v20;
	v29 =	vor.u32 v15, v29;
	v31 =	vand.u32 $0xF, v30;
	v19 =	vld.idx.msk [tilespmem:v19+s10+$0x0], $0xffff  }
0x230: {  	v22 =	vshll.u32 v22, $0x7;
	v18 =	vor.u32 v18, v14;
	v21 =	vld.idx.msk [tilespmem:v21+s10+$0x0], $0xffff;
	v31 =	vor.u32 v15, v31  }
0x231: {  	v20 =	vor.u32 v20, v14;
	v22 =	vand.u32 $0x780, v22;
	v24 =	vshll.u32 v24, $0x7;
	v23 =	vld.idx.msk [tilespmem:v23+s10+$0x0], $0xffff  }
0x232: {  	v22 =	vor.u32 v22, v14;
	v24 =	vand.u32 $0x780, v24;
	v26 =	vshll.u32 v26, $0x7;
	v25 =	vld.idx.msk [tilespmem:v25+s10+$0x0], $0xffff  }
0x233: {  	v24 =	vor.u32 v24, v14;
	v26 =	vand.u32 $0x780, v26;
	v27 =	vld.idx.msk [tilespmem:v27+s10+$0x0], $0xffff;
	v17 =	vmul.f32 $5.656854150e+00, v17  }
0x234: {  	v28 =	vshll.u32 v28, $0x7;
	v58 =	vshll.u32 v30, $0x7;
	v29 =	vld.idx.msk [tilespmem:v29+s10+$0x0], $0xffff;
	v19 =	vmul.f32 $5.656854150e+00, v19  }
0x235: {  	v21 =	vmul.f32 $5.656854150e+00, v21;
	v57 =	vld.idx.msk [tilespmem:v31+s10+$0x0], $0xffff;
	[tilespmem:v16+s24+$0x0] =	vst.idx.msk $0xffff, v17;
	v16 =	vor.u32 v26, v14;
	v17 =	vand.u32 $0x780, v28  }
0x236: {  	v60 =	vand.u32 $0x780, v58;
	v59 =	vmul.f32 $5.656854150e+00, v23;
	[tilespmem:v18+s24+$0x0] =	vst.idx.msk $0xffff, v19;
	v17 =	vor.u32 v17, v14  }
0x237: {  	p1 =	por p0, p0;
	[tilespmem:v20+s24+$0x0] =	vst.idx.msk $0xffff, v21;
	v61 =	vmul.f32 $5.656854150e+00, v25;
	v19 =	vor.u32 v60, v14  }
.Ltmp24:
0x238: {  	[tilespmem:v22+s24+$0x0] =	vst.idx.msk $0xffff, v59;
	v62 =	vmul.f32 $5.656854150e+00, v27;
	(pc) =	sbr.rel @p1 .LBB2_46-.Ltmp24, $4  }
0x239: {  	[tilespmem:v24+s24+$0x0] =	vst.idx.msk $0xffff, v61;
	v63 =	vmul.f32 $5.656854150e+00, v29  }
0x23a: {  	[tilespmem:v16+s24+$0x0] =	vst.idx.msk $0xffff, v62;
	v16 =	vmul.f32 $5.656854150e+00, v57  }
0x23b: {  	[tilespmem:v17+s24+$0x0] =	vst.idx.msk $0xffff, v63  }
0x23c: {  	p0 =	por $0x0, $0x0;
	s8 =	simm.s32 $0x8;
	[tilespmem:v19+s24+$0x0] =	vst.idx.msk $0xffff, v16  }
0x23d: {  	v15 =	vor.u32 $0x10, v15;
	s8 =	simm.s32 $0x0;
	p0 =	por $0x1, $0x1  }
.LBB2_48:
0x23e: {  	v16 =	vadd.s32 s8, v0  }
0x23f: {  	v16 =	vor.u32 $0x10, v16  }
0x240: {  	s18 =	sor.u32 $0x1, s8;
	s19 =	sor.u32 $0x2, s8;
	v17 =	vand.u32 $0x18, v16  }
0x241: {  	v18 =	vadd.s32 s18, v0;
	v20 =	vadd.s32 s19, v0;
	v17 =	vor.u32 v17, v13  }
0x242: {  	s19 =	sor.u32 $0x3, s8;
	v19 =	vor.u32 v15, v18;
	v21 =	vor.u32 v15, v20  }
0x243: {  	v16 =	vshll.u32 v16, $0x7;
	v22 =	vadd.s32 s19, v0;
	s19 =	sor.u32 $0x4, s8;
	v18 =	vshll.u32 v18, $0x7  }
0x244: {  	v20 =	vshll.u32 v20, $0x7;
	v23 =	vor.u32 v15, v22;
	v24 =	vadd.s32 s19, v0;
	s19 =	sor.u32 $0x5, s8  }
0x245: {  	v16 =	vor.u32 v14, v16;
	v25 =	vor.u32 v15, v24;
	v26 =	vadd.s32 s19, v0;
	s19 =	sor.u32 $0x6, s8  }
0x246: {  	v18 =	vor.u32 $0x800, v18;
	v27 =	vor.u32 v15, v26;
	v28 =	vadd.s32 s19, v0;
	s19 =	sor.u32 $0x7, s8;
	v17 =	vld.idx.msk [tilespmem:v17+s10+$0x0], $0xffff  }
0x247: {  	v20 =	vor.u32 $0x800, v20;
	v29 =	vor.u32 v15, v28;
	v30 =	vadd.s32 s19, v0;
	v19 =	vld.idx.msk [tilespmem:v19+s10+$0x0], $0xffff  }
0x248: {  	v22 =	vshll.u32 v22, $0x7;
	v18 =	vadd.s32 v14, v18;
	v21 =	vld.idx.msk [tilespmem:v21+s10+$0x0], $0xffff;
	v31 =	vor.u32 v15, v30  }
0x249: {  	v20 =	vadd.s32 v14, v20;
	v22 =	vor.u32 $0x800, v22;
	v24 =	vshll.u32 v24, $0x7;
	v23 =	vld.idx.msk [tilespmem:v23+s10+$0x0], $0xffff  }
0x24a: {  	v22 =	vadd.s32 v14, v22;
	v24 =	vor.u32 $0x800, v24;
	v26 =	vshll.u32 v26, $0x7;
	v25 =	vld.idx.msk [tilespmem:v25+s10+$0x0], $0xffff  }
0x24b: {  	v24 =	vadd.s32 v14, v24;
	v26 =	vor.u32 $0x800, v26;
	v27 =	vld.idx.msk [tilespmem:v27+s10+$0x0], $0xffff;
	v17 =	vmul.f32 $5.656854150e+00, v17  }
0x24c: {  	v28 =	vshll.u32 v28, $0x7;
	v58 =	vshll.u32 v30, $0x7;
	v29 =	vld.idx.msk [tilespmem:v29+s10+$0x0], $0xffff;
	v19 =	vmul.f32 $5.656854150e+00, v19  }
0x24d: {  	v21 =	vmul.f32 $5.656854150e+00, v21;
	v57 =	vld.idx.msk [tilespmem:v31+s10+$0x0], $0xffff;
	[tilespmem:v16+s24+$0x0] =	vst.idx.msk $0xffff, v17;
	v16 =	vadd.s32 v14, v26;
	v17 =	vor.u32 $0x800, v28  }
0x24e: {  	v60 =	vor.u32 $0x800, v58;
	v59 =	vmul.f32 $5.656854150e+00, v23;
	[tilespmem:v18+s24+$0x0] =	vst.idx.msk $0xffff, v19;
	v17 =	vadd.s32 v14, v17  }
0x24f: {  	p1 =	por p0, p0;
	[tilespmem:v20+s24+$0x0] =	vst.idx.msk $0xffff, v21;
	v61 =	vmul.f32 $5.656854150e+00, v25;
	v19 =	vadd.s32 v14, v60  }
.Ltmp25:
0x250: {  	[tilespmem:v22+s24+$0x0] =	vst.idx.msk $0xffff, v59;
	v62 =	vmul.f32 $5.656854150e+00, v27;
	(pc) =	sbr.rel @p1 .LBB2_48-.Ltmp25, $4  }
0x251: {  	[tilespmem:v24+s24+$0x0] =	vst.idx.msk $0xffff, v61;
	v63 =	vmul.f32 $5.656854150e+00, v29  }
0x252: {  	[tilespmem:v16+s24+$0x0] =	vst.idx.msk $0xffff, v62;
	v16 =	vmul.f32 $5.656854150e+00, v57  }
0x253: {  	[tilespmem:v17+s24+$0x0] =	vst.idx.msk $0xffff, v63  }
0x254: {  	p0 =	por $0x0, $0x0;
	s8 =	simm.s32 $0x8;
	[tilespmem:v19+s24+$0x0] =	vst.idx.msk $0xffff, v16  }
0x255: {  	s6 =	sadd.s32 $0x1, s6  }
0x256: {  	p0 =	sne.s32 s6, $0x8  }
.Ltmp26:
0x257: {  	_ = 	snop;
	(pc) =	sbr.rel @p0 .LBB2_45-.Ltmp26, $2  }
0x258: {  	_ =	sdelay $0x2  }
0x259: {  	s8 =	simm.s32 $0x0  }
.LBB2_50:
0x25a: {  	s6 =	sshll.u32 s8, $0x4  }
0x25b: {  	v10 =	vmov s6  }
0x25c: {  	v13 =	vor.u32 s6, v0;
	v10 =	vshll.u32 v10, $0x5  }
0x25d: {  	v13 =	vand.u32 $0x78, v13;
	v10 =	vor.u32 v9, v10  }
0x25e: {  	p0 =	por $0x1, $0x1;
	s6 =	simm.s32 $0x0;
	v13 =	vor.u32 v11, v13;
	v14 =	vadd.s32 $0x5000, v10;
	v10 =	vadd.s32 v12, v10  }
.LBB2_51:
0x25f: {  	v15 =	vadd.s32 s6, v0;
	s18 =	sor.u32 $0x1, s6  }
0x260: {  	s19 =	sor.u32 $0x2, s6;
	v16 =	vand.u32 $0x8, v15;
	v17 =	vadd.s32 s18, v0  }
0x261: {  	v19 =	vadd.s32 s19, v0;
	v15 =	vshll.u32 v15, $0x7;
	v16 =	vor.u32 v16, v10  }
0x262: {  	s19 =	sor.u32 $0x3, s6;
	v18 =	vand.u32 $0xF, v17;
	v20 =	vand.u32 $0xF, v19;
	v15 =	vand.u32 $0x780, v15  }
0x263: {  	v21 =	vadd.s32 s19, v0;
	v17 =	vshll.u32 v17, $0x7;
	v19 =	vshll.u32 v19, $0x7  }
0x264: {  	s19 =	sor.u32 $0x4, s6;
	v18 =	vor.u32 v14, v18;
	v20 =	vor.u32 v14, v20;
	v15 =	vor.u32 v15, v13  }
0x265: {  	v22 =	vand.u32 $0xF, v21;
	v23 =	vadd.s32 s19, v0;
	s19 =	sor.u32 $0x5, s6;
	v17 =	vand.u32 $0x780, v17  }
0x266: {  	v22 =	vor.u32 v14, v22;
	v24 =	vand.u32 $0xF, v23;
	v25 =	vadd.s32 s19, v0;
	s19 =	sor.u32 $0x6, s6  }
0x267: {  	v24 =	vor.u32 v14, v24;
	v26 =	vand.u32 $0xF, v25;
	v27 =	vadd.s32 s19, v0;
	s19 =	sor.u32 $0x7, s6  }
0x268: {  	v26 =	vor.u32 v14, v26;
	v28 =	vand.u32 $0xF, v27;
	v29 =	vadd.s32 s19, v0;
	v16 =	vld.idx.msk [tilespmem:v16+s10+$0x0], $0xffff  }
0x269: {  	v19 =	vand.u32 $0x780, v19;
	v28 =	vor.u32 v14, v28;
	v30 =	vand.u32 $0xF, v29;
	v18 =	vld.idx.msk [tilespmem:v18+s10+$0x0], $0xffff  }
0x26a: {  	v21 =	vshll.u32 v21, $0x7;
	v17 =	vor.u32 v17, v13;
	v20 =	vld.idx.msk [tilespmem:v20+s10+$0x0], $0xffff;
	v30 =	vor.u32 v14, v30  }
0x26b: {  	v19 =	vor.u32 v19, v13;
	v21 =	vand.u32 $0x780, v21;
	v23 =	vshll.u32 v23, $0x7;
	v22 =	vld.idx.msk [tilespmem:v22+s10+$0x0], $0xffff  }
0x26c: {  	v21 =	vor.u32 v21, v13;
	v23 =	vand.u32 $0x780, v23;
	v25 =	vshll.u32 v25, $0x7;
	v24 =	vld.idx.msk [tilespmem:v24+s10+$0x0], $0xffff  }
0x26d: {  	v23 =	vor.u32 v23, v13;
	v27 =	vshll.u32 v27, $0x7;
	v26 =	vld.idx.msk [tilespmem:v26+s10+$0x0], $0xffff;
	v16 =	vmul.f32 $5.656854150e+00, v16  }
0x26e: {  	v25 =	vand.u32 $0x780, v25;
	v56 =	vand.u32 $0x780, v27;
	v28 =	vld.idx.msk [tilespmem:v28+s10+$0x0], $0xffff;
	v18 =	vmul.f32 $5.656854150e+00, v18  }
0x26f: {  	v58 =	vshll.u32 v29, $0x7;
	v20 =	vmul.f32 $5.656854150e+00, v20;
	v57 =	vld.idx.msk [tilespmem:v30+s10+$0x0], $0xffff;
	[tilespmem:v15+s24+$0x0] =	vst.idx.msk $0xffff, v16;
	v15 =	vor.u32 v25, v13  }
0x270: {  	v60 =	vand.u32 $0x780, v58;
	v59 =	vmul.f32 $5.656854150e+00, v22;
	v16 =	vor.u32 v56, v13;
	[tilespmem:v17+s24+$0x0] =	vst.idx.msk $0xffff, v18  }
0x271: {  	p1 =	por p0, p0;
	[tilespmem:v19+s24+$0x0] =	vst.idx.msk $0xffff, v20;
	v61 =	vmul.f32 $5.656854150e+00, v24;
	v18 =	vor.u32 v60, v13  }
.Ltmp27:
0x272: {  	[tilespmem:v21+s24+$0x0] =	vst.idx.msk $0xffff, v59;
	v62 =	vmul.f32 $5.656854150e+00, v26;
	(pc) =	sbr.rel @p1 .LBB2_51-.Ltmp27, $4  }
0x273: {  	[tilespmem:v23+s24+$0x0] =	vst.idx.msk $0xffff, v61;
	v63 =	vmul.f32 $5.656854150e+00, v28  }
0x274: {  	[tilespmem:v15+s24+$0x0] =	vst.idx.msk $0xffff, v62;
	v15 =	vmul.f32 $5.656854150e+00, v57  }
0x275: {  	[tilespmem:v16+s24+$0x0] =	vst.idx.msk $0xffff, v63  }
0x276: {  	p0 =	por $0x0, $0x0;
	s6 =	simm.s32 $0x8;
	[tilespmem:v18+s24+$0x0] =	vst.idx.msk $0xffff, v15  }
0x277: {  	v14 =	vor.u32 $0x10, v14;
	s6 =	simm.s32 $0x0;
	p0 =	por $0x1, $0x1  }
.LBB2_53:
0x278: {  	v15 =	vadd.s32 s6, v0  }
0x279: {  	v15 =	vor.u32 $0x10, v15  }
0x27a: {  	s18 =	sor.u32 $0x1, s6;
	s19 =	sor.u32 $0x2, s6;
	v16 =	vand.u32 $0x18, v15  }
0x27b: {  	v17 =	vadd.s32 s18, v0;
	v19 =	vadd.s32 s19, v0;
	v16 =	vor.u32 v16, v10  }
0x27c: {  	s19 =	sor.u32 $0x3, s6;
	v18 =	vor.u32 v14, v17;
	v20 =	vor.u32 v14, v19  }
0x27d: {  	v15 =	vshll.u32 v15, $0x7;
	v21 =	vadd.s32 s19, v0;
	s19 =	sor.u32 $0x4, s6;
	v17 =	vshll.u32 v17, $0x7  }
0x27e: {  	v19 =	vshll.u32 v19, $0x7;
	v22 =	vor.u32 v14, v21;
	v23 =	vadd.s32 s19, v0;
	s19 =	sor.u32 $0x5, s6  }
0x27f: {  	v15 =	vor.u32 v13, v15;
	v24 =	vor.u32 v14, v23;
	v25 =	vadd.s32 s19, v0;
	s19 =	sor.u32 $0x6, s6  }
0x280: {  	v17 =	vor.u32 $0x800, v17;
	v26 =	vor.u32 v14, v25;
	v27 =	vadd.s32 s19, v0;
	s19 =	sor.u32 $0x7, s6;
	v16 =	vld.idx.msk [tilespmem:v16+s10+$0x0], $0xffff  }
0x281: {  	v19 =	vor.u32 $0x800, v19;
	v28 =	vor.u32 v14, v27;
	v29 =	vadd.s32 s19, v0;
	v18 =	vld.idx.msk [tilespmem:v18+s10+$0x0], $0xffff  }
0x282: {  	v21 =	vshll.u32 v21, $0x7;
	v17 =	vadd.s32 v13, v17;
	v20 =	vld.idx.msk [tilespmem:v20+s10+$0x0], $0xffff;
	v30 =	vor.u32 v14, v29  }
0x283: {  	v19 =	vadd.s32 v13, v19;
	v21 =	vor.u32 $0x800, v21;
	v23 =	vshll.u32 v23, $0x7;
	v22 =	vld.idx.msk [tilespmem:v22+s10+$0x0], $0xffff  }
0x284: {  	v21 =	vadd.s32 v13, v21;
	v23 =	vor.u32 $0x800, v23;
	v25 =	vshll.u32 v25, $0x7;
	v24 =	vld.idx.msk [tilespmem:v24+s10+$0x0], $0xffff  }
0x285: {  	v23 =	vadd.s32 v13, v23;
	v27 =	vshll.u32 v27, $0x7;
	v26 =	vld.idx.msk [tilespmem:v26+s10+$0x0], $0xffff;
	v16 =	vmul.f32 $5.656854150e+00, v16  }
0x286: {  	v25 =	vor.u32 $0x800, v25;
	v56 =	vor.u32 $0x800, v27;
	v28 =	vld.idx.msk [tilespmem:v28+s10+$0x0], $0xffff;
	v18 =	vmul.f32 $5.656854150e+00, v18  }
0x287: {  	v58 =	vshll.u32 v29, $0x7;
	v20 =	vmul.f32 $5.656854150e+00, v20;
	v57 =	vld.idx.msk [tilespmem:v30+s10+$0x0], $0xffff;
	[tilespmem:v15+s24+$0x0] =	vst.idx.msk $0xffff, v16;
	v15 =	vadd.s32 v13, v25  }
0x288: {  	v60 =	vor.u32 $0x800, v58;
	v59 =	vmul.f32 $5.656854150e+00, v22;
	[tilespmem:v17+s24+$0x0] =	vst.idx.msk $0xffff, v18;
	v16 =	vadd.s32 v13, v56  }
0x289: {  	p1 =	por p0, p0;
	[tilespmem:v19+s24+$0x0] =	vst.idx.msk $0xffff, v20;
	v61 =	vmul.f32 $5.656854150e+00, v24;
	v18 =	vadd.s32 v13, v60  }
.Ltmp28:
0x28a: {  	[tilespmem:v21+s24+$0x0] =	vst.idx.msk $0xffff, v59;
	v62 =	vmul.f32 $5.656854150e+00, v26;
	(pc) =	sbr.rel @p1 .LBB2_53-.Ltmp28, $4  }
0x28b: {  	[tilespmem:v23+s24+$0x0] =	vst.idx.msk $0xffff, v61;
	v63 =	vmul.f32 $5.656854150e+00, v28  }
0x28c: {  	[tilespmem:v15+s24+$0x0] =	vst.idx.msk $0xffff, v62;
	v15 =	vmul.f32 $5.656854150e+00, v57  }
0x28d: {  	[tilespmem:v16+s24+$0x0] =	vst.idx.msk $0xffff, v63  }
0x28e: {  	p0 =	por $0x0, $0x0;
	s6 =	simm.s32 $0x8;
	[tilespmem:v18+s24+$0x0] =	vst.idx.msk $0xffff, v15  }
0x28f: {  	s8 =	sadd.s32 $0x1, s8  }
0x290: {  	p0 =	sne.s32 s8, $0x8  }
.Ltmp29:
0x291: {  	_ = 	snop;
	(pc) =	sbr.rel @p0 .LBB2_50-.Ltmp29, $1  }
0x292: {  	_ =	sdelay $0x3  }
0x293: {  	s6 =	smul.u32 $0x280000, s16;
	_ =	sdelay $0x1  }
0x294: {  	s6 =	sadd.s32 s2, s6  }
0x295: {  	s6 =	sshrl.u32 s6, $0x3  }
0x296: {  	s16 =	sshll.u32 s17, $0x13;
	s6 =	sadd.s32 s5, s6  }
0x297: {  	[hbm4b:s6+s9] =	stream.strided.scatter [tilespmem:s24], [sflag:$0x4], $0x1000, s25, s9, $0x38;
	[tilespmem:$0x10900] =	vst v63  }
0x298: {  	s6 =	sadd.s32 s2, s16  }
0x299: {  	s6 =	sshrl.u32 s6, $0x3  }
0x29a: {  	s17 =	sshll.u32 s15, $0x13;
	s6 =	sadd.s32 s5, s6  }
0x29b: {  	[hbm4b:s6+s9] =	stream.strided.scatter [tilespmem:s26], [sflag:$0x4], $0x1000, s25, s9, $0x38;
	[tilespmem:$0x10900] =	vst v63  }
0x29c: {  	s6 =	sadd.s32 s2, s17  }
0x29d: {  	s6 =	sshrl.u32 s6, $0x3  }
0x29e: {  	s18 =	sshll.u32 s14, $0x13;
	s6 =	sadd.s32 s5, s6  }
0x29f: {  	[hbm4b:s6+s9] =	stream.strided.scatter [tilespmem:s28], [sflag:$0x4], $0x1000, s25, s9, $0x38;
	[tilespmem:$0x10900] =	vst v63  }
0x2a0: {  	s6 =	sadd.s32 s2, s18  }
0x2a1: {  	s7 =	sadd.s32 $0x1, s7;
	s6 =	sshrl.u32 s6, $0x3  }
0x2a2: {  	p0 =	sne.s32 s7, $0x5;
	s6 =	sadd.s32 s5, s6  }
0x2a3: {  	[hbm4b:s6+s9] =	stream.strided.scatter [tilespmem:s29], [sflag:$0x4], $0x1000, s25, s9, $0x38;
	[tilespmem:$0x10900] =	vst v63  }
.Ltmp30:
0x2a4: {  	s19 =	sshll.u32 s13, $0x13;
	(pc) =	sbr.rel @p0 .LBB2_3-.Ltmp30, $4  }
0x2a5: {  	s6 =	sadd.s32 s2, s19  }
0x2a6: {  	s6 =	sshrl.u32 s6, $0x3  }
0x2a7: {  	s6 =	sadd.s32 s5, s6  }
0x2a8: {  	[hbm4b:s6+s9] =	stream.strided.scatter [tilespmem:s30], [sflag:$0x4], $0x1000, s25, s9, $0x38;
	[tilespmem:$0x10900] =	vst v63  }
0x2a9: {  	s3 =	sadd.s32 $0x1, s3  }
0x2aa: {  	p0 =	sne.s32 s3, $0x4  }
.Ltmp31:
0x2ab: {  	_ = 	snop;
	(pc) =	sbr.rel @p0 .LBB2_2-.Ltmp31, $1  }
0x2ac: {  	_ =	sdelay $0x3  }
0x2ad: {  	_ =	swait.ge [sflag:s0], $0x5000  }
0x2ae: {  	s6 =	rddreg [dreg:$0x3]  }
0x2af: {  	s1 =	rddreg [dreg:$0x5];
	s6 =	sadd.s32 $0x1, s6  }
0x2b0: {  	p0 =	sne.s32 s6, s1  }
.Ltmp32:
0x2b1: {  	_ = 	snop;
	(pc) =	sbr.rel @p0 .LBB2_1-.Ltmp32, $3  }
0x2b2: {  	_ =	sdelay $0x1  }
0x2b3: {  	[sflag:s0] =	ssyncset.done $0x0  }
0x2b4: {  	[sflag:s0] =	ssyncadd.s32 $0xFFFFB000  }
0x2b5: {  	_ =	sfence.sel $0x180000  }
0x2b6: {  	[bflag:$0x0] =	sbarrier.arrive $0xFFFF  }
0x2b7: {  	_ =	strace $0x9000004A  }
0x2b8: {  	s0 =	stileid.u32;
	[bflag:$0x2] =	sbarrier.arrive $0xFFFF  }
0x2b9: {  	p0 =	sne.s32 s0, $0x0;
	s0 =	rddreg [dreg:$0x2]  }
0x2ba: {  	s0 =	sadd.s32 @!p0 $0x100000, s0  }
0x2bb: {  	[sflag:s0] =	ssyncadd.tile.s32 @!p0 $0x1;
	_ =	shalt  }
.Lfunc_end2:
_tile_overlayer_lowered:
.L_overlay_start_2:
0x2bc: {  	(tag) =	ssettag $0x2  }
0x2bd: {  	s0 =	rddreg [dreg:$0x0];
	s2 =	stileid.u32  }
0x2be: {  	s1 =	rddreg [dreg:$0x1];
	p0 =	sne.s32 s2, $0x0  }
0x2bf: {  	s3 =	rddreg [dreg:$0x2];
	[bflag:$0x3] =	sbarrier.arrive $0xFFFF;
	s2 =	simm.s32 @!p0 $0x1C05  }
0x2c0: {  	[timem:s3], [sflag:s2] =	dma.local @!p0 [hbm:s0], s1  }
0x2c1: {  	s0 =	simm.s32 @!p0 $0x5  }
0x2c2: {  	_ =	swait.ge @!p0 [sflag:s0], s1  }
0x2c3: {  	s1 =	ssub.s32 @!p0 $0x0, s1;
	[sflag:s0] =	ssyncset.done @!p0 $0x0  }
0x2c4: {  	[sflag:s0] =	ssyncadd.s32 @!p0 s1  }
0x2c5: {  	[bflag:$0x3] =	sbarrier.arrive $0xFFFF  }
0x2c6: {  	_ =	shalt  }

</sc_bundles>
